<compile_context>
chip_gen: v7x
topology: tpu7x:2x2x1
jax: 0.10.2.dev20260603
libtpu: 0.0.44.dev20260713+nightly
codegen_flags: <defaults>
</compile_context>

<pallas_src>
import jax
import jax.numpy as jnp
from jax import lax
from jax.experimental import pallas as pl
from jax.experimental.pallas import tpu as pltpu
from jax.experimental.pallas import tpu_sc as plsc

N_VOCAB = 100000
N_EMBED = 64
BATCH = 16384
N_SAMPLES = 5

NC = 2
NS = 16
NW = NC * NS
DIMS_PER_W = N_EMBED // NW

TOTAL = BATCH * (2 + N_SAMPLES)
N_BC = BATCH * (1 + N_SAMPLES)

IC = 7680
CH_A = (7680, 7680, 1024)
CH_BC = (7680,) * 12 + (6144,)
UNROLL = 2
GANG = 4


def _gather_body(in_idx_hbm, bc_idx_hbm, in_tab_t, out_tab_t, out_t,
                 row_v, idx_vs, out_vs, isems, wsems, rsem):
    wid = lax.axis_index("s") * NC + lax.axis_index("c")

    def gather_chunk(idx_v, out_v, n):
        @plsc.parallel_loop(0, n, 16 * GANG, unroll=UNROLL)
        def body(i):
            ivs = [idx_v[pl.ds(i + 16 * u, 16)] for u in range(GANG)]
            vals = [plsc.load_gather(row_v, [iv]) for iv in ivs]
            for u in range(GANG):
                out_v[pl.ds(i + 16 * u, 16)] = vals[u]

    passes = []
    phases = []
    ph = 0
    for t in range(DIMS_PER_W):
        j = wid * DIMS_PER_W + t
        for tab, idx_hbm, chs, out_off in (
                (in_tab_t, in_idx_hbm, CH_A, 0),
                (out_tab_t, bc_idx_hbm, CH_BC, BATCH)):
            passes.append((j, tab, idx_hbm, chs, out_off))
            phases.append(ph)
            ph = (ph + len(chs)) % 2

    def idx_copy(p, c):
        _, _, idx_hbm, chs, _ = passes[p]
        b = (phases[p] + c) % 2
        off = sum(chs[:c])
        return pltpu.async_copy(
            idx_hbm.at[pl.ds(off, chs[c])],
            idx_vs[b].at[pl.ds(0, chs[c])], isems[b])

    def row_copy(p):
        j, tab, _, _, _ = passes[p]
        return pltpu.async_copy(tab.at[j], row_v, rsem)

    nxt_first = idx_copy(0, 0)
    nxt_row = row_copy(0)
    prev_wds = [None, None]
    for p, (j, tab, idx_hbm, chs, out_off) in enumerate(passes):
        nxt_row.wait()
        nch = len(chs)
        ids = {phases[p] % 2: nxt_first}
        wds = [None] * nch
        nxt_first = None
        base = 0
        for c in range(nch):
            b = (phases[p] + c) % 2
            if c + 1 < nch:
                ids[(phases[p] + c + 1) % 2] = idx_copy(p, c + 1)
            ids[b].wait()
            if c - 2 >= 0:
                wds[c - 2].wait()
            elif prev_wds[c] is not None:
                prev_wds[c].wait()
            gather_chunk(idx_vs[b], out_vs[b], chs[c])
            if c == nch - 1 and p + 1 < len(passes):
                nxt_first = idx_copy(p + 1, 0)
                nxt_row = row_copy(p + 1)
            wds[c] = pltpu.async_copy(
                out_vs[b].at[pl.ds(0, chs[c])],
                out_t.at[j, pl.ds(out_off + base, chs[c])], wsems[b])
            base += chs[c]
        prev_wds = [wds[nch - 2], wds[nch - 1]]
        if p == len(passes) - 1:
            wds[nch - 2].wait()
            wds[nch - 1].wait()


def kernel(input_words, output_words, noise_words, in_embed_weight,
           out_embed_weight):
    bc_idx = jnp.concatenate(
        [output_words.astype(jnp.int32),
         noise_words.reshape(-1).astype(jnp.int32)], axis=0)
    mesh = plsc.VectorSubcoreMesh(core_axis_name="c", subcore_axis_name="s")
    f = pl.kernel(
        _gather_body,
        mesh=mesh,
        out_type=jax.ShapeDtypeStruct((N_EMBED, TOTAL), jnp.float32),
        scratch_types=[
            pltpu.VMEM((N_VOCAB,), jnp.float32),
            [pltpu.VMEM((IC,), jnp.int32)] * 2,
            [pltpu.VMEM((IC,), jnp.float32)] * 2,
            [pltpu.SemaphoreType.DMA] * 2,
            [pltpu.SemaphoreType.DMA] * 2,
            pltpu.SemaphoreType.DMA,
        ],
        compiler_params=pltpu.CompilerParams(use_tc_tiling_on_sc=True,
                                             needs_layout_passes=False),
    )
    out_t = f(
        input_words.astype(jnp.int32),
        bc_idx,
        in_embed_weight.T,
        out_embed_weight.T,
    )
    return out_t.T

# --- scband reference (transcript-rebuilt; emitter-appended) ---
"""Pipeline reference for scband-skip-gram-neg-56083682951222 (READ-ONLY COPY).

The authoritative reference and input builder live on the scoring server;
editing this copy changes nothing except your own understanding.
"""

import jax, jax.numpy as jnp
import numpy as np

N_VOCAB = 100000
N_EMBED = 64
BATCH = 16384
N_SAMPLES = 5

def setup_inputs(seed: int = 0) -> dict:
    key = jax.random.key(seed)
    k1, k2, k3, k4, k5 = jax.random.split(key, 5)
    input_words = jax.random.randint(k1, (BATCH,), 0, N_VOCAB, dtype=jnp.int64 if jax.config.jax_enable_x64 else jnp.int32)
    output_words = jax.random.randint(k2, (BATCH,), 0, N_VOCAB, dtype=jnp.int64 if jax.config.jax_enable_x64 else jnp.int32)
    noise_words = jax.random.randint(k3, (BATCH, N_SAMPLES), 0, N_VOCAB, dtype=jnp.int64 if jax.config.jax_enable_x64 else jnp.int32)
    # learned parameters: nn.Embedding weights initialized uniform_(-1, 1) as in the torch module
    in_embed_weight = jax.random.uniform(k4, (N_VOCAB, N_EMBED), dtype=jnp.float32, minval=-1.0, maxval=1.0)
    out_embed_weight = jax.random.uniform(k5, (N_VOCAB, N_EMBED), dtype=jnp.float32, minval=-1.0, maxval=1.0)
    return {
        "input_words": input_words,
        "output_words": output_words,
        "noise_words": noise_words,
        "in_embed_weight": in_embed_weight,
        "out_embed_weight": out_embed_weight,
    }

def reference(input_words, output_words, noise_words, in_embed_weight, out_embed_weight):
    # forward_input: in_embed(input_words)
    input_vectors = jnp.take(in_embed_weight, input_words, axis=0)
    # forward_output: out_embed(output_words)
    output_vectors = jnp.take(out_embed_weight, output_words, axis=0)
    # forward_noise: out_embed(noise_words).view(batch, n_samples, n_embed)
    b, s = noise_words.shape
    noise_vectors = jnp.take(out_embed_weight, noise_words.reshape(-1), axis=0).reshape(b, s, N_EMBED)
    # single concatenated output tensor [B + B + B*n_samples, n_embed]
    return jnp.concatenate([input_vectors, output_vectors, noise_vectors.reshape(-1, N_EMBED)], axis=0)

if __name__ == "__main__":
    import jax
    _d = setup_inputs()
    print(jax.jit(kernel)(*tuple(_d.values())))

</pallas_src>

<mosaic_0001>
#map = affine_map<(d0, d1) -> (0)>
#map1 = affine_map<(d0, d1) -> (0, 0)>
module attributes {stable_mosaic.version = 14 : i64} {
  func.func @_gather_body(%arg0: i32, %arg1: i32, %arg2: memref<16384xi32, #tpu.memory_space<hbm>>, %arg3: memref<98304xi32, #tpu.memory_space<hbm>>, %arg4: memref<64x100000xf32, #tpu.memory_space<hbm>>, %arg5: memref<64x100000xf32, #tpu.memory_space<hbm>>, %arg6: memref<64x114688xf32, #tpu.memory_space<hbm>>, %arg7: memref<100000xf32, #tpu.memory_space<vmem>>, %arg8: memref<7680xi32, #tpu.memory_space<vmem>>, %arg9: memref<7680xi32, #tpu.memory_space<vmem>>, %arg10: memref<7680xf32, #tpu.memory_space<vmem>>, %arg11: memref<7680xf32, #tpu.memory_space<vmem>>, %arg12: memref<!tpu.dma_semaphore, #tpu.memory_space<semaphore_mem>>, %arg13: memref<!tpu.dma_semaphore, #tpu.memory_space<semaphore_mem>>, %arg14: memref<!tpu.dma_semaphore, #tpu.memory_space<semaphore_mem>>, %arg15: memref<!tpu.dma_semaphore, #tpu.memory_space<semaphore_mem>>, %arg16: memref<!tpu.dma_semaphore, #tpu.memory_space<semaphore_mem>>) attributes {dimension_semantics = [#tpu.dimension_semantics<core_parallel>, #tpu.dimension_semantics<subcore_parallel>], iteration_bounds = array<i64: 2, 16>, scalar_prefetch = 0 : i64, scratch_operands = 10 : i64, tpu.core_type = #tpu.core_type<sc_vector_subcore>, window_params = [{transform_indices = #map}, {transform_indices = #map}, {transform_indices = #map1}, {transform_indices = #map1}, {transform_indices = #map1}]} {
    %mul3A = arith.constant 2 : i32
    %mul3A_0 = arith.muli %arg1, %mul3A : i32
    %add3A = arith.addi %mul3A_0, %arg0 : i32
    %mul3A_1 = arith.constant 2 : i32
    %mul3A_2 = arith.muli %add3A, %mul3A_1 : i32
    %add3A_3 = arith.constant 0 : i32
    %add3A_4 = arith.addi %mul3A_2, %add3A_3 : i32
    %mul3A_5 = arith.constant 2 : i32
    %mul3A_6 = arith.muli %add3A, %mul3A_5 : i32
    %add3A_7 = arith.constant 1 : i32
    %add3A_8 = arith.addi %mul3A_6, %add3A_7 : i32
    %dma_start3A = arith.constant 0 : i32
    %dma_start3A_9 = tpu.memref_slice %arg8[%dma_start3A] : memref<7680xi32, #tpu.memory_space<vmem>> -> memref<7680xi32, #tpu.memory_space<vmem>>
    %dma_start3A_10 = arith.constant 0 : i32
    %dma_start3A_11 = tpu.memref_slice %arg2[%dma_start3A_10] : memref<16384xi32, #tpu.memory_space<hbm>> -> memref<7680xi32, #tpu.memory_space<hbm>>
    %dma_start3A_12 = arith.constant 0 : i32
    %dma_start3A_13 = tpu.memref_slice %arg8[%dma_start3A_12] : memref<7680xi32, #tpu.memory_space<vmem>> -> memref<7680xi32, #tpu.memory_space<vmem>>
    %dma_start3A_14 = arith.constant 0 : i32
    %dma_start3A_15 = tpu.memref_slice %arg2[%dma_start3A_14] : memref<16384xi32, #tpu.memory_space<hbm>> -> memref<7680xi32, #tpu.memory_space<hbm>>
    tpu.enqueue_dma source(%dma_start3A_15 : memref<7680xi32, #tpu.memory_space<hbm>>) target(%dma_start3A_13 : memref<7680xi32, #tpu.memory_space<vmem>>) target_semaphore(%arg12 : memref<!tpu.dma_semaphore, #tpu.memory_space<semaphore_mem>>)
    %dma_start3A_16 = arith.constant 0 : i32
    %dma_start3A_17 = tpu.memref_slice %arg4[%add3A_4, %dma_start3A_16] : memref<64x100000xf32, #tpu.memory_space<hbm>> -> memref<1x100000xf32, #tpu.memory_space<hbm>>
    %dma_start3A_18 = tpu.memref_squeeze %dma_start3A_17 : memref<1x100000xf32, #tpu.memory_space<hbm>> -> memref<100000xf32, #tpu.memory_space<hbm>>
    %dma_start3A_19 = arith.constant 0 : i32
    %dma_start3A_20 = tpu.memref_slice %arg4[%add3A_4, %dma_start3A_19] : memref<64x100000xf32, #tpu.memory_space<hbm>> -> memref<1x100000xf32, #tpu.memory_space<hbm>>
    %dma_start3A_21 = tpu.memref_squeeze %dma_start3A_20 : memref<1x100000xf32, #tpu.memory_space<hbm>> -> memref<100000xf32, #tpu.memory_space<hbm>>
    tpu.enqueue_dma source(%dma_start3A_21 : memref<100000xf32, #tpu.memory_space<hbm>>) target(%arg7 : memref<100000xf32, #tpu.memory_space<vmem>>) target_semaphore(%arg16 : memref<!tpu.dma_semaphore, #tpu.memory_space<semaphore_mem>>)
    %dma_wait3A = arith.constant 0 : i32
    %dma_wait3A_22 = tpu.memref_slice %arg4[%add3A_4, %dma_wait3A] : memref<64x100000xf32, #tpu.memory_space<hbm>> -> memref<1x100000xf32, #tpu.memory_space<hbm>>
    %dma_wait3A_23 = tpu.memref_squeeze %dma_wait3A_22 : memref<1x100000xf32, #tpu.memory_space<hbm>> -> memref<100000xf32, #tpu.memory_space<hbm>>
    %dma_wait3A_24 = arith.constant 0 : i32
    %dma_wait3A_25 = tpu.memref_slice %arg4[%add3A_4, %dma_wait3A_24] : memref<64x100000xf32, #tpu.memory_space<hbm>> -> memref<1x100000xf32, #tpu.memory_space<hbm>>
    %dma_wait3A_26 = tpu.memref_squeeze %dma_wait3A_25 : memref<1x100000xf32, #tpu.memory_space<hbm>> -> memref<100000xf32, #tpu.memory_space<hbm>>
    tpu.wait_dma2 semaphore(%arg16 : memref<!tpu.dma_semaphore, #tpu.memory_space<semaphore_mem>>) src(%dma_wait3A_26 : memref<100000xf32, #tpu.memory_space<hbm>>) dst(%arg7 : memref<100000xf32, #tpu.memory_space<vmem>>)
    %dma_start3A_27 = arith.constant 0 : i32
    %dma_start3A_28 = tpu.memref_slice %arg9[%dma_start3A_27] : memref<7680xi32, #tpu.memory_space<vmem>> -> memref<7680xi32, #tpu.memory_space<vmem>>
    %dma_start3A_29 = arith.constant 7680 : i32
    %dma_start3A_30 = tpu.memref_slice %arg2[%dma_start3A_29] : memref<16384xi32, #tpu.memory_space<hbm>> -> memref<7680xi32, #tpu.memory_space<hbm>>
    %dma_start3A_31 = arith.constant 0 : i32
    %dma_start3A_32 = tpu.memref_slice %arg9[%dma_start3A_31] : memref<7680xi32, #tpu.memory_space<vmem>> -> memref<7680xi32, #tpu.memory_space<vmem>>
    %dma_start3A_33 = arith.constant 7680 : i32
    %dma_start3A_34 = tpu.memref_slice %arg2[%dma_start3A_33] : memref<16384xi32, #tpu.memory_space<hbm>> -> memref<7680xi32, #tpu.memory_space<hbm>>
    tpu.enqueue_dma source(%dma_start3A_34 : memref<7680xi32, #tpu.memory_space<hbm>>) target(%dma_start3A_32 : memref<7680xi32, #tpu.memory_space<vmem>>) target_semaphore(%arg13 : memref<!tpu.dma_semaphore, #tpu.memory_space<semaphore_mem>>)
    %dma_wait3A_35 = arith.constant 0 : i32
    %dma_wait3A_36 = tpu.memref_slice %arg8[%dma_wait3A_35] : memref<7680xi32, #tpu.memory_space<vmem>> -> memref<7680xi32, #tpu.memory_space<vmem>>
    %dma_wait3A_37 = arith.constant 0 : i32
    %dma_wait3A_38 = tpu.memref_slice %arg2[%dma_wait3A_37] : memref<16384xi32, #tpu.memory_space<hbm>> -> memref<7680xi32, #tpu.memory_space<hbm>>
    %dma_wait3A_39 = arith.constant 0 : i32
    %dma_wait3A_40 = tpu.memref_slice %arg8[%dma_wait3A_39] : memref<7680xi32, #tpu.memory_space<vmem>> -> memref<7680xi32, #tpu.memory_space<vmem>>
    %dma_wait3A_41 = arith.constant 0 : i32
    %dma_wait3A_42 = tpu.memref_slice %arg2[%dma_wait3A_41] : memref<16384xi32, #tpu.memory_space<hbm>> -> memref<7680xi32, #tpu.memory_space<hbm>>
    tpu.wait_dma2 semaphore(%arg12 : memref<!tpu.dma_semaphore, #tpu.memory_space<semaphore_mem>>) src(%dma_wait3A_42 : memref<7680xi32, #tpu.memory_space<hbm>>) dst(%dma_wait3A_40 : memref<7680xi32, #tpu.memory_space<vmem>>)
    %parallel_loop3A = arith.constant 0 : i32
    %parallel_loop3A_43 = arith.constant 7680 : i32
    %parallel_loop3A_44 = arith.constant 64 : i32
    scf.for %parallel_loop3A_1302 = %parallel_loop3A to %parallel_loop3A_43 step %parallel_loop3A_44  : i32 {
      %parallel_loop3A_1303 = arith.constant 0 : i32
      %parallel_loop3A_1304 = arith.addi %parallel_loop3A_1302, %parallel_loop3A_1303 : i32
      %parallel_loop3A_1305 = arith.index_cast %parallel_loop3A_1304 : i32 to index
      %parallel_loop3A_1306 = tpu.vector_load %arg8[%parallel_loop3A_1305] {strides = array<i32>} : memref<7680xi32, #tpu.memory_space<vmem>>, vector<16xi32>,
      %parallel_loop3A_1307 = arith.constant 16 : i32
      %parallel_loop3A_1308 = arith.addi %parallel_loop3A_1302, %parallel_loop3A_1307 : i32
      %parallel_loop3A_1309 = arith.index_cast %parallel_loop3A_1308 : i32 to index
      %parallel_loop3A_1310 = tpu.vector_load %arg8[%parallel_loop3A_1309] {strides = array<i32>} : memref<7680xi32, #tpu.memory_space<vmem>>, vector<16xi32>,
      %parallel_loop3A_1311 = arith.constant 32 : i32
      %parallel_loop3A_1312 = arith.addi %parallel_loop3A_1302, %parallel_loop3A_1311 : i32
      %parallel_loop3A_1313 = arith.index_cast %parallel_loop3A_1312 : i32 to index
      %parallel_loop3A_1314 = tpu.vector_load %arg8[%parallel_loop3A_1313] {strides = array<i32>} : memref<7680xi32, #tpu.memory_space<vmem>>, vector<16xi32>,
      %parallel_loop3A_1315 = arith.constant 48 : i32
      %parallel_loop3A_1316 = arith.addi %parallel_loop3A_1302, %parallel_loop3A_1315 : i32
      %parallel_loop3A_1317 = arith.index_cast %parallel_loop3A_1316 : i32 to index
      %parallel_loop3A_1318 = tpu.vector_load %arg8[%parallel_loop3A_1317] {strides = array<i32>} : memref<7680xi32, #tpu.memory_space<vmem>>, vector<16xi32>,
      %parallel_loop3A_1319 = tpu.vector_load_idx %arg7[%parallel_loop3A_1306] : memref<100000xf32, #tpu.memory_space<vmem>>[vector<16xi32>], vector<16xf32>,
      %parallel_loop3A_1320 = tpu.vector_load_idx %arg7[%parallel_loop3A_1310] : memref<100000xf32, #tpu.memory_space<vmem>>[vector<16xi32>], vector<16xf32>,
      %parallel_loop3A_1321 = tpu.vector_load_idx %arg7[%parallel_loop3A_1314] : memref<100000xf32, #tpu.memory_space<vmem>>[vector<16xi32>], vector<16xf32>,
      %parallel_loop3A_1322 = tpu.vector_load_idx %arg7[%parallel_loop3A_1318] : memref<100000xf32, #tpu.memory_space<vmem>>[vector<16xi32>], vector<16xf32>,
      %parallel_loop3A_1323 = arith.constant 0 : i32
      %parallel_loop3A_1324 = arith.addi %parallel_loop3A_1302, %parallel_loop3A_1323 : i32
      %parallel_loop3A_1325 = arith.index_cast %parallel_loop3A_1324 : i32 to index
      %parallel_loop3A_1326 = tpu.vector_load %arg10[%parallel_loop3A_1325] {strides = array<i32>} : memref<7680xf32, #tpu.memory_space<vmem>>, vector<16xf32>,
      tpu.vector_store %arg10[%parallel_loop3A_1325], %parallel_loop3A_1319 {strides = array<i32>} : memref<7680xf32, #tpu.memory_space<vmem>>, vector<16xf32>,
      %parallel_loop3A_1327 = arith.constant 16 : i32
      %parallel_loop3A_1328 = arith.addi %parallel_loop3A_1302, %parallel_loop3A_1327 : i32
      %parallel_loop3A_1329 = arith.index_cast %parallel_loop3A_1328 : i32 to index
      %parallel_loop3A_1330 = tpu.vector_load %arg10[%parallel_loop3A_1329] {strides = array<i32>} : memref<7680xf32, #tpu.memory_space<vmem>>, vector<16xf32>,
      tpu.vector_store %arg10[%parallel_loop3A_1329], %parallel_loop3A_1320 {strides = array<i32>} : memref<7680xf32, #tpu.memory_space<vmem>>, vector<16xf32>,
      %parallel_loop3A_1331 = arith.constant 32 : i32
      %parallel_loop3A_1332 = arith.addi %parallel_loop3A_1302, %parallel_loop3A_1331 : i32
      %parallel_loop3A_1333 = arith.index_cast %parallel_loop3A_1332 : i32 to index
      %parallel_loop3A_1334 = tpu.vector_load %arg10[%parallel_loop3A_1333] {strides = array<i32>} : memref<7680xf32, #tpu.memory_space<vmem>>, vector<16xf32>,
      tpu.vector_store %arg10[%parallel_loop3A_1333], %parallel_loop3A_1321 {strides = array<i32>} : memref<7680xf32, #tpu.memory_space<vmem>>, vector<16xf32>,
      %parallel_loop3A_1335 = arith.constant 48 : i32
      %parallel_loop3A_1336 = arith.addi %parallel_loop3A_1302, %parallel_loop3A_1335 : i32
      %parallel_loop3A_1337 = arith.index_cast %parallel_loop3A_1336 : i32 to index
      %parallel_loop3A_1338 = tpu.vector_load %arg10[%parallel_loop3A_1337] {strides = array<i32>} : memref<7680xf32, #tpu.memory_space<vmem>>, vector<16xf32>,
      tpu.vector_store %arg10[%parallel_loop3A_1337], %parallel_loop3A_1322 {strides = array<i32>} : memref<7680xf32, #tpu.memory_space<vmem>>, vector<16xf32>,
    } {sc.loop_unroll_factor = 2 : i64, sc.parallel_access}
    %dma_start3A_45 = arith.constant 0 : i32
    %dma_start3A_46 = tpu.memref_slice %arg10[%dma_start3A_45] : memref<7680xf32, #tpu.memory_space<vmem>> -> memref<7680xf32, #tpu.memory_space<vmem>>
    %dma_start3A_47 = arith.constant 0 : i32
    %dma_start3A_48 = tpu.memref_slice %arg6[%add3A_4, %dma_start3A_47] : memref<64x114688xf32, #tpu.memory_space<hbm>> -> memref<1x7680xf32, #tpu.memory_space<hbm>>
    %dma_start3A_49 = tpu.memref_squeeze %dma_start3A_48 : memref<1x7680xf32, #tpu.memory_space<hbm>> -> memref<7680xf32, #tpu.memory_space<hbm>>
    %dma_start3A_50 = arith.constant 0 : i32
    %dma_start3A_51 = tpu.memref_slice %arg6[%add3A_4, %dma_start3A_50] : memref<64x114688xf32, #tpu.memory_space<hbm>> -> memref<1x7680xf32, #tpu.memory_space<hbm>>
    %dma_start3A_52 = tpu.memref_squeeze %dma_start3A_51 : memref<1x7680xf32, #tpu.memory_space<hbm>> -> memref<7680xf32, #tpu.memory_space<hbm>>
    %dma_start3A_53 = arith.constant 0 : i32
    %dma_start3A_54 = tpu.memref_slice %arg10[%dma_start3A_53] : memref<7680xf32, #tpu.memory_space<vmem>> -> memref<7680xf32, #tpu.memory_space<vmem>>
    tpu.enqueue_dma source(%dma_start3A_54 : memref<7680xf32, #tpu.memory_space<vmem>>) target(%dma_start3A_52 : memref<7680xf32, #tpu.memory_space<hbm>>) target_semaphore(%arg14 : memref<!tpu.dma_semaphore, #tpu.memory_space<semaphore_mem>>)
    %dma_start3A_55 = arith.constant 0 : i32
    %dma_start3A_56 = tpu.memref_slice %arg8[%dma_start3A_55] : memref<7680xi32, #tpu.memory_space<vmem>> -> memref<1024xi32, #tpu.memory_space<vmem>>
    %dma_start3A_57 = arith.constant 15360 : i32
    %dma_start3A_58 = tpu.memref_slice %arg2[%dma_start3A_57] : memref<16384xi32, #tpu.memory_space<hbm>> -> memref<1024xi32, #tpu.memory_space<hbm>>
    %dma_start3A_59 = arith.constant 0 : i32
    %dma_start3A_60 = tpu.memref_slice %arg8[%dma_start3A_59] : memref<7680xi32, #tpu.memory_space<vmem>> -> memref<1024xi32, #tpu.memory_space<vmem>>
    %dma_start3A_61 = arith.constant 15360 : i32
    %dma_start3A_62 = tpu.memref_slice %arg2[%dma_start3A_61] : memref<16384xi32, #tpu.memory_space<hbm>> -> memref<1024xi32, #tpu.memory_space<hbm>>
    tpu.enqueue_dma source(%dma_start3A_62 : memref<1024xi32, #tpu.memory_space<hbm>>) target(%dma_start3A_60 : memref<1024xi32, #tpu.memory_space<vmem>>) target_semaphore(%arg12 : memref<!tpu.dma_semaphore, #tpu.memory_space<semaphore_mem>>)
    %dma_wait3A_63 = arith.constant 0 : i32
    %dma_wait3A_64 = tpu.memref_slice %arg9[%dma_wait3A_63] : memref<7680xi32, #tpu.memory_space<vmem>> -> memref<7680xi32, #tpu.memory_space<vmem>>
    %dma_wait3A_65 = arith.constant 7680 : i32
    %dma_wait3A_66 = tpu.memref_slice %arg2[%dma_wait3A_65] : memref<16384xi32, #tpu.memory_space<hbm>> -> memref<7680xi32, #tpu.memory_space<hbm>>
    %dma_wait3A_67 = arith.constant 0 : i32
    %dma_wait3A_68 = tpu.memref_slice %arg9[%dma_wait3A_67] : memref<7680xi32, #tpu.memory_space<vmem>> -> memref<7680xi32, #tpu.memory_space<vmem>>
    %dma_wait3A_69 = arith.constant 7680 : i32
    %dma_wait3A_70 = tpu.memref_slice %arg2[%dma_wait3A_69] : memref<16384xi32, #tpu.memory_space<hbm>> -> memref<7680xi32, #tpu.memory_space<hbm>>
    tpu.wait_dma2 semaphore(%arg13 : memref<!tpu.dma_semaphore, #tpu.memory_space<semaphore_mem>>) src(%dma_wait3A_70 : memref<7680xi32, #tpu.memory_space<hbm>>) dst(%dma_wait3A_68 : memref<7680xi32, #tpu.memory_space<vmem>>)
    %parallel_loop3A_71 = arith.constant 0 : i32
    %parallel_loop3A_72 = arith.constant 7680 : i32
    %parallel_loop3A_73 = arith.constant 64 : i32
    scf.for %parallel_loop3A_1302 = %parallel_loop3A_71 to %parallel_loop3A_72 step %parallel_loop3A_73  : i32 {
      %parallel_loop3A_1303 = arith.constant 0 : i32
      %parallel_loop3A_1304 = arith.addi %parallel_loop3A_1302, %parallel_loop3A_1303 : i32
      %parallel_loop3A_1305 = arith.index_cast %parallel_loop3A_1304 : i32 to index
      %parallel_loop3A_1306 = tpu.vector_load %arg9[%parallel_loop3A_1305] {strides = array<i32>} : memref<7680xi32, #tpu.memory_space<vmem>>, vector<16xi32>,
      %parallel_loop3A_1307 = arith.constant 16 : i32
      %parallel_loop3A_1308 = arith.addi %parallel_loop3A_1302, %parallel_loop3A_1307 : i32
      %parallel_loop3A_1309 = arith.index_cast %parallel_loop3A_1308 : i32 to index
      %parallel_loop3A_1310 = tpu.vector_load %arg9[%parallel_loop3A_1309] {strides = array<i32>} : memref<7680xi32, #tpu.memory_space<vmem>>, vector<16xi32>,
      %parallel_loop3A_1311 = arith.constant 32 : i32
      %parallel_loop3A_1312 = arith.addi %parallel_loop3A_1302, %parallel_loop3A_1311 : i32
      %parallel_loop3A_1313 = arith.index_cast %parallel_loop3A_1312 : i32 to index
      %parallel_loop3A_1314 = tpu.vector_load %arg9[%parallel_loop3A_1313] {strides = array<i32>} : memref<7680xi32, #tpu.memory_space<vmem>>, vector<16xi32>,
      %parallel_loop3A_1315 = arith.constant 48 : i32
      %parallel_loop3A_1316 = arith.addi %parallel_loop3A_1302, %parallel_loop3A_1315 : i32
      %parallel_loop3A_1317 = arith.index_cast %parallel_loop3A_1316 : i32 to index
      %parallel_loop3A_1318 = tpu.vector_load %arg9[%parallel_loop3A_1317] {strides = array<i32>} : memref<7680xi32, #tpu.memory_space<vmem>>, vector<16xi32>,
      %parallel_loop3A_1319 = tpu.vector_load_idx %arg7[%parallel_loop3A_1306] : memref<100000xf32, #tpu.memory_space<vmem>>[vector<16xi32>], vector<16xf32>,
      %parallel_loop3A_1320 = tpu.vector_load_idx %arg7[%parallel_loop3A_1310] : memref<100000xf32, #tpu.memory_space<vmem>>[vector<16xi32>], vector<16xf32>,
      %parallel_loop3A_1321 = tpu.vector_load_idx %arg7[%parallel_loop3A_1314] : memref<100000xf32, #tpu.memory_space<vmem>>[vector<16xi32>], vector<16xf32>,
      %parallel_loop3A_1322 = tpu.vector_load_idx %arg7[%parallel_loop3A_1318] : memref<100000xf32, #tpu.memory_space<vmem>>[vector<16xi32>], vector<16xf32>,
      %parallel_loop3A_1323 = arith.constant 0 : i32
      %parallel_loop3A_1324 = arith.addi %parallel_loop3A_1302, %parallel_loop3A_1323 : i32
      %parallel_loop3A_1325 = arith.index_cast %parallel_loop3A_1324 : i32 to index
      %parallel_loop3A_1326 = tpu.vector_load %arg11[%parallel_loop3A_1325] {strides = array<i32>} : memref<7680xf32, #tpu.memory_space<vmem>>, vector<16xf32>,
      tpu.vector_store %arg11[%parallel_loop3A_1325], %parallel_loop3A_1319 {strides = array<i32>} : memref<7680xf32, #tpu.memory_space<vmem>>, vector<16xf32>,
      %parallel_loop3A_1327 = arith.constant 16 : i32
      %parallel_loop3A_1328 = arith.addi %parallel_loop3A_1302, %parallel_loop3A_1327 : i32
      %parallel_loop3A_1329 = arith.index_cast %parallel_loop3A_1328 : i32 to index
      %parallel_loop3A_1330 = tpu.vector_load %arg11[%parallel_loop3A_1329] {strides = array<i32>} : memref<7680xf32, #tpu.memory_space<vmem>>, vector<16xf32>,
      tpu.vector_store %arg11[%parallel_loop3A_1329], %parallel_loop3A_1320 {strides = array<i32>} : memref<7680xf32, #tpu.memory_space<vmem>>, vector<16xf32>,
      %parallel_loop3A_1331 = arith.constant 32 : i32
      %parallel_loop3A_1332 = arith.addi %parallel_loop3A_1302, %parallel_loop3A_1331 : i32
      %parallel_loop3A_1333 = arith.index_cast %parallel_loop3A_1332 : i32 to index
      %parallel_loop3A_1334 = tpu.vector_load %arg11[%parallel_loop3A_1333] {strides = array<i32>} : memref<7680xf32, #tpu.memory_space<vmem>>, vector<16xf32>,
      tpu.vector_store %arg11[%parallel_loop3A_1333], %parallel_loop3A_1321 {strides = array<i32>} : memref<7680xf32, #tpu.memory_space<vmem>>, vector<16xf32>,
      %parallel_loop3A_1335 = arith.constant 48 : i32
      %parallel_loop3A_1336 = arith.addi %parallel_loop3A_1302, %parallel_loop3A_1335 : i32
      %parallel_loop3A_1337 = arith.index_cast %parallel_loop3A_1336 : i32 to index
      %parallel_loop3A_1338 = tpu.vector_load %arg11[%parallel_loop3A_1337] {strides = array<i32>} : memref<7680xf32, #tpu.memory_space<vmem>>, vector<16xf32>,
      tpu.vector_store %arg11[%parallel_loop3A_1337], %parallel_loop3A_1322 {strides = array<i32>} : memref<7680xf32, #tpu.memory_space<vmem>>, vector<16xf32>,
    } {sc.loop_unroll_factor = 2 : i64, sc.parallel_access}
    %dma_start3A_74 = arith.constant 0 : i32
    %dma_start3A_75 = tpu.memref_slice %arg11[%dma_start3A_74] : memref<7680xf32, #tpu.memory_space<vmem>> -> memref<7680xf32, #tpu.memory_space<vmem>>
    %dma_start3A_76 = arith.constant 7680 : i32
    %dma_start3A_77 = tpu.memref_slice %arg6[%add3A_4, %dma_start3A_76] : memref<64x114688xf32, #tpu.memory_space<hbm>> -> memref<1x7680xf32, #tpu.memory_space<hbm>>
    %dma_start3A_78 = tpu.memref_squeeze %dma_start3A_77 : memref<1x7680xf32, #tpu.memory_space<hbm>> -> memref<7680xf32, #tpu.memory_space<hbm>>
    %dma_start3A_79 = arith.constant 7680 : i32
    %dma_start3A_80 = tpu.memref_slice %arg6[%add3A_4, %dma_start3A_79] : memref<64x114688xf32, #tpu.memory_space<hbm>> -> memref<1x7680xf32, #tpu.memory_space<hbm>>
    %dma_start3A_81 = tpu.memref_squeeze %dma_start3A_80 : memref<1x7680xf32, #tpu.memory_space<hbm>> -> memref<7680xf32, #tpu.memory_space<hbm>>
    %dma_start3A_82 = arith.constant 0 : i32
    %dma_start3A_83 = tpu.memref_slice %arg11[%dma_start3A_82] : memref<7680xf32, #tpu.memory_space<vmem>> -> memref<7680xf32, #tpu.memory_space<vmem>>
    tpu.enqueue_dma source(%dma_start3A_83 : memref<7680xf32, #tpu.memory_space<vmem>>) target(%dma_start3A_81 : memref<7680xf32, #tpu.memory_space<hbm>>) target_semaphore(%arg15 : memref<!tpu.dma_semaphore, #tpu.memory_space<semaphore_mem>>)
    %dma_wait3A_84 = arith.constant 0 : i32
    %dma_wait3A_85 = tpu.memref_slice %arg8[%dma_wait3A_84] : memref<7680xi32, #tpu.memory_space<vmem>> -> memref<1024xi32, #tpu.memory_space<vmem>>
    %dma_wait3A_86 = arith.constant 15360 : i32
    %dma_wait3A_87 = tpu.memref_slice %arg2[%dma_wait3A_86] : memref<16384xi32, #tpu.memory_space<hbm>> -> memref<1024xi32, #tpu.memory_space<hbm>>
    %dma_wait3A_88 = arith.constant 0 : i32
    %dma_wait3A_89 = tpu.memref_slice %arg8[%dma_wait3A_88] : memref<7680xi32, #tpu.memory_space<vmem>> -> memref<1024xi32, #tpu.memory_space<vmem>>
    %dma_wait3A_90 = arith.constant 15360 : i32
    %dma_wait3A_91 = tpu.memref_slice %arg2[%dma_wait3A_90] : memref<16384xi32, #tpu.memory_space<hbm>> -> memref<1024xi32, #tpu.memory_space<hbm>>
    tpu.wait_dma2 semaphore(%arg12 : memref<!tpu.dma_semaphore, #tpu.memory_space<semaphore_mem>>) src(%dma_wait3A_91 : memref<1024xi32, #tpu.memory_space<hbm>>) dst(%dma_wait3A_89 : memref<1024xi32, #tpu.memory_space<vmem>>)
    %dma_wait3A_92 = arith.constant 0 : i32
    %dma_wait3A_93 = tpu.memref_slice %arg10[%dma_wait3A_92] : memref<7680xf32, #tpu.memory_space<vmem>> -> memref<7680xf32, #tpu.memory_space<vmem>>
    %dma_wait3A_94 = arith.constant 0 : i32
    %dma_wait3A_95 = tpu.memref_slice %arg6[%add3A_4, %dma_wait3A_94] : memref<64x114688xf32, #tpu.memory_space<hbm>> -> memref<1x7680xf32, #tpu.memory_space<hbm>>
    %dma_wait3A_96 = tpu.memref_squeeze %dma_wait3A_95 : memref<1x7680xf32, #tpu.memory_space<hbm>> -> memref<7680xf32, #tpu.memory_space<hbm>>
    %dma_wait3A_97 = arith.constant 0 : i32
    %dma_wait3A_98 = tpu.memref_slice %arg6[%add3A_4, %dma_wait3A_97] : memref<64x114688xf32, #tpu.memory_space<hbm>> -> memref<1x7680xf32, #tpu.memory_space<hbm>>
    %dma_wait3A_99 = tpu.memref_squeeze %dma_wait3A_98 : memref<1x7680xf32, #tpu.memory_space<hbm>> -> memref<7680xf32, #tpu.memory_space<hbm>>
    %dma_wait3A_100 = arith.constant 0 : i32
    %dma_wait3A_101 = tpu.memref_slice %arg10[%dma_wait3A_100] : memref<7680xf32, #tpu.memory_space<vmem>> -> memref<7680xf32, #tpu.memory_space<vmem>>
    tpu.wait_dma2 semaphore(%arg14 : memref<!tpu.dma_semaphore, #tpu.memory_space<semaphore_mem>>) src(%dma_wait3A_101 : memref<7680xf32, #tpu.memory_space<vmem>>) dst(%dma_wait3A_99 : memref<7680xf32, #tpu.memory_space<hbm>>)
    %parallel_loop3A_102 = arith.constant 0 : i32
    %parallel_loop3A_103 = arith.constant 1024 : i32
    %parallel_loop3A_104 = arith.constant 64 : i32
    scf.for %parallel_loop3A_1302 = %parallel_loop3A_102 to %parallel_loop3A_103 step %parallel_loop3A_104  : i32 {
      %parallel_loop3A_1303 = arith.constant 0 : i32
      %parallel_loop3A_1304 = arith.addi %parallel_loop3A_1302, %parallel_loop3A_1303 : i32
      %parallel_loop3A_1305 = arith.index_cast %parallel_loop3A_1304 : i32 to index
      %parallel_loop3A_1306 = tpu.vector_load %arg8[%parallel_loop3A_1305] {strides = array<i32>} : memref<7680xi32, #tpu.memory_space<vmem>>, vector<16xi32>,
      %parallel_loop3A_1307 = arith.constant 16 : i32
      %parallel_loop3A_1308 = arith.addi %parallel_loop3A_1302, %parallel_loop3A_1307 : i32
      %parallel_loop3A_1309 = arith.index_cast %parallel_loop3A_1308 : i32 to index
      %parallel_loop3A_1310 = tpu.vector_load %arg8[%parallel_loop3A_1309] {strides = array<i32>} : memref<7680xi32, #tpu.memory_space<vmem>>, vector<16xi32>,
      %parallel_loop3A_1311 = arith.constant 32 : i32
      %parallel_loop3A_1312 = arith.addi %parallel_loop3A_1302, %parallel_loop3A_1311 : i32
      %parallel_loop3A_1313 = arith.index_cast %parallel_loop3A_1312 : i32 to index
      %parallel_loop3A_1314 = tpu.vector_load %arg8[%parallel_loop3A_1313] {strides = array<i32>} : memref<7680xi32, #tpu.memory_space<vmem>>, vector<16xi32>,
      %parallel_loop3A_1315 = arith.constant 48 : i32
      %parallel_loop3A_1316 = arith.addi %parallel_loop3A_1302, %parallel_loop3A_1315 : i32
      %parallel_loop3A_1317 = arith.index_cast %parallel_loop3A_1316 : i32 to index
      %parallel_loop3A_1318 = tpu.vector_load %arg8[%parallel_loop3A_1317] {strides = array<i32>} : memref<7680xi32, #tpu.memory_space<vmem>>, vector<16xi32>,
      %parallel_loop3A_1319 = tpu.vector_load_idx %arg7[%parallel_loop3A_1306] : memref<100000xf32, #tpu.memory_space<vmem>>[vector<16xi32>], vector<16xf32>,
      %parallel_loop3A_1320 = tpu.vector_load_idx %arg7[%parallel_loop3A_1310] : memref<100000xf32, #tpu.memory_space<vmem>>[vector<16xi32>], vector<16xf32>,
      %parallel_loop3A_1321 = tpu.vector_load_idx %arg7[%parallel_loop3A_1314] : memref<100000xf32, #tpu.memory_space<vmem>>[vector<16xi32>], vector<16xf32>,
      %parallel_loop3A_1322 = tpu.vector_load_idx %arg7[%parallel_loop3A_1318] : memref<100000xf32, #tpu.memory_space<vmem>>[vector<16xi32>], vector<16xf32>,
      %parallel_loop3A_1323 = arith.constant 0 : i32
      %parallel_loop3A_1324 = arith.addi %parallel_loop3A_1302, %parallel_loop3A_1323 : i32
      %parallel_loop3A_1325 = arith.index_cast %parallel_loop3A_1324 : i32 to index
      %parallel_loop3A_1326 = tpu.vector_load %arg10[%parallel_loop3A_1325] {strides = array<i32>} : memref<7680xf32, #tpu.memory_space<vmem>>, vector<16xf32>,
      tpu.vector_store %arg10[%parallel_loop3A_1325], %parallel_loop3A_1319 {strides = array<i32>} : memref<7680xf32, #tpu.memory_space<vmem>>, vector<16xf32>,
      %parallel_loop3A_1327 = arith.constant 16 : i32
      %parallel_loop3A_1328 = arith.addi %parallel_loop3A_1302, %parallel_loop3A_1327 : i32
      %parallel_loop3A_1329 = arith.index_cast %parallel_loop3A_1328 : i32 to index
      %parallel_loop3A_1330 = tpu.vector_load %arg10[%parallel_loop3A_1329] {strides = array<i32>} : memref<7680xf32, #tpu.memory_space<vmem>>, vector<16xf32>,
      tpu.vector_store %arg10[%parallel_loop3A_1329], %parallel_loop3A_1320 {strides = array<i32>} : memref<7680xf32, #tpu.memory_space<vmem>>, vector<16xf32>,
      %parallel_loop3A_1331 = arith.constant 32 : i32
      %parallel_loop3A_1332 = arith.addi %parallel_loop3A_1302, %parallel_loop3A_1331 : i32
      %parallel_loop3A_1333 = arith.index_cast %parallel_loop3A_1332 : i32 to index
      %parallel_loop3A_1334 = tpu.vector_load %arg10[%parallel_loop3A_1333] {strides = array<i32>} : memref<7680xf32, #tpu.memory_space<vmem>>, vector<16xf32>,
      tpu.vector_store %arg10[%parallel_loop3A_1333], %parallel_loop3A_1321 {strides = array<i32>} : memref<7680xf32, #tpu.memory_space<vmem>>, vector<16xf32>,
      %parallel_loop3A_1335 = arith.constant 48 : i32
      %parallel_loop3A_1336 = arith.addi %parallel_loop3A_1302, %parallel_loop3A_1335 : i32
      %parallel_loop3A_1337 = arith.index_cast %parallel_loop3A_1336 : i32 to index
      %parallel_loop3A_1338 = tpu.vector_load %arg10[%parallel_loop3A_1337] {strides = array<i32>} : memref<7680xf32, #tpu.memory_space<vmem>>, vector<16xf32>,
      tpu.vector_store %arg10[%parallel_loop3A_1337], %parallel_loop3A_1322 {strides = array<i32>} : memref<7680xf32, #tpu.memory_space<vmem>>, vector<16xf32>,
    } {sc.loop_unroll_factor = 2 : i64, sc.parallel_access}
    %dma_start3A_105 = arith.constant 0 : i32
    %dma_start3A_106 = tpu.memref_slice %arg9[%dma_start3A_105] : memref<7680xi32, #tpu.memory_space<vmem>> -> memref<7680xi32, #tpu.memory_space<vmem>>
    %dma_start3A_107 = arith.constant 0 : i32
    %dma_start3A_108 = tpu.memref_slice %arg3[%dma_start3A_107] : memref<98304xi32, #tpu.memory_space<hbm>> -> memref<7680xi32, #tpu.memory_space<hbm>>
    %dma_start3A_109 = arith.constant 0 : i32
    %dma_start3A_110 = tpu.memref_slice %arg9[%dma_start3A_109] : memref<7680xi32, #tpu.memory_space<vmem>> -> memref<7680xi32, #tpu.memory_space<vmem>>
    %dma_start3A_111 = arith.constant 0 : i32
    %dma_start3A_112 = tpu.memref_slice %arg3[%dma_start3A_111] : memref<98304xi32, #tpu.memory_space<hbm>> -> memref<7680xi32, #tpu.memory_space<hbm>>
    tpu.enqueue_dma source(%dma_start3A_112 : memref<7680xi32, #tpu.memory_space<hbm>>) target(%dma_start3A_110 : memref<7680xi32, #tpu.memory_space<vmem>>) target_semaphore(%arg13 : memref<!tpu.dma_semaphore, #tpu.memory_space<semaphore_mem>>)
    %dma_start3A_113 = arith.constant 0 : i32
    %dma_start3A_114 = tpu.memref_slice %arg5[%add3A_4, %dma_start3A_113] : memref<64x100000xf32, #tpu.memory_space<hbm>> -> memref<1x100000xf32, #tpu.memory_space<hbm>>
    %dma_start3A_115 = tpu.memref_squeeze %dma_start3A_114 : memref<1x100000xf32, #tpu.memory_space<hbm>> -> memref<100000xf32, #tpu.memory_space<hbm>>
    %dma_start3A_116 = arith.constant 0 : i32
    %dma_start3A_117 = tpu.memref_slice %arg5[%add3A_4, %dma_start3A_116] : memref<64x100000xf32, #tpu.memory_space<hbm>> -> memref<1x100000xf32, #tpu.memory_space<hbm>>
    %dma_start3A_118 = tpu.memref_squeeze %dma_start3A_117 : memref<1x100000xf32, #tpu.memory_space<hbm>> -> memref<100000xf32, #tpu.memory_space<hbm>>
    tpu.enqueue_dma source(%dma_start3A_118 : memref<100000xf32, #tpu.memory_space<hbm>>) target(%arg7 : memref<100000xf32, #tpu.memory_space<vmem>>) target_semaphore(%arg16 : memref<!tpu.dma_semaphore, #tpu.memory_space<semaphore_mem>>)
    %dma_start3A_119 = arith.constant 0 : i32
    %dma_start3A_120 = tpu.memref_slice %arg10[%dma_start3A_119] : memref<7680xf32, #tpu.memory_space<vmem>> -> memref<1024xf32, #tpu.memory_space<vmem>>
    %dma_start3A_121 = arith.constant 15360 : i32
    %dma_start3A_122 = tpu.memref_slice %arg6[%add3A_4, %dma_start3A_121] : memref<64x114688xf32, #tpu.memory_space<hbm>> -> memref<1x1024xf32, #tpu.memory_space<hbm>>
    %dma_start3A_123 = tpu.memref_squeeze %dma_start3A_122 : memref<1x1024xf32, #tpu.memory_space<hbm>> -> memref<1024xf32, #tpu.memory_space<hbm>>
    %dma_start3A_124 = arith.constant 15360 : i32
    %dma_start3A_125 = tpu.memref_slice %arg6[%add3A_4, %dma_start3A_124] : memref<64x114688xf32, #tpu.memory_space<hbm>> -> memref<1x1024xf32, #tpu.memory_space<hbm>>
    %dma_start3A_126 = tpu.memref_squeeze %dma_start3A_125 : memref<1x1024xf32, #tpu.memory_space<hbm>> -> memref<1024xf32, #tpu.memory_space<hbm>>
    %dma_start3A_127 = arith.constant 0 : i32
    %dma_start3A_128 = tpu.memref_slice %arg10[%dma_start3A_127] : memref<7680xf32, #tpu.memory_space<vmem>> -> memref<1024xf32, #tpu.memory_space<vmem>>
    tpu.enqueue_dma source(%dma_start3A_128 : memref<1024xf32, #tpu.memory_space<vmem>>) target(%dma_start3A_126 : memref<1024xf32, #tpu.memory_space<hbm>>) target_semaphore(%arg14 : memref<!tpu.dma_semaphore, #tpu.memory_space<semaphore_mem>>)
    %dma_wait3A_129 = arith.constant 0 : i32
    %dma_wait3A_130 = tpu.memref_slice %arg5[%add3A_4, %dma_wait3A_129] : memref<64x100000xf32, #tpu.memory_space<hbm>> -> memref<1x100000xf32, #tpu.memory_space<hbm>>
    %dma_wait3A_131 = tpu.memref_squeeze %dma_wait3A_130 : memref<1x100000xf32, #tpu.memory_space<hbm>> -> memref<100000xf32, #tpu.memory_space<hbm>>
    %dma_wait3A_132 = arith.constant 0 : i32
    %dma_wait3A_133 = tpu.memref_slice %arg5[%add3A_4, %dma_wait3A_132] : memref<64x100000xf32, #tpu.memory_space<hbm>> -> memref<1x100000xf32, #tpu.memory_space<hbm>>
    %dma_wait3A_134 = tpu.memref_squeeze %dma_wait3A_133 : memref<1x100000xf32, #tpu.memory_space<hbm>> -> memref<100000xf32, #tpu.memory_space<hbm>>
    tpu.wait_dma2 semaphore(%arg16 : memref<!tpu.dma_semaphore, #tpu.memory_space<semaphore_mem>>) src(%dma_wait3A_134 : memref<100000xf32, #tpu.memory_space<hbm>>) dst(%arg7 : memref<100000xf32, #tpu.memory_space<vmem>>)
    %dma_start3A_135 = arith.constant 0 : i32
    %dma_start3A_136 = tpu.memref_slice %arg8[%dma_start3A_135] : memref<7680xi32, #tpu.memory_space<vmem>> -> memref<7680xi32, #tpu.memory_space<vmem>>
    %dma_start3A_137 = arith.constant 7680 : i32
    %dma_start3A_138 = tpu.memref_slice %arg3[%dma_start3A_137] : memref<98304xi32, #tpu.memory_space<hbm>> -> memref<7680xi32, #tpu.memory_space<hbm>>
    %dma_start3A_139 = arith.constant 0 : i32
    %dma_start3A_140 = tpu.memref_slice %arg8[%dma_start3A_139] : memref<7680xi32, #tpu.memory_space<vmem>> -> memref<7680xi32, #tpu.memory_space<vmem>>
    %dma_start3A_141 = arith.constant 7680 : i32
    %dma_start3A_142 = tpu.memref_slice %arg3[%dma_start3A_141] : memref<98304xi32, #tpu.memory_space<hbm>> -> memref<7680xi32, #tpu.memory_space<hbm>>
    tpu.enqueue_dma source(%dma_start3A_142 : memref<7680xi32, #tpu.memory_space<hbm>>) target(%dma_start3A_140 : memref<7680xi32, #tpu.memory_space<vmem>>) target_semaphore(%arg12 : memref<!tpu.dma_semaphore, #tpu.memory_space<semaphore_mem>>)
    %dma_wait3A_143 = arith.constant 0 : i32
    %dma_wait3A_144 = tpu.memref_slice %arg9[%dma_wait3A_143] : memref<7680xi32, #tpu.memory_space<vmem>> -> memref<7680xi32, #tpu.memory_space<vmem>>
    %dma_wait3A_145 = arith.constant 0 : i32
    %dma_wait3A_146 = tpu.memref_slice %arg3[%dma_wait3A_145] : memref<98304xi32, #tpu.memory_space<hbm>> -> memref<7680xi32, #tpu.memory_space<hbm>>
    %dma_wait3A_147 = arith.constant 0 : i32
    %dma_wait3A_148 = tpu.memref_slice %arg9[%dma_wait3A_147] : memref<7680xi32, #tpu.memory_space<vmem>> -> memref<7680xi32, #tpu.memory_space<vmem>>
    %dma_wait3A_149 = arith.constant 0 : i32
    %dma_wait3A_150 = tpu.memref_slice %arg3[%dma_wait3A_149] : memref<98304xi32, #tpu.memory_space<hbm>> -> memref<7680xi32, #tpu.memory_space<hbm>>
    tpu.wait_dma2 semaphore(%arg13 : memref<!tpu.dma_semaphore, #tpu.memory_space<semaphore_mem>>) src(%dma_wait3A_150 : memref<7680xi32, #tpu.memory_space<hbm>>) dst(%dma_wait3A_148 : memref<7680xi32, #tpu.memory_space<vmem>>)
    %dma_wait3A_151 = arith.constant 0 : i32
    %dma_wait3A_152 = tpu.memref_slice %arg11[%dma_wait3A_151] : memref<7680xf32, #tpu.memory_space<vmem>> -> memref<7680xf32, #tpu.memory_space<vmem>>
    %dma_wait3A_153 = arith.constant 7680 : i32
    %dma_wait3A_154 = tpu.memref_slice %arg6[%add3A_4, %dma_wait3A_153] : memref<64x114688xf32, #tpu.memory_space<hbm>> -> memref<1x7680xf32, #tpu.memory_space<hbm>>
    %dma_wait3A_155 = tpu.memref_squeeze %dma_wait3A_154 : memref<1x7680xf32, #tpu.memory_space<hbm>> -> memref<7680xf32, #tpu.memory_space<hbm>>
    %dma_wait3A_156 = arith.constant 7680 : i32
    %dma_wait3A_157 = tpu.memref_slice %arg6[%add3A_4, %dma_wait3A_156] : memref<64x114688xf32, #tpu.memory_space<hbm>> -> memref<1x7680xf32, #tpu.memory_space<hbm>>
    %dma_wait3A_158 = tpu.memref_squeeze %dma_wait3A_157 : memref<1x7680xf32, #tpu.memory_space<hbm>> -> memref<7680xf32, #tpu.memory_space<hbm>>
    %dma_wait3A_159 = arith.constant 0 : i32
    %dma_wait3A_160 = tpu.memref_slice %arg11[%dma_wait3A_159] : memref<7680xf32, #tpu.memory_space<vmem>> -> memref<7680xf32, #tpu.memory_space<vmem>>
    tpu.wait_dma2 semaphore(%arg15 : memref<!tpu.dma_semaphore, #tpu.memory_space<semaphore_mem>>) src(%dma_wait3A_160 : memref<7680xf32, #tpu.memory_space<vmem>>) dst(%dma_wait3A_158 : memref<7680xf32, #tpu.memory_space<hbm>>)
    %parallel_loop3A_161 = arith.constant 0 : i32
    %parallel_loop3A_162 = arith.constant 7680 : i32
    %parallel_loop3A_163 = arith.constant 64 : i32
    scf.for %parallel_loop3A_1302 = %parallel_loop3A_161 to %parallel_loop3A_162 step %parallel_loop3A_163  : i32 {
      %parallel_loop3A_1303 = arith.constant 0 : i32
      %parallel_loop3A_1304 = arith.addi %parallel_loop3A_1302, %parallel_loop3A_1303 : i32
      %parallel_loop3A_1305 = arith.index_cast %parallel_loop3A_1304 : i32 to index
      %parallel_loop3A_1306 = tpu.vector_load %arg9[%parallel_loop3A_1305] {strides = array<i32>} : memref<7680xi32, #tpu.memory_space<vmem>>, vector<16xi32>,
      %parallel_loop3A_1307 = arith.constant 16 : i32
      %parallel_loop3A_1308 = arith.addi %parallel_loop3A_1302, %parallel_loop3A_1307 : i32
      %parallel_loop3A_1309 = arith.index_cast %parallel_loop3A_1308 : i32 to index
      %parallel_loop3A_1310 = tpu.vector_load %arg9[%parallel_loop3A_1309] {strides = array<i32>} : memref<7680xi32, #tpu.memory_space<vmem>>, vector<16xi32>,
      %parallel_loop3A_1311 = arith.constant 32 : i32
      %parallel_loop3A_1312 = arith.addi %parallel_loop3A_1302, %parallel_loop3A_1311 : i32
      %parallel_loop3A_1313 = arith.index_cast %parallel_loop3A_1312 : i32 to index
      %parallel_loop3A_1314 = tpu.vector_load %arg9[%parallel_loop3A_1313] {strides = array<i32>} : memref<7680xi32, #tpu.memory_space<vmem>>, vector<16xi32>,
      %parallel_loop3A_1315 = arith.constant 48 : i32
      %parallel_loop3A_1316 = arith.addi %parallel_loop3A_1302, %parallel_loop3A_1315 : i32
      %parallel_loop3A_1317 = arith.index_cast %parallel_loop3A_1316 : i32 to index
      %parallel_loop3A_1318 = tpu.vector_load %arg9[%parallel_loop3A_1317] {strides = array<i32>} : memref<7680xi32, #tpu.memory_space<vmem>>, vector<16xi32>,
      %parallel_loop3A_1319 = tpu.vector_load_idx %arg7[%parallel_loop3A_1306] : memref<100000xf32, #tpu.memory_space<vmem>>[vector<16xi32>], vector<16xf32>,
      %parallel_loop3A_1320 = tpu.vector_load_idx %arg7[%parallel_loop3A_1310] : memref<100000xf32, #tpu.memory_space<vmem>>[vector<16xi32>], vector<16xf32>,
      %parallel_loop3A_1321 = tpu.vector_load_idx %arg7[%parallel_loop3A_1314] : memref<100000xf32, #tpu.memory_space<vmem>>[vector<16xi32>], vector<16xf32>,
      %parallel_loop3A_1322 = tpu.vector_load_idx %arg7[%parallel_loop3A_1318] : memref<100000xf32, #tpu.memory_space<vmem>>[vector<16xi32>], vector<16xf32>,
      %parallel_loop3A_1323 = arith.constant 0 : i32
      %parallel_loop3A_1324 = arith.addi %parallel_loop3A_1302, %parallel_loop3A_1323 : i32
      %parallel_loop3A_1325 = arith.index_cast %parallel_loop3A_1324 : i32 to index
      %parallel_loop3A_1326 = tpu.vector_load %arg11[%parallel_loop3A_1325] {strides = array<i32>} : memref<7680xf32, #tpu.memory_space<vmem>>, vector<16xf32>,
      tpu.vector_store %arg11[%parallel_loop3A_1325], %parallel_loop3A_1319 {strides = array<i32>} : memref<7680xf32, #tpu.memory_space<vmem>>, vector<16xf32>,
      %parallel_loop3A_1327 = arith.constant 16 : i32
      %parallel_loop3A_1328 = arith.addi %parallel_loop3A_1302, %parallel_loop3A_1327 : i32
      %parallel_loop3A_1329 = arith.index_cast %parallel_loop3A_1328 : i32 to index
      %parallel_loop3A_1330 = tpu.vector_load %arg11[%parallel_loop3A_1329] {strides = array<i32>} : memref<7680xf32, #tpu.memory_space<vmem>>, vector<16xf32>,
      tpu.vector_store %arg11[%parallel_loop3A_1329], %parallel_loop3A_1320 {strides = array<i32>} : memref<7680xf32, #tpu.memory_space<vmem>>, vector<16xf32>,
      %parallel_loop3A_1331 = arith.constant 32 : i32
      %parallel_loop3A_1332 = arith.addi %parallel_loop3A_1302, %parallel_loop3A_1331 : i32
      %parallel_loop3A_1333 = arith.index_cast %parallel_loop3A_1332 : i32 to index
      %parallel_loop3A_1334 = tpu.vector_load %arg11[%parallel_loop3A_1333] {strides = array<i32>} : memref<7680xf32, #tpu.memory_space<vmem>>, vector<16xf32>,
      tpu.vector_store %arg11[%parallel_loop3A_1333], %parallel_loop3A_1321 {strides = array<i32>} : memref<7680xf32, #tpu.memory_space<vmem>>, vector<16xf32>,
      %parallel_loop3A_1335 = arith.constant 48 : i32
      %parallel_loop3A_1336 = arith.addi %parallel_loop3A_1302, %parallel_loop3A_1335 : i32
      %parallel_loop3A_1337 = arith.index_cast %parallel_loop3A_1336 : i32 to index
      %parallel_loop3A_1338 = tpu.vector_load %arg11[%parallel_loop3A_1337] {strides = array<i32>} : memref<7680xf32, #tpu.memory_space<vmem>>, vector<16xf32>,
      tpu.vector_store %arg11[%parallel_loop3A_1337], %parallel_loop3A_1322 {strides = array<i32>} : memref<7680xf32, #tpu.memory_space<vmem>>, vector<16xf32>,
    } {sc.loop_unroll_factor = 2 : i64, sc.parallel_access}
    %dma_start3A_164 = arith.constant 0 : i32
    %dma_start3A_165 = tpu.memref_slice %arg11[%dma_start3A_164] : memref<7680xf32, #tpu.memory_space<vmem>> -> memref<7680xf32, #tpu.memory_space<vmem>>
    %dma_start3A_166 = arith.constant 16384 : i32
    %dma_start3A_167 = tpu.memref_slice %arg6[%add3A_4, %dma_start3A_166] : memref<64x114688xf32, #tpu.memory_space<hbm>> -> memref<1x7680xf32, #tpu.memory_space<hbm>>
    %dma_start3A_168 = tpu.memref_squeeze %dma_start3A_167 : memref<1x7680xf32, #tpu.memory_space<hbm>> -> memref<7680xf32, #tpu.memory_space<hbm>>
    %dma_start3A_169 = arith.constant 16384 : i32
    %dma_start3A_170 = tpu.memref_slice %arg6[%add3A_4, %dma_start3A_169] : memref<64x114688xf32, #tpu.memory_space<hbm>> -> memref<1x7680xf32, #tpu.memory_space<hbm>>
    %dma_start3A_171 = tpu.memref_squeeze %dma_start3A_170 : memref<1x7680xf32, #tpu.memory_space<hbm>> -> memref<7680xf32, #tpu.memory_space<hbm>>
    %dma_start3A_172 = arith.constant 0 : i32
    %dma_start3A_173 = tpu.memref_slice %arg11[%dma_start3A_172] : memref<7680xf32, #tpu.memory_space<vmem>> -> memref<7680xf32, #tpu.memory_space<vmem>>
    tpu.enqueue_dma source(%dma_start3A_173 : memref<7680xf32, #tpu.memory_space<vmem>>) target(%dma_start3A_171 : memref<7680xf32, #tpu.memory_space<hbm>>) target_semaphore(%arg15 : memref<!tpu.dma_semaphore, #tpu.memory_space<semaphore_mem>>)
    %dma_start3A_174 = arith.constant 0 : i32
    %dma_start3A_175 = tpu.memref_slice %arg9[%dma_start3A_174] : memref<7680xi32, #tpu.memory_space<vmem>> -> memref<7680xi32, #tpu.memory_space<vmem>>
    %dma_start3A_176 = arith.constant 15360 : i32
    %dma_start3A_177 = tpu.memref_slice %arg3[%dma_start3A_176] : memref<98304xi32, #tpu.memory_space<hbm>> -> memref<7680xi32, #tpu.memory_space<hbm>>
    %dma_start3A_178 = arith.constant 0 : i32
    %dma_start3A_179 = tpu.memref_slice %arg9[%dma_start3A_178] : memref<7680xi32, #tpu.memory_space<vmem>> -> memref<7680xi32, #tpu.memory_space<vmem>>
    %dma_start3A_180 = arith.constant 15360 : i32
    %dma_start3A_181 = tpu.memref_slice %arg3[%dma_start3A_180] : memref<98304xi32, #tpu.memory_space<hbm>> -> memref<7680xi32, #tpu.memory_space<hbm>>
    tpu.enqueue_dma source(%dma_start3A_181 : memref<7680xi32, #tpu.memory_space<hbm>>) target(%dma_start3A_179 : memref<7680xi32, #tpu.memory_space<vmem>>) target_semaphore(%arg13 : memref<!tpu.dma_semaphore, #tpu.memory_space<semaphore_mem>>)
    %dma_wait3A_182 = arith.constant 0 : i32
    %dma_wait3A_183 = tpu.memref_slice %arg8[%dma_wait3A_182] : memref<7680xi32, #tpu.memory_space<vmem>> -> memref<7680xi32, #tpu.memory_space<vmem>>
    %dma_wait3A_184 = arith.constant 7680 : i32
    %dma_wait3A_185 = tpu.memref_slice %arg3[%dma_wait3A_184] : memref<98304xi32, #tpu.memory_space<hbm>> -> memref<7680xi32, #tpu.memory_space<hbm>>
    %dma_wait3A_186 = arith.constant 0 : i32
    %dma_wait3A_187 = tpu.memref_slice %arg8[%dma_wait3A_186] : memref<7680xi32, #tpu.memory_space<vmem>> -> memref<7680xi32, #tpu.memory_space<vmem>>
    %dma_wait3A_188 = arith.constant 7680 : i32
    %dma_wait3A_189 = tpu.memref_slice %arg3[%dma_wait3A_188] : memref<98304xi32, #tpu.memory_space<hbm>> -> memref<7680xi32, #tpu.memory_space<hbm>>
    tpu.wait_dma2 semaphore(%arg12 : memref<!tpu.dma_semaphore, #tpu.memory_space<semaphore_mem>>) src(%dma_wait3A_189 : memref<7680xi32, #tpu.memory_space<hbm>>) dst(%dma_wait3A_187 : memref<7680xi32, #tpu.memory_space<vmem>>)
    %dma_wait3A_190 = arith.constant 0 : i32
    %dma_wait3A_191 = tpu.memref_slice %arg10[%dma_wait3A_190] : memref<7680xf32, #tpu.memory_space<vmem>> -> memref<1024xf32, #tpu.memory_space<vmem>>
    %dma_wait3A_192 = arith.constant 15360 : i32
    %dma_wait3A_193 = tpu.memref_slice %arg6[%add3A_4, %dma_wait3A_192] : memref<64x114688xf32, #tpu.memory_space<hbm>> -> memref<1x1024xf32, #tpu.memory_space<hbm>>
    %dma_wait3A_194 = tpu.memref_squeeze %dma_wait3A_193 : memref<1x1024xf32, #tpu.memory_space<hbm>> -> memref<1024xf32, #tpu.memory_space<hbm>>
    %dma_wait3A_195 = arith.constant 15360 : i32
    %dma_wait3A_196 = tpu.memref_slice %arg6[%add3A_4, %dma_wait3A_195] : memref<64x114688xf32, #tpu.memory_space<hbm>> -> memref<1x1024xf32, #tpu.memory_space<hbm>>
    %dma_wait3A_197 = tpu.memref_squeeze %dma_wait3A_196 : memref<1x1024xf32, #tpu.memory_space<hbm>> -> memref<1024xf32, #tpu.memory_space<hbm>>
    %dma_wait3A_198 = arith.constant 0 : i32
    %dma_wait3A_199 = tpu.memref_slice %arg10[%dma_wait3A_198] : memref<7680xf32, #tpu.memory_space<vmem>> -> memref<1024xf32, #tpu.memory_space<vmem>>
    tpu.wait_dma2 semaphore(%arg14 : memref<!tpu.dma_semaphore, #tpu.memory_space<semaphore_mem>>) src(%dma_wait3A_199 : memref<1024xf32, #tpu.memory_space<vmem>>) dst(%dma_wait3A_197 : memref<1024xf32, #tpu.memory_space<hbm>>)
    %parallel_loop3A_200 = arith.constant 0 : i32
    %parallel_loop3A_201 = arith.constant 7680 : i32
    %parallel_loop3A_202 = arith.constant 64 : i32
    scf.for %parallel_loop3A_1302 = %parallel_loop3A_200 to %parallel_loop3A_201 step %parallel_loop3A_202  : i32 {
      %parallel_loop3A_1303 = arith.constant 0 : i32
      %parallel_loop3A_1304 = arith.addi %parallel_loop3A_1302, %parallel_loop3A_1303 : i32
      %parallel_loop3A_1305 = arith.index_cast %parallel_loop3A_1304 : i32 to index
      %parallel_loop3A_1306 = tpu.vector_load %arg8[%parallel_loop3A_1305] {strides = array<i32>} : memref<7680xi32, #tpu.memory_space<vmem>>, vector<16xi32>,
      %parallel_loop3A_1307 = arith.constant 16 : i32
      %parallel_loop3A_1308 = arith.addi %parallel_loop3A_1302, %parallel_loop3A_1307 : i32
      %parallel_loop3A_1309 = arith.index_cast %parallel_loop3A_1308 : i32 to index
      %parallel_loop3A_1310 = tpu.vector_load %arg8[%parallel_loop3A_1309] {strides = array<i32>} : memref<7680xi32, #tpu.memory_space<vmem>>, vector<16xi32>,
      %parallel_loop3A_1311 = arith.constant 32 : i32
      %parallel_loop3A_1312 = arith.addi %parallel_loop3A_1302, %parallel_loop3A_1311 : i32
      %parallel_loop3A_1313 = arith.index_cast %parallel_loop3A_1312 : i32 to index
      %parallel_loop3A_1314 = tpu.vector_load %arg8[%parallel_loop3A_1313] {strides = array<i32>} : memref<7680xi32, #tpu.memory_space<vmem>>, vector<16xi32>,
      %parallel_loop3A_1315 = arith.constant 48 : i32
      %parallel_loop3A_1316 = arith.addi %parallel_loop3A_1302, %parallel_loop3A_1315 : i32
      %parallel_loop3A_1317 = arith.index_cast %parallel_loop3A_1316 : i32 to index
      %parallel_loop3A_1318 = tpu.vector_load %arg8[%parallel_loop3A_1317] {strides = array<i32>} : memref<7680xi32, #tpu.memory_space<vmem>>, vector<16xi32>,
      %parallel_loop3A_1319 = tpu.vector_load_idx %arg7[%parallel_loop3A_1306] : memref<100000xf32, #tpu.memory_space<vmem>>[vector<16xi32>], vector<16xf32>,
      %parallel_loop3A_1320 = tpu.vector_load_idx %arg7[%parallel_loop3A_1310] : memref<100000xf32, #tpu.memory_space<vmem>>[vector<16xi32>], vector<16xf32>,
      %parallel_loop3A_1321 = tpu.vector_load_idx %arg7[%parallel_loop3A_1314] : memref<100000xf32, #tpu.memory_space<vmem>>[vector<16xi32>], vector<16xf32>,
      %parallel_loop3A_1322 = tpu.vector_load_idx %arg7[%parallel_loop3A_1318] : memref<100000xf32, #tpu.memory_space<vmem>>[vector<16xi32>], vector<16xf32>,
      %parallel_loop3A_1323 = arith.constant 0 : i32
      %parallel_loop3A_1324 = arith.addi %parallel_loop3A_1302, %parallel_loop3A_1323 : i32
      %parallel_loop3A_1325 = arith.index_cast %parallel_loop3A_1324 : i32 to index
      %parallel_loop3A_1326 = tpu.vector_load %arg10[%parallel_loop3A_1325] {strides = array<i32>} : memref<7680xf32, #tpu.memory_space<vmem>>, vector<16xf32>,
      tpu.vector_store %arg10[%parallel_loop3A_1325], %parallel_loop3A_1319 {strides = array<i32>} : memref<7680xf32, #tpu.memory_space<vmem>>, vector<16xf32>,
      %parallel_loop3A_1327 = arith.constant 16 : i32
      %parallel_loop3A_1328 = arith.addi %parallel_loop3A_1302, %parallel_loop3A_1327 : i32
      %parallel_loop3A_1329 = arith.index_cast %parallel_loop3A_1328 : i32 to index
      %parallel_loop3A_1330 = tpu.vector_load %arg10[%parallel_loop3A_1329] {strides = array<i32>} : memref<7680xf32, #tpu.memory_space<vmem>>, vector<16xf32>,
      tpu.vector_store %arg10[%parallel_loop3A_1329], %parallel_loop3A_1320 {strides = array<i32>} : memref<7680xf32, #tpu.memory_space<vmem>>, vector<16xf32>,
      %parallel_loop3A_1331 = arith.constant 32 : i32
      %parallel_loop3A_1332 = arith.addi %parallel_loop3A_1302, %parallel_loop3A_1331 : i32
      %parallel_loop3A_1333 = arith.index_cast %parallel_loop3A_1332 : i32 to index
      %parallel_loop3A_1334 = tpu.vector_load %arg10[%parallel_loop3A_1333] {strides = array<i32>} : memref<7680xf32, #tpu.memory_space<vmem>>, vector<16xf32>,
      tpu.vector_store %arg10[%parallel_loop3A_1333], %parallel_loop3A_1321 {strides = array<i32>} : memref<7680xf32, #tpu.memory_space<vmem>>, vector<16xf32>,
      %parallel_loop3A_1335 = arith.constant 48 : i32
      %parallel_loop3A_1336 = arith.addi %parallel_loop3A_1302, %parallel_loop3A_1335 : i32
      %parallel_loop3A_1337 = arith.index_cast %parallel_loop3A_1336 : i32 to index
      %parallel_loop3A_1338 = tpu.vector_load %arg10[%parallel_loop3A_1337] {strides = array<i32>} : memref<7680xf32, #tpu.memory_space<vmem>>, vector<16xf32>,
      tpu.vector_store %arg10[%parallel_loop3A_1337], %parallel_loop3A_1322 {strides = array<i32>} : memref<7680xf32, #tpu.memory_space<vmem>>, vector<16xf32>,
    } {sc.loop_unroll_factor = 2 : i64, sc.parallel_access}
    %dma_start3A_203 = arith.constant 0 : i32
    %dma_start3A_204 = tpu.memref_slice %arg10[%dma_start3A_203] : memref<7680xf32, #tpu.memory_space<vmem>> -> memref<7680xf32, #tpu.memory_space<vmem>>
    %dma_start3A_205 = arith.constant 24064 : i32
    %dma_start3A_206 = tpu.memref_slice %arg6[%add3A_4, %dma_start3A_205] : memref<64x114688xf32, #tpu.memory_space<hbm>> -> memref<1x7680xf32, #tpu.memory_space<hbm>>
    %dma_start3A_207 = tpu.memref_squeeze %dma_start3A_206 : memref<1x7680xf32, #tpu.memory_space<hbm>> -> memref<7680xf32, #tpu.memory_space<hbm>>
    %dma_start3A_208 = arith.constant 24064 : i32
    %dma_start3A_209 = tpu.memref_slice %arg6[%add3A_4, %dma_start3A_208] : memref<64x114688xf32, #tpu.memory_space<hbm>> -> memref<1x7680xf32, #tpu.memory_space<hbm>>
    %dma_start3A_210 = tpu.memref_squeeze %dma_start3A_209 : memref<1x7680xf32, #tpu.memory_space<hbm>> -> memref<7680xf32, #tpu.memory_space<hbm>>
    %dma_start3A_211 = arith.constant 0 : i32
    %dma_start3A_212 = tpu.memref_slice %arg10[%dma_start3A_211] : memref<7680xf32, #tpu.memory_space<vmem>> -> memref<7680xf32, #tpu.memory_space<vmem>>
    tpu.enqueue_dma source(%dma_start3A_212 : memref<7680xf32, #tpu.memory_space<vmem>>) target(%dma_start3A_210 : memref<7680xf32, #tpu.memory_space<hbm>>) target_semaphore(%arg14 : memref<!tpu.dma_semaphore, #tpu.memory_space<semaphore_mem>>)
    %dma_start3A_213 = arith.constant 0 : i32
    %dma_start3A_214 = tpu.memref_slice %arg8[%dma_start3A_213] : memref<7680xi32, #tpu.memory_space<vmem>> -> memref<7680xi32, #tpu.memory_space<vmem>>
    %dma_start3A_215 = arith.constant 23040 : i32
    %dma_start3A_216 = tpu.memref_slice %arg3[%dma_start3A_215] : memref<98304xi32, #tpu.memory_space<hbm>> -> memref<7680xi32, #tpu.memory_space<hbm>>
    %dma_start3A_217 = arith.constant 0 : i32
    %dma_start3A_218 = tpu.memref_slice %arg8[%dma_start3A_217] : memref<7680xi32, #tpu.memory_space<vmem>> -> memref<7680xi32, #tpu.memory_space<vmem>>
    %dma_start3A_219 = arith.constant 23040 : i32
    %dma_start3A_220 = tpu.memref_slice %arg3[%dma_start3A_219] : memref<98304xi32, #tpu.memory_space<hbm>> -> memref<7680xi32, #tpu.memory_space<hbm>>
    tpu.enqueue_dma source(%dma_start3A_220 : memref<7680xi32, #tpu.memory_space<hbm>>) target(%dma_start3A_218 : memref<7680xi32, #tpu.memory_space<vmem>>) target_semaphore(%arg12 : memref<!tpu.dma_semaphore, #tpu.memory_space<semaphore_mem>>)
    %dma_wait3A_221 = arith.constant 0 : i32
    %dma_wait3A_222 = tpu.memref_slice %arg9[%dma_wait3A_221] : memref<7680xi32, #tpu.memory_space<vmem>> -> memref<7680xi32, #tpu.memory_space<vmem>>
    %dma_wait3A_223 = arith.constant 15360 : i32
    %dma_wait3A_224 = tpu.memref_slice %arg3[%dma_wait3A_223] : memref<98304xi32, #tpu.memory_space<hbm>> -> memref<7680xi32, #tpu.memory_space<hbm>>
    %dma_wait3A_225 = arith.constant 0 : i32
    %dma_wait3A_226 = tpu.memref_slice %arg9[%dma_wait3A_225] : memref<7680xi32, #tpu.memory_space<vmem>> -> memref<7680xi32, #tpu.memory_space<vmem>>
    %dma_wait3A_227 = arith.constant 15360 : i32
    %dma_wait3A_228 = tpu.memref_slice %arg3[%dma_wait3A_227] : memref<98304xi32, #tpu.memory_space<hbm>> -> memref<7680xi32, #tpu.memory_space<hbm>>
    tpu.wait_dma2 semaphore(%arg13 : memref<!tpu.dma_semaphore, #tpu.memory_space<semaphore_mem>>) src(%dma_wait3A_228 : memref<7680xi32, #tpu.memory_space<hbm>>) dst(%dma_wait3A_226 : memref<7680xi32, #tpu.memory_space<vmem>>)
    %dma_wait3A_229 = arith.constant 0 : i32
    %dma_wait3A_230 = tpu.memref_slice %arg11[%dma_wait3A_229] : memref<7680xf32, #tpu.memory_space<vmem>> -> memref<7680xf32, #tpu.memory_space<vmem>>
    %dma_wait3A_231 = arith.constant 16384 : i32
    %dma_wait3A_232 = tpu.memref_slice %arg6[%add3A_4, %dma_wait3A_231] : memref<64x114688xf32, #tpu.memory_space<hbm>> -> memref<1x7680xf32, #tpu.memory_space<hbm>>
    %dma_wait3A_233 = tpu.memref_squeeze %dma_wait3A_232 : memref<1x7680xf32, #tpu.memory_space<hbm>> -> memref<7680xf32, #tpu.memory_space<hbm>>
    %dma_wait3A_234 = arith.constant 16384 : i32
    %dma_wait3A_235 = tpu.memref_slice %arg6[%add3A_4, %dma_wait3A_234] : memref<64x114688xf32, #tpu.memory_space<hbm>> -> memref<1x7680xf32, #tpu.memory_space<hbm>>
    %dma_wait3A_236 = tpu.memref_squeeze %dma_wait3A_235 : memref<1x7680xf32, #tpu.memory_space<hbm>> -> memref<7680xf32, #tpu.memory_space<hbm>>
    %dma_wait3A_237 = arith.constant 0 : i32
    %dma_wait3A_238 = tpu.memref_slice %arg11[%dma_wait3A_237] : memref<7680xf32, #tpu.memory_space<vmem>> -> memref<7680xf32, #tpu.memory_space<vmem>>
    tpu.wait_dma2 semaphore(%arg15 : memref<!tpu.dma_semaphore, #tpu.memory_space<semaphore_mem>>) src(%dma_wait3A_238 : memref<7680xf32, #tpu.memory_space<vmem>>) dst(%dma_wait3A_236 : memref<7680xf32, #tpu.memory_space<hbm>>)
    %parallel_loop3A_239 = arith.constant 0 : i32
    %parallel_loop3A_240 = arith.constant 7680 : i32
    %parallel_loop3A_241 = arith.constant 64 : i32
    scf.for %parallel_loop3A_1302 = %parallel_loop3A_239 to %parallel_loop3A_240 step %parallel_loop3A_241  : i32 {
      %parallel_loop3A_1303 = arith.constant 0 : i32
      %parallel_loop3A_1304 = arith.addi %parallel_loop3A_1302, %parallel_loop3A_1303 : i32
      %parallel_loop3A_1305 = arith.index_cast %parallel_loop3A_1304 : i32 to index
      %parallel_loop3A_1306 = tpu.vector_load %arg9[%parallel_loop3A_1305] {strides = array<i32>} : memref<7680xi32, #tpu.memory_space<vmem>>, vector<16xi32>,
      %parallel_loop3A_1307 = arith.constant 16 : i32
      %parallel_loop3A_1308 = arith.addi %parallel_loop3A_1302, %parallel_loop3A_1307 : i32
      %parallel_loop3A_1309 = arith.index_cast %parallel_loop3A_1308 : i32 to index
      %parallel_loop3A_1310 = tpu.vector_load %arg9[%parallel_loop3A_1309] {strides = array<i32>} : memref<7680xi32, #tpu.memory_space<vmem>>, vector<16xi32>,
      %parallel_loop3A_1311 = arith.constant 32 : i32
      %parallel_loop3A_1312 = arith.addi %parallel_loop3A_1302, %parallel_loop3A_1311 : i32
      %parallel_loop3A_1313 = arith.index_cast %parallel_loop3A_1312 : i32 to index
      %parallel_loop3A_1314 = tpu.vector_load %arg9[%parallel_loop3A_1313] {strides = array<i32>} : memref<7680xi32, #tpu.memory_space<vmem>>, vector<16xi32>,
      %parallel_loop3A_1315 = arith.constant 48 : i32
      %parallel_loop3A_1316 = arith.addi %parallel_loop3A_1302, %parallel_loop3A_1315 : i32
      %parallel_loop3A_1317 = arith.index_cast %parallel_loop3A_1316 : i32 to index
      %parallel_loop3A_1318 = tpu.vector_load %arg9[%parallel_loop3A_1317] {strides = array<i32>} : memref<7680xi32, #tpu.memory_space<vmem>>, vector<16xi32>,
      %parallel_loop3A_1319 = tpu.vector_load_idx %arg7[%parallel_loop3A_1306] : memref<100000xf32, #tpu.memory_space<vmem>>[vector<16xi32>], vector<16xf32>,
      %parallel_loop3A_1320 = tpu.vector_load_idx %arg7[%parallel_loop3A_1310] : memref<100000xf32, #tpu.memory_space<vmem>>[vector<16xi32>], vector<16xf32>,
      %parallel_loop3A_1321 = tpu.vector_load_idx %arg7[%parallel_loop3A_1314] : memref<100000xf32, #tpu.memory_space<vmem>>[vector<16xi32>], vector<16xf32>,
      %parallel_loop3A_1322 = tpu.vector_load_idx %arg7[%parallel_loop3A_1318] : memref<100000xf32, #tpu.memory_space<vmem>>[vector<16xi32>], vector<16xf32>,
      %parallel_loop3A_1323 = arith.constant 0 : i32
      %parallel_loop3A_1324 = arith.addi %parallel_loop3A_1302, %parallel_loop3A_1323 : i32
      %parallel_loop3A_1325 = arith.index_cast %parallel_loop3A_1324 : i32 to index
      %parallel_loop3A_1326 = tpu.vector_load %arg11[%parallel_loop3A_1325] {strides = array<i32>} : memref<7680xf32, #tpu.memory_space<vmem>>, vector<16xf32>,
      tpu.vector_store %arg11[%parallel_loop3A_1325], %parallel_loop3A_1319 {strides = array<i32>} : memref<7680xf32, #tpu.memory_space<vmem>>, vector<16xf32>,
      %parallel_loop3A_1327 = arith.constant 16 : i32
      %parallel_loop3A_1328 = arith.addi %parallel_loop3A_1302, %parallel_loop3A_1327 : i32
      %parallel_loop3A_1329 = arith.index_cast %parallel_loop3A_1328 : i32 to index
      %parallel_loop3A_1330 = tpu.vector_load %arg11[%parallel_loop3A_1329] {strides = array<i32>} : memref<7680xf32, #tpu.memory_space<vmem>>, vector<16xf32>,
      tpu.vector_store %arg11[%parallel_loop3A_1329], %parallel_loop3A_1320 {strides = array<i32>} : memref<7680xf32, #tpu.memory_space<vmem>>, vector<16xf32>,
      %parallel_loop3A_1331 = arith.constant 32 : i32
      %parallel_loop3A_1332 = arith.addi %parallel_loop3A_1302, %parallel_loop3A_1331 : i32
      %parallel_loop3A_1333 = arith.index_cast %parallel_loop3A_1332 : i32 to index
      %parallel_loop3A_1334 = tpu.vector_load %arg11[%parallel_loop3A_1333] {strides = array<i32>} : memref<7680xf32, #tpu.memory_space<vmem>>, vector<16xf32>,
      tpu.vector_store %arg11[%parallel_loop3A_1333], %parallel_loop3A_1321 {strides = array<i32>} : memref<7680xf32, #tpu.memory_space<vmem>>, vector<16xf32>,
      %parallel_loop3A_1335 = arith.constant 48 : i32
      %parallel_loop3A_1336 = arith.addi %parallel_loop3A_1302, %parallel_loop3A_1335 : i32
      %parallel_loop3A_1337 = arith.index_cast %parallel_loop3A_1336 : i32 to index
      %parallel_loop3A_1338 = tpu.vector_load %arg11[%parallel_loop3A_1337] {strides = array<i32>} : memref<7680xf32, #tpu.memory_space<vmem>>, vector<16xf32>,
      tpu.vector_store %arg11[%parallel_loop3A_1337], %parallel_loop3A_1322 {strides = array<i32>} : memref<7680xf32, #tpu.memory_space<vmem>>, vector<16xf32>,
    } {sc.loop_unroll_factor = 2 : i64, sc.parallel_access}
    %dma_start3A_242 = arith.constant 0 : i32
    %dma_start3A_243 = tpu.memref_slice %arg11[%dma_start3A_242] : memref<7680xf32, #tpu.memory_space<vmem>> -> memref<7680xf32, #tpu.memory_space<vmem>>
    %dma_start3A_244 = arith.constant 31744 : i32
    %dma_start3A_245 = tpu.memref_slice %arg6[%add3A_4, %dma_start3A_244] : memref<64x114688xf32, #tpu.memory_space<hbm>> -> memref<1x7680xf32, #tpu.memory_space<hbm>>
    %dma_start3A_246 = tpu.memref_squeeze %dma_start3A_245 : memref<1x7680xf32, #tpu.memory_space<hbm>> -> memref<7680xf32, #tpu.memory_space<hbm>>
    %dma_start3A_247 = arith.constant 31744 : i32
    %dma_start3A_248 = tpu.memref_slice %arg6[%add3A_4, %dma_start3A_247] : memref<64x114688xf32, #tpu.memory_space<hbm>> -> memref<1x7680xf32, #tpu.memory_space<hbm>>
    %dma_start3A_249 = tpu.memref_squeeze %dma_start3A_248 : memref<1x7680xf32, #tpu.memory_space<hbm>> -> memref<7680xf32, #tpu.memory_space<hbm>>
    %dma_start3A_250 = arith.constant 0 : i32
    %dma_start3A_251 = tpu.memref_slice %arg11[%dma_start3A_250] : memref<7680xf32, #tpu.memory_space<vmem>> -> memref<7680xf32, #tpu.memory_space<vmem>>
    tpu.enqueue_dma source(%dma_start3A_251 : memref<7680xf32, #tpu.memory_space<vmem>>) target(%dma_start3A_249 : memref<7680xf32, #tpu.memory_space<hbm>>) target_semaphore(%arg15 : memref<!tpu.dma_semaphore, #tpu.memory_space<semaphore_mem>>)
    %dma_start3A_252 = arith.constant 0 : i32
    %dma_start3A_253 = tpu.memref_slice %arg9[%dma_start3A_252] : memref<7680xi32, #tpu.memory_space<vmem>> -> memref<7680xi32, #tpu.memory_space<vmem>>
    %dma_start3A_254 = arith.constant 30720 : i32
    %dma_start3A_255 = tpu.memref_slice %arg3[%dma_start3A_254] : memref<98304xi32, #tpu.memory_space<hbm>> -> memref<7680xi32, #tpu.memory_space<hbm>>
    %dma_start3A_256 = arith.constant 0 : i32
    %dma_start3A_257 = tpu.memref_slice %arg9[%dma_start3A_256] : memref<7680xi32, #tpu.memory_space<vmem>> -> memref<7680xi32, #tpu.memory_space<vmem>>
    %dma_start3A_258 = arith.constant 30720 : i32
    %dma_start3A_259 = tpu.memref_slice %arg3[%dma_start3A_258] : memref<98304xi32, #tpu.memory_space<hbm>> -> memref<7680xi32, #tpu.memory_space<hbm>>
    tpu.enqueue_dma source(%dma_start3A_259 : memref<7680xi32, #tpu.memory_space<hbm>>) target(%dma_start3A_257 : memref<7680xi32, #tpu.memory_space<vmem>>) target_semaphore(%arg13 : memref<!tpu.dma_semaphore, #tpu.memory_space<semaphore_mem>>)
    %dma_wait3A_260 = arith.constant 0 : i32
    %dma_wait3A_261 = tpu.memref_slice %arg8[%dma_wait3A_260] : memref<7680xi32, #tpu.memory_space<vmem>> -> memref<7680xi32, #tpu.memory_space<vmem>>
    %dma_wait3A_262 = arith.constant 23040 : i32
    %dma_wait3A_263 = tpu.memref_slice %arg3[%dma_wait3A_262] : memref<98304xi32, #tpu.memory_space<hbm>> -> memref<7680xi32, #tpu.memory_space<hbm>>
    %dma_wait3A_264 = arith.constant 0 : i32
    %dma_wait3A_265 = tpu.memref_slice %arg8[%dma_wait3A_264] : memref<7680xi32, #tpu.memory_space<vmem>> -> memref<7680xi32, #tpu.memory_space<vmem>>
    %dma_wait3A_266 = arith.constant 23040 : i32
    %dma_wait3A_267 = tpu.memref_slice %arg3[%dma_wait3A_266] : memref<98304xi32, #tpu.memory_space<hbm>> -> memref<7680xi32, #tpu.memory_space<hbm>>
    tpu.wait_dma2 semaphore(%arg12 : memref<!tpu.dma_semaphore, #tpu.memory_space<semaphore_mem>>) src(%dma_wait3A_267 : memref<7680xi32, #tpu.memory_space<hbm>>) dst(%dma_wait3A_265 : memref<7680xi32, #tpu.memory_space<vmem>>)
    %dma_wait3A_268 = arith.constant 0 : i32
    %dma_wait3A_269 = tpu.memref_slice %arg10[%dma_wait3A_268] : memref<7680xf32, #tpu.memory_space<vmem>> -> memref<7680xf32, #tpu.memory_space<vmem>>
    %dma_wait3A_270 = arith.constant 24064 : i32
    %dma_wait3A_271 = tpu.memref_slice %arg6[%add3A_4, %dma_wait3A_270] : memref<64x114688xf32, #tpu.memory_space<hbm>> -> memref<1x7680xf32, #tpu.memory_space<hbm>>
    %dma_wait3A_272 = tpu.memref_squeeze %dma_wait3A_271 : memref<1x7680xf32, #tpu.memory_space<hbm>> -> memref<7680xf32, #tpu.memory_space<hbm>>
    %dma_wait3A_273 = arith.constant 24064 : i32
    %dma_wait3A_274 = tpu.memref_slice %arg6[%add3A_4, %dma_wait3A_273] : memref<64x114688xf32, #tpu.memory_space<hbm>> -> memref<1x7680xf32, #tpu.memory_space<hbm>>
    %dma_wait3A_275 = tpu.memref_squeeze %dma_wait3A_274 : memref<1x7680xf32, #tpu.memory_space<hbm>> -> memref<7680xf32, #tpu.memory_space<hbm>>
    %dma_wait3A_276 = arith.constant 0 : i32
    %dma_wait3A_277 = tpu.memref_slice %arg10[%dma_wait3A_276] : memref<7680xf32, #tpu.memory_space<vmem>> -> memref<7680xf32, #tpu.memory_space<vmem>>
    tpu.wait_dma2 semaphore(%arg14 : memref<!tpu.dma_semaphore, #tpu.memory_space<semaphore_mem>>) src(%dma_wait3A_277 : memref<7680xf32, #tpu.memory_space<vmem>>) dst(%dma_wait3A_275 : memref<7680xf32, #tpu.memory_space<hbm>>)
    %parallel_loop3A_278 = arith.constant 0 : i32
    %parallel_loop3A_279 = arith.constant 7680 : i32
    %parallel_loop3A_280 = arith.constant 64 : i32
    scf.for %parallel_loop3A_1302 = %parallel_loop3A_278 to %parallel_loop3A_279 step %parallel_loop3A_280  : i32 {
      %parallel_loop3A_1303 = arith.constant 0 : i32
      %parallel_loop3A_1304 = arith.addi %parallel_loop3A_1302, %parallel_loop3A_1303 : i32
      %parallel_loop3A_1305 = arith.index_cast %parallel_loop3A_1304 : i32 to index
      %parallel_loop3A_1306 = tpu.vector_load %arg8[%parallel_loop3A_1305] {strides = array<i32>} : memref<7680xi32, #tpu.memory_space<vmem>>, vector<16xi32>,
      %parallel_loop3A_1307 = arith.constant 16 : i32
      %parallel_loop3A_1308 = arith.addi %parallel_loop3A_1302, %parallel_loop3A_1307 : i32
      %parallel_loop3A_1309 = arith.index_cast %parallel_loop3A_1308 : i32 to index
      %parallel_loop3A_1310 = tpu.vector_load %arg8[%parallel_loop3A_1309] {strides = array<i32>} : memref<7680xi32, #tpu.memory_space<vmem>>, vector<16xi32>,
      %parallel_loop3A_1311 = arith.constant 32 : i32
      %parallel_loop3A_1312 = arith.addi %parallel_loop3A_1302, %parallel_loop3A_1311 : i32
      %parallel_loop3A_1313 = arith.index_cast %parallel_loop3A_1312 : i32 to index
      %parallel_loop3A_1314 = tpu.vector_load %arg8[%parallel_loop3A_1313] {strides = array<i32>} : memref<7680xi32, #tpu.memory_space<vmem>>, vector<16xi32>,
      %parallel_loop3A_1315 = arith.constant 48 : i32
      %parallel_loop3A_1316 = arith.addi %parallel_loop3A_1302, %parallel_loop3A_1315 : i32
      %parallel_loop3A_1317 = arith.index_cast %parallel_loop3A_1316 : i32 to index
      %parallel_loop3A_1318 = tpu.vector_load %arg8[%parallel_loop3A_1317] {strides = array<i32>} : memref<7680xi32, #tpu.memory_space<vmem>>, vector<16xi32>,
      %parallel_loop3A_1319 = tpu.vector_load_idx %arg7[%parallel_loop3A_1306] : memref<100000xf32, #tpu.memory_space<vmem>>[vector<16xi32>], vector<16xf32>,
      %parallel_loop3A_1320 = tpu.vector_load_idx %arg7[%parallel_loop3A_1310] : memref<100000xf32, #tpu.memory_space<vmem>>[vector<16xi32>], vector<16xf32>,
      %parallel_loop3A_1321 = tpu.vector_load_idx %arg7[%parallel_loop3A_1314] : memref<100000xf32, #tpu.memory_space<vmem>>[vector<16xi32>], vector<16xf32>,
      %parallel_loop3A_1322 = tpu.vector_load_idx %arg7[%parallel_loop3A_1318] : memref<100000xf32, #tpu.memory_space<vmem>>[vector<16xi32>], vector<16xf32>,
      %parallel_loop3A_1323 = arith.constant 0 : i32
      %parallel_loop3A_1324 = arith.addi %parallel_loop3A_1302, %parallel_loop3A_1323 : i32
      %parallel_loop3A_1325 = arith.index_cast %parallel_loop3A_1324 : i32 to index
      %parallel_loop3A_1326 = tpu.vector_load %arg10[%parallel_loop3A_1325] {strides = array<i32>} : memref<7680xf32, #tpu.memory_space<vmem>>, vector<16xf32>,
      tpu.vector_store %arg10[%parallel_loop3A_1325], %parallel_loop3A_1319 {strides = array<i32>} : memref<7680xf32, #tpu.memory_space<vmem>>, vector<16xf32>,
      %parallel_loop3A_1327 = arith.constant 16 : i32
      %parallel_loop3A_1328 = arith.addi %parallel_loop3A_1302, %parallel_loop3A_1327 : i32
      %parallel_loop3A_1329 = arith.index_cast %parallel_loop3A_1328 : i32 to index
      %parallel_loop3A_1330 = tpu.vector_load %arg10[%parallel_loop3A_1329] {strides = array<i32>} : memref<7680xf32, #tpu.memory_space<vmem>>, vector<16xf32>,
      tpu.vector_store %arg10[%parallel_loop3A_1329], %parallel_loop3A_1320 {strides = array<i32>} : memref<7680xf32, #tpu.memory_space<vmem>>, vector<16xf32>,
      %parallel_loop3A_1331 = arith.constant 32 : i32
      %parallel_loop3A_1332 = arith.addi %parallel_loop3A_1302, %parallel_loop3A_1331 : i32
      %parallel_loop3A_1333 = arith.index_cast %parallel_loop3A_1332 : i32 to index
      %parallel_loop3A_1334 = tpu.vector_load %arg10[%parallel_loop3A_1333] {strides = array<i32>} : memref<7680xf32, #tpu.memory_space<vmem>>, vector<16xf32>,
      tpu.vector_store %arg10[%parallel_loop3A_1333], %parallel_loop3A_1321 {strides = array<i32>} : memref<7680xf32, #tpu.memory_space<vmem>>, vector<16xf32>,
      %parallel_loop3A_1335 = arith.constant 48 : i32
      %parallel_loop3A_1336 = arith.addi %parallel_loop3A_1302, %parallel_loop3A_1335 : i32
      %parallel_loop3A_1337 = arith.index_cast %parallel_loop3A_1336 : i32 to index
      %parallel_loop3A_1338 = tpu.vector_load %arg10[%parallel_loop3A_1337] {strides = array<i32>} : memref<7680xf32, #tpu.memory_space<vmem>>, vector<16xf32>,
      tpu.vector_store %arg10[%parallel_loop3A_1337], %parallel_loop3A_1322 {strides = array<i32>} : memref<7680xf32, #tpu.memory_space<vmem>>, vector<16xf32>,
    } {sc.loop_unroll_factor = 2 : i64, sc.parallel_access}
    %dma_start3A_281 = arith.constant 0 : i32
    %dma_start3A_282 = tpu.memref_slice %arg10[%dma_start3A_281] : memref<7680xf32, #tpu.memory_space<vmem>> -> memref<7680xf32, #tpu.memory_space<vmem>>
    %dma_start3A_283 = arith.constant 39424 : i32
    %dma_start3A_284 = tpu.memref_slice %arg6[%add3A_4, %dma_start3A_283] : memref<64x114688xf32, #tpu.memory_space<hbm>> -> memref<1x7680xf32, #tpu.memory_space<hbm>>
    %dma_start3A_285 = tpu.memref_squeeze %dma_start3A_284 : memref<1x7680xf32, #tpu.memory_space<hbm>> -> memref<7680xf32, #tpu.memory_space<hbm>>
    %dma_start3A_286 = arith.constant 39424 : i32
    %dma_start3A_287 = tpu.memref_slice %arg6[%add3A_4, %dma_start3A_286] : memref<64x114688xf32, #tpu.memory_space<hbm>> -> memref<1x7680xf32, #tpu.memory_space<hbm>>
    %dma_start3A_288 = tpu.memref_squeeze %dma_start3A_287 : memref<1x7680xf32, #tpu.memory_space<hbm>> -> memref<7680xf32, #tpu.memory_space<hbm>>
    %dma_start3A_289 = arith.constant 0 : i32
    %dma_start3A_290 = tpu.memref_slice %arg10[%dma_start3A_289] : memref<7680xf32, #tpu.memory_space<vmem>> -> memref<7680xf32, #tpu.memory_space<vmem>>
    tpu.enqueue_dma source(%dma_start3A_290 : memref<7680xf32, #tpu.memory_space<vmem>>) target(%dma_start3A_288 : memref<7680xf32, #tpu.memory_space<hbm>>) target_semaphore(%arg14 : memref<!tpu.dma_semaphore, #tpu.memory_space<semaphore_mem>>)
    %dma_start3A_291 = arith.constant 0 : i32
    %dma_start3A_292 = tpu.memref_slice %arg8[%dma_start3A_291] : memref<7680xi32, #tpu.memory_space<vmem>> -> memref<7680xi32, #tpu.memory_space<vmem>>
    %dma_start3A_293 = arith.constant 38400 : i32
    %dma_start3A_294 = tpu.memref_slice %arg3[%dma_start3A_293] : memref<98304xi32, #tpu.memory_space<hbm>> -> memref<7680xi32, #tpu.memory_space<hbm>>
    %dma_start3A_295 = arith.constant 0 : i32
    %dma_start3A_296 = tpu.memref_slice %arg8[%dma_start3A_295] : memref<7680xi32, #tpu.memory_space<vmem>> -> memref<7680xi32, #tpu.memory_space<vmem>>
    %dma_start3A_297 = arith.constant 38400 : i32
    %dma_start3A_298 = tpu.memref_slice %arg3[%dma_start3A_297] : memref<98304xi32, #tpu.memory_space<hbm>> -> memref<7680xi32, #tpu.memory_space<hbm>>
    tpu.enqueue_dma source(%dma_start3A_298 : memref<7680xi32, #tpu.memory_space<hbm>>) target(%dma_start3A_296 : memref<7680xi32, #tpu.memory_space<vmem>>) target_semaphore(%arg12 : memref<!tpu.dma_semaphore, #tpu.memory_space<semaphore_mem>>)
    %dma_wait3A_299 = arith.constant 0 : i32
    %dma_wait3A_300 = tpu.memref_slice %arg9[%dma_wait3A_299] : memref<7680xi32, #tpu.memory_space<vmem>> -> memref<7680xi32, #tpu.memory_space<vmem>>
    %dma_wait3A_301 = arith.constant 30720 : i32
    %dma_wait3A_302 = tpu.memref_slice %arg3[%dma_wait3A_301] : memref<98304xi32, #tpu.memory_space<hbm>> -> memref<7680xi32, #tpu.memory_space<hbm>>
    %dma_wait3A_303 = arith.constant 0 : i32
    %dma_wait3A_304 = tpu.memref_slice %arg9[%dma_wait3A_303] : memref<7680xi32, #tpu.memory_space<vmem>> -> memref<7680xi32, #tpu.memory_space<vmem>>
    %dma_wait3A_305 = arith.constant 30720 : i32
    %dma_wait3A_306 = tpu.memref_slice %arg3[%dma_wait3A_305] : memref<98304xi32, #tpu.memory_space<hbm>> -> memref<7680xi32, #tpu.memory_space<hbm>>
    tpu.wait_dma2 semaphore(%arg13 : memref<!tpu.dma_semaphore, #tpu.memory_space<semaphore_mem>>) src(%dma_wait3A_306 : memref<7680xi32, #tpu.memory_space<hbm>>) dst(%dma_wait3A_304 : memref<7680xi32, #tpu.memory_space<vmem>>)
    %dma_wait3A_307 = arith.constant 0 : i32
    %dma_wait3A_308 = tpu.memref_slice %arg11[%dma_wait3A_307] : memref<7680xf32, #tpu.memory_space<vmem>> -> memref<7680xf32, #tpu.memory_space<vmem>>
    %dma_wait3A_309 = arith.constant 31744 : i32
    %dma_wait3A_310 = tpu.memref_slice %arg6[%add3A_4, %dma_wait3A_309] : memref<64x114688xf32, #tpu.memory_space<hbm>> -> memref<1x7680xf32, #tpu.memory_space<hbm>>
    %dma_wait3A_311 = tpu.memref_squeeze %dma_wait3A_310 : memref<1x7680xf32, #tpu.memory_space<hbm>> -> memref<7680xf32, #tpu.memory_space<hbm>>
    %dma_wait3A_312 = arith.constant 31744 : i32
    %dma_wait3A_313 = tpu.memref_slice %arg6[%add3A_4, %dma_wait3A_312] : memref<64x114688xf32, #tpu.memory_space<hbm>> -> memref<1x7680xf32, #tpu.memory_space<hbm>>
    %dma_wait3A_314 = tpu.memref_squeeze %dma_wait3A_313 : memref<1x7680xf32, #tpu.memory_space<hbm>> -> memref<7680xf32, #tpu.memory_space<hbm>>
    %dma_wait3A_315 = arith.constant 0 : i32
    %dma_wait3A_316 = tpu.memref_slice %arg11[%dma_wait3A_315] : memref<7680xf32, #tpu.memory_space<vmem>> -> memref<7680xf32, #tpu.memory_space<vmem>>
    tpu.wait_dma2 semaphore(%arg15 : memref<!tpu.dma_semaphore, #tpu.memory_space<semaphore_mem>>) src(%dma_wait3A_316 : memref<7680xf32, #tpu.memory_space<vmem>>) dst(%dma_wait3A_314 : memref<7680xf32, #tpu.memory_space<hbm>>)
    %parallel_loop3A_317 = arith.constant 0 : i32
    %parallel_loop3A_318 = arith.constant 7680 : i32
    %parallel_loop3A_319 = arith.constant 64 : i32
    scf.for %parallel_loop3A_1302 = %parallel_loop3A_317 to %parallel_loop3A_318 step %parallel_loop3A_319  : i32 {
      %parallel_loop3A_1303 = arith.constant 0 : i32
      %parallel_loop3A_1304 = arith.addi %parallel_loop3A_1302, %parallel_loop3A_1303 : i32
      %parallel_loop3A_1305 = arith.index_cast %parallel_loop3A_1304 : i32 to index
      %parallel_loop3A_1306 = tpu.vector_load %arg9[%parallel_loop3A_1305] {strides = array<i32>} : memref<7680xi32, #tpu.memory_space<vmem>>, vector<16xi32>,
      %parallel_loop3A_1307 = arith.constant 16 : i32
      %parallel_loop3A_1308 = arith.addi %parallel_loop3A_1302, %parallel_loop3A_1307 : i32
      %parallel_loop3A_1309 = arith.index_cast %parallel_loop3A_1308 : i32 to index
      %parallel_loop3A_1310 = tpu.vector_load %arg9[%parallel_loop3A_1309] {strides = array<i32>} : memref<7680xi32, #tpu.memory_space<vmem>>, vector<16xi32>,
      %parallel_loop3A_1311 = arith.constant 32 : i32
      %parallel_loop3A_1312 = arith.addi %parallel_loop3A_1302, %parallel_loop3A_1311 : i32
      %parallel_loop3A_1313 = arith.index_cast %parallel_loop3A_1312 : i32 to index
      %parallel_loop3A_1314 = tpu.vector_load %arg9[%parallel_loop3A_1313] {strides = array<i32>} : memref<7680xi32, #tpu.memory_space<vmem>>, vector<16xi32>,
      %parallel_loop3A_1315 = arith.constant 48 : i32
      %parallel_loop3A_1316 = arith.addi %parallel_loop3A_1302, %parallel_loop3A_1315 : i32
      %parallel_loop3A_1317 = arith.index_cast %parallel_loop3A_1316 : i32 to index
      %parallel_loop3A_1318 = tpu.vector_load %arg9[%parallel_loop3A_1317] {strides = array<i32>} : memref<7680xi32, #tpu.memory_space<vmem>>, vector<16xi32>,
      %parallel_loop3A_1319 = tpu.vector_load_idx %arg7[%parallel_loop3A_1306] : memref<100000xf32, #tpu.memory_space<vmem>>[vector<16xi32>], vector<16xf32>,
      %parallel_loop3A_1320 = tpu.vector_load_idx %arg7[%parallel_loop3A_1310] : memref<100000xf32, #tpu.memory_space<vmem>>[vector<16xi32>], vector<16xf32>,
      %parallel_loop3A_1321 = tpu.vector_load_idx %arg7[%parallel_loop3A_1314] : memref<100000xf32, #tpu.memory_space<vmem>>[vector<16xi32>], vector<16xf32>,
      %parallel_loop3A_1322 = tpu.vector_load_idx %arg7[%parallel_loop3A_1318] : memref<100000xf32, #tpu.memory_space<vmem>>[vector<16xi32>], vector<16xf32>,
      %parallel_loop3A_1323 = arith.constant 0 : i32
      %parallel_loop3A_1324 = arith.addi %parallel_loop3A_1302, %parallel_loop3A_1323 : i32
      %parallel_loop3A_1325 = arith.index_cast %parallel_loop3A_1324 : i32 to index
      %parallel_loop3A_1326 = tpu.vector_load %arg11[%parallel_loop3A_1325] {strides = array<i32>} : memref<7680xf32, #tpu.memory_space<vmem>>, vector<16xf32>,
      tpu.vector_store %arg11[%parallel_loop3A_1325], %parallel_loop3A_1319 {strides = array<i32>} : memref<7680xf32, #tpu.memory_space<vmem>>, vector<16xf32>,
      %parallel_loop3A_1327 = arith.constant 16 : i32
      %parallel_loop3A_1328 = arith.addi %parallel_loop3A_1302, %parallel_loop3A_1327 : i32
      %parallel_loop3A_1329 = arith.index_cast %parallel_loop3A_1328 : i32 to index
      %parallel_loop3A_1330 = tpu.vector_load %arg11[%parallel_loop3A_1329] {strides = array<i32>} : memref<7680xf32, #tpu.memory_space<vmem>>, vector<16xf32>,
      tpu.vector_store %arg11[%parallel_loop3A_1329], %parallel_loop3A_1320 {strides = array<i32>} : memref<7680xf32, #tpu.memory_space<vmem>>, vector<16xf32>,
      %parallel_loop3A_1331 = arith.constant 32 : i32
      %parallel_loop3A_1332 = arith.addi %parallel_loop3A_1302, %parallel_loop3A_1331 : i32
      %parallel_loop3A_1333 = arith.index_cast %parallel_loop3A_1332 : i32 to index
      %parallel_loop3A_1334 = tpu.vector_load %arg11[%parallel_loop3A_1333] {strides = array<i32>} : memref<7680xf32, #tpu.memory_space<vmem>>, vector<16xf32>,
      tpu.vector_store %arg11[%parallel_loop3A_1333], %parallel_loop3A_1321 {strides = array<i32>} : memref<7680xf32, #tpu.memory_space<vmem>>, vector<16xf32>,
      %parallel_loop3A_1335 = arith.constant 48 : i32
      %parallel_loop3A_1336 = arith.addi %parallel_loop3A_1302, %parallel_loop3A_1335 : i32
      %parallel_loop3A_1337 = arith.index_cast %parallel_loop3A_1336 : i32 to index
      %parallel_loop3A_1338 = tpu.vector_load %arg11[%parallel_loop3A_1337] {strides = array<i32>} : memref<7680xf32, #tpu.memory_space<vmem>>, vector<16xf32>,
      tpu.vector_store %arg11[%parallel_loop3A_1337], %parallel_loop3A_1322 {strides = array<i32>} : memref<7680xf32, #tpu.memory_space<vmem>>, vector<16xf32>,
    } {sc.loop_unroll_factor = 2 : i64, sc.parallel_access}
    %dma_start3A_320 = arith.constant 0 : i32
    %dma_start3A_321 = tpu.memref_slice %arg11[%dma_start3A_320] : memref<7680xf32, #tpu.memory_space<vmem>> -> memref<7680xf32, #tpu.memory_space<vmem>>
    %dma_start3A_322 = arith.constant 47104 : i32
    %dma_start3A_323 = tpu.memref_slice %arg6[%add3A_4, %dma_start3A_322] : memref<64x114688xf32, #tpu.memory_space<hbm>> -> memref<1x7680xf32, #tpu.memory_space<hbm>>
    %dma_start3A_324 = tpu.memref_squeeze %dma_start3A_323 : memref<1x7680xf32, #tpu.memory_space<hbm>> -> memref<7680xf32, #tpu.memory_space<hbm>>
    %dma_start3A_325 = arith.constant 47104 : i32
    %dma_start3A_326 = tpu.memref_slice %arg6[%add3A_4, %dma_start3A_325] : memref<64x114688xf32, #tpu.memory_space<hbm>> -> memref<1x7680xf32, #tpu.memory_space<hbm>>
    %dma_start3A_327 = tpu.memref_squeeze %dma_start3A_326 : memref<1x7680xf32, #tpu.memory_space<hbm>> -> memref<7680xf32, #tpu.memory_space<hbm>>
    %dma_start3A_328 = arith.constant 0 : i32
    %dma_start3A_329 = tpu.memref_slice %arg11[%dma_start3A_328] : memref<7680xf32, #tpu.memory_space<vmem>> -> memref<7680xf32, #tpu.memory_space<vmem>>
    tpu.enqueue_dma source(%dma_start3A_329 : memref<7680xf32, #tpu.memory_space<vmem>>) target(%dma_start3A_327 : memref<7680xf32, #tpu.memory_space<hbm>>) target_semaphore(%arg15 : memref<!tpu.dma_semaphore, #tpu.memory_space<semaphore_mem>>)
    %dma_start3A_330 = arith.constant 0 : i32
    %dma_start3A_331 = tpu.memref_slice %arg9[%dma_start3A_330] : memref<7680xi32, #tpu.memory_space<vmem>> -> memref<7680xi32, #tpu.memory_space<vmem>>
    %dma_start3A_332 = arith.constant 46080 : i32
    %dma_start3A_333 = tpu.memref_slice %arg3[%dma_start3A_332] : memref<98304xi32, #tpu.memory_space<hbm>> -> memref<7680xi32, #tpu.memory_space<hbm>>
    %dma_start3A_334 = arith.constant 0 : i32
    %dma_start3A_335 = tpu.memref_slice %arg9[%dma_start3A_334] : memref<7680xi32, #tpu.memory_space<vmem>> -> memref<7680xi32, #tpu.memory_space<vmem>>
    %dma_start3A_336 = arith.constant 46080 : i32
    %dma_start3A_337 = tpu.memref_slice %arg3[%dma_start3A_336] : memref<98304xi32, #tpu.memory_space<hbm>> -> memref<7680xi32, #tpu.memory_space<hbm>>
    tpu.enqueue_dma source(%dma_start3A_337 : memref<7680xi32, #tpu.memory_space<hbm>>) target(%dma_start3A_335 : memref<7680xi32, #tpu.memory_space<vmem>>) target_semaphore(%arg13 : memref<!tpu.dma_semaphore, #tpu.memory_space<semaphore_mem>>)
    %dma_wait3A_338 = arith.constant 0 : i32
    %dma_wait3A_339 = tpu.memref_slice %arg8[%dma_wait3A_338] : memref<7680xi32, #tpu.memory_space<vmem>> -> memref<7680xi32, #tpu.memory_space<vmem>>
    %dma_wait3A_340 = arith.constant 38400 : i32
    %dma_wait3A_341 = tpu.memref_slice %arg3[%dma_wait3A_340] : memref<98304xi32, #tpu.memory_space<hbm>> -> memref<7680xi32, #tpu.memory_space<hbm>>
    %dma_wait3A_342 = arith.constant 0 : i32
    %dma_wait3A_343 = tpu.memref_slice %arg8[%dma_wait3A_342] : memref<7680xi32, #tpu.memory_space<vmem>> -> memref<7680xi32, #tpu.memory_space<vmem>>
    %dma_wait3A_344 = arith.constant 38400 : i32
    %dma_wait3A_345 = tpu.memref_slice %arg3[%dma_wait3A_344] : memref<98304xi32, #tpu.memory_space<hbm>> -> memref<7680xi32, #tpu.memory_space<hbm>>
    tpu.wait_dma2 semaphore(%arg12 : memref<!tpu.dma_semaphore, #tpu.memory_space<semaphore_mem>>) src(%dma_wait3A_345 : memref<7680xi32, #tpu.memory_space<hbm>>) dst(%dma_wait3A_343 : memref<7680xi32, #tpu.memory_space<vmem>>)
    %dma_wait3A_346 = arith.constant 0 : i32
    %dma_wait3A_347 = tpu.memref_slice %arg10[%dma_wait3A_346] : memref<7680xf32, #tpu.memory_space<vmem>> -> memref<7680xf32, #tpu.memory_space<vmem>>
    %dma_wait3A_348 = arith.constant 39424 : i32
    %dma_wait3A_349 = tpu.memref_slice %arg6[%add3A_4, %dma_wait3A_348] : memref<64x114688xf32, #tpu.memory_space<hbm>> -> memref<1x7680xf32, #tpu.memory_space<hbm>>
    %dma_wait3A_350 = tpu.memref_squeeze %dma_wait3A_349 : memref<1x7680xf32, #tpu.memory_space<hbm>> -> memref<7680xf32, #tpu.memory_space<hbm>>
    %dma_wait3A_351 = arith.constant 39424 : i32
    %dma_wait3A_352 = tpu.memref_slice %arg6[%add3A_4, %dma_wait3A_351] : memref<64x114688xf32, #tpu.memory_space<hbm>> -> memref<1x7680xf32, #tpu.memory_space<hbm>>
    %dma_wait3A_353 = tpu.memref_squeeze %dma_wait3A_352 : memref<1x7680xf32, #tpu.memory_space<hbm>> -> memref<7680xf32, #tpu.memory_space<hbm>>
    %dma_wait3A_354 = arith.constant 0 : i32
    %dma_wait3A_355 = tpu.memref_slice %arg10[%dma_wait3A_354] : memref<7680xf32, #tpu.memory_space<vmem>> -> memref<7680xf32, #tpu.memory_space<vmem>>
    tpu.wait_dma2 semaphore(%arg14 : memref<!tpu.dma_semaphore, #tpu.memory_space<semaphore_mem>>) src(%dma_wait3A_355 : memref<7680xf32, #tpu.memory_space<vmem>>) dst(%dma_wait3A_353 : memref<7680xf32, #tpu.memory_space<hbm>>)
    %parallel_loop3A_356 = arith.constant 0 : i32
    %parallel_loop3A_357 = arith.constant 7680 : i32
    %parallel_loop3A_358 = arith.constant 64 : i32
    scf.for %parallel_loop3A_1302 = %parallel_loop3A_356 to %parallel_loop3A_357 step %parallel_loop3A_358  : i32 {
      %parallel_loop3A_1303 = arith.constant 0 : i32
      %parallel_loop3A_1304 = arith.addi %parallel_loop3A_1302, %parallel_loop3A_1303 : i32
      %parallel_loop3A_1305 = arith.index_cast %parallel_loop3A_1304 : i32 to index
      %parallel_loop3A_1306 = tpu.vector_load %arg8[%parallel_loop3A_1305] {strides = array<i32>} : memref<7680xi32, #tpu.memory_space<vmem>>, vector<16xi32>,
      %parallel_loop3A_1307 = arith.constant 16 : i32
      %parallel_loop3A_1308 = arith.addi %parallel_loop3A_1302, %parallel_loop3A_1307 : i32
      %parallel_loop3A_1309 = arith.index_cast %parallel_loop3A_1308 : i32 to index
      %parallel_loop3A_1310 = tpu.vector_load %arg8[%parallel_loop3A_1309] {strides = array<i32>} : memref<7680xi32, #tpu.memory_space<vmem>>, vector<16xi32>,
      %parallel_loop3A_1311 = arith.constant 32 : i32
      %parallel_loop3A_1312 = arith.addi %parallel_loop3A_1302, %parallel_loop3A_1311 : i32
      %parallel_loop3A_1313 = arith.index_cast %parallel_loop3A_1312 : i32 to index
      %parallel_loop3A_1314 = tpu.vector_load %arg8[%parallel_loop3A_1313] {strides = array<i32>} : memref<7680xi32, #tpu.memory_space<vmem>>, vector<16xi32>,
      %parallel_loop3A_1315 = arith.constant 48 : i32
      %parallel_loop3A_1316 = arith.addi %parallel_loop3A_1302, %parallel_loop3A_1315 : i32
      %parallel_loop3A_1317 = arith.index_cast %parallel_loop3A_1316 : i32 to index
      %parallel_loop3A_1318 = tpu.vector_load %arg8[%parallel_loop3A_1317] {strides = array<i32>} : memref<7680xi32, #tpu.memory_space<vmem>>, vector<16xi32>,
      %parallel_loop3A_1319 = tpu.vector_load_idx %arg7[%parallel_loop3A_1306] : memref<100000xf32, #tpu.memory_space<vmem>>[vector<16xi32>], vector<16xf32>,
      %parallel_loop3A_1320 = tpu.vector_load_idx %arg7[%parallel_loop3A_1310] : memref<100000xf32, #tpu.memory_space<vmem>>[vector<16xi32>], vector<16xf32>,
      %parallel_loop3A_1321 = tpu.vector_load_idx %arg7[%parallel_loop3A_1314] : memref<100000xf32, #tpu.memory_space<vmem>>[vector<16xi32>], vector<16xf32>,
      %parallel_loop3A_1322 = tpu.vector_load_idx %arg7[%parallel_loop3A_1318] : memref<100000xf32, #tpu.memory_space<vmem>>[vector<16xi32>], vector<16xf32>,
      %parallel_loop3A_1323 = arith.constant 0 : i32
      %parallel_loop3A_1324 = arith.addi %parallel_loop3A_1302, %parallel_loop3A_1323 : i32
      %parallel_loop3A_1325 = arith.index_cast %parallel_loop3A_1324 : i32 to index
      %parallel_loop3A_1326 = tpu.vector_load %arg10[%parallel_loop3A_1325] {strides = array<i32>} : memref<7680xf32, #tpu.memory_space<vmem>>, vector<16xf32>,
      tpu.vector_store %arg10[%parallel_loop3A_1325], %parallel_loop3A_1319 {strides = array<i32>} : memref<7680xf32, #tpu.memory_space<vmem>>, vector<16xf32>,
      %parallel_loop3A_1327 = arith.constant 16 : i32
      %parallel_loop3A_1328 = arith.addi %parallel_loop3A_1302, %parallel_loop3A_1327 : i32
      %parallel_loop3A_1329 = arith.index_cast %parallel_loop3A_1328 : i32 to index
      %parallel_loop3A_1330 = tpu.vector_load %arg10[%parallel_loop3A_1329] {strides = array<i32>} : memref<7680xf32, #tpu.memory_space<vmem>>, vector<16xf32>,
      tpu.vector_store %arg10[%parallel_loop3A_1329], %parallel_loop3A_1320 {strides = array<i32>} : memref<7680xf32, #tpu.memory_space<vmem>>, vector<16xf32>,
      %parallel_loop3A_1331 = arith.constant 32 : i32
      %parallel_loop3A_1332 = arith.addi %parallel_loop3A_1302, %parallel_loop3A_1331 : i32
      %parallel_loop3A_1333 = arith.index_cast %parallel_loop3A_1332 : i32 to index
      %parallel_loop3A_1334 = tpu.vector_load %arg10[%parallel_loop3A_1333] {strides = array<i32>} : memref<7680xf32, #tpu.memory_space<vmem>>, vector<16xf32>,
      tpu.vector_store %arg10[%parallel_loop3A_1333], %parallel_loop3A_1321 {strides = array<i32>} : memref<7680xf32, #tpu.memory_space<vmem>>, vector<16xf32>,
      %parallel_loop3A_1335 = arith.constant 48 : i32
      %parallel_loop3A_1336 = arith.addi %parallel_loop3A_1302, %parallel_loop3A_1335 : i32
      %parallel_loop3A_1337 = arith.index_cast %parallel_loop3A_1336 : i32 to index
      %parallel_loop3A_1338 = tpu.vector_load %arg10[%parallel_loop3A_1337] {strides = array<i32>} : memref<7680xf32, #tpu.memory_space<vmem>>, vector<16xf32>,
      tpu.vector_store %arg10[%parallel_loop3A_1337], %parallel_loop3A_1322 {strides = array<i32>} : memref<7680xf32, #tpu.memory_space<vmem>>, vector<16xf32>,
    } {sc.loop_unroll_factor = 2 : i64, sc.parallel_access}
    %dma_start3A_359 = arith.constant 0 : i32
    %dma_start3A_360 = tpu.memref_slice %arg10[%dma_start3A_359] : memref<7680xf32, #tpu.memory_space<vmem>> -> memref<7680xf32, #tpu.memory_space<vmem>>
    %dma_start3A_361 = arith.constant 54784 : i32
    %dma_start3A_362 = tpu.memref_slice %arg6[%add3A_4, %dma_start3A_361] : memref<64x114688xf32, #tpu.memory_space<hbm>> -> memref<1x7680xf32, #tpu.memory_space<hbm>>
    %dma_start3A_363 = tpu.memref_squeeze %dma_start3A_362 : memref<1x7680xf32, #tpu.memory_space<hbm>> -> memref<7680xf32, #tpu.memory_space<hbm>>
    %dma_start3A_364 = arith.constant 54784 : i32
    %dma_start3A_365 = tpu.memref_slice %arg6[%add3A_4, %dma_start3A_364] : memref<64x114688xf32, #tpu.memory_space<hbm>> -> memref<1x7680xf32, #tpu.memory_space<hbm>>
    %dma_start3A_366 = tpu.memref_squeeze %dma_start3A_365 : memref<1x7680xf32, #tpu.memory_space<hbm>> -> memref<7680xf32, #tpu.memory_space<hbm>>
    %dma_start3A_367 = arith.constant 0 : i32
    %dma_start3A_368 = tpu.memref_slice %arg10[%dma_start3A_367] : memref<7680xf32, #tpu.memory_space<vmem>> -> memref<7680xf32, #tpu.memory_space<vmem>>
    tpu.enqueue_dma source(%dma_start3A_368 : memref<7680xf32, #tpu.memory_space<vmem>>) target(%dma_start3A_366 : memref<7680xf32, #tpu.memory_space<hbm>>) target_semaphore(%arg14 : memref<!tpu.dma_semaphore, #tpu.memory_space<semaphore_mem>>)
    %dma_start3A_369 = arith.constant 0 : i32
    %dma_start3A_370 = tpu.memref_slice %arg8[%dma_start3A_369] : memref<7680xi32, #tpu.memory_space<vmem>> -> memref<7680xi32, #tpu.memory_space<vmem>>
    %dma_start3A_371 = arith.constant 53760 : i32
    %dma_start3A_372 = tpu.memref_slice %arg3[%dma_start3A_371] : memref<98304xi32, #tpu.memory_space<hbm>> -> memref<7680xi32, #tpu.memory_space<hbm>>
    %dma_start3A_373 = arith.constant 0 : i32
    %dma_start3A_374 = tpu.memref_slice %arg8[%dma_start3A_373] : memref<7680xi32, #tpu.memory_space<vmem>> -> memref<7680xi32, #tpu.memory_space<vmem>>
    %dma_start3A_375 = arith.constant 53760 : i32
    %dma_start3A_376 = tpu.memref_slice %arg3[%dma_start3A_375] : memref<98304xi32, #tpu.memory_space<hbm>> -> memref<7680xi32, #tpu.memory_space<hbm>>
    tpu.enqueue_dma source(%dma_start3A_376 : memref<7680xi32, #tpu.memory_space<hbm>>) target(%dma_start3A_374 : memref<7680xi32, #tpu.memory_space<vmem>>) target_semaphore(%arg12 : memref<!tpu.dma_semaphore, #tpu.memory_space<semaphore_mem>>)
    %dma_wait3A_377 = arith.constant 0 : i32
    %dma_wait3A_378 = tpu.memref_slice %arg9[%dma_wait3A_377] : memref<7680xi32, #tpu.memory_space<vmem>> -> memref<7680xi32, #tpu.memory_space<vmem>>
    %dma_wait3A_379 = arith.constant 46080 : i32
    %dma_wait3A_380 = tpu.memref_slice %arg3[%dma_wait3A_379] : memref<98304xi32, #tpu.memory_space<hbm>> -> memref<7680xi32, #tpu.memory_space<hbm>>
    %dma_wait3A_381 = arith.constant 0 : i32
    %dma_wait3A_382 = tpu.memref_slice %arg9[%dma_wait3A_381] : memref<7680xi32, #tpu.memory_space<vmem>> -> memref<7680xi32, #tpu.memory_space<vmem>>
    %dma_wait3A_383 = arith.constant 46080 : i32
    %dma_wait3A_384 = tpu.memref_slice %arg3[%dma_wait3A_383] : memref<98304xi32, #tpu.memory_space<hbm>> -> memref<7680xi32, #tpu.memory_space<hbm>>
    tpu.wait_dma2 semaphore(%arg13 : memref<!tpu.dma_semaphore, #tpu.memory_space<semaphore_mem>>) src(%dma_wait3A_384 : memref<7680xi32, #tpu.memory_space<hbm>>) dst(%dma_wait3A_382 : memref<7680xi32, #tpu.memory_space<vmem>>)
    %dma_wait3A_385 = arith.constant 0 : i32
    %dma_wait3A_386 = tpu.memref_slice %arg11[%dma_wait3A_385] : memref<7680xf32, #tpu.memory_space<vmem>> -> memref<7680xf32, #tpu.memory_space<vmem>>
    %dma_wait3A_387 = arith.constant 47104 : i32
    %dma_wait3A_388 = tpu.memref_slice %arg6[%add3A_4, %dma_wait3A_387] : memref<64x114688xf32, #tpu.memory_space<hbm>> -> memref<1x7680xf32, #tpu.memory_space<hbm>>
    %dma_wait3A_389 = tpu.memref_squeeze %dma_wait3A_388 : memref<1x7680xf32, #tpu.memory_space<hbm>> -> memref<7680xf32, #tpu.memory_space<hbm>>
    %dma_wait3A_390 = arith.constant 47104 : i32
    %dma_wait3A_391 = tpu.memref_slice %arg6[%add3A_4, %dma_wait3A_390] : memref<64x114688xf32, #tpu.memory_space<hbm>> -> memref<1x7680xf32, #tpu.memory_space<hbm>>
    %dma_wait3A_392 = tpu.memref_squeeze %dma_wait3A_391 : memref<1x7680xf32, #tpu.memory_space<hbm>> -> memref<7680xf32, #tpu.memory_space<hbm>>
    %dma_wait3A_393 = arith.constant 0 : i32
    %dma_wait3A_394 = tpu.memref_slice %arg11[%dma_wait3A_393] : memref<7680xf32, #tpu.memory_space<vmem>> -> memref<7680xf32, #tpu.memory_space<vmem>>
    tpu.wait_dma2 semaphore(%arg15 : memref<!tpu.dma_semaphore, #tpu.memory_space<semaphore_mem>>) src(%dma_wait3A_394 : memref<7680xf32, #tpu.memory_space<vmem>>) dst(%dma_wait3A_392 : memref<7680xf32, #tpu.memory_space<hbm>>)
    %parallel_loop3A_395 = arith.constant 0 : i32
    %parallel_loop3A_396 = arith.constant 7680 : i32
    %parallel_loop3A_397 = arith.constant 64 : i32
    scf.for %parallel_loop3A_1302 = %parallel_loop3A_395 to %parallel_loop3A_396 step %parallel_loop3A_397  : i32 {
      %parallel_loop3A_1303 = arith.constant 0 : i32
      %parallel_loop3A_1304 = arith.addi %parallel_loop3A_1302, %parallel_loop3A_1303 : i32
      %parallel_loop3A_1305 = arith.index_cast %parallel_loop3A_1304 : i32 to index
      %parallel_loop3A_1306 = tpu.vector_load %arg9[%parallel_loop3A_1305] {strides = array<i32>} : memref<7680xi32, #tpu.memory_space<vmem>>, vector<16xi32>,
      %parallel_loop3A_1307 = arith.constant 16 : i32
      %parallel_loop3A_1308 = arith.addi %parallel_loop3A_1302, %parallel_loop3A_1307 : i32
      %parallel_loop3A_1309 = arith.index_cast %parallel_loop3A_1308 : i32 to index
      %parallel_loop3A_1310 = tpu.vector_load %arg9[%parallel_loop3A_1309] {strides = array<i32>} : memref<7680xi32, #tpu.memory_space<vmem>>, vector<16xi32>,
      %parallel_loop3A_1311 = arith.constant 32 : i32
      %parallel_loop3A_1312 = arith.addi %parallel_loop3A_1302, %parallel_loop3A_1311 : i32
      %parallel_loop3A_1313 = arith.index_cast %parallel_loop3A_1312 : i32 to index
      %parallel_loop3A_1314 = tpu.vector_load %arg9[%parallel_loop3A_1313] {strides = array<i32>} : memref<7680xi32, #tpu.memory_space<vmem>>, vector<16xi32>,
      %parallel_loop3A_1315 = arith.constant 48 : i32
      %parallel_loop3A_1316 = arith.addi %parallel_loop3A_1302, %parallel_loop3A_1315 : i32
      %parallel_loop3A_1317 = arith.index_cast %parallel_loop3A_1316 : i32 to index
      %parallel_loop3A_1318 = tpu.vector_load %arg9[%parallel_loop3A_1317] {strides = array<i32>} : memref<7680xi32, #tpu.memory_space<vmem>>, vector<16xi32>,
      %parallel_loop3A_1319 = tpu.vector_load_idx %arg7[%parallel_loop3A_1306] : memref<100000xf32, #tpu.memory_space<vmem>>[vector<16xi32>], vector<16xf32>,
      %parallel_loop3A_1320 = tpu.vector_load_idx %arg7[%parallel_loop3A_1310] : memref<100000xf32, #tpu.memory_space<vmem>>[vector<16xi32>], vector<16xf32>,
      %parallel_loop3A_1321 = tpu.vector_load_idx %arg7[%parallel_loop3A_1314] : memref<100000xf32, #tpu.memory_space<vmem>>[vector<16xi32>], vector<16xf32>,
      %parallel_loop3A_1322 = tpu.vector_load_idx %arg7[%parallel_loop3A_1318] : memref<100000xf32, #tpu.memory_space<vmem>>[vector<16xi32>], vector<16xf32>,
      %parallel_loop3A_1323 = arith.constant 0 : i32
      %parallel_loop3A_1324 = arith.addi %parallel_loop3A_1302, %parallel_loop3A_1323 : i32
      %parallel_loop3A_1325 = arith.index_cast %parallel_loop3A_1324 : i32 to index
      %parallel_loop3A_1326 = tpu.vector_load %arg11[%parallel_loop3A_1325] {strides = array<i32>} : memref<7680xf32, #tpu.memory_space<vmem>>, vector<16xf32>,
      tpu.vector_store %arg11[%parallel_loop3A_1325], %parallel_loop3A_1319 {strides = array<i32>} : memref<7680xf32, #tpu.memory_space<vmem>>, vector<16xf32>,
      %parallel_loop3A_1327 = arith.constant 16 : i32
      %parallel_loop3A_1328 = arith.addi %parallel_loop3A_1302, %parallel_loop3A_1327 : i32
      %parallel_loop3A_1329 = arith.index_cast %parallel_loop3A_1328 : i32 to index
      %parallel_loop3A_1330 = tpu.vector_load %arg11[%parallel_loop3A_1329] {strides = array<i32>} : memref<7680xf32, #tpu.memory_space<vmem>>, vector<16xf32>,
      tpu.vector_store %arg11[%parallel_loop3A_1329], %parallel_loop3A_1320 {strides = array<i32>} : memref<7680xf32, #tpu.memory_space<vmem>>, vector<16xf32>,
      %parallel_loop3A_1331 = arith.constant 32 : i32
      %parallel_loop3A_1332 = arith.addi %parallel_loop3A_1302, %parallel_loop3A_1331 : i32
      %parallel_loop3A_1333 = arith.index_cast %parallel_loop3A_1332 : i32 to index
      %parallel_loop3A_1334 = tpu.vector_load %arg11[%parallel_loop3A_1333] {strides = array<i32>} : memref<7680xf32, #tpu.memory_space<vmem>>, vector<16xf32>,
      tpu.vector_store %arg11[%parallel_loop3A_1333], %parallel_loop3A_1321 {strides = array<i32>} : memref<7680xf32, #tpu.memory_space<vmem>>, vector<16xf32>,
      %parallel_loop3A_1335 = arith.constant 48 : i32
      %parallel_loop3A_1336 = arith.addi %parallel_loop3A_1302, %parallel_loop3A_1335 : i32
      %parallel_loop3A_1337 = arith.index_cast %parallel_loop3A_1336 : i32 to index
      %parallel_loop3A_1338 = tpu.vector_load %arg11[%parallel_loop3A_1337] {strides = array<i32>} : memref<7680xf32, #tpu.memory_space<vmem>>, vector<16xf32>,
      tpu.vector_store %arg11[%parallel_loop3A_1337], %parallel_loop3A_1322 {strides = array<i32>} : memref<7680xf32, #tpu.memory_space<vmem>>, vector<16xf32>,
    } {sc.loop_unroll_factor = 2 : i64, sc.parallel_access}
    %dma_start3A_398 = arith.constant 0 : i32
    %dma_start3A_399 = tpu.memref_slice %arg11[%dma_start3A_398] : memref<7680xf32, #tpu.memory_space<vmem>> -> memref<7680xf32, #tpu.memory_space<vmem>>
    %dma_start3A_400 = arith.constant 62464 : i32
    %dma_start3A_401 = tpu.memref_slice %arg6[%add3A_4, %dma_start3A_400] : memref<64x114688xf32, #tpu.memory_space<hbm>> -> memref<1x7680xf32, #tpu.memory_space<hbm>>
    %dma_start3A_402 = tpu.memref_squeeze %dma_start3A_401 : memref<1x7680xf32, #tpu.memory_space<hbm>> -> memref<7680xf32, #tpu.memory_space<hbm>>
    %dma_start3A_403 = arith.constant 62464 : i32
    %dma_start3A_404 = tpu.memref_slice %arg6[%add3A_4, %dma_start3A_403] : memref<64x114688xf32, #tpu.memory_space<hbm>> -> memref<1x7680xf32, #tpu.memory_space<hbm>>
    %dma_start3A_405 = tpu.memref_squeeze %dma_start3A_404 : memref<1x7680xf32, #tpu.memory_space<hbm>> -> memref<7680xf32, #tpu.memory_space<hbm>>
    %dma_start3A_406 = arith.constant 0 : i32
    %dma_start3A_407 = tpu.memref_slice %arg11[%dma_start3A_406] : memref<7680xf32, #tpu.memory_space<vmem>> -> memref<7680xf32, #tpu.memory_space<vmem>>
    tpu.enqueue_dma source(%dma_start3A_407 : memref<7680xf32, #tpu.memory_space<vmem>>) target(%dma_start3A_405 : memref<7680xf32, #tpu.memory_space<hbm>>) target_semaphore(%arg15 : memref<!tpu.dma_semaphore, #tpu.memory_space<semaphore_mem>>)
    %dma_start3A_408 = arith.constant 0 : i32
    %dma_start3A_409 = tpu.memref_slice %arg9[%dma_start3A_408] : memref<7680xi32, #tpu.memory_space<vmem>> -> memref<7680xi32, #tpu.memory_space<vmem>>
    %dma_start3A_410 = arith.constant 61440 : i32
    %dma_start3A_411 = tpu.memref_slice %arg3[%dma_start3A_410] : memref<98304xi32, #tpu.memory_space<hbm>> -> memref<7680xi32, #tpu.memory_space<hbm>>
    %dma_start3A_412 = arith.constant 0 : i32
    %dma_start3A_413 = tpu.memref_slice %arg9[%dma_start3A_412] : memref<7680xi32, #tpu.memory_space<vmem>> -> memref<7680xi32, #tpu.memory_space<vmem>>
    %dma_start3A_414 = arith.constant 61440 : i32
    %dma_start3A_415 = tpu.memref_slice %arg3[%dma_start3A_414] : memref<98304xi32, #tpu.memory_space<hbm>> -> memref<7680xi32, #tpu.memory_space<hbm>>
    tpu.enqueue_dma source(%dma_start3A_415 : memref<7680xi32, #tpu.memory_space<hbm>>) target(%dma_start3A_413 : memref<7680xi32, #tpu.memory_space<vmem>>) target_semaphore(%arg13 : memref<!tpu.dma_semaphore, #tpu.memory_space<semaphore_mem>>)
    %dma_wait3A_416 = arith.constant 0 : i32
    %dma_wait3A_417 = tpu.memref_slice %arg8[%dma_wait3A_416] : memref<7680xi32, #tpu.memory_space<vmem>> -> memref<7680xi32, #tpu.memory_space<vmem>>
    %dma_wait3A_418 = arith.constant 53760 : i32
    %dma_wait3A_419 = tpu.memref_slice %arg3[%dma_wait3A_418] : memref<98304xi32, #tpu.memory_space<hbm>> -> memref<7680xi32, #tpu.memory_space<hbm>>
    %dma_wait3A_420 = arith.constant 0 : i32
    %dma_wait3A_421 = tpu.memref_slice %arg8[%dma_wait3A_420] : memref<7680xi32, #tpu.memory_space<vmem>> -> memref<7680xi32, #tpu.memory_space<vmem>>
    %dma_wait3A_422 = arith.constant 53760 : i32
    %dma_wait3A_423 = tpu.memref_slice %arg3[%dma_wait3A_422] : memref<98304xi32, #tpu.memory_space<hbm>> -> memref<7680xi32, #tpu.memory_space<hbm>>
    tpu.wait_dma2 semaphore(%arg12 : memref<!tpu.dma_semaphore, #tpu.memory_space<semaphore_mem>>) src(%dma_wait3A_423 : memref<7680xi32, #tpu.memory_space<hbm>>) dst(%dma_wait3A_421 : memref<7680xi32, #tpu.memory_space<vmem>>)
    %dma_wait3A_424 = arith.constant 0 : i32
    %dma_wait3A_425 = tpu.memref_slice %arg10[%dma_wait3A_424] : memref<7680xf32, #tpu.memory_space<vmem>> -> memref<7680xf32, #tpu.memory_space<vmem>>
    %dma_wait3A_426 = arith.constant 54784 : i32
    %dma_wait3A_427 = tpu.memref_slice %arg6[%add3A_4, %dma_wait3A_426] : memref<64x114688xf32, #tpu.memory_space<hbm>> -> memref<1x7680xf32, #tpu.memory_space<hbm>>
    %dma_wait3A_428 = tpu.memref_squeeze %dma_wait3A_427 : memref<1x7680xf32, #tpu.memory_space<hbm>> -> memref<7680xf32, #tpu.memory_space<hbm>>
    %dma_wait3A_429 = arith.constant 54784 : i32
    %dma_wait3A_430 = tpu.memref_slice %arg6[%add3A_4, %dma_wait3A_429] : memref<64x114688xf32, #tpu.memory_space<hbm>> -> memref<1x7680xf32, #tpu.memory_space<hbm>>
    %dma_wait3A_431 = tpu.memref_squeeze %dma_wait3A_430 : memref<1x7680xf32, #tpu.memory_space<hbm>> -> memref<7680xf32, #tpu.memory_space<hbm>>
    %dma_wait3A_432 = arith.constant 0 : i32
    %dma_wait3A_433 = tpu.memref_slice %arg10[%dma_wait3A_432] : memref<7680xf32, #tpu.memory_space<vmem>> -> memref<7680xf32, #tpu.memory_space<vmem>>
    tpu.wait_dma2 semaphore(%arg14 : memref<!tpu.dma_semaphore, #tpu.memory_space<semaphore_mem>>) src(%dma_wait3A_433 : memref<7680xf32, #tpu.memory_space<vmem>>) dst(%dma_wait3A_431 : memref<7680xf32, #tpu.memory_space<hbm>>)
    %parallel_loop3A_434 = arith.constant 0 : i32
    %parallel_loop3A_435 = arith.constant 7680 : i32
    %parallel_loop3A_436 = arith.constant 64 : i32
    scf.for %parallel_loop3A_1302 = %parallel_loop3A_434 to %parallel_loop3A_435 step %parallel_loop3A_436  : i32 {
      %parallel_loop3A_1303 = arith.constant 0 : i32
      %parallel_loop3A_1304 = arith.addi %parallel_loop3A_1302, %parallel_loop3A_1303 : i32
      %parallel_loop3A_1305 = arith.index_cast %parallel_loop3A_1304 : i32 to index
      %parallel_loop3A_1306 = tpu.vector_load %arg8[%parallel_loop3A_1305] {strides = array<i32>} : memref<7680xi32, #tpu.memory_space<vmem>>, vector<16xi32>,
      %parallel_loop3A_1307 = arith.constant 16 : i32
      %parallel_loop3A_1308 = arith.addi %parallel_loop3A_1302, %parallel_loop3A_1307 : i32
      %parallel_loop3A_1309 = arith.index_cast %parallel_loop3A_1308 : i32 to index
      %parallel_loop3A_1310 = tpu.vector_load %arg8[%parallel_loop3A_1309] {strides = array<i32>} : memref<7680xi32, #tpu.memory_space<vmem>>, vector<16xi32>,
      %parallel_loop3A_1311 = arith.constant 32 : i32
      %parallel_loop3A_1312 = arith.addi %parallel_loop3A_1302, %parallel_loop3A_1311 : i32
      %parallel_loop3A_1313 = arith.index_cast %parallel_loop3A_1312 : i32 to index
      %parallel_loop3A_1314 = tpu.vector_load %arg8[%parallel_loop3A_1313] {strides = array<i32>} : memref<7680xi32, #tpu.memory_space<vmem>>, vector<16xi32>,
      %parallel_loop3A_1315 = arith.constant 48 : i32
      %parallel_loop3A_1316 = arith.addi %parallel_loop3A_1302, %parallel_loop3A_1315 : i32
      %parallel_loop3A_1317 = arith.index_cast %parallel_loop3A_1316 : i32 to index
      %parallel_loop3A_1318 = tpu.vector_load %arg8[%parallel_loop3A_1317] {strides = array<i32>} : memref<7680xi32, #tpu.memory_space<vmem>>, vector<16xi32>,
      %parallel_loop3A_1319 = tpu.vector_load_idx %arg7[%parallel_loop3A_1306] : memref<100000xf32, #tpu.memory_space<vmem>>[vector<16xi32>], vector<16xf32>,
      %parallel_loop3A_1320 = tpu.vector_load_idx %arg7[%parallel_loop3A_1310] : memref<100000xf32, #tpu.memory_space<vmem>>[vector<16xi32>], vector<16xf32>,
      %parallel_loop3A_1321 = tpu.vector_load_idx %arg7[%parallel_loop3A_1314] : memref<100000xf32, #tpu.memory_space<vmem>>[vector<16xi32>], vector<16xf32>,
      %parallel_loop3A_1322 = tpu.vector_load_idx %arg7[%parallel_loop3A_1318] : memref<100000xf32, #tpu.memory_space<vmem>>[vector<16xi32>], vector<16xf32>,
      %parallel_loop3A_1323 = arith.constant 0 : i32
      %parallel_loop3A_1324 = arith.addi %parallel_loop3A_1302, %parallel_loop3A_1323 : i32
      %parallel_loop3A_1325 = arith.index_cast %parallel_loop3A_1324 : i32 to index
      %parallel_loop3A_1326 = tpu.vector_load %arg10[%parallel_loop3A_1325] {strides = array<i32>} : memref<7680xf32, #tpu.memory_space<vmem>>, vector<16xf32>,
      tpu.vector_store %arg10[%parallel_loop3A_1325], %parallel_loop3A_1319 {strides = array<i32>} : memref<7680xf32, #tpu.memory_space<vmem>>, vector<16xf32>,
      %parallel_loop3A_1327 = arith.constant 16 : i32
      %parallel_loop3A_1328 = arith.addi %parallel_loop3A_1302, %parallel_loop3A_1327 : i32
      %parallel_loop3A_1329 = arith.index_cast %parallel_loop3A_1328 : i32 to index
      %parallel_loop3A_1330 = tpu.vector_load %arg10[%parallel_loop3A_1329] {strides = array<i32>} : memref<7680xf32, #tpu.memory_space<vmem>>, vector<16xf32>,
      tpu.vector_store %arg10[%parallel_loop3A_1329], %parallel_loop3A_1320 {strides = array<i32>} : memref<7680xf32, #tpu.memory_space<vmem>>, vector<16xf32>,
      %parallel_loop3A_1331 = arith.constant 32 : i32
      %parallel_loop3A_1332 = arith.addi %parallel_loop3A_1302, %parallel_loop3A_1331 : i32
      %parallel_loop3A_1333 = arith.index_cast %parallel_loop3A_1332 : i32 to index
      %parallel_loop3A_1334 = tpu.vector_load %arg10[%parallel_loop3A_1333] {strides = array<i32>} : memref<7680xf32, #tpu.memory_space<vmem>>, vector<16xf32>,
      tpu.vector_store %arg10[%parallel_loop3A_1333], %parallel_loop3A_1321 {strides = array<i32>} : memref<7680xf32, #tpu.memory_space<vmem>>, vector<16xf32>,
      %parallel_loop3A_1335 = arith.constant 48 : i32
      %parallel_loop3A_1336 = arith.addi %parallel_loop3A_1302, %parallel_loop3A_1335 : i32
      %parallel_loop3A_1337 = arith.index_cast %parallel_loop3A_1336 : i32 to index
      %parallel_loop3A_1338 = tpu.vector_load %arg10[%parallel_loop3A_1337] {strides = array<i32>} : memref<7680xf32, #tpu.memory_space<vmem>>, vector<16xf32>,
      tpu.vector_store %arg10[%parallel_loop3A_1337], %parallel_loop3A_1322 {strides = array<i32>} : memref<7680xf32, #tpu.memory_space<vmem>>, vector<16xf32>,
    } {sc.loop_unroll_factor = 2 : i64, sc.parallel_access}
    %dma_start3A_437 = arith.constant 0 : i32
    %dma_start3A_438 = tpu.memref_slice %arg10[%dma_start3A_437] : memref<7680xf32, #tpu.memory_space<vmem>> -> memref<7680xf32, #tpu.memory_space<vmem>>
    %dma_start3A_439 = arith.constant 70144 : i32
    %dma_start3A_440 = tpu.memref_slice %arg6[%add3A_4, %dma_start3A_439] : memref<64x114688xf32, #tpu.memory_space<hbm>> -> memref<1x7680xf32, #tpu.memory_space<hbm>>
    %dma_start3A_441 = tpu.memref_squeeze %dma_start3A_440 : memref<1x7680xf32, #tpu.memory_space<hbm>> -> memref<7680xf32, #tpu.memory_space<hbm>>
    %dma_start3A_442 = arith.constant 70144 : i32
    %dma_start3A_443 = tpu.memref_slice %arg6[%add3A_4, %dma_start3A_442] : memref<64x114688xf32, #tpu.memory_space<hbm>> -> memref<1x7680xf32, #tpu.memory_space<hbm>>
    %dma_start3A_444 = tpu.memref_squeeze %dma_start3A_443 : memref<1x7680xf32, #tpu.memory_space<hbm>> -> memref<7680xf32, #tpu.memory_space<hbm>>
    %dma_start3A_445 = arith.constant 0 : i32
    %dma_start3A_446 = tpu.memref_slice %arg10[%dma_start3A_445] : memref<7680xf32, #tpu.memory_space<vmem>> -> memref<7680xf32, #tpu.memory_space<vmem>>
    tpu.enqueue_dma source(%dma_start3A_446 : memref<7680xf32, #tpu.memory_space<vmem>>) target(%dma_start3A_444 : memref<7680xf32, #tpu.memory_space<hbm>>) target_semaphore(%arg14 : memref<!tpu.dma_semaphore, #tpu.memory_space<semaphore_mem>>)
    %dma_start3A_447 = arith.constant 0 : i32
    %dma_start3A_448 = tpu.memref_slice %arg8[%dma_start3A_447] : memref<7680xi32, #tpu.memory_space<vmem>> -> memref<7680xi32, #tpu.memory_space<vmem>>
    %dma_start3A_449 = arith.constant 69120 : i32
    %dma_start3A_450 = tpu.memref_slice %arg3[%dma_start3A_449] : memref<98304xi32, #tpu.memory_space<hbm>> -> memref<7680xi32, #tpu.memory_space<hbm>>
    %dma_start3A_451 = arith.constant 0 : i32
    %dma_start3A_452 = tpu.memref_slice %arg8[%dma_start3A_451] : memref<7680xi32, #tpu.memory_space<vmem>> -> memref<7680xi32, #tpu.memory_space<vmem>>
    %dma_start3A_453 = arith.constant 69120 : i32
    %dma_start3A_454 = tpu.memref_slice %arg3[%dma_start3A_453] : memref<98304xi32, #tpu.memory_space<hbm>> -> memref<7680xi32, #tpu.memory_space<hbm>>
    tpu.enqueue_dma source(%dma_start3A_454 : memref<7680xi32, #tpu.memory_space<hbm>>) target(%dma_start3A_452 : memref<7680xi32, #tpu.memory_space<vmem>>) target_semaphore(%arg12 : memref<!tpu.dma_semaphore, #tpu.memory_space<semaphore_mem>>)
    %dma_wait3A_455 = arith.constant 0 : i32
    %dma_wait3A_456 = tpu.memref_slice %arg9[%dma_wait3A_455] : memref<7680xi32, #tpu.memory_space<vmem>> -> memref<7680xi32, #tpu.memory_space<vmem>>
    %dma_wait3A_457 = arith.constant 61440 : i32
    %dma_wait3A_458 = tpu.memref_slice %arg3[%dma_wait3A_457] : memref<98304xi32, #tpu.memory_space<hbm>> -> memref<7680xi32, #tpu.memory_space<hbm>>
    %dma_wait3A_459 = arith.constant 0 : i32
    %dma_wait3A_460 = tpu.memref_slice %arg9[%dma_wait3A_459] : memref<7680xi32, #tpu.memory_space<vmem>> -> memref<7680xi32, #tpu.memory_space<vmem>>
    %dma_wait3A_461 = arith.constant 61440 : i32
    %dma_wait3A_462 = tpu.memref_slice %arg3[%dma_wait3A_461] : memref<98304xi32, #tpu.memory_space<hbm>> -> memref<7680xi32, #tpu.memory_space<hbm>>
    tpu.wait_dma2 semaphore(%arg13 : memref<!tpu.dma_semaphore, #tpu.memory_space<semaphore_mem>>) src(%dma_wait3A_462 : memref<7680xi32, #tpu.memory_space<hbm>>) dst(%dma_wait3A_460 : memref<7680xi32, #tpu.memory_space<vmem>>)
    %dma_wait3A_463 = arith.constant 0 : i32
    %dma_wait3A_464 = tpu.memref_slice %arg11[%dma_wait3A_463] : memref<7680xf32, #tpu.memory_space<vmem>> -> memref<7680xf32, #tpu.memory_space<vmem>>
    %dma_wait3A_465 = arith.constant 62464 : i32
    %dma_wait3A_466 = tpu.memref_slice %arg6[%add3A_4, %dma_wait3A_465] : memref<64x114688xf32, #tpu.memory_space<hbm>> -> memref<1x7680xf32, #tpu.memory_space<hbm>>
    %dma_wait3A_467 = tpu.memref_squeeze %dma_wait3A_466 : memref<1x7680xf32, #tpu.memory_space<hbm>> -> memref<7680xf32, #tpu.memory_space<hbm>>
    %dma_wait3A_468 = arith.constant 62464 : i32
    %dma_wait3A_469 = tpu.memref_slice %arg6[%add3A_4, %dma_wait3A_468] : memref<64x114688xf32, #tpu.memory_space<hbm>> -> memref<1x7680xf32, #tpu.memory_space<hbm>>
    %dma_wait3A_470 = tpu.memref_squeeze %dma_wait3A_469 : memref<1x7680xf32, #tpu.memory_space<hbm>> -> memref<7680xf32, #tpu.memory_space<hbm>>
    %dma_wait3A_471 = arith.constant 0 : i32
    %dma_wait3A_472 = tpu.memref_slice %arg11[%dma_wait3A_471] : memref<7680xf32, #tpu.memory_space<vmem>> -> memref<7680xf32, #tpu.memory_space<vmem>>
    tpu.wait_dma2 semaphore(%arg15 : memref<!tpu.dma_semaphore, #tpu.memory_space<semaphore_mem>>) src(%dma_wait3A_472 : memref<7680xf32, #tpu.memory_space<vmem>>) dst(%dma_wait3A_470 : memref<7680xf32, #tpu.memory_space<hbm>>)
    %parallel_loop3A_473 = arith.constant 0 : i32
    %parallel_loop3A_474 = arith.constant 7680 : i32
    %parallel_loop3A_475 = arith.constant 64 : i32
    scf.for %parallel_loop3A_1302 = %parallel_loop3A_473 to %parallel_loop3A_474 step %parallel_loop3A_475  : i32 {
      %parallel_loop3A_1303 = arith.constant 0 : i32
      %parallel_loop3A_1304 = arith.addi %parallel_loop3A_1302, %parallel_loop3A_1303 : i32
      %parallel_loop3A_1305 = arith.index_cast %parallel_loop3A_1304 : i32 to index
      %parallel_loop3A_1306 = tpu.vector_load %arg9[%parallel_loop3A_1305] {strides = array<i32>} : memref<7680xi32, #tpu.memory_space<vmem>>, vector<16xi32>,
      %parallel_loop3A_1307 = arith.constant 16 : i32
      %parallel_loop3A_1308 = arith.addi %parallel_loop3A_1302, %parallel_loop3A_1307 : i32
      %parallel_loop3A_1309 = arith.index_cast %parallel_loop3A_1308 : i32 to index
      %parallel_loop3A_1310 = tpu.vector_load %arg9[%parallel_loop3A_1309] {strides = array<i32>} : memref<7680xi32, #tpu.memory_space<vmem>>, vector<16xi32>,
      %parallel_loop3A_1311 = arith.constant 32 : i32
      %parallel_loop3A_1312 = arith.addi %parallel_loop3A_1302, %parallel_loop3A_1311 : i32
      %parallel_loop3A_1313 = arith.index_cast %parallel_loop3A_1312 : i32 to index
      %parallel_loop3A_1314 = tpu.vector_load %arg9[%parallel_loop3A_1313] {strides = array<i32>} : memref<7680xi32, #tpu.memory_space<vmem>>, vector<16xi32>,
      %parallel_loop3A_1315 = arith.constant 48 : i32
      %parallel_loop3A_1316 = arith.addi %parallel_loop3A_1302, %parallel_loop3A_1315 : i32
      %parallel_loop3A_1317 = arith.index_cast %parallel_loop3A_1316 : i32 to index
      %parallel_loop3A_1318 = tpu.vector_load %arg9[%parallel_loop3A_1317] {strides = array<i32>} : memref<7680xi32, #tpu.memory_space<vmem>>, vector<16xi32>,
      %parallel_loop3A_1319 = tpu.vector_load_idx %arg7[%parallel_loop3A_1306] : memref<100000xf32, #tpu.memory_space<vmem>>[vector<16xi32>], vector<16xf32>,
      %parallel_loop3A_1320 = tpu.vector_load_idx %arg7[%parallel_loop3A_1310] : memref<100000xf32, #tpu.memory_space<vmem>>[vector<16xi32>], vector<16xf32>,
      %parallel_loop3A_1321 = tpu.vector_load_idx %arg7[%parallel_loop3A_1314] : memref<100000xf32, #tpu.memory_space<vmem>>[vector<16xi32>], vector<16xf32>,
      %parallel_loop3A_1322 = tpu.vector_load_idx %arg7[%parallel_loop3A_1318] : memref<100000xf32, #tpu.memory_space<vmem>>[vector<16xi32>], vector<16xf32>,
      %parallel_loop3A_1323 = arith.constant 0 : i32
      %parallel_loop3A_1324 = arith.addi %parallel_loop3A_1302, %parallel_loop3A_1323 : i32
      %parallel_loop3A_1325 = arith.index_cast %parallel_loop3A_1324 : i32 to index
      %parallel_loop3A_1326 = tpu.vector_load %arg11[%parallel_loop3A_1325] {strides = array<i32>} : memref<7680xf32, #tpu.memory_space<vmem>>, vector<16xf32>,
      tpu.vector_store %arg11[%parallel_loop3A_1325], %parallel_loop3A_1319 {strides = array<i32>} : memref<7680xf32, #tpu.memory_space<vmem>>, vector<16xf32>,
      %parallel_loop3A_1327 = arith.constant 16 : i32
      %parallel_loop3A_1328 = arith.addi %parallel_loop3A_1302, %parallel_loop3A_1327 : i32
      %parallel_loop3A_1329 = arith.index_cast %parallel_loop3A_1328 : i32 to index
      %parallel_loop3A_1330 = tpu.vector_load %arg11[%parallel_loop3A_1329] {strides = array<i32>} : memref<7680xf32, #tpu.memory_space<vmem>>, vector<16xf32>,
      tpu.vector_store %arg11[%parallel_loop3A_1329], %parallel_loop3A_1320 {strides = array<i32>} : memref<7680xf32, #tpu.memory_space<vmem>>, vector<16xf32>,
      %parallel_loop3A_1331 = arith.constant 32 : i32
      %parallel_loop3A_1332 = arith.addi %parallel_loop3A_1302, %parallel_loop3A_1331 : i32
      %parallel_loop3A_1333 = arith.index_cast %parallel_loop3A_1332 : i32 to index
      %parallel_loop3A_1334 = tpu.vector_load %arg11[%parallel_loop3A_1333] {strides = array<i32>} : memref<7680xf32, #tpu.memory_space<vmem>>, vector<16xf32>,
      tpu.vector_store %arg11[%parallel_loop3A_1333], %parallel_loop3A_1321 {strides = array<i32>} : memref<7680xf32, #tpu.memory_space<vmem>>, vector<16xf32>,
      %parallel_loop3A_1335 = arith.constant 48 : i32
      %parallel_loop3A_1336 = arith.addi %parallel_loop3A_1302, %parallel_loop3A_1335 : i32
      %parallel_loop3A_1337 = arith.index_cast %parallel_loop3A_1336 : i32 to index
      %parallel_loop3A_1338 = tpu.vector_load %arg11[%parallel_loop3A_1337] {strides = array<i32>} : memref<7680xf32, #tpu.memory_space<vmem>>, vector<16xf32>,
      tpu.vector_store %arg11[%parallel_loop3A_1337], %parallel_loop3A_1322 {strides = array<i32>} : memref<7680xf32, #tpu.memory_space<vmem>>, vector<16xf32>,
    } {sc.loop_unroll_factor = 2 : i64, sc.parallel_access}
    %dma_start3A_476 = arith.constant 0 : i32
    %dma_start3A_477 = tpu.memref_slice %arg11[%dma_start3A_476] : memref<7680xf32, #tpu.memory_space<vmem>> -> memref<7680xf32, #tpu.memory_space<vmem>>
    %dma_start3A_478 = arith.constant 77824 : i32
    %dma_start3A_479 = tpu.memref_slice %arg6[%add3A_4, %dma_start3A_478] : memref<64x114688xf32, #tpu.memory_space<hbm>> -> memref<1x7680xf32, #tpu.memory_space<hbm>>
    %dma_start3A_480 = tpu.memref_squeeze %dma_start3A_479 : memref<1x7680xf32, #tpu.memory_space<hbm>> -> memref<7680xf32, #tpu.memory_space<hbm>>
    %dma_start3A_481 = arith.constant 77824 : i32
    %dma_start3A_482 = tpu.memref_slice %arg6[%add3A_4, %dma_start3A_481] : memref<64x114688xf32, #tpu.memory_space<hbm>> -> memref<1x7680xf32, #tpu.memory_space<hbm>>
    %dma_start3A_483 = tpu.memref_squeeze %dma_start3A_482 : memref<1x7680xf32, #tpu.memory_space<hbm>> -> memref<7680xf32, #tpu.memory_space<hbm>>
    %dma_start3A_484 = arith.constant 0 : i32
    %dma_start3A_485 = tpu.memref_slice %arg11[%dma_start3A_484] : memref<7680xf32, #tpu.memory_space<vmem>> -> memref<7680xf32, #tpu.memory_space<vmem>>
    tpu.enqueue_dma source(%dma_start3A_485 : memref<7680xf32, #tpu.memory_space<vmem>>) target(%dma_start3A_483 : memref<7680xf32, #tpu.memory_space<hbm>>) target_semaphore(%arg15 : memref<!tpu.dma_semaphore, #tpu.memory_space<semaphore_mem>>)
    %dma_start3A_486 = arith.constant 0 : i32
    %dma_start3A_487 = tpu.memref_slice %arg9[%dma_start3A_486] : memref<7680xi32, #tpu.memory_space<vmem>> -> memref<7680xi32, #tpu.memory_space<vmem>>
    %dma_start3A_488 = arith.constant 76800 : i32
    %dma_start3A_489 = tpu.memref_slice %arg3[%dma_start3A_488] : memref<98304xi32, #tpu.memory_space<hbm>> -> memref<7680xi32, #tpu.memory_space<hbm>>
    %dma_start3A_490 = arith.constant 0 : i32
    %dma_start3A_491 = tpu.memref_slice %arg9[%dma_start3A_490] : memref<7680xi32, #tpu.memory_space<vmem>> -> memref<7680xi32, #tpu.memory_space<vmem>>
    %dma_start3A_492 = arith.constant 76800 : i32
    %dma_start3A_493 = tpu.memref_slice %arg3[%dma_start3A_492] : memref<98304xi32, #tpu.memory_space<hbm>> -> memref<7680xi32, #tpu.memory_space<hbm>>
    tpu.enqueue_dma source(%dma_start3A_493 : memref<7680xi32, #tpu.memory_space<hbm>>) target(%dma_start3A_491 : memref<7680xi32, #tpu.memory_space<vmem>>) target_semaphore(%arg13 : memref<!tpu.dma_semaphore, #tpu.memory_space<semaphore_mem>>)
    %dma_wait3A_494 = arith.constant 0 : i32
    %dma_wait3A_495 = tpu.memref_slice %arg8[%dma_wait3A_494] : memref<7680xi32, #tpu.memory_space<vmem>> -> memref<7680xi32, #tpu.memory_space<vmem>>
    %dma_wait3A_496 = arith.constant 69120 : i32
    %dma_wait3A_497 = tpu.memref_slice %arg3[%dma_wait3A_496] : memref<98304xi32, #tpu.memory_space<hbm>> -> memref<7680xi32, #tpu.memory_space<hbm>>
    %dma_wait3A_498 = arith.constant 0 : i32
    %dma_wait3A_499 = tpu.memref_slice %arg8[%dma_wait3A_498] : memref<7680xi32, #tpu.memory_space<vmem>> -> memref<7680xi32, #tpu.memory_space<vmem>>
    %dma_wait3A_500 = arith.constant 69120 : i32
    %dma_wait3A_501 = tpu.memref_slice %arg3[%dma_wait3A_500] : memref<98304xi32, #tpu.memory_space<hbm>> -> memref<7680xi32, #tpu.memory_space<hbm>>
    tpu.wait_dma2 semaphore(%arg12 : memref<!tpu.dma_semaphore, #tpu.memory_space<semaphore_mem>>) src(%dma_wait3A_501 : memref<7680xi32, #tpu.memory_space<hbm>>) dst(%dma_wait3A_499 : memref<7680xi32, #tpu.memory_space<vmem>>)
    %dma_wait3A_502 = arith.constant 0 : i32
    %dma_wait3A_503 = tpu.memref_slice %arg10[%dma_wait3A_502] : memref<7680xf32, #tpu.memory_space<vmem>> -> memref<7680xf32, #tpu.memory_space<vmem>>
    %dma_wait3A_504 = arith.constant 70144 : i32
    %dma_wait3A_505 = tpu.memref_slice %arg6[%add3A_4, %dma_wait3A_504] : memref<64x114688xf32, #tpu.memory_space<hbm>> -> memref<1x7680xf32, #tpu.memory_space<hbm>>
    %dma_wait3A_506 = tpu.memref_squeeze %dma_wait3A_505 : memref<1x7680xf32, #tpu.memory_space<hbm>> -> memref<7680xf32, #tpu.memory_space<hbm>>
    %dma_wait3A_507 = arith.constant 70144 : i32
    %dma_wait3A_508 = tpu.memref_slice %arg6[%add3A_4, %dma_wait3A_507] : memref<64x114688xf32, #tpu.memory_space<hbm>> -> memref<1x7680xf32, #tpu.memory_space<hbm>>
    %dma_wait3A_509 = tpu.memref_squeeze %dma_wait3A_508 : memref<1x7680xf32, #tpu.memory_space<hbm>> -> memref<7680xf32, #tpu.memory_space<hbm>>
    %dma_wait3A_510 = arith.constant 0 : i32
    %dma_wait3A_511 = tpu.memref_slice %arg10[%dma_wait3A_510] : memref<7680xf32, #tpu.memory_space<vmem>> -> memref<7680xf32, #tpu.memory_space<vmem>>
    tpu.wait_dma2 semaphore(%arg14 : memref<!tpu.dma_semaphore, #tpu.memory_space<semaphore_mem>>) src(%dma_wait3A_511 : memref<7680xf32, #tpu.memory_space<vmem>>) dst(%dma_wait3A_509 : memref<7680xf32, #tpu.memory_space<hbm>>)
    %parallel_loop3A_512 = arith.constant 0 : i32
    %parallel_loop3A_513 = arith.constant 7680 : i32
    %parallel_loop3A_514 = arith.constant 64 : i32
    scf.for %parallel_loop3A_1302 = %parallel_loop3A_512 to %parallel_loop3A_513 step %parallel_loop3A_514  : i32 {
      %parallel_loop3A_1303 = arith.constant 0 : i32
      %parallel_loop3A_1304 = arith.addi %parallel_loop3A_1302, %parallel_loop3A_1303 : i32
      %parallel_loop3A_1305 = arith.index_cast %parallel_loop3A_1304 : i32 to index
      %parallel_loop3A_1306 = tpu.vector_load %arg8[%parallel_loop3A_1305] {strides = array<i32>} : memref<7680xi32, #tpu.memory_space<vmem>>, vector<16xi32>,
      %parallel_loop3A_1307 = arith.constant 16 : i32
      %parallel_loop3A_1308 = arith.addi %parallel_loop3A_1302, %parallel_loop3A_1307 : i32
      %parallel_loop3A_1309 = arith.index_cast %parallel_loop3A_1308 : i32 to index
      %parallel_loop3A_1310 = tpu.vector_load %arg8[%parallel_loop3A_1309] {strides = array<i32>} : memref<7680xi32, #tpu.memory_space<vmem>>, vector<16xi32>,
      %parallel_loop3A_1311 = arith.constant 32 : i32
      %parallel_loop3A_1312 = arith.addi %parallel_loop3A_1302, %parallel_loop3A_1311 : i32
      %parallel_loop3A_1313 = arith.index_cast %parallel_loop3A_1312 : i32 to index
      %parallel_loop3A_1314 = tpu.vector_load %arg8[%parallel_loop3A_1313] {strides = array<i32>} : memref<7680xi32, #tpu.memory_space<vmem>>, vector<16xi32>,
      %parallel_loop3A_1315 = arith.constant 48 : i32
      %parallel_loop3A_1316 = arith.addi %parallel_loop3A_1302, %parallel_loop3A_1315 : i32
      %parallel_loop3A_1317 = arith.index_cast %parallel_loop3A_1316 : i32 to index
      %parallel_loop3A_1318 = tpu.vector_load %arg8[%parallel_loop3A_1317] {strides = array<i32>} : memref<7680xi32, #tpu.memory_space<vmem>>, vector<16xi32>,
      %parallel_loop3A_1319 = tpu.vector_load_idx %arg7[%parallel_loop3A_1306] : memref<100000xf32, #tpu.memory_space<vmem>>[vector<16xi32>], vector<16xf32>,
      %parallel_loop3A_1320 = tpu.vector_load_idx %arg7[%parallel_loop3A_1310] : memref<100000xf32, #tpu.memory_space<vmem>>[vector<16xi32>], vector<16xf32>,
      %parallel_loop3A_1321 = tpu.vector_load_idx %arg7[%parallel_loop3A_1314] : memref<100000xf32, #tpu.memory_space<vmem>>[vector<16xi32>], vector<16xf32>,
      %parallel_loop3A_1322 = tpu.vector_load_idx %arg7[%parallel_loop3A_1318] : memref<100000xf32, #tpu.memory_space<vmem>>[vector<16xi32>], vector<16xf32>,
      %parallel_loop3A_1323 = arith.constant 0 : i32
      %parallel_loop3A_1324 = arith.addi %parallel_loop3A_1302, %parallel_loop3A_1323 : i32
      %parallel_loop3A_1325 = arith.index_cast %parallel_loop3A_1324 : i32 to index
      %parallel_loop3A_1326 = tpu.vector_load %arg10[%parallel_loop3A_1325] {strides = array<i32>} : memref<7680xf32, #tpu.memory_space<vmem>>, vector<16xf32>,
      tpu.vector_store %arg10[%parallel_loop3A_1325], %parallel_loop3A_1319 {strides = array<i32>} : memref<7680xf32, #tpu.memory_space<vmem>>, vector<16xf32>,
      %parallel_loop3A_1327 = arith.constant 16 : i32
      %parallel_loop3A_1328 = arith.addi %parallel_loop3A_1302, %parallel_loop3A_1327 : i32
      %parallel_loop3A_1329 = arith.index_cast %parallel_loop3A_1328 : i32 to index
      %parallel_loop3A_1330 = tpu.vector_load %arg10[%parallel_loop3A_1329] {strides = array<i32>} : memref<7680xf32, #tpu.memory_space<vmem>>, vector<16xf32>,
      tpu.vector_store %arg10[%parallel_loop3A_1329], %parallel_loop3A_1320 {strides = array<i32>} : memref<7680xf32, #tpu.memory_space<vmem>>, vector<16xf32>,
      %parallel_loop3A_1331 = arith.constant 32 : i32
      %parallel_loop3A_1332 = arith.addi %parallel_loop3A_1302, %parallel_loop3A_1331 : i32
      %parallel_loop3A_1333 = arith.index_cast %parallel_loop3A_1332 : i32 to index
      %parallel_loop3A_1334 = tpu.vector_load %arg10[%parallel_loop3A_1333] {strides = array<i32>} : memref<7680xf32, #tpu.memory_space<vmem>>, vector<16xf32>,
      tpu.vector_store %arg10[%parallel_loop3A_1333], %parallel_loop3A_1321 {strides = array<i32>} : memref<7680xf32, #tpu.memory_space<vmem>>, vector<16xf32>,
      %parallel_loop3A_1335 = arith.constant 48 : i32
      %parallel_loop3A_1336 = arith.addi %parallel_loop3A_1302, %parallel_loop3A_1335 : i32
      %parallel_loop3A_1337 = arith.index_cast %parallel_loop3A_1336 : i32 to index
      %parallel_loop3A_1338 = tpu.vector_load %arg10[%parallel_loop3A_1337] {strides = array<i32>} : memref<7680xf32, #tpu.memory_space<vmem>>, vector<16xf32>,
      tpu.vector_store %arg10[%parallel_loop3A_1337], %parallel_loop3A_1322 {strides = array<i32>} : memref<7680xf32, #tpu.memory_space<vmem>>, vector<16xf32>,
    } {sc.loop_unroll_factor = 2 : i64, sc.parallel_access}
    %dma_start3A_515 = arith.constant 0 : i32
    %dma_start3A_516 = tpu.memref_slice %arg10[%dma_start3A_515] : memref<7680xf32, #tpu.memory_space<vmem>> -> memref<7680xf32, #tpu.memory_space<vmem>>
    %dma_start3A_517 = arith.constant 85504 : i32
    %dma_start3A_518 = tpu.memref_slice %arg6[%add3A_4, %dma_start3A_517] : memref<64x114688xf32, #tpu.memory_space<hbm>> -> memref<1x7680xf32, #tpu.memory_space<hbm>>
    %dma_start3A_519 = tpu.memref_squeeze %dma_start3A_518 : memref<1x7680xf32, #tpu.memory_space<hbm>> -> memref<7680xf32, #tpu.memory_space<hbm>>
    %dma_start3A_520 = arith.constant 85504 : i32
    %dma_start3A_521 = tpu.memref_slice %arg6[%add3A_4, %dma_start3A_520] : memref<64x114688xf32, #tpu.memory_space<hbm>> -> memref<1x7680xf32, #tpu.memory_space<hbm>>
    %dma_start3A_522 = tpu.memref_squeeze %dma_start3A_521 : memref<1x7680xf32, #tpu.memory_space<hbm>> -> memref<7680xf32, #tpu.memory_space<hbm>>
    %dma_start3A_523 = arith.constant 0 : i32
    %dma_start3A_524 = tpu.memref_slice %arg10[%dma_start3A_523] : memref<7680xf32, #tpu.memory_space<vmem>> -> memref<7680xf32, #tpu.memory_space<vmem>>
    tpu.enqueue_dma source(%dma_start3A_524 : memref<7680xf32, #tpu.memory_space<vmem>>) target(%dma_start3A_522 : memref<7680xf32, #tpu.memory_space<hbm>>) target_semaphore(%arg14 : memref<!tpu.dma_semaphore, #tpu.memory_space<semaphore_mem>>)
    %dma_start3A_525 = arith.constant 0 : i32
    %dma_start3A_526 = tpu.memref_slice %arg8[%dma_start3A_525] : memref<7680xi32, #tpu.memory_space<vmem>> -> memref<7680xi32, #tpu.memory_space<vmem>>
    %dma_start3A_527 = arith.constant 84480 : i32
    %dma_start3A_528 = tpu.memref_slice %arg3[%dma_start3A_527] : memref<98304xi32, #tpu.memory_space<hbm>> -> memref<7680xi32, #tpu.memory_space<hbm>>
    %dma_start3A_529 = arith.constant 0 : i32
    %dma_start3A_530 = tpu.memref_slice %arg8[%dma_start3A_529] : memref<7680xi32, #tpu.memory_space<vmem>> -> memref<7680xi32, #tpu.memory_space<vmem>>
    %dma_start3A_531 = arith.constant 84480 : i32
    %dma_start3A_532 = tpu.memref_slice %arg3[%dma_start3A_531] : memref<98304xi32, #tpu.memory_space<hbm>> -> memref<7680xi32, #tpu.memory_space<hbm>>
    tpu.enqueue_dma source(%dma_start3A_532 : memref<7680xi32, #tpu.memory_space<hbm>>) target(%dma_start3A_530 : memref<7680xi32, #tpu.memory_space<vmem>>) target_semaphore(%arg12 : memref<!tpu.dma_semaphore, #tpu.memory_space<semaphore_mem>>)
    %dma_wait3A_533 = arith.constant 0 : i32
    %dma_wait3A_534 = tpu.memref_slice %arg9[%dma_wait3A_533] : memref<7680xi32, #tpu.memory_space<vmem>> -> memref<7680xi32, #tpu.memory_space<vmem>>
    %dma_wait3A_535 = arith.constant 76800 : i32
    %dma_wait3A_536 = tpu.memref_slice %arg3[%dma_wait3A_535] : memref<98304xi32, #tpu.memory_space<hbm>> -> memref<7680xi32, #tpu.memory_space<hbm>>
    %dma_wait3A_537 = arith.constant 0 : i32
    %dma_wait3A_538 = tpu.memref_slice %arg9[%dma_wait3A_537] : memref<7680xi32, #tpu.memory_space<vmem>> -> memref<7680xi32, #tpu.memory_space<vmem>>
    %dma_wait3A_539 = arith.constant 76800 : i32
    %dma_wait3A_540 = tpu.memref_slice %arg3[%dma_wait3A_539] : memref<98304xi32, #tpu.memory_space<hbm>> -> memref<7680xi32, #tpu.memory_space<hbm>>
    tpu.wait_dma2 semaphore(%arg13 : memref<!tpu.dma_semaphore, #tpu.memory_space<semaphore_mem>>) src(%dma_wait3A_540 : memref<7680xi32, #tpu.memory_space<hbm>>) dst(%dma_wait3A_538 : memref<7680xi32, #tpu.memory_space<vmem>>)
    %dma_wait3A_541 = arith.constant 0 : i32
    %dma_wait3A_542 = tpu.memref_slice %arg11[%dma_wait3A_541] : memref<7680xf32, #tpu.memory_space<vmem>> -> memref<7680xf32, #tpu.memory_space<vmem>>
    %dma_wait3A_543 = arith.constant 77824 : i32
    %dma_wait3A_544 = tpu.memref_slice %arg6[%add3A_4, %dma_wait3A_543] : memref<64x114688xf32, #tpu.memory_space<hbm>> -> memref<1x7680xf32, #tpu.memory_space<hbm>>
    %dma_wait3A_545 = tpu.memref_squeeze %dma_wait3A_544 : memref<1x7680xf32, #tpu.memory_space<hbm>> -> memref<7680xf32, #tpu.memory_space<hbm>>
    %dma_wait3A_546 = arith.constant 77824 : i32
    %dma_wait3A_547 = tpu.memref_slice %arg6[%add3A_4, %dma_wait3A_546] : memref<64x114688xf32, #tpu.memory_space<hbm>> -> memref<1x7680xf32, #tpu.memory_space<hbm>>
    %dma_wait3A_548 = tpu.memref_squeeze %dma_wait3A_547 : memref<1x7680xf32, #tpu.memory_space<hbm>> -> memref<7680xf32, #tpu.memory_space<hbm>>
    %dma_wait3A_549 = arith.constant 0 : i32
    %dma_wait3A_550 = tpu.memref_slice %arg11[%dma_wait3A_549] : memref<7680xf32, #tpu.memory_space<vmem>> -> memref<7680xf32, #tpu.memory_space<vmem>>
    tpu.wait_dma2 semaphore(%arg15 : memref<!tpu.dma_semaphore, #tpu.memory_space<semaphore_mem>>) src(%dma_wait3A_550 : memref<7680xf32, #tpu.memory_space<vmem>>) dst(%dma_wait3A_548 : memref<7680xf32, #tpu.memory_space<hbm>>)
    %parallel_loop3A_551 = arith.constant 0 : i32
    %parallel_loop3A_552 = arith.constant 7680 : i32
    %parallel_loop3A_553 = arith.constant 64 : i32
    scf.for %parallel_loop3A_1302 = %parallel_loop3A_551 to %parallel_loop3A_552 step %parallel_loop3A_553  : i32 {
      %parallel_loop3A_1303 = arith.constant 0 : i32
      %parallel_loop3A_1304 = arith.addi %parallel_loop3A_1302, %parallel_loop3A_1303 : i32
      %parallel_loop3A_1305 = arith.index_cast %parallel_loop3A_1304 : i32 to index
      %parallel_loop3A_1306 = tpu.vector_load %arg9[%parallel_loop3A_1305] {strides = array<i32>} : memref<7680xi32, #tpu.memory_space<vmem>>, vector<16xi32>,
      %parallel_loop3A_1307 = arith.constant 16 : i32
      %parallel_loop3A_1308 = arith.addi %parallel_loop3A_1302, %parallel_loop3A_1307 : i32
      %parallel_loop3A_1309 = arith.index_cast %parallel_loop3A_1308 : i32 to index
      %parallel_loop3A_1310 = tpu.vector_load %arg9[%parallel_loop3A_1309] {strides = array<i32>} : memref<7680xi32, #tpu.memory_space<vmem>>, vector<16xi32>,
      %parallel_loop3A_1311 = arith.constant 32 : i32
      %parallel_loop3A_1312 = arith.addi %parallel_loop3A_1302, %parallel_loop3A_1311 : i32
      %parallel_loop3A_1313 = arith.index_cast %parallel_loop3A_1312 : i32 to index
      %parallel_loop3A_1314 = tpu.vector_load %arg9[%parallel_loop3A_1313] {strides = array<i32>} : memref<7680xi32, #tpu.memory_space<vmem>>, vector<16xi32>,
      %parallel_loop3A_1315 = arith.constant 48 : i32
      %parallel_loop3A_1316 = arith.addi %parallel_loop3A_1302, %parallel_loop3A_1315 : i32
      %parallel_loop3A_1317 = arith.index_cast %parallel_loop3A_1316 : i32 to index
      %parallel_loop3A_1318 = tpu.vector_load %arg9[%parallel_loop3A_1317] {strides = array<i32>} : memref<7680xi32, #tpu.memory_space<vmem>>, vector<16xi32>,
      %parallel_loop3A_1319 = tpu.vector_load_idx %arg7[%parallel_loop3A_1306] : memref<100000xf32, #tpu.memory_space<vmem>>[vector<16xi32>], vector<16xf32>,
      %parallel_loop3A_1320 = tpu.vector_load_idx %arg7[%parallel_loop3A_1310] : memref<100000xf32, #tpu.memory_space<vmem>>[vector<16xi32>], vector<16xf32>,
      %parallel_loop3A_1321 = tpu.vector_load_idx %arg7[%parallel_loop3A_1314] : memref<100000xf32, #tpu.memory_space<vmem>>[vector<16xi32>], vector<16xf32>,
      %parallel_loop3A_1322 = tpu.vector_load_idx %arg7[%parallel_loop3A_1318] : memref<100000xf32, #tpu.memory_space<vmem>>[vector<16xi32>], vector<16xf32>,
      %parallel_loop3A_1323 = arith.constant 0 : i32
      %parallel_loop3A_1324 = arith.addi %parallel_loop3A_1302, %parallel_loop3A_1323 : i32
      %parallel_loop3A_1325 = arith.index_cast %parallel_loop3A_1324 : i32 to index
      %parallel_loop3A_1326 = tpu.vector_load %arg11[%parallel_loop3A_1325] {strides = array<i32>} : memref<7680xf32, #tpu.memory_space<vmem>>, vector<16xf32>,
      tpu.vector_store %arg11[%parallel_loop3A_1325], %parallel_loop3A_1319 {strides = array<i32>} : memref<7680xf32, #tpu.memory_space<vmem>>, vector<16xf32>,
      %parallel_loop3A_1327 = arith.constant 16 : i32
      %parallel_loop3A_1328 = arith.addi %parallel_loop3A_1302, %parallel_loop3A_1327 : i32
      %parallel_loop3A_1329 = arith.index_cast %parallel_loop3A_1328 : i32 to index
      %parallel_loop3A_1330 = tpu.vector_load %arg11[%parallel_loop3A_1329] {strides = array<i32>} : memref<7680xf32, #tpu.memory_space<vmem>>, vector<16xf32>,
      tpu.vector_store %arg11[%parallel_loop3A_1329], %parallel_loop3A_1320 {strides = array<i32>} : memref<7680xf32, #tpu.memory_space<vmem>>, vector<16xf32>,
      %parallel_loop3A_1331 = arith.constant 32 : i32
      %parallel_loop3A_1332 = arith.addi %parallel_loop3A_1302, %parallel_loop3A_1331 : i32
      %parallel_loop3A_1333 = arith.index_cast %parallel_loop3A_1332 : i32 to index
      %parallel_loop3A_1334 = tpu.vector_load %arg11[%parallel_loop3A_1333] {strides = array<i32>} : memref<7680xf32, #tpu.memory_space<vmem>>, vector<16xf32>,
      tpu.vector_store %arg11[%parallel_loop3A_1333], %parallel_loop3A_1321 {strides = array<i32>} : memref<7680xf32, #tpu.memory_space<vmem>>, vector<16xf32>,
      %parallel_loop3A_1335 = arith.constant 48 : i32
      %parallel_loop3A_1336 = arith.addi %parallel_loop3A_1302, %parallel_loop3A_1335 : i32
      %parallel_loop3A_1337 = arith.index_cast %parallel_loop3A_1336 : i32 to index
      %parallel_loop3A_1338 = tpu.vector_load %arg11[%parallel_loop3A_1337] {strides = array<i32>} : memref<7680xf32, #tpu.memory_space<vmem>>, vector<16xf32>,
      tpu.vector_store %arg11[%parallel_loop3A_1337], %parallel_loop3A_1322 {strides = array<i32>} : memref<7680xf32, #tpu.memory_space<vmem>>, vector<16xf32>,
    } {sc.loop_unroll_factor = 2 : i64, sc.parallel_access}
    %dma_start3A_554 = arith.constant 0 : i32
    %dma_start3A_555 = tpu.memref_slice %arg11[%dma_start3A_554] : memref<7680xf32, #tpu.memory_space<vmem>> -> memref<7680xf32, #tpu.memory_space<vmem>>
    %dma_start3A_556 = arith.constant 93184 : i32
    %dma_start3A_557 = tpu.memref_slice %arg6[%add3A_4, %dma_start3A_556] : memref<64x114688xf32, #tpu.memory_space<hbm>> -> memref<1x7680xf32, #tpu.memory_space<hbm>>
    %dma_start3A_558 = tpu.memref_squeeze %dma_start3A_557 : memref<1x7680xf32, #tpu.memory_space<hbm>> -> memref<7680xf32, #tpu.memory_space<hbm>>
    %dma_start3A_559 = arith.constant 93184 : i32
    %dma_start3A_560 = tpu.memref_slice %arg6[%add3A_4, %dma_start3A_559] : memref<64x114688xf32, #tpu.memory_space<hbm>> -> memref<1x7680xf32, #tpu.memory_space<hbm>>
    %dma_start3A_561 = tpu.memref_squeeze %dma_start3A_560 : memref<1x7680xf32, #tpu.memory_space<hbm>> -> memref<7680xf32, #tpu.memory_space<hbm>>
    %dma_start3A_562 = arith.constant 0 : i32
    %dma_start3A_563 = tpu.memref_slice %arg11[%dma_start3A_562] : memref<7680xf32, #tpu.memory_space<vmem>> -> memref<7680xf32, #tpu.memory_space<vmem>>
    tpu.enqueue_dma source(%dma_start3A_563 : memref<7680xf32, #tpu.memory_space<vmem>>) target(%dma_start3A_561 : memref<7680xf32, #tpu.memory_space<hbm>>) target_semaphore(%arg15 : memref<!tpu.dma_semaphore, #tpu.memory_space<semaphore_mem>>)
    %dma_start3A_564 = arith.constant 0 : i32
    %dma_start3A_565 = tpu.memref_slice %arg9[%dma_start3A_564] : memref<7680xi32, #tpu.memory_space<vmem>> -> memref<6144xi32, #tpu.memory_space<vmem>>
    %dma_start3A_566 = arith.constant 92160 : i32
    %dma_start3A_567 = tpu.memref_slice %arg3[%dma_start3A_566] : memref<98304xi32, #tpu.memory_space<hbm>> -> memref<6144xi32, #tpu.memory_space<hbm>>
    %dma_start3A_568 = arith.constant 0 : i32
    %dma_start3A_569 = tpu.memref_slice %arg9[%dma_start3A_568] : memref<7680xi32, #tpu.memory_space<vmem>> -> memref<6144xi32, #tpu.memory_space<vmem>>
    %dma_start3A_570 = arith.constant 92160 : i32
    %dma_start3A_571 = tpu.memref_slice %arg3[%dma_start3A_570] : memref<98304xi32, #tpu.memory_space<hbm>> -> memref<6144xi32, #tpu.memory_space<hbm>>
    tpu.enqueue_dma source(%dma_start3A_571 : memref<6144xi32, #tpu.memory_space<hbm>>) target(%dma_start3A_569 : memref<6144xi32, #tpu.memory_space<vmem>>) target_semaphore(%arg13 : memref<!tpu.dma_semaphore, #tpu.memory_space<semaphore_mem>>)
    %dma_wait3A_572 = arith.constant 0 : i32
    %dma_wait3A_573 = tpu.memref_slice %arg8[%dma_wait3A_572] : memref<7680xi32, #tpu.memory_space<vmem>> -> memref<7680xi32, #tpu.memory_space<vmem>>
    %dma_wait3A_574 = arith.constant 84480 : i32
    %dma_wait3A_575 = tpu.memref_slice %arg3[%dma_wait3A_574] : memref<98304xi32, #tpu.memory_space<hbm>> -> memref<7680xi32, #tpu.memory_space<hbm>>
    %dma_wait3A_576 = arith.constant 0 : i32
    %dma_wait3A_577 = tpu.memref_slice %arg8[%dma_wait3A_576] : memref<7680xi32, #tpu.memory_space<vmem>> -> memref<7680xi32, #tpu.memory_space<vmem>>
    %dma_wait3A_578 = arith.constant 84480 : i32
    %dma_wait3A_579 = tpu.memref_slice %arg3[%dma_wait3A_578] : memref<98304xi32, #tpu.memory_space<hbm>> -> memref<7680xi32, #tpu.memory_space<hbm>>
    tpu.wait_dma2 semaphore(%arg12 : memref<!tpu.dma_semaphore, #tpu.memory_space<semaphore_mem>>) src(%dma_wait3A_579 : memref<7680xi32, #tpu.memory_space<hbm>>) dst(%dma_wait3A_577 : memref<7680xi32, #tpu.memory_space<vmem>>)
    %dma_wait3A_580 = arith.constant 0 : i32
    %dma_wait3A_581 = tpu.memref_slice %arg10[%dma_wait3A_580] : memref<7680xf32, #tpu.memory_space<vmem>> -> memref<7680xf32, #tpu.memory_space<vmem>>
    %dma_wait3A_582 = arith.constant 85504 : i32
    %dma_wait3A_583 = tpu.memref_slice %arg6[%add3A_4, %dma_wait3A_582] : memref<64x114688xf32, #tpu.memory_space<hbm>> -> memref<1x7680xf32, #tpu.memory_space<hbm>>
    %dma_wait3A_584 = tpu.memref_squeeze %dma_wait3A_583 : memref<1x7680xf32, #tpu.memory_space<hbm>> -> memref<7680xf32, #tpu.memory_space<hbm>>
    %dma_wait3A_585 = arith.constant 85504 : i32
    %dma_wait3A_586 = tpu.memref_slice %arg6[%add3A_4, %dma_wait3A_585] : memref<64x114688xf32, #tpu.memory_space<hbm>> -> memref<1x7680xf32, #tpu.memory_space<hbm>>
    %dma_wait3A_587 = tpu.memref_squeeze %dma_wait3A_586 : memref<1x7680xf32, #tpu.memory_space<hbm>> -> memref<7680xf32, #tpu.memory_space<hbm>>
    %dma_wait3A_588 = arith.constant 0 : i32
    %dma_wait3A_589 = tpu.memref_slice %arg10[%dma_wait3A_588] : memref<7680xf32, #tpu.memory_space<vmem>> -> memref<7680xf32, #tpu.memory_space<vmem>>
    tpu.wait_dma2 semaphore(%arg14 : memref<!tpu.dma_semaphore, #tpu.memory_space<semaphore_mem>>) src(%dma_wait3A_589 : memref<7680xf32, #tpu.memory_space<vmem>>) dst(%dma_wait3A_587 : memref<7680xf32, #tpu.memory_space<hbm>>)
    %parallel_loop3A_590 = arith.constant 0 : i32
    %parallel_loop3A_591 = arith.constant 7680 : i32
    %parallel_loop3A_592 = arith.constant 64 : i32
    scf.for %parallel_loop3A_1302 = %parallel_loop3A_590 to %parallel_loop3A_591 step %parallel_loop3A_592  : i32 {
      %parallel_loop3A_1303 = arith.constant 0 : i32
      %parallel_loop3A_1304 = arith.addi %parallel_loop3A_1302, %parallel_loop3A_1303 : i32
      %parallel_loop3A_1305 = arith.index_cast %parallel_loop3A_1304 : i32 to index
      %parallel_loop3A_1306 = tpu.vector_load %arg8[%parallel_loop3A_1305] {strides = array<i32>} : memref<7680xi32, #tpu.memory_space<vmem>>, vector<16xi32>,
      %parallel_loop3A_1307 = arith.constant 16 : i32
      %parallel_loop3A_1308 = arith.addi %parallel_loop3A_1302, %parallel_loop3A_1307 : i32
      %parallel_loop3A_1309 = arith.index_cast %parallel_loop3A_1308 : i32 to index
      %parallel_loop3A_1310 = tpu.vector_load %arg8[%parallel_loop3A_1309] {strides = array<i32>} : memref<7680xi32, #tpu.memory_space<vmem>>, vector<16xi32>,
      %parallel_loop3A_1311 = arith.constant 32 : i32
      %parallel_loop3A_1312 = arith.addi %parallel_loop3A_1302, %parallel_loop3A_1311 : i32
      %parallel_loop3A_1313 = arith.index_cast %parallel_loop3A_1312 : i32 to index
      %parallel_loop3A_1314 = tpu.vector_load %arg8[%parallel_loop3A_1313] {strides = array<i32>} : memref<7680xi32, #tpu.memory_space<vmem>>, vector<16xi32>,
      %parallel_loop3A_1315 = arith.constant 48 : i32
      %parallel_loop3A_1316 = arith.addi %parallel_loop3A_1302, %parallel_loop3A_1315 : i32
      %parallel_loop3A_1317 = arith.index_cast %parallel_loop3A_1316 : i32 to index
      %parallel_loop3A_1318 = tpu.vector_load %arg8[%parallel_loop3A_1317] {strides = array<i32>} : memref<7680xi32, #tpu.memory_space<vmem>>, vector<16xi32>,
      %parallel_loop3A_1319 = tpu.vector_load_idx %arg7[%parallel_loop3A_1306] : memref<100000xf32, #tpu.memory_space<vmem>>[vector<16xi32>], vector<16xf32>,
      %parallel_loop3A_1320 = tpu.vector_load_idx %arg7[%parallel_loop3A_1310] : memref<100000xf32, #tpu.memory_space<vmem>>[vector<16xi32>], vector<16xf32>,
      %parallel_loop3A_1321 = tpu.vector_load_idx %arg7[%parallel_loop3A_1314] : memref<100000xf32, #tpu.memory_space<vmem>>[vector<16xi32>], vector<16xf32>,
      %parallel_loop3A_1322 = tpu.vector_load_idx %arg7[%parallel_loop3A_1318] : memref<100000xf32, #tpu.memory_space<vmem>>[vector<16xi32>], vector<16xf32>,
      %parallel_loop3A_1323 = arith.constant 0 : i32
      %parallel_loop3A_1324 = arith.addi %parallel_loop3A_1302, %parallel_loop3A_1323 : i32
      %parallel_loop3A_1325 = arith.index_cast %parallel_loop3A_1324 : i32 to index
      %parallel_loop3A_1326 = tpu.vector_load %arg10[%parallel_loop3A_1325] {strides = array<i32>} : memref<7680xf32, #tpu.memory_space<vmem>>, vector<16xf32>,
      tpu.vector_store %arg10[%parallel_loop3A_1325], %parallel_loop3A_1319 {strides = array<i32>} : memref<7680xf32, #tpu.memory_space<vmem>>, vector<16xf32>,
      %parallel_loop3A_1327 = arith.constant 16 : i32
      %parallel_loop3A_1328 = arith.addi %parallel_loop3A_1302, %parallel_loop3A_1327 : i32
      %parallel_loop3A_1329 = arith.index_cast %parallel_loop3A_1328 : i32 to index
      %parallel_loop3A_1330 = tpu.vector_load %arg10[%parallel_loop3A_1329] {strides = array<i32>} : memref<7680xf32, #tpu.memory_space<vmem>>, vector<16xf32>,
      tpu.vector_store %arg10[%parallel_loop3A_1329], %parallel_loop3A_1320 {strides = array<i32>} : memref<7680xf32, #tpu.memory_space<vmem>>, vector<16xf32>,
      %parallel_loop3A_1331 = arith.constant 32 : i32
      %parallel_loop3A_1332 = arith.addi %parallel_loop3A_1302, %parallel_loop3A_1331 : i32
      %parallel_loop3A_1333 = arith.index_cast %parallel_loop3A_1332 : i32 to index
      %parallel_loop3A_1334 = tpu.vector_load %arg10[%parallel_loop3A_1333] {strides = array<i32>} : memref<7680xf32, #tpu.memory_space<vmem>>, vector<16xf32>,
      tpu.vector_store %arg10[%parallel_loop3A_1333], %parallel_loop3A_1321 {strides = array<i32>} : memref<7680xf32, #tpu.memory_space<vmem>>, vector<16xf32>,
      %parallel_loop3A_1335 = arith.constant 48 : i32
      %parallel_loop3A_1336 = arith.addi %parallel_loop3A_1302, %parallel_loop3A_1335 : i32
      %parallel_loop3A_1337 = arith.index_cast %parallel_loop3A_1336 : i32 to index
      %parallel_loop3A_1338 = tpu.vector_load %arg10[%parallel_loop3A_1337] {strides = array<i32>} : memref<7680xf32, #tpu.memory_space<vmem>>, vector<16xf32>,
      tpu.vector_store %arg10[%parallel_loop3A_1337], %parallel_loop3A_1322 {strides = array<i32>} : memref<7680xf32, #tpu.memory_space<vmem>>, vector<16xf32>,
    } {sc.loop_unroll_factor = 2 : i64, sc.parallel_access}
    %dma_start3A_593 = arith.constant 0 : i32
    %dma_start3A_594 = tpu.memref_slice %arg10[%dma_start3A_593] : memref<7680xf32, #tpu.memory_space<vmem>> -> memref<7680xf32, #tpu.memory_space<vmem>>
    %dma_start3A_595 = arith.constant 100864 : i32
    %dma_start3A_596 = tpu.memref_slice %arg6[%add3A_4, %dma_start3A_595] : memref<64x114688xf32, #tpu.memory_space<hbm>> -> memref<1x7680xf32, #tpu.memory_space<hbm>>
    %dma_start3A_597 = tpu.memref_squeeze %dma_start3A_596 : memref<1x7680xf32, #tpu.memory_space<hbm>> -> memref<7680xf32, #tpu.memory_space<hbm>>
    %dma_start3A_598 = arith.constant 100864 : i32
    %dma_start3A_599 = tpu.memref_slice %arg6[%add3A_4, %dma_start3A_598] : memref<64x114688xf32, #tpu.memory_space<hbm>> -> memref<1x7680xf32, #tpu.memory_space<hbm>>
    %dma_start3A_600 = tpu.memref_squeeze %dma_start3A_599 : memref<1x7680xf32, #tpu.memory_space<hbm>> -> memref<7680xf32, #tpu.memory_space<hbm>>
    %dma_start3A_601 = arith.constant 0 : i32
    %dma_start3A_602 = tpu.memref_slice %arg10[%dma_start3A_601] : memref<7680xf32, #tpu.memory_space<vmem>> -> memref<7680xf32, #tpu.memory_space<vmem>>
    tpu.enqueue_dma source(%dma_start3A_602 : memref<7680xf32, #tpu.memory_space<vmem>>) target(%dma_start3A_600 : memref<7680xf32, #tpu.memory_space<hbm>>) target_semaphore(%arg14 : memref<!tpu.dma_semaphore, #tpu.memory_space<semaphore_mem>>)
    %dma_wait3A_603 = arith.constant 0 : i32
    %dma_wait3A_604 = tpu.memref_slice %arg9[%dma_wait3A_603] : memref<7680xi32, #tpu.memory_space<vmem>> -> memref<6144xi32, #tpu.memory_space<vmem>>
    %dma_wait3A_605 = arith.constant 92160 : i32
    %dma_wait3A_606 = tpu.memref_slice %arg3[%dma_wait3A_605] : memref<98304xi32, #tpu.memory_space<hbm>> -> memref<6144xi32, #tpu.memory_space<hbm>>
    %dma_wait3A_607 = arith.constant 0 : i32
    %dma_wait3A_608 = tpu.memref_slice %arg9[%dma_wait3A_607] : memref<7680xi32, #tpu.memory_space<vmem>> -> memref<6144xi32, #tpu.memory_space<vmem>>
    %dma_wait3A_609 = arith.constant 92160 : i32
    %dma_wait3A_610 = tpu.memref_slice %arg3[%dma_wait3A_609] : memref<98304xi32, #tpu.memory_space<hbm>> -> memref<6144xi32, #tpu.memory_space<hbm>>
    tpu.wait_dma2 semaphore(%arg13 : memref<!tpu.dma_semaphore, #tpu.memory_space<semaphore_mem>>) src(%dma_wait3A_610 : memref<6144xi32, #tpu.memory_space<hbm>>) dst(%dma_wait3A_608 : memref<6144xi32, #tpu.memory_space<vmem>>)
    %dma_wait3A_611 = arith.constant 0 : i32
    %dma_wait3A_612 = tpu.memref_slice %arg11[%dma_wait3A_611] : memref<7680xf32, #tpu.memory_space<vmem>> -> memref<7680xf32, #tpu.memory_space<vmem>>
    %dma_wait3A_613 = arith.constant 93184 : i32
    %dma_wait3A_614 = tpu.memref_slice %arg6[%add3A_4, %dma_wait3A_613] : memref<64x114688xf32, #tpu.memory_space<hbm>> -> memref<1x7680xf32, #tpu.memory_space<hbm>>
    %dma_wait3A_615 = tpu.memref_squeeze %dma_wait3A_614 : memref<1x7680xf32, #tpu.memory_space<hbm>> -> memref<7680xf32, #tpu.memory_space<hbm>>
    %dma_wait3A_616 = arith.constant 93184 : i32
    %dma_wait3A_617 = tpu.memref_slice %arg6[%add3A_4, %dma_wait3A_616] : memref<64x114688xf32, #tpu.memory_space<hbm>> -> memref<1x7680xf32, #tpu.memory_space<hbm>>
    %dma_wait3A_618 = tpu.memref_squeeze %dma_wait3A_617 : memref<1x7680xf32, #tpu.memory_space<hbm>> -> memref<7680xf32, #tpu.memory_space<hbm>>
    %dma_wait3A_619 = arith.constant 0 : i32
    %dma_wait3A_620 = tpu.memref_slice %arg11[%dma_wait3A_619] : memref<7680xf32, #tpu.memory_space<vmem>> -> memref<7680xf32, #tpu.memory_space<vmem>>
    tpu.wait_dma2 semaphore(%arg15 : memref<!tpu.dma_semaphore, #tpu.memory_space<semaphore_mem>>) src(%dma_wait3A_620 : memref<7680xf32, #tpu.memory_space<vmem>>) dst(%dma_wait3A_618 : memref<7680xf32, #tpu.memory_space<hbm>>)
    %parallel_loop3A_621 = arith.constant 0 : i32
    %parallel_loop3A_622 = arith.constant 6144 : i32
    %parallel_loop3A_623 = arith.constant 64 : i32
    scf.for %parallel_loop3A_1302 = %parallel_loop3A_621 to %parallel_loop3A_622 step %parallel_loop3A_623  : i32 {
      %parallel_loop3A_1303 = arith.constant 0 : i32
      %parallel_loop3A_1304 = arith.addi %parallel_loop3A_1302, %parallel_loop3A_1303 : i32
      %parallel_loop3A_1305 = arith.index_cast %parallel_loop3A_1304 : i32 to index
      %parallel_loop3A_1306 = tpu.vector_load %arg9[%parallel_loop3A_1305] {strides = array<i32>} : memref<7680xi32, #tpu.memory_space<vmem>>, vector<16xi32>,
      %parallel_loop3A_1307 = arith.constant 16 : i32
      %parallel_loop3A_1308 = arith.addi %parallel_loop3A_1302, %parallel_loop3A_1307 : i32
      %parallel_loop3A_1309 = arith.index_cast %parallel_loop3A_1308 : i32 to index
      %parallel_loop3A_1310 = tpu.vector_load %arg9[%parallel_loop3A_1309] {strides = array<i32>} : memref<7680xi32, #tpu.memory_space<vmem>>, vector<16xi32>,
      %parallel_loop3A_1311 = arith.constant 32 : i32
      %parallel_loop3A_1312 = arith.addi %parallel_loop3A_1302, %parallel_loop3A_1311 : i32
      %parallel_loop3A_1313 = arith.index_cast %parallel_loop3A_1312 : i32 to index
      %parallel_loop3A_1314 = tpu.vector_load %arg9[%parallel_loop3A_1313] {strides = array<i32>} : memref<7680xi32, #tpu.memory_space<vmem>>, vector<16xi32>,
      %parallel_loop3A_1315 = arith.constant 48 : i32
      %parallel_loop3A_1316 = arith.addi %parallel_loop3A_1302, %parallel_loop3A_1315 : i32
      %parallel_loop3A_1317 = arith.index_cast %parallel_loop3A_1316 : i32 to index
      %parallel_loop3A_1318 = tpu.vector_load %arg9[%parallel_loop3A_1317] {strides = array<i32>} : memref<7680xi32, #tpu.memory_space<vmem>>, vector<16xi32>,
      %parallel_loop3A_1319 = tpu.vector_load_idx %arg7[%parallel_loop3A_1306] : memref<100000xf32, #tpu.memory_space<vmem>>[vector<16xi32>], vector<16xf32>,
      %parallel_loop3A_1320 = tpu.vector_load_idx %arg7[%parallel_loop3A_1310] : memref<100000xf32, #tpu.memory_space<vmem>>[vector<16xi32>], vector<16xf32>,
      %parallel_loop3A_1321 = tpu.vector_load_idx %arg7[%parallel_loop3A_1314] : memref<100000xf32, #tpu.memory_space<vmem>>[vector<16xi32>], vector<16xf32>,
      %parallel_loop3A_1322 = tpu.vector_load_idx %arg7[%parallel_loop3A_1318] : memref<100000xf32, #tpu.memory_space<vmem>>[vector<16xi32>], vector<16xf32>,
      %parallel_loop3A_1323 = arith.constant 0 : i32
      %parallel_loop3A_1324 = arith.addi %parallel_loop3A_1302, %parallel_loop3A_1323 : i32
      %parallel_loop3A_1325 = arith.index_cast %parallel_loop3A_1324 : i32 to index
      %parallel_loop3A_1326 = tpu.vector_load %arg11[%parallel_loop3A_1325] {strides = array<i32>} : memref<7680xf32, #tpu.memory_space<vmem>>, vector<16xf32>,
      tpu.vector_store %arg11[%parallel_loop3A_1325], %parallel_loop3A_1319 {strides = array<i32>} : memref<7680xf32, #tpu.memory_space<vmem>>, vector<16xf32>,
      %parallel_loop3A_1327 = arith.constant 16 : i32
      %parallel_loop3A_1328 = arith.addi %parallel_loop3A_1302, %parallel_loop3A_1327 : i32
      %parallel_loop3A_1329 = arith.index_cast %parallel_loop3A_1328 : i32 to index
      %parallel_loop3A_1330 = tpu.vector_load %arg11[%parallel_loop3A_1329] {strides = array<i32>} : memref<7680xf32, #tpu.memory_space<vmem>>, vector<16xf32>,
      tpu.vector_store %arg11[%parallel_loop3A_1329], %parallel_loop3A_1320 {strides = array<i32>} : memref<7680xf32, #tpu.memory_space<vmem>>, vector<16xf32>,
      %parallel_loop3A_1331 = arith.constant 32 : i32
      %parallel_loop3A_1332 = arith.addi %parallel_loop3A_1302, %parallel_loop3A_1331 : i32
      %parallel_loop3A_1333 = arith.index_cast %parallel_loop3A_1332 : i32 to index
      %parallel_loop3A_1334 = tpu.vector_load %arg11[%parallel_loop3A_1333] {strides = array<i32>} : memref<7680xf32, #tpu.memory_space<vmem>>, vector<16xf32>,
      tpu.vector_store %arg11[%parallel_loop3A_1333], %parallel_loop3A_1321 {strides = array<i32>} : memref<7680xf32, #tpu.memory_space<vmem>>, vector<16xf32>,
      %parallel_loop3A_1335 = arith.constant 48 : i32
      %parallel_loop3A_1336 = arith.addi %parallel_loop3A_1302, %parallel_loop3A_1335 : i32
      %parallel_loop3A_1337 = arith.index_cast %parallel_loop3A_1336 : i32 to index
      %parallel_loop3A_1338 = tpu.vector_load %arg11[%parallel_loop3A_1337] {strides = array<i32>} : memref<7680xf32, #tpu.memory_space<vmem>>, vector<16xf32>,
      tpu.vector_store %arg11[%parallel_loop3A_1337], %parallel_loop3A_1322 {strides = array<i32>} : memref<7680xf32, #tpu.memory_space<vmem>>, vector<16xf32>,
    } {sc.loop_unroll_factor = 2 : i64, sc.parallel_access}
    %dma_start3A_624 = arith.constant 0 : i32
    %dma_start3A_625 = tpu.memref_slice %arg8[%dma_start3A_624] : memref<7680xi32, #tpu.memory_space<vmem>> -> memref<7680xi32, #tpu.memory_space<vmem>>
    %dma_start3A_626 = arith.constant 0 : i32
    %dma_start3A_627 = tpu.memref_slice %arg2[%dma_start3A_626] : memref<16384xi32, #tpu.memory_space<hbm>> -> memref<7680xi32, #tpu.memory_space<hbm>>
    %dma_start3A_628 = arith.constant 0 : i32
    %dma_start3A_629 = tpu.memref_slice %arg8[%dma_start3A_628] : memref<7680xi32, #tpu.memory_space<vmem>> -> memref<7680xi32, #tpu.memory_space<vmem>>
    %dma_start3A_630 = arith.constant 0 : i32
    %dma_start3A_631 = tpu.memref_slice %arg2[%dma_start3A_630] : memref<16384xi32, #tpu.memory_space<hbm>> -> memref<7680xi32, #tpu.memory_space<hbm>>
    tpu.enqueue_dma source(%dma_start3A_631 : memref<7680xi32, #tpu.memory_space<hbm>>) target(%dma_start3A_629 : memref<7680xi32, #tpu.memory_space<vmem>>) target_semaphore(%arg12 : memref<!tpu.dma_semaphore, #tpu.memory_space<semaphore_mem>>)
    %dma_start3A_632 = arith.constant 0 : i32
    %dma_start3A_633 = tpu.memref_slice %arg4[%add3A_8, %dma_start3A_632] : memref<64x100000xf32, #tpu.memory_space<hbm>> -> memref<1x100000xf32, #tpu.memory_space<hbm>>
    %dma_start3A_634 = tpu.memref_squeeze %dma_start3A_633 : memref<1x100000xf32, #tpu.memory_space<hbm>> -> memref<100000xf32, #tpu.memory_space<hbm>>
    %dma_start3A_635 = arith.constant 0 : i32
    %dma_start3A_636 = tpu.memref_slice %arg4[%add3A_8, %dma_start3A_635] : memref<64x100000xf32, #tpu.memory_space<hbm>> -> memref<1x100000xf32, #tpu.memory_space<hbm>>
    %dma_start3A_637 = tpu.memref_squeeze %dma_start3A_636 : memref<1x100000xf32, #tpu.memory_space<hbm>> -> memref<100000xf32, #tpu.memory_space<hbm>>
    tpu.enqueue_dma source(%dma_start3A_637 : memref<100000xf32, #tpu.memory_space<hbm>>) target(%arg7 : memref<100000xf32, #tpu.memory_space<vmem>>) target_semaphore(%arg16 : memref<!tpu.dma_semaphore, #tpu.memory_space<semaphore_mem>>)
    %dma_start3A_638 = arith.constant 0 : i32
    %dma_start3A_639 = tpu.memref_slice %arg11[%dma_start3A_638] : memref<7680xf32, #tpu.memory_space<vmem>> -> memref<6144xf32, #tpu.memory_space<vmem>>
    %dma_start3A_640 = arith.constant 108544 : i32
    %dma_start3A_641 = tpu.memref_slice %arg6[%add3A_4, %dma_start3A_640] : memref<64x114688xf32, #tpu.memory_space<hbm>> -> memref<1x6144xf32, #tpu.memory_space<hbm>>
    %dma_start3A_642 = tpu.memref_squeeze %dma_start3A_641 : memref<1x6144xf32, #tpu.memory_space<hbm>> -> memref<6144xf32, #tpu.memory_space<hbm>>
    %dma_start3A_643 = arith.constant 108544 : i32
    %dma_start3A_644 = tpu.memref_slice %arg6[%add3A_4, %dma_start3A_643] : memref<64x114688xf32, #tpu.memory_space<hbm>> -> memref<1x6144xf32, #tpu.memory_space<hbm>>
    %dma_start3A_645 = tpu.memref_squeeze %dma_start3A_644 : memref<1x6144xf32, #tpu.memory_space<hbm>> -> memref<6144xf32, #tpu.memory_space<hbm>>
    %dma_start3A_646 = arith.constant 0 : i32
    %dma_start3A_647 = tpu.memref_slice %arg11[%dma_start3A_646] : memref<7680xf32, #tpu.memory_space<vmem>> -> memref<6144xf32, #tpu.memory_space<vmem>>
    tpu.enqueue_dma source(%dma_start3A_647 : memref<6144xf32, #tpu.memory_space<vmem>>) target(%dma_start3A_645 : memref<6144xf32, #tpu.memory_space<hbm>>) target_semaphore(%arg15 : memref<!tpu.dma_semaphore, #tpu.memory_space<semaphore_mem>>)
    %dma_wait3A_648 = arith.constant 0 : i32
    %dma_wait3A_649 = tpu.memref_slice %arg4[%add3A_8, %dma_wait3A_648] : memref<64x100000xf32, #tpu.memory_space<hbm>> -> memref<1x100000xf32, #tpu.memory_space<hbm>>
    %dma_wait3A_650 = tpu.memref_squeeze %dma_wait3A_649 : memref<1x100000xf32, #tpu.memory_space<hbm>> -> memref<100000xf32, #tpu.memory_space<hbm>>
    %dma_wait3A_651 = arith.constant 0 : i32
    %dma_wait3A_652 = tpu.memref_slice %arg4[%add3A_8, %dma_wait3A_651] : memref<64x100000xf32, #tpu.memory_space<hbm>> -> memref<1x100000xf32, #tpu.memory_space<hbm>>
    %dma_wait3A_653 = tpu.memref_squeeze %dma_wait3A_652 : memref<1x100000xf32, #tpu.memory_space<hbm>> -> memref<100000xf32, #tpu.memory_space<hbm>>
    tpu.wait_dma2 semaphore(%arg16 : memref<!tpu.dma_semaphore, #tpu.memory_space<semaphore_mem>>) src(%dma_wait3A_653 : memref<100000xf32, #tpu.memory_space<hbm>>) dst(%arg7 : memref<100000xf32, #tpu.memory_space<vmem>>)
    %dma_start3A_654 = arith.constant 0 : i32
    %dma_start3A_655 = tpu.memref_slice %arg9[%dma_start3A_654] : memref<7680xi32, #tpu.memory_space<vmem>> -> memref<7680xi32, #tpu.memory_space<vmem>>
    %dma_start3A_656 = arith.constant 7680 : i32
    %dma_start3A_657 = tpu.memref_slice %arg2[%dma_start3A_656] : memref<16384xi32, #tpu.memory_space<hbm>> -> memref<7680xi32, #tpu.memory_space<hbm>>
    %dma_start3A_658 = arith.constant 0 : i32
    %dma_start3A_659 = tpu.memref_slice %arg9[%dma_start3A_658] : memref<7680xi32, #tpu.memory_space<vmem>> -> memref<7680xi32, #tpu.memory_space<vmem>>
    %dma_start3A_660 = arith.constant 7680 : i32
    %dma_start3A_661 = tpu.memref_slice %arg2[%dma_start3A_660] : memref<16384xi32, #tpu.memory_space<hbm>> -> memref<7680xi32, #tpu.memory_space<hbm>>
    tpu.enqueue_dma source(%dma_start3A_661 : memref<7680xi32, #tpu.memory_space<hbm>>) target(%dma_start3A_659 : memref<7680xi32, #tpu.memory_space<vmem>>) target_semaphore(%arg13 : memref<!tpu.dma_semaphore, #tpu.memory_space<semaphore_mem>>)
    %dma_wait3A_662 = arith.constant 0 : i32
    %dma_wait3A_663 = tpu.memref_slice %arg8[%dma_wait3A_662] : memref<7680xi32, #tpu.memory_space<vmem>> -> memref<7680xi32, #tpu.memory_space<vmem>>
    %dma_wait3A_664 = arith.constant 0 : i32
    %dma_wait3A_665 = tpu.memref_slice %arg2[%dma_wait3A_664] : memref<16384xi32, #tpu.memory_space<hbm>> -> memref<7680xi32, #tpu.memory_space<hbm>>
    %dma_wait3A_666 = arith.constant 0 : i32
    %dma_wait3A_667 = tpu.memref_slice %arg8[%dma_wait3A_666] : memref<7680xi32, #tpu.memory_space<vmem>> -> memref<7680xi32, #tpu.memory_space<vmem>>
    %dma_wait3A_668 = arith.constant 0 : i32
    %dma_wait3A_669 = tpu.memref_slice %arg2[%dma_wait3A_668] : memref<16384xi32, #tpu.memory_space<hbm>> -> memref<7680xi32, #tpu.memory_space<hbm>>
    tpu.wait_dma2 semaphore(%arg12 : memref<!tpu.dma_semaphore, #tpu.memory_space<semaphore_mem>>) src(%dma_wait3A_669 : memref<7680xi32, #tpu.memory_space<hbm>>) dst(%dma_wait3A_667 : memref<7680xi32, #tpu.memory_space<vmem>>)
    %dma_wait3A_670 = arith.constant 0 : i32
    %dma_wait3A_671 = tpu.memref_slice %arg10[%dma_wait3A_670] : memref<7680xf32, #tpu.memory_space<vmem>> -> memref<7680xf32, #tpu.memory_space<vmem>>
    %dma_wait3A_672 = arith.constant 100864 : i32
    %dma_wait3A_673 = tpu.memref_slice %arg6[%add3A_4, %dma_wait3A_672] : memref<64x114688xf32, #tpu.memory_space<hbm>> -> memref<1x7680xf32, #tpu.memory_space<hbm>>
    %dma_wait3A_674 = tpu.memref_squeeze %dma_wait3A_673 : memref<1x7680xf32, #tpu.memory_space<hbm>> -> memref<7680xf32, #tpu.memory_space<hbm>>
    %dma_wait3A_675 = arith.constant 100864 : i32
    %dma_wait3A_676 = tpu.memref_slice %arg6[%add3A_4, %dma_wait3A_675] : memref<64x114688xf32, #tpu.memory_space<hbm>> -> memref<1x7680xf32, #tpu.memory_space<hbm>>
    %dma_wait3A_677 = tpu.memref_squeeze %dma_wait3A_676 : memref<1x7680xf32, #tpu.memory_space<hbm>> -> memref<7680xf32, #tpu.memory_space<hbm>>
    %dma_wait3A_678 = arith.constant 0 : i32
    %dma_wait3A_679 = tpu.memref_slice %arg10[%dma_wait3A_678] : memref<7680xf32, #tpu.memory_space<vmem>> -> memref<7680xf32, #tpu.memory_space<vmem>>
    tpu.wait_dma2 semaphore(%arg14 : memref<!tpu.dma_semaphore, #tpu.memory_space<semaphore_mem>>) src(%dma_wait3A_679 : memref<7680xf32, #tpu.memory_space<vmem>>) dst(%dma_wait3A_677 : memref<7680xf32, #tpu.memory_space<hbm>>)
    %parallel_loop3A_680 = arith.constant 0 : i32
    %parallel_loop3A_681 = arith.constant 7680 : i32
    %parallel_loop3A_682 = arith.constant 64 : i32
    scf.for %parallel_loop3A_1302 = %parallel_loop3A_680 to %parallel_loop3A_681 step %parallel_loop3A_682  : i32 {
      %parallel_loop3A_1303 = arith.constant 0 : i32
      %parallel_loop3A_1304 = arith.addi %parallel_loop3A_1302, %parallel_loop3A_1303 : i32
      %parallel_loop3A_1305 = arith.index_cast %parallel_loop3A_1304 : i32 to index
      %parallel_loop3A_1306 = tpu.vector_load %arg8[%parallel_loop3A_1305] {strides = array<i32>} : memref<7680xi32, #tpu.memory_space<vmem>>, vector<16xi32>,
      %parallel_loop3A_1307 = arith.constant 16 : i32
      %parallel_loop3A_1308 = arith.addi %parallel_loop3A_1302, %parallel_loop3A_1307 : i32
      %parallel_loop3A_1309 = arith.index_cast %parallel_loop3A_1308 : i32 to index
      %parallel_loop3A_1310 = tpu.vector_load %arg8[%parallel_loop3A_1309] {strides = array<i32>} : memref<7680xi32, #tpu.memory_space<vmem>>, vector<16xi32>,
      %parallel_loop3A_1311 = arith.constant 32 : i32
      %parallel_loop3A_1312 = arith.addi %parallel_loop3A_1302, %parallel_loop3A_1311 : i32
      %parallel_loop3A_1313 = arith.index_cast %parallel_loop3A_1312 : i32 to index
      %parallel_loop3A_1314 = tpu.vector_load %arg8[%parallel_loop3A_1313] {strides = array<i32>} : memref<7680xi32, #tpu.memory_space<vmem>>, vector<16xi32>,
      %parallel_loop3A_1315 = arith.constant 48 : i32
      %parallel_loop3A_1316 = arith.addi %parallel_loop3A_1302, %parallel_loop3A_1315 : i32
      %parallel_loop3A_1317 = arith.index_cast %parallel_loop3A_1316 : i32 to index
      %parallel_loop3A_1318 = tpu.vector_load %arg8[%parallel_loop3A_1317] {strides = array<i32>} : memref<7680xi32, #tpu.memory_space<vmem>>, vector<16xi32>,
      %parallel_loop3A_1319 = tpu.vector_load_idx %arg7[%parallel_loop3A_1306] : memref<100000xf32, #tpu.memory_space<vmem>>[vector<16xi32>], vector<16xf32>,
      %parallel_loop3A_1320 = tpu.vector_load_idx %arg7[%parallel_loop3A_1310] : memref<100000xf32, #tpu.memory_space<vmem>>[vector<16xi32>], vector<16xf32>,
      %parallel_loop3A_1321 = tpu.vector_load_idx %arg7[%parallel_loop3A_1314] : memref<100000xf32, #tpu.memory_space<vmem>>[vector<16xi32>], vector<16xf32>,
      %parallel_loop3A_1322 = tpu.vector_load_idx %arg7[%parallel_loop3A_1318] : memref<100000xf32, #tpu.memory_space<vmem>>[vector<16xi32>], vector<16xf32>,
      %parallel_loop3A_1323 = arith.constant 0 : i32
      %parallel_loop3A_1324 = arith.addi %parallel_loop3A_1302, %parallel_loop3A_1323 : i32
      %parallel_loop3A_1325 = arith.index_cast %parallel_loop3A_1324 : i32 to index
      %parallel_loop3A_1326 = tpu.vector_load %arg10[%parallel_loop3A_1325] {strides = array<i32>} : memref<7680xf32, #tpu.memory_space<vmem>>, vector<16xf32>,
      tpu.vector_store %arg10[%parallel_loop3A_1325], %parallel_loop3A_1319 {strides = array<i32>} : memref<7680xf32, #tpu.memory_space<vmem>>, vector<16xf32>,
      %parallel_loop3A_1327 = arith.constant 16 : i32
      %parallel_loop3A_1328 = arith.addi %parallel_loop3A_1302, %parallel_loop3A_1327 : i32
      %parallel_loop3A_1329 = arith.index_cast %parallel_loop3A_1328 : i32 to index
      %parallel_loop3A_1330 = tpu.vector_load %arg10[%parallel_loop3A_1329] {strides = array<i32>} : memref<7680xf32, #tpu.memory_space<vmem>>, vector<16xf32>,
      tpu.vector_store %arg10[%parallel_loop3A_1329], %parallel_loop3A_1320 {strides = array<i32>} : memref<7680xf32, #tpu.memory_space<vmem>>, vector<16xf32>,
      %parallel_loop3A_1331 = arith.constant 32 : i32
      %parallel_loop3A_1332 = arith.addi %parallel_loop3A_1302, %parallel_loop3A_1331 : i32
      %parallel_loop3A_1333 = arith.index_cast %parallel_loop3A_1332 : i32 to index
      %parallel_loop3A_1334 = tpu.vector_load %arg10[%parallel_loop3A_1333] {strides = array<i32>} : memref<7680xf32, #tpu.memory_space<vmem>>, vector<16xf32>,
      tpu.vector_store %arg10[%parallel_loop3A_1333], %parallel_loop3A_1321 {strides = array<i32>} : memref<7680xf32, #tpu.memory_space<vmem>>, vector<16xf32>,
      %parallel_loop3A_1335 = arith.constant 48 : i32
      %parallel_loop3A_1336 = arith.addi %parallel_loop3A_1302, %parallel_loop3A_1335 : i32
      %parallel_loop3A_1337 = arith.index_cast %parallel_loop3A_1336 : i32 to index
      %parallel_loop3A_1338 = tpu.vector_load %arg10[%parallel_loop3A_1337] {strides = array<i32>} : memref<7680xf32, #tpu.memory_space<vmem>>, vector<16xf32>,
      tpu.vector_store %arg10[%parallel_loop3A_1337], %parallel_loop3A_1322 {strides = array<i32>} : memref<7680xf32, #tpu.memory_space<vmem>>, vector<16xf32>,
    } {sc.loop_unroll_factor = 2 : i64, sc.parallel_access}
    %dma_start3A_683 = arith.constant 0 : i32
    %dma_start3A_684 = tpu.memref_slice %arg10[%dma_start3A_683] : memref<7680xf32, #tpu.memory_space<vmem>> -> memref<7680xf32, #tpu.memory_space<vmem>>
    %dma_start3A_685 = arith.constant 0 : i32
    %dma_start3A_686 = tpu.memref_slice %arg6[%add3A_8, %dma_start3A_685] : memref<64x114688xf32, #tpu.memory_space<hbm>> -> memref<1x7680xf32, #tpu.memory_space<hbm>>
    %dma_start3A_687 = tpu.memref_squeeze %dma_start3A_686 : memref<1x7680xf32, #tpu.memory_space<hbm>> -> memref<7680xf32, #tpu.memory_space<hbm>>
    %dma_start3A_688 = arith.constant 0 : i32
    %dma_start3A_689 = tpu.memref_slice %arg6[%add3A_8, %dma_start3A_688] : memref<64x114688xf32, #tpu.memory_space<hbm>> -> memref<1x7680xf32, #tpu.memory_space<hbm>>
    %dma_start3A_690 = tpu.memref_squeeze %dma_start3A_689 : memref<1x7680xf32, #tpu.memory_space<hbm>> -> memref<7680xf32, #tpu.memory_space<hbm>>
    %dma_start3A_691 = arith.constant 0 : i32
    %dma_start3A_692 = tpu.memref_slice %arg10[%dma_start3A_691] : memref<7680xf32, #tpu.memory_space<vmem>> -> memref<7680xf32, #tpu.memory_space<vmem>>
    tpu.enqueue_dma source(%dma_start3A_692 : memref<7680xf32, #tpu.memory_space<vmem>>) target(%dma_start3A_690 : memref<7680xf32, #tpu.memory_space<hbm>>) target_semaphore(%arg14 : memref<!tpu.dma_semaphore, #tpu.memory_space<semaphore_mem>>)
    %dma_start3A_693 = arith.constant 0 : i32
    %dma_start3A_694 = tpu.memref_slice %arg8[%dma_start3A_693] : memref<7680xi32, #tpu.memory_space<vmem>> -> memref<1024xi32, #tpu.memory_space<vmem>>
    %dma_start3A_695 = arith.constant 15360 : i32
    %dma_start3A_696 = tpu.memref_slice %arg2[%dma_start3A_695] : memref<16384xi32, #tpu.memory_space<hbm>> -> memref<1024xi32, #tpu.memory_space<hbm>>
    %dma_start3A_697 = arith.constant 0 : i32
    %dma_start3A_698 = tpu.memref_slice %arg8[%dma_start3A_697] : memref<7680xi32, #tpu.memory_space<vmem>> -> memref<1024xi32, #tpu.memory_space<vmem>>
    %dma_start3A_699 = arith.constant 15360 : i32
    %dma_start3A_700 = tpu.memref_slice %arg2[%dma_start3A_699] : memref<16384xi32, #tpu.memory_space<hbm>> -> memref<1024xi32, #tpu.memory_space<hbm>>
    tpu.enqueue_dma source(%dma_start3A_700 : memref<1024xi32, #tpu.memory_space<hbm>>) target(%dma_start3A_698 : memref<1024xi32, #tpu.memory_space<vmem>>) target_semaphore(%arg12 : memref<!tpu.dma_semaphore, #tpu.memory_space<semaphore_mem>>)
    %dma_wait3A_701 = arith.constant 0 : i32
    %dma_wait3A_702 = tpu.memref_slice %arg9[%dma_wait3A_701] : memref<7680xi32, #tpu.memory_space<vmem>> -> memref<7680xi32, #tpu.memory_space<vmem>>
    %dma_wait3A_703 = arith.constant 7680 : i32
    %dma_wait3A_704 = tpu.memref_slice %arg2[%dma_wait3A_703] : memref<16384xi32, #tpu.memory_space<hbm>> -> memref<7680xi32, #tpu.memory_space<hbm>>
    %dma_wait3A_705 = arith.constant 0 : i32
    %dma_wait3A_706 = tpu.memref_slice %arg9[%dma_wait3A_705] : memref<7680xi32, #tpu.memory_space<vmem>> -> memref<7680xi32, #tpu.memory_space<vmem>>
    %dma_wait3A_707 = arith.constant 7680 : i32
    %dma_wait3A_708 = tpu.memref_slice %arg2[%dma_wait3A_707] : memref<16384xi32, #tpu.memory_space<hbm>> -> memref<7680xi32, #tpu.memory_space<hbm>>
    tpu.wait_dma2 semaphore(%arg13 : memref<!tpu.dma_semaphore, #tpu.memory_space<semaphore_mem>>) src(%dma_wait3A_708 : memref<7680xi32, #tpu.memory_space<hbm>>) dst(%dma_wait3A_706 : memref<7680xi32, #tpu.memory_space<vmem>>)
    %dma_wait3A_709 = arith.constant 0 : i32
    %dma_wait3A_710 = tpu.memref_slice %arg11[%dma_wait3A_709] : memref<7680xf32, #tpu.memory_space<vmem>> -> memref<6144xf32, #tpu.memory_space<vmem>>
    %dma_wait3A_711 = arith.constant 108544 : i32
    %dma_wait3A_712 = tpu.memref_slice %arg6[%add3A_4, %dma_wait3A_711] : memref<64x114688xf32, #tpu.memory_space<hbm>> -> memref<1x6144xf32, #tpu.memory_space<hbm>>
    %dma_wait3A_713 = tpu.memref_squeeze %dma_wait3A_712 : memref<1x6144xf32, #tpu.memory_space<hbm>> -> memref<6144xf32, #tpu.memory_space<hbm>>
    %dma_wait3A_714 = arith.constant 108544 : i32
    %dma_wait3A_715 = tpu.memref_slice %arg6[%add3A_4, %dma_wait3A_714] : memref<64x114688xf32, #tpu.memory_space<hbm>> -> memref<1x6144xf32, #tpu.memory_space<hbm>>
    %dma_wait3A_716 = tpu.memref_squeeze %dma_wait3A_715 : memref<1x6144xf32, #tpu.memory_space<hbm>> -> memref<6144xf32, #tpu.memory_space<hbm>>
    %dma_wait3A_717 = arith.constant 0 : i32
    %dma_wait3A_718 = tpu.memref_slice %arg11[%dma_wait3A_717] : memref<7680xf32, #tpu.memory_space<vmem>> -> memref<6144xf32, #tpu.memory_space<vmem>>
    tpu.wait_dma2 semaphore(%arg15 : memref<!tpu.dma_semaphore, #tpu.memory_space<semaphore_mem>>) src(%dma_wait3A_718 : memref<6144xf32, #tpu.memory_space<vmem>>) dst(%dma_wait3A_716 : memref<6144xf32, #tpu.memory_space<hbm>>)
    %parallel_loop3A_719 = arith.constant 0 : i32
    %parallel_loop3A_720 = arith.constant 7680 : i32
    %parallel_loop3A_721 = arith.constant 64 : i32
    scf.for %parallel_loop3A_1302 = %parallel_loop3A_719 to %parallel_loop3A_720 step %parallel_loop3A_721  : i32 {
      %parallel_loop3A_1303 = arith.constant 0 : i32
      %parallel_loop3A_1304 = arith.addi %parallel_loop3A_1302, %parallel_loop3A_1303 : i32
      %parallel_loop3A_1305 = arith.index_cast %parallel_loop3A_1304 : i32 to index
      %parallel_loop3A_1306 = tpu.vector_load %arg9[%parallel_loop3A_1305] {strides = array<i32>} : memref<7680xi32, #tpu.memory_space<vmem>>, vector<16xi32>,
      %parallel_loop3A_1307 = arith.constant 16 : i32
      %parallel_loop3A_1308 = arith.addi %parallel_loop3A_1302, %parallel_loop3A_1307 : i32
      %parallel_loop3A_1309 = arith.index_cast %parallel_loop3A_1308 : i32 to index
      %parallel_loop3A_1310 = tpu.vector_load %arg9[%parallel_loop3A_1309] {strides = array<i32>} : memref<7680xi32, #tpu.memory_space<vmem>>, vector<16xi32>,
      %parallel_loop3A_1311 = arith.constant 32 : i32
      %parallel_loop3A_1312 = arith.addi %parallel_loop3A_1302, %parallel_loop3A_1311 : i32
      %parallel_loop3A_1313 = arith.index_cast %parallel_loop3A_1312 : i32 to index
      %parallel_loop3A_1314 = tpu.vector_load %arg9[%parallel_loop3A_1313] {strides = array<i32>} : memref<7680xi32, #tpu.memory_space<vmem>>, vector<16xi32>,
      %parallel_loop3A_1315 = arith.constant 48 : i32
      %parallel_loop3A_1316 = arith.addi %parallel_loop3A_1302, %parallel_loop3A_1315 : i32
      %parallel_loop3A_1317 = arith.index_cast %parallel_loop3A_1316 : i32 to index
      %parallel_loop3A_1318 = tpu.vector_load %arg9[%parallel_loop3A_1317] {strides = array<i32>} : memref<7680xi32, #tpu.memory_space<vmem>>, vector<16xi32>,
      %parallel_loop3A_1319 = tpu.vector_load_idx %arg7[%parallel_loop3A_1306] : memref<100000xf32, #tpu.memory_space<vmem>>[vector<16xi32>], vector<16xf32>,
      %parallel_loop3A_1320 = tpu.vector_load_idx %arg7[%parallel_loop3A_1310] : memref<100000xf32, #tpu.memory_space<vmem>>[vector<16xi32>], vector<16xf32>,
      %parallel_loop3A_1321 = tpu.vector_load_idx %arg7[%parallel_loop3A_1314] : memref<100000xf32, #tpu.memory_space<vmem>>[vector<16xi32>], vector<16xf32>,
      %parallel_loop3A_1322 = tpu.vector_load_idx %arg7[%parallel_loop3A_1318] : memref<100000xf32, #tpu.memory_space<vmem>>[vector<16xi32>], vector<16xf32>,
      %parallel_loop3A_1323 = arith.constant 0 : i32
      %parallel_loop3A_1324 = arith.addi %parallel_loop3A_1302, %parallel_loop3A_1323 : i32
      %parallel_loop3A_1325 = arith.index_cast %parallel_loop3A_1324 : i32 to index
      %parallel_loop3A_1326 = tpu.vector_load %arg11[%parallel_loop3A_1325] {strides = array<i32>} : memref<7680xf32, #tpu.memory_space<vmem>>, vector<16xf32>,
      tpu.vector_store %arg11[%parallel_loop3A_1325], %parallel_loop3A_1319 {strides = array<i32>} : memref<7680xf32, #tpu.memory_space<vmem>>, vector<16xf32>,
      %parallel_loop3A_1327 = arith.constant 16 : i32
      %parallel_loop3A_1328 = arith.addi %parallel_loop3A_1302, %parallel_loop3A_1327 : i32
      %parallel_loop3A_1329 = arith.index_cast %parallel_loop3A_1328 : i32 to index
      %parallel_loop3A_1330 = tpu.vector_load %arg11[%parallel_loop3A_1329] {strides = array<i32>} : memref<7680xf32, #tpu.memory_space<vmem>>, vector<16xf32>,
      tpu.vector_store %arg11[%parallel_loop3A_1329], %parallel_loop3A_1320 {strides = array<i32>} : memref<7680xf32, #tpu.memory_space<vmem>>, vector<16xf32>,
      %parallel_loop3A_1331 = arith.constant 32 : i32
      %parallel_loop3A_1332 = arith.addi %parallel_loop3A_1302, %parallel_loop3A_1331 : i32
      %parallel_loop3A_1333 = arith.index_cast %parallel_loop3A_1332 : i32 to index
      %parallel_loop3A_1334 = tpu.vector_load %arg11[%parallel_loop3A_1333] {strides = array<i32>} : memref<7680xf32, #tpu.memory_space<vmem>>, vector<16xf32>,
      tpu.vector_store %arg11[%parallel_loop3A_1333], %parallel_loop3A_1321 {strides = array<i32>} : memref<7680xf32, #tpu.memory_space<vmem>>, vector<16xf32>,
      %parallel_loop3A_1335 = arith.constant 48 : i32
      %parallel_loop3A_1336 = arith.addi %parallel_loop3A_1302, %parallel_loop3A_1335 : i32
      %parallel_loop3A_1337 = arith.index_cast %parallel_loop3A_1336 : i32 to index
      %parallel_loop3A_1338 = tpu.vector_load %arg11[%parallel_loop3A_1337] {strides = array<i32>} : memref<7680xf32, #tpu.memory_space<vmem>>, vector<16xf32>,
      tpu.vector_store %arg11[%parallel_loop3A_1337], %parallel_loop3A_1322 {strides = array<i32>} : memref<7680xf32, #tpu.memory_space<vmem>>, vector<16xf32>,
    } {sc.loop_unroll_factor = 2 : i64, sc.parallel_access}
    %dma_start3A_722 = arith.constant 0 : i32
    %dma_start3A_723 = tpu.memref_slice %arg11[%dma_start3A_722] : memref<7680xf32, #tpu.memory_space<vmem>> -> memref<7680xf32, #tpu.memory_space<vmem>>
    %dma_start3A_724 = arith.constant 7680 : i32
    %dma_start3A_725 = tpu.memref_slice %arg6[%add3A_8, %dma_start3A_724] : memref<64x114688xf32, #tpu.memory_space<hbm>> -> memref<1x7680xf32, #tpu.memory_space<hbm>>
    %dma_start3A_726 = tpu.memref_squeeze %dma_start3A_725 : memref<1x7680xf32, #tpu.memory_space<hbm>> -> memref<7680xf32, #tpu.memory_space<hbm>>
    %dma_start3A_727 = arith.constant 7680 : i32
    %dma_start3A_728 = tpu.memref_slice %arg6[%add3A_8, %dma_start3A_727] : memref<64x114688xf32, #tpu.memory_space<hbm>> -> memref<1x7680xf32, #tpu.memory_space<hbm>>
    %dma_start3A_729 = tpu.memref_squeeze %dma_start3A_728 : memref<1x7680xf32, #tpu.memory_space<hbm>> -> memref<7680xf32, #tpu.memory_space<hbm>>
    %dma_start3A_730 = arith.constant 0 : i32
    %dma_start3A_731 = tpu.memref_slice %arg11[%dma_start3A_730] : memref<7680xf32, #tpu.memory_space<vmem>> -> memref<7680xf32, #tpu.memory_space<vmem>>
    tpu.enqueue_dma source(%dma_start3A_731 : memref<7680xf32, #tpu.memory_space<vmem>>) target(%dma_start3A_729 : memref<7680xf32, #tpu.memory_space<hbm>>) target_semaphore(%arg15 : memref<!tpu.dma_semaphore, #tpu.memory_space<semaphore_mem>>)
    %dma_wait3A_732 = arith.constant 0 : i32
    %dma_wait3A_733 = tpu.memref_slice %arg8[%dma_wait3A_732] : memref<7680xi32, #tpu.memory_space<vmem>> -> memref<1024xi32, #tpu.memory_space<vmem>>
    %dma_wait3A_734 = arith.constant 15360 : i32
    %dma_wait3A_735 = tpu.memref_slice %arg2[%dma_wait3A_734] : memref<16384xi32, #tpu.memory_space<hbm>> -> memref<1024xi32, #tpu.memory_space<hbm>>
    %dma_wait3A_736 = arith.constant 0 : i32
    %dma_wait3A_737 = tpu.memref_slice %arg8[%dma_wait3A_736] : memref<7680xi32, #tpu.memory_space<vmem>> -> memref<1024xi32, #tpu.memory_space<vmem>>
    %dma_wait3A_738 = arith.constant 15360 : i32
    %dma_wait3A_739 = tpu.memref_slice %arg2[%dma_wait3A_738] : memref<16384xi32, #tpu.memory_space<hbm>> -> memref<1024xi32, #tpu.memory_space<hbm>>
    tpu.wait_dma2 semaphore(%arg12 : memref<!tpu.dma_semaphore, #tpu.memory_space<semaphore_mem>>) src(%dma_wait3A_739 : memref<1024xi32, #tpu.memory_space<hbm>>) dst(%dma_wait3A_737 : memref<1024xi32, #tpu.memory_space<vmem>>)
    %dma_wait3A_740 = arith.constant 0 : i32
    %dma_wait3A_741 = tpu.memref_slice %arg10[%dma_wait3A_740] : memref<7680xf32, #tpu.memory_space<vmem>> -> memref<7680xf32, #tpu.memory_space<vmem>>
    %dma_wait3A_742 = arith.constant 0 : i32
    %dma_wait3A_743 = tpu.memref_slice %arg6[%add3A_8, %dma_wait3A_742] : memref<64x114688xf32, #tpu.memory_space<hbm>> -> memref<1x7680xf32, #tpu.memory_space<hbm>>
    %dma_wait3A_744 = tpu.memref_squeeze %dma_wait3A_743 : memref<1x7680xf32, #tpu.memory_space<hbm>> -> memref<7680xf32, #tpu.memory_space<hbm>>
    %dma_wait3A_745 = arith.constant 0 : i32
    %dma_wait3A_746 = tpu.memref_slice %arg6[%add3A_8, %dma_wait3A_745] : memref<64x114688xf32, #tpu.memory_space<hbm>> -> memref<1x7680xf32, #tpu.memory_space<hbm>>
    %dma_wait3A_747 = tpu.memref_squeeze %dma_wait3A_746 : memref<1x7680xf32, #tpu.memory_space<hbm>> -> memref<7680xf32, #tpu.memory_space<hbm>>
    %dma_wait3A_748 = arith.constant 0 : i32
    %dma_wait3A_749 = tpu.memref_slice %arg10[%dma_wait3A_748] : memref<7680xf32, #tpu.memory_space<vmem>> -> memref<7680xf32, #tpu.memory_space<vmem>>
    tpu.wait_dma2 semaphore(%arg14 : memref<!tpu.dma_semaphore, #tpu.memory_space<semaphore_mem>>) src(%dma_wait3A_749 : memref<7680xf32, #tpu.memory_space<vmem>>) dst(%dma_wait3A_747 : memref<7680xf32, #tpu.memory_space<hbm>>)
    %parallel_loop3A_750 = arith.constant 0 : i32
    %parallel_loop3A_751 = arith.constant 1024 : i32
    %parallel_loop3A_752 = arith.constant 64 : i32
    scf.for %parallel_loop3A_1302 = %parallel_loop3A_750 to %parallel_loop3A_751 step %parallel_loop3A_752  : i32 {
      %parallel_loop3A_1303 = arith.constant 0 : i32
      %parallel_loop3A_1304 = arith.addi %parallel_loop3A_1302, %parallel_loop3A_1303 : i32
      %parallel_loop3A_1305 = arith.index_cast %parallel_loop3A_1304 : i32 to index
      %parallel_loop3A_1306 = tpu.vector_load %arg8[%parallel_loop3A_1305] {strides = array<i32>} : memref<7680xi32, #tpu.memory_space<vmem>>, vector<16xi32>,
      %parallel_loop3A_1307 = arith.constant 16 : i32
      %parallel_loop3A_1308 = arith.addi %parallel_loop3A_1302, %parallel_loop3A_1307 : i32
      %parallel_loop3A_1309 = arith.index_cast %parallel_loop3A_1308 : i32 to index
      %parallel_loop3A_1310 = tpu.vector_load %arg8[%parallel_loop3A_1309] {strides = array<i32>} : memref<7680xi32, #tpu.memory_space<vmem>>, vector<16xi32>,
      %parallel_loop3A_1311 = arith.constant 32 : i32
      %parallel_loop3A_1312 = arith.addi %parallel_loop3A_1302, %parallel_loop3A_1311 : i32
      %parallel_loop3A_1313 = arith.index_cast %parallel_loop3A_1312 : i32 to index
      %parallel_loop3A_1314 = tpu.vector_load %arg8[%parallel_loop3A_1313] {strides = array<i32>} : memref<7680xi32, #tpu.memory_space<vmem>>, vector<16xi32>,
      %parallel_loop3A_1315 = arith.constant 48 : i32
      %parallel_loop3A_1316 = arith.addi %parallel_loop3A_1302, %parallel_loop3A_1315 : i32
      %parallel_loop3A_1317 = arith.index_cast %parallel_loop3A_1316 : i32 to index
      %parallel_loop3A_1318 = tpu.vector_load %arg8[%parallel_loop3A_1317] {strides = array<i32>} : memref<7680xi32, #tpu.memory_space<vmem>>, vector<16xi32>,
      %parallel_loop3A_1319 = tpu.vector_load_idx %arg7[%parallel_loop3A_1306] : memref<100000xf32, #tpu.memory_space<vmem>>[vector<16xi32>], vector<16xf32>,
      %parallel_loop3A_1320 = tpu.vector_load_idx %arg7[%parallel_loop3A_1310] : memref<100000xf32, #tpu.memory_space<vmem>>[vector<16xi32>], vector<16xf32>,
      %parallel_loop3A_1321 = tpu.vector_load_idx %arg7[%parallel_loop3A_1314] : memref<100000xf32, #tpu.memory_space<vmem>>[vector<16xi32>], vector<16xf32>,
      %parallel_loop3A_1322 = tpu.vector_load_idx %arg7[%parallel_loop3A_1318] : memref<100000xf32, #tpu.memory_space<vmem>>[vector<16xi32>], vector<16xf32>,
      %parallel_loop3A_1323 = arith.constant 0 : i32
      %parallel_loop3A_1324 = arith.addi %parallel_loop3A_1302, %parallel_loop3A_1323 : i32
      %parallel_loop3A_1325 = arith.index_cast %parallel_loop3A_1324 : i32 to index
      %parallel_loop3A_1326 = tpu.vector_load %arg10[%parallel_loop3A_1325] {strides = array<i32>} : memref<7680xf32, #tpu.memory_space<vmem>>, vector<16xf32>,
      tpu.vector_store %arg10[%parallel_loop3A_1325], %parallel_loop3A_1319 {strides = array<i32>} : memref<7680xf32, #tpu.memory_space<vmem>>, vector<16xf32>,
      %parallel_loop3A_1327 = arith.constant 16 : i32
      %parallel_loop3A_1328 = arith.addi %parallel_loop3A_1302, %parallel_loop3A_1327 : i32
      %parallel_loop3A_1329 = arith.index_cast %parallel_loop3A_1328 : i32 to index
      %parallel_loop3A_1330 = tpu.vector_load %arg10[%parallel_loop3A_1329] {strides = array<i32>} : memref<7680xf32, #tpu.memory_space<vmem>>, vector<16xf32>,
      tpu.vector_store %arg10[%parallel_loop3A_1329], %parallel_loop3A_1320 {strides = array<i32>} : memref<7680xf32, #tpu.memory_space<vmem>>, vector<16xf32>,
      %parallel_loop3A_1331 = arith.constant 32 : i32
      %parallel_loop3A_1332 = arith.addi %parallel_loop3A_1302, %parallel_loop3A_1331 : i32
      %parallel_loop3A_1333 = arith.index_cast %parallel_loop3A_1332 : i32 to index
      %parallel_loop3A_1334 = tpu.vector_load %arg10[%parallel_loop3A_1333] {strides = array<i32>} : memref<7680xf32, #tpu.memory_space<vmem>>, vector<16xf32>,
      tpu.vector_store %arg10[%parallel_loop3A_1333], %parallel_loop3A_1321 {strides = array<i32>} : memref<7680xf32, #tpu.memory_space<vmem>>, vector<16xf32>,
      %parallel_loop3A_1335 = arith.constant 48 : i32
      %parallel_loop3A_1336 = arith.addi %parallel_loop3A_1302, %parallel_loop3A_1335 : i32
      %parallel_loop3A_1337 = arith.index_cast %parallel_loop3A_1336 : i32 to index
      %parallel_loop3A_1338 = tpu.vector_load %arg10[%parallel_loop3A_1337] {strides = array<i32>} : memref<7680xf32, #tpu.memory_space<vmem>>, vector<16xf32>,
      tpu.vector_store %arg10[%parallel_loop3A_1337], %parallel_loop3A_1322 {strides = array<i32>} : memref<7680xf32, #tpu.memory_space<vmem>>, vector<16xf32>,
    } {sc.loop_unroll_factor = 2 : i64, sc.parallel_access}
    %dma_start3A_753 = arith.constant 0 : i32
    %dma_start3A_754 = tpu.memref_slice %arg9[%dma_start3A_753] : memref<7680xi32, #tpu.memory_space<vmem>> -> memref<7680xi32, #tpu.memory_space<vmem>>
    %dma_start3A_755 = arith.constant 0 : i32
    %dma_start3A_756 = tpu.memref_slice %arg3[%dma_start3A_755] : memref<98304xi32, #tpu.memory_space<hbm>> -> memref<7680xi32, #tpu.memory_space<hbm>>
    %dma_start3A_757 = arith.constant 0 : i32
    %dma_start3A_758 = tpu.memref_slice %arg9[%dma_start3A_757] : memref<7680xi32, #tpu.memory_space<vmem>> -> memref<7680xi32, #tpu.memory_space<vmem>>
    %dma_start3A_759 = arith.constant 0 : i32
    %dma_start3A_760 = tpu.memref_slice %arg3[%dma_start3A_759] : memref<98304xi32, #tpu.memory_space<hbm>> -> memref<7680xi32, #tpu.memory_space<hbm>>
    tpu.enqueue_dma source(%dma_start3A_760 : memref<7680xi32, #tpu.memory_space<hbm>>) target(%dma_start3A_758 : memref<7680xi32, #tpu.memory_space<vmem>>) target_semaphore(%arg13 : memref<!tpu.dma_semaphore, #tpu.memory_space<semaphore_mem>>)
    %dma_start3A_761 = arith.constant 0 : i32
    %dma_start3A_762 = tpu.memref_slice %arg5[%add3A_8, %dma_start3A_761] : memref<64x100000xf32, #tpu.memory_space<hbm>> -> memref<1x100000xf32, #tpu.memory_space<hbm>>
    %dma_start3A_763 = tpu.memref_squeeze %dma_start3A_762 : memref<1x100000xf32, #tpu.memory_space<hbm>> -> memref<100000xf32, #tpu.memory_space<hbm>>
    %dma_start3A_764 = arith.constant 0 : i32
    %dma_start3A_765 = tpu.memref_slice %arg5[%add3A_8, %dma_start3A_764] : memref<64x100000xf32, #tpu.memory_space<hbm>> -> memref<1x100000xf32, #tpu.memory_space<hbm>>
    %dma_start3A_766 = tpu.memref_squeeze %dma_start3A_765 : memref<1x100000xf32, #tpu.memory_space<hbm>> -> memref<100000xf32, #tpu.memory_space<hbm>>
    tpu.enqueue_dma source(%dma_start3A_766 : memref<100000xf32, #tpu.memory_space<hbm>>) target(%arg7 : memref<100000xf32, #tpu.memory_space<vmem>>) target_semaphore(%arg16 : memref<!tpu.dma_semaphore, #tpu.memory_space<semaphore_mem>>)
    %dma_start3A_767 = arith.constant 0 : i32
    %dma_start3A_768 = tpu.memref_slice %arg10[%dma_start3A_767] : memref<7680xf32, #tpu.memory_space<vmem>> -> memref<1024xf32, #tpu.memory_space<vmem>>
    %dma_start3A_769 = arith.constant 15360 : i32
    %dma_start3A_770 = tpu.memref_slice %arg6[%add3A_8, %dma_start3A_769] : memref<64x114688xf32, #tpu.memory_space<hbm>> -> memref<1x1024xf32, #tpu.memory_space<hbm>>
    %dma_start3A_771 = tpu.memref_squeeze %dma_start3A_770 : memref<1x1024xf32, #tpu.memory_space<hbm>> -> memref<1024xf32, #tpu.memory_space<hbm>>
    %dma_start3A_772 = arith.constant 15360 : i32
    %dma_start3A_773 = tpu.memref_slice %arg6[%add3A_8, %dma_start3A_772] : memref<64x114688xf32, #tpu.memory_space<hbm>> -> memref<1x1024xf32, #tpu.memory_space<hbm>>
    %dma_start3A_774 = tpu.memref_squeeze %dma_start3A_773 : memref<1x1024xf32, #tpu.memory_space<hbm>> -> memref<1024xf32, #tpu.memory_space<hbm>>
    %dma_start3A_775 = arith.constant 0 : i32
    %dma_start3A_776 = tpu.memref_slice %arg10[%dma_start3A_775] : memref<7680xf32, #tpu.memory_space<vmem>> -> memref<1024xf32, #tpu.memory_space<vmem>>
    tpu.enqueue_dma source(%dma_start3A_776 : memref<1024xf32, #tpu.memory_space<vmem>>) target(%dma_start3A_774 : memref<1024xf32, #tpu.memory_space<hbm>>) target_semaphore(%arg14 : memref<!tpu.dma_semaphore, #tpu.memory_space<semaphore_mem>>)
    %dma_wait3A_777 = arith.constant 0 : i32
    %dma_wait3A_778 = tpu.memref_slice %arg5[%add3A_8, %dma_wait3A_777] : memref<64x100000xf32, #tpu.memory_space<hbm>> -> memref<1x100000xf32, #tpu.memory_space<hbm>>
    %dma_wait3A_779 = tpu.memref_squeeze %dma_wait3A_778 : memref<1x100000xf32, #tpu.memory_space<hbm>> -> memref<100000xf32, #tpu.memory_space<hbm>>
    %dma_wait3A_780 = arith.constant 0 : i32
    %dma_wait3A_781 = tpu.memref_slice %arg5[%add3A_8, %dma_wait3A_780] : memref<64x100000xf32, #tpu.memory_space<hbm>> -> memref<1x100000xf32, #tpu.memory_space<hbm>>
    %dma_wait3A_782 = tpu.memref_squeeze %dma_wait3A_781 : memref<1x100000xf32, #tpu.memory_space<hbm>> -> memref<100000xf32, #tpu.memory_space<hbm>>
    tpu.wait_dma2 semaphore(%arg16 : memref<!tpu.dma_semaphore, #tpu.memory_space<semaphore_mem>>) src(%dma_wait3A_782 : memref<100000xf32, #tpu.memory_space<hbm>>) dst(%arg7 : memref<100000xf32, #tpu.memory_space<vmem>>)
    %dma_start3A_783 = arith.constant 0 : i32
    %dma_start3A_784 = tpu.memref_slice %arg8[%dma_start3A_783] : memref<7680xi32, #tpu.memory_space<vmem>> -> memref<7680xi32, #tpu.memory_space<vmem>>
    %dma_start3A_785 = arith.constant 7680 : i32
    %dma_start3A_786 = tpu.memref_slice %arg3[%dma_start3A_785] : memref<98304xi32, #tpu.memory_space<hbm>> -> memref<7680xi32, #tpu.memory_space<hbm>>
    %dma_start3A_787 = arith.constant 0 : i32
    %dma_start3A_788 = tpu.memref_slice %arg8[%dma_start3A_787] : memref<7680xi32, #tpu.memory_space<vmem>> -> memref<7680xi32, #tpu.memory_space<vmem>>
    %dma_start3A_789 = arith.constant 7680 : i32
    %dma_start3A_790 = tpu.memref_slice %arg3[%dma_start3A_789] : memref<98304xi32, #tpu.memory_space<hbm>> -> memref<7680xi32, #tpu.memory_space<hbm>>
    tpu.enqueue_dma source(%dma_start3A_790 : memref<7680xi32, #tpu.memory_space<hbm>>) target(%dma_start3A_788 : memref<7680xi32, #tpu.memory_space<vmem>>) target_semaphore(%arg12 : memref<!tpu.dma_semaphore, #tpu.memory_space<semaphore_mem>>)
    %dma_wait3A_791 = arith.constant 0 : i32
    %dma_wait3A_792 = tpu.memref_slice %arg9[%dma_wait3A_791] : memref<7680xi32, #tpu.memory_space<vmem>> -> memref<7680xi32, #tpu.memory_space<vmem>>
    %dma_wait3A_793 = arith.constant 0 : i32
    %dma_wait3A_794 = tpu.memref_slice %arg3[%dma_wait3A_793] : memref<98304xi32, #tpu.memory_space<hbm>> -> memref<7680xi32, #tpu.memory_space<hbm>>
    %dma_wait3A_795 = arith.constant 0 : i32
    %dma_wait3A_796 = tpu.memref_slice %arg9[%dma_wait3A_795] : memref<7680xi32, #tpu.memory_space<vmem>> -> memref<7680xi32, #tpu.memory_space<vmem>>
    %dma_wait3A_797 = arith.constant 0 : i32
    %dma_wait3A_798 = tpu.memref_slice %arg3[%dma_wait3A_797] : memref<98304xi32, #tpu.memory_space<hbm>> -> memref<7680xi32, #tpu.memory_space<hbm>>
    tpu.wait_dma2 semaphore(%arg13 : memref<!tpu.dma_semaphore, #tpu.memory_space<semaphore_mem>>) src(%dma_wait3A_798 : memref<7680xi32, #tpu.memory_space<hbm>>) dst(%dma_wait3A_796 : memref<7680xi32, #tpu.memory_space<vmem>>)
    %dma_wait3A_799 = arith.constant 0 : i32
    %dma_wait3A_800 = tpu.memref_slice %arg11[%dma_wait3A_799] : memref<7680xf32, #tpu.memory_space<vmem>> -> memref<7680xf32, #tpu.memory_space<vmem>>
    %dma_wait3A_801 = arith.constant 7680 : i32
    %dma_wait3A_802 = tpu.memref_slice %arg6[%add3A_8, %dma_wait3A_801] : memref<64x114688xf32, #tpu.memory_space<hbm>> -> memref<1x7680xf32, #tpu.memory_space<hbm>>
    %dma_wait3A_803 = tpu.memref_squeeze %dma_wait3A_802 : memref<1x7680xf32, #tpu.memory_space<hbm>> -> memref<7680xf32, #tpu.memory_space<hbm>>
    %dma_wait3A_804 = arith.constant 7680 : i32
    %dma_wait3A_805 = tpu.memref_slice %arg6[%add3A_8, %dma_wait3A_804] : memref<64x114688xf32, #tpu.memory_space<hbm>> -> memref<1x7680xf32, #tpu.memory_space<hbm>>
    %dma_wait3A_806 = tpu.memref_squeeze %dma_wait3A_805 : memref<1x7680xf32, #tpu.memory_space<hbm>> -> memref<7680xf32, #tpu.memory_space<hbm>>
    %dma_wait3A_807 = arith.constant 0 : i32
    %dma_wait3A_808 = tpu.memref_slice %arg11[%dma_wait3A_807] : memref<7680xf32, #tpu.memory_space<vmem>> -> memref<7680xf32, #tpu.memory_space<vmem>>
    tpu.wait_dma2 semaphore(%arg15 : memref<!tpu.dma_semaphore, #tpu.memory_space<semaphore_mem>>) src(%dma_wait3A_808 : memref<7680xf32, #tpu.memory_space<vmem>>) dst(%dma_wait3A_806 : memref<7680xf32, #tpu.memory_space<hbm>>)
    %parallel_loop3A_809 = arith.constant 0 : i32
    %parallel_loop3A_810 = arith.constant 7680 : i32
    %parallel_loop3A_811 = arith.constant 64 : i32
    scf.for %parallel_loop3A_1302 = %parallel_loop3A_809 to %parallel_loop3A_810 step %parallel_loop3A_811  : i32 {
      %parallel_loop3A_1303 = arith.constant 0 : i32
      %parallel_loop3A_1304 = arith.addi %parallel_loop3A_1302, %parallel_loop3A_1303 : i32
      %parallel_loop3A_1305 = arith.index_cast %parallel_loop3A_1304 : i32 to index
      %parallel_loop3A_1306 = tpu.vector_load %arg9[%parallel_loop3A_1305] {strides = array<i32>} : memref<7680xi32, #tpu.memory_space<vmem>>, vector<16xi32>,
      %parallel_loop3A_1307 = arith.constant 16 : i32
      %parallel_loop3A_1308 = arith.addi %parallel_loop3A_1302, %parallel_loop3A_1307 : i32
      %parallel_loop3A_1309 = arith.index_cast %parallel_loop3A_1308 : i32 to index
      %parallel_loop3A_1310 = tpu.vector_load %arg9[%parallel_loop3A_1309] {strides = array<i32>} : memref<7680xi32, #tpu.memory_space<vmem>>, vector<16xi32>,
      %parallel_loop3A_1311 = arith.constant 32 : i32
      %parallel_loop3A_1312 = arith.addi %parallel_loop3A_1302, %parallel_loop3A_1311 : i32
      %parallel_loop3A_1313 = arith.index_cast %parallel_loop3A_1312 : i32 to index
      %parallel_loop3A_1314 = tpu.vector_load %arg9[%parallel_loop3A_1313] {strides = array<i32>} : memref<7680xi32, #tpu.memory_space<vmem>>, vector<16xi32>,
      %parallel_loop3A_1315 = arith.constant 48 : i32
      %parallel_loop3A_1316 = arith.addi %parallel_loop3A_1302, %parallel_loop3A_1315 : i32
      %parallel_loop3A_1317 = arith.index_cast %parallel_loop3A_1316 : i32 to index
      %parallel_loop3A_1318 = tpu.vector_load %arg9[%parallel_loop3A_1317] {strides = array<i32>} : memref<7680xi32, #tpu.memory_space<vmem>>, vector<16xi32>,
      %parallel_loop3A_1319 = tpu.vector_load_idx %arg7[%parallel_loop3A_1306] : memref<100000xf32, #tpu.memory_space<vmem>>[vector<16xi32>], vector<16xf32>,
      %parallel_loop3A_1320 = tpu.vector_load_idx %arg7[%parallel_loop3A_1310] : memref<100000xf32, #tpu.memory_space<vmem>>[vector<16xi32>], vector<16xf32>,
      %parallel_loop3A_1321 = tpu.vector_load_idx %arg7[%parallel_loop3A_1314] : memref<100000xf32, #tpu.memory_space<vmem>>[vector<16xi32>], vector<16xf32>,
      %parallel_loop3A_1322 = tpu.vector_load_idx %arg7[%parallel_loop3A_1318] : memref<100000xf32, #tpu.memory_space<vmem>>[vector<16xi32>], vector<16xf32>,
      %parallel_loop3A_1323 = arith.constant 0 : i32
      %parallel_loop3A_1324 = arith.addi %parallel_loop3A_1302, %parallel_loop3A_1323 : i32
      %parallel_loop3A_1325 = arith.index_cast %parallel_loop3A_1324 : i32 to index
      %parallel_loop3A_1326 = tpu.vector_load %arg11[%parallel_loop3A_1325] {strides = array<i32>} : memref<7680xf32, #tpu.memory_space<vmem>>, vector<16xf32>,
      tpu.vector_store %arg11[%parallel_loop3A_1325], %parallel_loop3A_1319 {strides = array<i32>} : memref<7680xf32, #tpu.memory_space<vmem>>, vector<16xf32>,
      %parallel_loop3A_1327 = arith.constant 16 : i32
      %parallel_loop3A_1328 = arith.addi %parallel_loop3A_1302, %parallel_loop3A_1327 : i32
      %parallel_loop3A_1329 = arith.index_cast %parallel_loop3A_1328 : i32 to index
      %parallel_loop3A_1330 = tpu.vector_load %arg11[%parallel_loop3A_1329] {strides = array<i32>} : memref<7680xf32, #tpu.memory_space<vmem>>, vector<16xf32>,
      tpu.vector_store %arg11[%parallel_loop3A_1329], %parallel_loop3A_1320 {strides = array<i32>} : memref<7680xf32, #tpu.memory_space<vmem>>, vector<16xf32>,
      %parallel_loop3A_1331 = arith.constant 32 : i32
      %parallel_loop3A_1332 = arith.addi %parallel_loop3A_1302, %parallel_loop3A_1331 : i32
      %parallel_loop3A_1333 = arith.index_cast %parallel_loop3A_1332 : i32 to index
      %parallel_loop3A_1334 = tpu.vector_load %arg11[%parallel_loop3A_1333] {strides = array<i32>} : memref<7680xf32, #tpu.memory_space<vmem>>, vector<16xf32>,
      tpu.vector_store %arg11[%parallel_loop3A_1333], %parallel_loop3A_1321 {strides = array<i32>} : memref<7680xf32, #tpu.memory_space<vmem>>, vector<16xf32>,
      %parallel_loop3A_1335 = arith.constant 48 : i32
      %parallel_loop3A_1336 = arith.addi %parallel_loop3A_1302, %parallel_loop3A_1335 : i32
      %parallel_loop3A_1337 = arith.index_cast %parallel_loop3A_1336 : i32 to index
      %parallel_loop3A_1338 = tpu.vector_load %arg11[%parallel_loop3A_1337] {strides = array<i32>} : memref<7680xf32, #tpu.memory_space<vmem>>, vector<16xf32>,
      tpu.vector_store %arg11[%parallel_loop3A_1337], %parallel_loop3A_1322 {strides = array<i32>} : memref<7680xf32, #tpu.memory_space<vmem>>, vector<16xf32>,
    } {sc.loop_unroll_factor = 2 : i64, sc.parallel_access}
    %dma_start3A_812 = arith.constant 0 : i32
    %dma_start3A_813 = tpu.memref_slice %arg11[%dma_start3A_812] : memref<7680xf32, #tpu.memory_space<vmem>> -> memref<7680xf32, #tpu.memory_space<vmem>>
    %dma_start3A_814 = arith.constant 16384 : i32
    %dma_start3A_815 = tpu.memref_slice %arg6[%add3A_8, %dma_start3A_814] : memref<64x114688xf32, #tpu.memory_space<hbm>> -> memref<1x7680xf32, #tpu.memory_space<hbm>>
    %dma_start3A_816 = tpu.memref_squeeze %dma_start3A_815 : memref<1x7680xf32, #tpu.memory_space<hbm>> -> memref<7680xf32, #tpu.memory_space<hbm>>
    %dma_start3A_817 = arith.constant 16384 : i32
    %dma_start3A_818 = tpu.memref_slice %arg6[%add3A_8, %dma_start3A_817] : memref<64x114688xf32, #tpu.memory_space<hbm>> -> memref<1x7680xf32, #tpu.memory_space<hbm>>
    %dma_start3A_819 = tpu.memref_squeeze %dma_start3A_818 : memref<1x7680xf32, #tpu.memory_space<hbm>> -> memref<7680xf32, #tpu.memory_space<hbm>>
    %dma_start3A_820 = arith.constant 0 : i32
    %dma_start3A_821 = tpu.memref_slice %arg11[%dma_start3A_820] : memref<7680xf32, #tpu.memory_space<vmem>> -> memref<7680xf32, #tpu.memory_space<vmem>>
    tpu.enqueue_dma source(%dma_start3A_821 : memref<7680xf32, #tpu.memory_space<vmem>>) target(%dma_start3A_819 : memref<7680xf32, #tpu.memory_space<hbm>>) target_semaphore(%arg15 : memref<!tpu.dma_semaphore, #tpu.memory_space<semaphore_mem>>)
    %dma_start3A_822 = arith.constant 0 : i32
    %dma_start3A_823 = tpu.memref_slice %arg9[%dma_start3A_822] : memref<7680xi32, #tpu.memory_space<vmem>> -> memref<7680xi32, #tpu.memory_space<vmem>>
    %dma_start3A_824 = arith.constant 15360 : i32
    %dma_start3A_825 = tpu.memref_slice %arg3[%dma_start3A_824] : memref<98304xi32, #tpu.memory_space<hbm>> -> memref<7680xi32, #tpu.memory_space<hbm>>
    %dma_start3A_826 = arith.constant 0 : i32
    %dma_start3A_827 = tpu.memref_slice %arg9[%dma_start3A_826] : memref<7680xi32, #tpu.memory_space<vmem>> -> memref<7680xi32, #tpu.memory_space<vmem>>
    %dma_start3A_828 = arith.constant 15360 : i32
    %dma_start3A_829 = tpu.memref_slice %arg3[%dma_start3A_828] : memref<98304xi32, #tpu.memory_space<hbm>> -> memref<7680xi32, #tpu.memory_space<hbm>>
    tpu.enqueue_dma source(%dma_start3A_829 : memref<7680xi32, #tpu.memory_space<hbm>>) target(%dma_start3A_827 : memref<7680xi32, #tpu.memory_space<vmem>>) target_semaphore(%arg13 : memref<!tpu.dma_semaphore, #tpu.memory_space<semaphore_mem>>)
    %dma_wait3A_830 = arith.constant 0 : i32
    %dma_wait3A_831 = tpu.memref_slice %arg8[%dma_wait3A_830] : memref<7680xi32, #tpu.memory_space<vmem>> -> memref<7680xi32, #tpu.memory_space<vmem>>
    %dma_wait3A_832 = arith.constant 7680 : i32
    %dma_wait3A_833 = tpu.memref_slice %arg3[%dma_wait3A_832] : memref<98304xi32, #tpu.memory_space<hbm>> -> memref<7680xi32, #tpu.memory_space<hbm>>
    %dma_wait3A_834 = arith.constant 0 : i32
    %dma_wait3A_835 = tpu.memref_slice %arg8[%dma_wait3A_834] : memref<7680xi32, #tpu.memory_space<vmem>> -> memref<7680xi32, #tpu.memory_space<vmem>>
    %dma_wait3A_836 = arith.constant 7680 : i32
    %dma_wait3A_837 = tpu.memref_slice %arg3[%dma_wait3A_836] : memref<98304xi32, #tpu.memory_space<hbm>> -> memref<7680xi32, #tpu.memory_space<hbm>>
    tpu.wait_dma2 semaphore(%arg12 : memref<!tpu.dma_semaphore, #tpu.memory_space<semaphore_mem>>) src(%dma_wait3A_837 : memref<7680xi32, #tpu.memory_space<hbm>>) dst(%dma_wait3A_835 : memref<7680xi32, #tpu.memory_space<vmem>>)
    %dma_wait3A_838 = arith.constant 0 : i32
    %dma_wait3A_839 = tpu.memref_slice %arg10[%dma_wait3A_838] : memref<7680xf32, #tpu.memory_space<vmem>> -> memref<1024xf32, #tpu.memory_space<vmem>>
    %dma_wait3A_840 = arith.constant 15360 : i32
    %dma_wait3A_841 = tpu.memref_slice %arg6[%add3A_8, %dma_wait3A_840] : memref<64x114688xf32, #tpu.memory_space<hbm>> -> memref<1x1024xf32, #tpu.memory_space<hbm>>
    %dma_wait3A_842 = tpu.memref_squeeze %dma_wait3A_841 : memref<1x1024xf32, #tpu.memory_space<hbm>> -> memref<1024xf32, #tpu.memory_space<hbm>>
    %dma_wait3A_843 = arith.constant 15360 : i32
    %dma_wait3A_844 = tpu.memref_slice %arg6[%add3A_8, %dma_wait3A_843] : memref<64x114688xf32, #tpu.memory_space<hbm>> -> memref<1x1024xf32, #tpu.memory_space<hbm>>
    %dma_wait3A_845 = tpu.memref_squeeze %dma_wait3A_844 : memref<1x1024xf32, #tpu.memory_space<hbm>> -> memref<1024xf32, #tpu.memory_space<hbm>>
    %dma_wait3A_846 = arith.constant 0 : i32
    %dma_wait3A_847 = tpu.memref_slice %arg10[%dma_wait3A_846] : memref<7680xf32, #tpu.memory_space<vmem>> -> memref<1024xf32, #tpu.memory_space<vmem>>
    tpu.wait_dma2 semaphore(%arg14 : memref<!tpu.dma_semaphore, #tpu.memory_space<semaphore_mem>>) src(%dma_wait3A_847 : memref<1024xf32, #tpu.memory_space<vmem>>) dst(%dma_wait3A_845 : memref<1024xf32, #tpu.memory_space<hbm>>)
    %parallel_loop3A_848 = arith.constant 0 : i32
    %parallel_loop3A_849 = arith.constant 7680 : i32
    %parallel_loop3A_850 = arith.constant 64 : i32
    scf.for %parallel_loop3A_1302 = %parallel_loop3A_848 to %parallel_loop3A_849 step %parallel_loop3A_850  : i32 {
      %parallel_loop3A_1303 = arith.constant 0 : i32
      %parallel_loop3A_1304 = arith.addi %parallel_loop3A_1302, %parallel_loop3A_1303 : i32
      %parallel_loop3A_1305 = arith.index_cast %parallel_loop3A_1304 : i32 to index
      %parallel_loop3A_1306 = tpu.vector_load %arg8[%parallel_loop3A_1305] {strides = array<i32>} : memref<7680xi32, #tpu.memory_space<vmem>>, vector<16xi32>,
      %parallel_loop3A_1307 = arith.constant 16 : i32
      %parallel_loop3A_1308 = arith.addi %parallel_loop3A_1302, %parallel_loop3A_1307 : i32
      %parallel_loop3A_1309 = arith.index_cast %parallel_loop3A_1308 : i32 to index
      %parallel_loop3A_1310 = tpu.vector_load %arg8[%parallel_loop3A_1309] {strides = array<i32>} : memref<7680xi32, #tpu.memory_space<vmem>>, vector<16xi32>,
      %parallel_loop3A_1311 = arith.constant 32 : i32
      %parallel_loop3A_1312 = arith.addi %parallel_loop3A_1302, %parallel_loop3A_1311 : i32
      %parallel_loop3A_1313 = arith.index_cast %parallel_loop3A_1312 : i32 to index
      %parallel_loop3A_1314 = tpu.vector_load %arg8[%parallel_loop3A_1313] {strides = array<i32>} : memref<7680xi32, #tpu.memory_space<vmem>>, vector<16xi32>,
      %parallel_loop3A_1315 = arith.constant 48 : i32
      %parallel_loop3A_1316 = arith.addi %parallel_loop3A_1302, %parallel_loop3A_1315 : i32
      %parallel_loop3A_1317 = arith.index_cast %parallel_loop3A_1316 : i32 to index
      %parallel_loop3A_1318 = tpu.vector_load %arg8[%parallel_loop3A_1317] {strides = array<i32>} : memref<7680xi32, #tpu.memory_space<vmem>>, vector<16xi32>,
      %parallel_loop3A_1319 = tpu.vector_load_idx %arg7[%parallel_loop3A_1306] : memref<100000xf32, #tpu.memory_space<vmem>>[vector<16xi32>], vector<16xf32>,
      %parallel_loop3A_1320 = tpu.vector_load_idx %arg7[%parallel_loop3A_1310] : memref<100000xf32, #tpu.memory_space<vmem>>[vector<16xi32>], vector<16xf32>,
      %parallel_loop3A_1321 = tpu.vector_load_idx %arg7[%parallel_loop3A_1314] : memref<100000xf32, #tpu.memory_space<vmem>>[vector<16xi32>], vector<16xf32>,
      %parallel_loop3A_1322 = tpu.vector_load_idx %arg7[%parallel_loop3A_1318] : memref<100000xf32, #tpu.memory_space<vmem>>[vector<16xi32>], vector<16xf32>,
      %parallel_loop3A_1323 = arith.constant 0 : i32
      %parallel_loop3A_1324 = arith.addi %parallel_loop3A_1302, %parallel_loop3A_1323 : i32
      %parallel_loop3A_1325 = arith.index_cast %parallel_loop3A_1324 : i32 to index
      %parallel_loop3A_1326 = tpu.vector_load %arg10[%parallel_loop3A_1325] {strides = array<i32>} : memref<7680xf32, #tpu.memory_space<vmem>>, vector<16xf32>,
      tpu.vector_store %arg10[%parallel_loop3A_1325], %parallel_loop3A_1319 {strides = array<i32>} : memref<7680xf32, #tpu.memory_space<vmem>>, vector<16xf32>,
      %parallel_loop3A_1327 = arith.constant 16 : i32
      %parallel_loop3A_1328 = arith.addi %parallel_loop3A_1302, %parallel_loop3A_1327 : i32
      %parallel_loop3A_1329 = arith.index_cast %parallel_loop3A_1328 : i32 to index
      %parallel_loop3A_1330 = tpu.vector_load %arg10[%parallel_loop3A_1329] {strides = array<i32>} : memref<7680xf32, #tpu.memory_space<vmem>>, vector<16xf32>,
      tpu.vector_store %arg10[%parallel_loop3A_1329], %parallel_loop3A_1320 {strides = array<i32>} : memref<7680xf32, #tpu.memory_space<vmem>>, vector<16xf32>,
      %parallel_loop3A_1331 = arith.constant 32 : i32
      %parallel_loop3A_1332 = arith.addi %parallel_loop3A_1302, %parallel_loop3A_1331 : i32
      %parallel_loop3A_1333 = arith.index_cast %parallel_loop3A_1332 : i32 to index
      %parallel_loop3A_1334 = tpu.vector_load %arg10[%parallel_loop3A_1333] {strides = array<i32>} : memref<7680xf32, #tpu.memory_space<vmem>>, vector<16xf32>,
      tpu.vector_store %arg10[%parallel_loop3A_1333], %parallel_loop3A_1321 {strides = array<i32>} : memref<7680xf32, #tpu.memory_space<vmem>>, vector<16xf32>,
      %parallel_loop3A_1335 = arith.constant 48 : i32
      %parallel_loop3A_1336 = arith.addi %parallel_loop3A_1302, %parallel_loop3A_1335 : i32
      %parallel_loop3A_1337 = arith.index_cast %parallel_loop3A_1336 : i32 to index
      %parallel_loop3A_1338 = tpu.vector_load %arg10[%parallel_loop3A_1337] {strides = array<i32>} : memref<7680xf32, #tpu.memory_space<vmem>>, vector<16xf32>,
      tpu.vector_store %arg10[%parallel_loop3A_1337], %parallel_loop3A_1322 {strides = array<i32>} : memref<7680xf32, #tpu.memory_space<vmem>>, vector<16xf32>,
    } {sc.loop_unroll_factor = 2 : i64, sc.parallel_access}
    %dma_start3A_851 = arith.constant 0 : i32
    %dma_start3A_852 = tpu.memref_slice %arg10[%dma_start3A_851] : memref<7680xf32, #tpu.memory_space<vmem>> -> memref<7680xf32, #tpu.memory_space<vmem>>
    %dma_start3A_853 = arith.constant 24064 : i32
    %dma_start3A_854 = tpu.memref_slice %arg6[%add3A_8, %dma_start3A_853] : memref<64x114688xf32, #tpu.memory_space<hbm>> -> memref<1x7680xf32, #tpu.memory_space<hbm>>
    %dma_start3A_855 = tpu.memref_squeeze %dma_start3A_854 : memref<1x7680xf32, #tpu.memory_space<hbm>> -> memref<7680xf32, #tpu.memory_space<hbm>>
    %dma_start3A_856 = arith.constant 24064 : i32
    %dma_start3A_857 = tpu.memref_slice %arg6[%add3A_8, %dma_start3A_856] : memref<64x114688xf32, #tpu.memory_space<hbm>> -> memref<1x7680xf32, #tpu.memory_space<hbm>>
    %dma_start3A_858 = tpu.memref_squeeze %dma_start3A_857 : memref<1x7680xf32, #tpu.memory_space<hbm>> -> memref<7680xf32, #tpu.memory_space<hbm>>
    %dma_start3A_859 = arith.constant 0 : i32
    %dma_start3A_860 = tpu.memref_slice %arg10[%dma_start3A_859] : memref<7680xf32, #tpu.memory_space<vmem>> -> memref<7680xf32, #tpu.memory_space<vmem>>
    tpu.enqueue_dma source(%dma_start3A_860 : memref<7680xf32, #tpu.memory_space<vmem>>) target(%dma_start3A_858 : memref<7680xf32, #tpu.memory_space<hbm>>) target_semaphore(%arg14 : memref<!tpu.dma_semaphore, #tpu.memory_space<semaphore_mem>>)
    %dma_start3A_861 = arith.constant 0 : i32
    %dma_start3A_862 = tpu.memref_slice %arg8[%dma_start3A_861] : memref<7680xi32, #tpu.memory_space<vmem>> -> memref<7680xi32, #tpu.memory_space<vmem>>
    %dma_start3A_863 = arith.constant 23040 : i32
    %dma_start3A_864 = tpu.memref_slice %arg3[%dma_start3A_863] : memref<98304xi32, #tpu.memory_space<hbm>> -> memref<7680xi32, #tpu.memory_space<hbm>>
    %dma_start3A_865 = arith.constant 0 : i32
    %dma_start3A_866 = tpu.memref_slice %arg8[%dma_start3A_865] : memref<7680xi32, #tpu.memory_space<vmem>> -> memref<7680xi32, #tpu.memory_space<vmem>>
    %dma_start3A_867 = arith.constant 23040 : i32
    %dma_start3A_868 = tpu.memref_slice %arg3[%dma_start3A_867] : memref<98304xi32, #tpu.memory_space<hbm>> -> memref<7680xi32, #tpu.memory_space<hbm>>
    tpu.enqueue_dma source(%dma_start3A_868 : memref<7680xi32, #tpu.memory_space<hbm>>) target(%dma_start3A_866 : memref<7680xi32, #tpu.memory_space<vmem>>) target_semaphore(%arg12 : memref<!tpu.dma_semaphore, #tpu.memory_space<semaphore_mem>>)
    %dma_wait3A_869 = arith.constant 0 : i32
    %dma_wait3A_870 = tpu.memref_slice %arg9[%dma_wait3A_869] : memref<7680xi32, #tpu.memory_space<vmem>> -> memref<7680xi32, #tpu.memory_space<vmem>>
    %dma_wait3A_871 = arith.constant 15360 : i32
    %dma_wait3A_872 = tpu.memref_slice %arg3[%dma_wait3A_871] : memref<98304xi32, #tpu.memory_space<hbm>> -> memref<7680xi32, #tpu.memory_space<hbm>>
    %dma_wait3A_873 = arith.constant 0 : i32
    %dma_wait3A_874 = tpu.memref_slice %arg9[%dma_wait3A_873] : memref<7680xi32, #tpu.memory_space<vmem>> -> memref<7680xi32, #tpu.memory_space<vmem>>
    %dma_wait3A_875 = arith.constant 15360 : i32
    %dma_wait3A_876 = tpu.memref_slice %arg3[%dma_wait3A_875] : memref<98304xi32, #tpu.memory_space<hbm>> -> memref<7680xi32, #tpu.memory_space<hbm>>
    tpu.wait_dma2 semaphore(%arg13 : memref<!tpu.dma_semaphore, #tpu.memory_space<semaphore_mem>>) src(%dma_wait3A_876 : memref<7680xi32, #tpu.memory_space<hbm>>) dst(%dma_wait3A_874 : memref<7680xi32, #tpu.memory_space<vmem>>)
    %dma_wait3A_877 = arith.constant 0 : i32
    %dma_wait3A_878 = tpu.memref_slice %arg11[%dma_wait3A_877] : memref<7680xf32, #tpu.memory_space<vmem>> -> memref<7680xf32, #tpu.memory_space<vmem>>
    %dma_wait3A_879 = arith.constant 16384 : i32
    %dma_wait3A_880 = tpu.memref_slice %arg6[%add3A_8, %dma_wait3A_879] : memref<64x114688xf32, #tpu.memory_space<hbm>> -> memref<1x7680xf32, #tpu.memory_space<hbm>>
    %dma_wait3A_881 = tpu.memref_squeeze %dma_wait3A_880 : memref<1x7680xf32, #tpu.memory_space<hbm>> -> memref<7680xf32, #tpu.memory_space<hbm>>
    %dma_wait3A_882 = arith.constant 16384 : i32
    %dma_wait3A_883 = tpu.memref_slice %arg6[%add3A_8, %dma_wait3A_882] : memref<64x114688xf32, #tpu.memory_space<hbm>> -> memref<1x7680xf32, #tpu.memory_space<hbm>>
    %dma_wait3A_884 = tpu.memref_squeeze %dma_wait3A_883 : memref<1x7680xf32, #tpu.memory_space<hbm>> -> memref<7680xf32, #tpu.memory_space<hbm>>
    %dma_wait3A_885 = arith.constant 0 : i32
    %dma_wait3A_886 = tpu.memref_slice %arg11[%dma_wait3A_885] : memref<7680xf32, #tpu.memory_space<vmem>> -> memref<7680xf32, #tpu.memory_space<vmem>>
    tpu.wait_dma2 semaphore(%arg15 : memref<!tpu.dma_semaphore, #tpu.memory_space<semaphore_mem>>) src(%dma_wait3A_886 : memref<7680xf32, #tpu.memory_space<vmem>>) dst(%dma_wait3A_884 : memref<7680xf32, #tpu.memory_space<hbm>>)
    %parallel_loop3A_887 = arith.constant 0 : i32
    %parallel_loop3A_888 = arith.constant 7680 : i32
    %parallel_loop3A_889 = arith.constant 64 : i32
    scf.for %parallel_loop3A_1302 = %parallel_loop3A_887 to %parallel_loop3A_888 step %parallel_loop3A_889  : i32 {
      %parallel_loop3A_1303 = arith.constant 0 : i32
      %parallel_loop3A_1304 = arith.addi %parallel_loop3A_1302, %parallel_loop3A_1303 : i32
      %parallel_loop3A_1305 = arith.index_cast %parallel_loop3A_1304 : i32 to index
      %parallel_loop3A_1306 = tpu.vector_load %arg9[%parallel_loop3A_1305] {strides = array<i32>} : memref<7680xi32, #tpu.memory_space<vmem>>, vector<16xi32>,
      %parallel_loop3A_1307 = arith.constant 16 : i32
      %parallel_loop3A_1308 = arith.addi %parallel_loop3A_1302, %parallel_loop3A_1307 : i32
      %parallel_loop3A_1309 = arith.index_cast %parallel_loop3A_1308 : i32 to index
      %parallel_loop3A_1310 = tpu.vector_load %arg9[%parallel_loop3A_1309] {strides = array<i32>} : memref<7680xi32, #tpu.memory_space<vmem>>, vector<16xi32>,
      %parallel_loop3A_1311 = arith.constant 32 : i32
      %parallel_loop3A_1312 = arith.addi %parallel_loop3A_1302, %parallel_loop3A_1311 : i32
      %parallel_loop3A_1313 = arith.index_cast %parallel_loop3A_1312 : i32 to index
      %parallel_loop3A_1314 = tpu.vector_load %arg9[%parallel_loop3A_1313] {strides = array<i32>} : memref<7680xi32, #tpu.memory_space<vmem>>, vector<16xi32>,
      %parallel_loop3A_1315 = arith.constant 48 : i32
      %parallel_loop3A_1316 = arith.addi %parallel_loop3A_1302, %parallel_loop3A_1315 : i32
      %parallel_loop3A_1317 = arith.index_cast %parallel_loop3A_1316 : i32 to index
      %parallel_loop3A_1318 = tpu.vector_load %arg9[%parallel_loop3A_1317] {strides = array<i32>} : memref<7680xi32, #tpu.memory_space<vmem>>, vector<16xi32>,
      %parallel_loop3A_1319 = tpu.vector_load_idx %arg7[%parallel_loop3A_1306] : memref<100000xf32, #tpu.memory_space<vmem>>[vector<16xi32>], vector<16xf32>,
      %parallel_loop3A_1320 = tpu.vector_load_idx %arg7[%parallel_loop3A_1310] : memref<100000xf32, #tpu.memory_space<vmem>>[vector<16xi32>], vector<16xf32>,
      %parallel_loop3A_1321 = tpu.vector_load_idx %arg7[%parallel_loop3A_1314] : memref<100000xf32, #tpu.memory_space<vmem>>[vector<16xi32>], vector<16xf32>,
      %parallel_loop3A_1322 = tpu.vector_load_idx %arg7[%parallel_loop3A_1318] : memref<100000xf32, #tpu.memory_space<vmem>>[vector<16xi32>], vector<16xf32>,
      %parallel_loop3A_1323 = arith.constant 0 : i32
      %parallel_loop3A_1324 = arith.addi %parallel_loop3A_1302, %parallel_loop3A_1323 : i32
      %parallel_loop3A_1325 = arith.index_cast %parallel_loop3A_1324 : i32 to index
      %parallel_loop3A_1326 = tpu.vector_load %arg11[%parallel_loop3A_1325] {strides = array<i32>} : memref<7680xf32, #tpu.memory_space<vmem>>, vector<16xf32>,
      tpu.vector_store %arg11[%parallel_loop3A_1325], %parallel_loop3A_1319 {strides = array<i32>} : memref<7680xf32, #tpu.memory_space<vmem>>, vector<16xf32>,
      %parallel_loop3A_1327 = arith.constant 16 : i32
      %parallel_loop3A_1328 = arith.addi %parallel_loop3A_1302, %parallel_loop3A_1327 : i32
      %parallel_loop3A_1329 = arith.index_cast %parallel_loop3A_1328 : i32 to index
      %parallel_loop3A_1330 = tpu.vector_load %arg11[%parallel_loop3A_1329] {strides = array<i32>} : memref<7680xf32, #tpu.memory_space<vmem>>, vector<16xf32>,
      tpu.vector_store %arg11[%parallel_loop3A_1329], %parallel_loop3A_1320 {strides = array<i32>} : memref<7680xf32, #tpu.memory_space<vmem>>, vector<16xf32>,
      %parallel_loop3A_1331 = arith.constant 32 : i32
      %parallel_loop3A_1332 = arith.addi %parallel_loop3A_1302, %parallel_loop3A_1331 : i32
      %parallel_loop3A_1333 = arith.index_cast %parallel_loop3A_1332 : i32 to index
      %parallel_loop3A_1334 = tpu.vector_load %arg11[%parallel_loop3A_1333] {strides = array<i32>} : memref<7680xf32, #tpu.memory_space<vmem>>, vector<16xf32>,
      tpu.vector_store %arg11[%parallel_loop3A_1333], %parallel_loop3A_1321 {strides = array<i32>} : memref<7680xf32, #tpu.memory_space<vmem>>, vector<16xf32>,
      %parallel_loop3A_1335 = arith.constant 48 : i32
      %parallel_loop3A_1336 = arith.addi %parallel_loop3A_1302, %parallel_loop3A_1335 : i32
      %parallel_loop3A_1337 = arith.index_cast %parallel_loop3A_1336 : i32 to index
      %parallel_loop3A_1338 = tpu.vector_load %arg11[%parallel_loop3A_1337] {strides = array<i32>} : memref<7680xf32, #tpu.memory_space<vmem>>, vector<16xf32>,
      tpu.vector_store %arg11[%parallel_loop3A_1337], %parallel_loop3A_1322 {strides = array<i32>} : memref<7680xf32, #tpu.memory_space<vmem>>, vector<16xf32>,
    } {sc.loop_unroll_factor = 2 : i64, sc.parallel_access}
    %dma_start3A_890 = arith.constant 0 : i32
    %dma_start3A_891 = tpu.memref_slice %arg11[%dma_start3A_890] : memref<7680xf32, #tpu.memory_space<vmem>> -> memref<7680xf32, #tpu.memory_space<vmem>>
    %dma_start3A_892 = arith.constant 31744 : i32
    %dma_start3A_893 = tpu.memref_slice %arg6[%add3A_8, %dma_start3A_892] : memref<64x114688xf32, #tpu.memory_space<hbm>> -> memref<1x7680xf32, #tpu.memory_space<hbm>>
    %dma_start3A_894 = tpu.memref_squeeze %dma_start3A_893 : memref<1x7680xf32, #tpu.memory_space<hbm>> -> memref<7680xf32, #tpu.memory_space<hbm>>
    %dma_start3A_895 = arith.constant 31744 : i32
    %dma_start3A_896 = tpu.memref_slice %arg6[%add3A_8, %dma_start3A_895] : memref<64x114688xf32, #tpu.memory_space<hbm>> -> memref<1x7680xf32, #tpu.memory_space<hbm>>
    %dma_start3A_897 = tpu.memref_squeeze %dma_start3A_896 : memref<1x7680xf32, #tpu.memory_space<hbm>> -> memref<7680xf32, #tpu.memory_space<hbm>>
    %dma_start3A_898 = arith.constant 0 : i32
    %dma_start3A_899 = tpu.memref_slice %arg11[%dma_start3A_898] : memref<7680xf32, #tpu.memory_space<vmem>> -> memref<7680xf32, #tpu.memory_space<vmem>>
    tpu.enqueue_dma source(%dma_start3A_899 : memref<7680xf32, #tpu.memory_space<vmem>>) target(%dma_start3A_897 : memref<7680xf32, #tpu.memory_space<hbm>>) target_semaphore(%arg15 : memref<!tpu.dma_semaphore, #tpu.memory_space<semaphore_mem>>)
    %dma_start3A_900 = arith.constant 0 : i32
    %dma_start3A_901 = tpu.memref_slice %arg9[%dma_start3A_900] : memref<7680xi32, #tpu.memory_space<vmem>> -> memref<7680xi32, #tpu.memory_space<vmem>>
    %dma_start3A_902 = arith.constant 30720 : i32
    %dma_start3A_903 = tpu.memref_slice %arg3[%dma_start3A_902] : memref<98304xi32, #tpu.memory_space<hbm>> -> memref<7680xi32, #tpu.memory_space<hbm>>
    %dma_start3A_904 = arith.constant 0 : i32
    %dma_start3A_905 = tpu.memref_slice %arg9[%dma_start3A_904] : memref<7680xi32, #tpu.memory_space<vmem>> -> memref<7680xi32, #tpu.memory_space<vmem>>
    %dma_start3A_906 = arith.constant 30720 : i32
    %dma_start3A_907 = tpu.memref_slice %arg3[%dma_start3A_906] : memref<98304xi32, #tpu.memory_space<hbm>> -> memref<7680xi32, #tpu.memory_space<hbm>>
    tpu.enqueue_dma source(%dma_start3A_907 : memref<7680xi32, #tpu.memory_space<hbm>>) target(%dma_start3A_905 : memref<7680xi32, #tpu.memory_space<vmem>>) target_semaphore(%arg13 : memref<!tpu.dma_semaphore, #tpu.memory_space<semaphore_mem>>)
    %dma_wait3A_908 = arith.constant 0 : i32
    %dma_wait3A_909 = tpu.memref_slice %arg8[%dma_wait3A_908] : memref<7680xi32, #tpu.memory_space<vmem>> -> memref<7680xi32, #tpu.memory_space<vmem>>
    %dma_wait3A_910 = arith.constant 23040 : i32
    %dma_wait3A_911 = tpu.memref_slice %arg3[%dma_wait3A_910] : memref<98304xi32, #tpu.memory_space<hbm>> -> memref<7680xi32, #tpu.memory_space<hbm>>
    %dma_wait3A_912 = arith.constant 0 : i32
    %dma_wait3A_913 = tpu.memref_slice %arg8[%dma_wait3A_912] : memref<7680xi32, #tpu.memory_space<vmem>> -> memref<7680xi32, #tpu.memory_space<vmem>>
    %dma_wait3A_914 = arith.constant 23040 : i32
    %dma_wait3A_915 = tpu.memref_slice %arg3[%dma_wait3A_914] : memref<98304xi32, #tpu.memory_space<hbm>> -> memref<7680xi32, #tpu.memory_space<hbm>>
    tpu.wait_dma2 semaphore(%arg12 : memref<!tpu.dma_semaphore, #tpu.memory_space<semaphore_mem>>) src(%dma_wait3A_915 : memref<7680xi32, #tpu.memory_space<hbm>>) dst(%dma_wait3A_913 : memref<7680xi32, #tpu.memory_space<vmem>>)
    %dma_wait3A_916 = arith.constant 0 : i32
    %dma_wait3A_917 = tpu.memref_slice %arg10[%dma_wait3A_916] : memref<7680xf32, #tpu.memory_space<vmem>> -> memref<7680xf32, #tpu.memory_space<vmem>>
    %dma_wait3A_918 = arith.constant 24064 : i32
    %dma_wait3A_919 = tpu.memref_slice %arg6[%add3A_8, %dma_wait3A_918] : memref<64x114688xf32, #tpu.memory_space<hbm>> -> memref<1x7680xf32, #tpu.memory_space<hbm>>
    %dma_wait3A_920 = tpu.memref_squeeze %dma_wait3A_919 : memref<1x7680xf32, #tpu.memory_space<hbm>> -> memref<7680xf32, #tpu.memory_space<hbm>>
    %dma_wait3A_921 = arith.constant 24064 : i32
    %dma_wait3A_922 = tpu.memref_slice %arg6[%add3A_8, %dma_wait3A_921] : memref<64x114688xf32, #tpu.memory_space<hbm>> -> memref<1x7680xf32, #tpu.memory_space<hbm>>
    %dma_wait3A_923 = tpu.memref_squeeze %dma_wait3A_922 : memref<1x7680xf32, #tpu.memory_space<hbm>> -> memref<7680xf32, #tpu.memory_space<hbm>>
    %dma_wait3A_924 = arith.constant 0 : i32
    %dma_wait3A_925 = tpu.memref_slice %arg10[%dma_wait3A_924] : memref<7680xf32, #tpu.memory_space<vmem>> -> memref<7680xf32, #tpu.memory_space<vmem>>
    tpu.wait_dma2 semaphore(%arg14 : memref<!tpu.dma_semaphore, #tpu.memory_space<semaphore_mem>>) src(%dma_wait3A_925 : memref<7680xf32, #tpu.memory_space<vmem>>) dst(%dma_wait3A_923 : memref<7680xf32, #tpu.memory_space<hbm>>)
    %parallel_loop3A_926 = arith.constant 0 : i32
    %parallel_loop3A_927 = arith.constant 7680 : i32
    %parallel_loop3A_928 = arith.constant 64 : i32
    scf.for %parallel_loop3A_1302 = %parallel_loop3A_926 to %parallel_loop3A_927 step %parallel_loop3A_928  : i32 {
      %parallel_loop3A_1303 = arith.constant 0 : i32
      %parallel_loop3A_1304 = arith.addi %parallel_loop3A_1302, %parallel_loop3A_1303 : i32
      %parallel_loop3A_1305 = arith.index_cast %parallel_loop3A_1304 : i32 to index
      %parallel_loop3A_1306 = tpu.vector_load %arg8[%parallel_loop3A_1305] {strides = array<i32>} : memref<7680xi32, #tpu.memory_space<vmem>>, vector<16xi32>,
      %parallel_loop3A_1307 = arith.constant 16 : i32
      %parallel_loop3A_1308 = arith.addi %parallel_loop3A_1302, %parallel_loop3A_1307 : i32
      %parallel_loop3A_1309 = arith.index_cast %parallel_loop3A_1308 : i32 to index
      %parallel_loop3A_1310 = tpu.vector_load %arg8[%parallel_loop3A_1309] {strides = array<i32>} : memref<7680xi32, #tpu.memory_space<vmem>>, vector<16xi32>,
      %parallel_loop3A_1311 = arith.constant 32 : i32
      %parallel_loop3A_1312 = arith.addi %parallel_loop3A_1302, %parallel_loop3A_1311 : i32
      %parallel_loop3A_1313 = arith.index_cast %parallel_loop3A_1312 : i32 to index
      %parallel_loop3A_1314 = tpu.vector_load %arg8[%parallel_loop3A_1313] {strides = array<i32>} : memref<7680xi32, #tpu.memory_space<vmem>>, vector<16xi32>,
      %parallel_loop3A_1315 = arith.constant 48 : i32
      %parallel_loop3A_1316 = arith.addi %parallel_loop3A_1302, %parallel_loop3A_1315 : i32
      %parallel_loop3A_1317 = arith.index_cast %parallel_loop3A_1316 : i32 to index
      %parallel_loop3A_1318 = tpu.vector_load %arg8[%parallel_loop3A_1317] {strides = array<i32>} : memref<7680xi32, #tpu.memory_space<vmem>>, vector<16xi32>,
      %parallel_loop3A_1319 = tpu.vector_load_idx %arg7[%parallel_loop3A_1306] : memref<100000xf32, #tpu.memory_space<vmem>>[vector<16xi32>], vector<16xf32>,
      %parallel_loop3A_1320 = tpu.vector_load_idx %arg7[%parallel_loop3A_1310] : memref<100000xf32, #tpu.memory_space<vmem>>[vector<16xi32>], vector<16xf32>,
      %parallel_loop3A_1321 = tpu.vector_load_idx %arg7[%parallel_loop3A_1314] : memref<100000xf32, #tpu.memory_space<vmem>>[vector<16xi32>], vector<16xf32>,
      %parallel_loop3A_1322 = tpu.vector_load_idx %arg7[%parallel_loop3A_1318] : memref<100000xf32, #tpu.memory_space<vmem>>[vector<16xi32>], vector<16xf32>,
      %parallel_loop3A_1323 = arith.constant 0 : i32
      %parallel_loop3A_1324 = arith.addi %parallel_loop3A_1302, %parallel_loop3A_1323 : i32
      %parallel_loop3A_1325 = arith.index_cast %parallel_loop3A_1324 : i32 to index
      %parallel_loop3A_1326 = tpu.vector_load %arg10[%parallel_loop3A_1325] {strides = array<i32>} : memref<7680xf32, #tpu.memory_space<vmem>>, vector<16xf32>,
      tpu.vector_store %arg10[%parallel_loop3A_1325], %parallel_loop3A_1319 {strides = array<i32>} : memref<7680xf32, #tpu.memory_space<vmem>>, vector<16xf32>,
      %parallel_loop3A_1327 = arith.constant 16 : i32
      %parallel_loop3A_1328 = arith.addi %parallel_loop3A_1302, %parallel_loop3A_1327 : i32
      %parallel_loop3A_1329 = arith.index_cast %parallel_loop3A_1328 : i32 to index
      %parallel_loop3A_1330 = tpu.vector_load %arg10[%parallel_loop3A_1329] {strides = array<i32>} : memref<7680xf32, #tpu.memory_space<vmem>>, vector<16xf32>,
      tpu.vector_store %arg10[%parallel_loop3A_1329], %parallel_loop3A_1320 {strides = array<i32>} : memref<7680xf32, #tpu.memory_space<vmem>>, vector<16xf32>,
      %parallel_loop3A_1331 = arith.constant 32 : i32
      %parallel_loop3A_1332 = arith.addi %parallel_loop3A_1302, %parallel_loop3A_1331 : i32
      %parallel_loop3A_1333 = arith.index_cast %parallel_loop3A_1332 : i32 to index
      %parallel_loop3A_1334 = tpu.vector_load %arg10[%parallel_loop3A_1333] {strides = array<i32>} : memref<7680xf32, #tpu.memory_space<vmem>>, vector<16xf32>,
      tpu.vector_store %arg10[%parallel_loop3A_1333], %parallel_loop3A_1321 {strides = array<i32>} : memref<7680xf32, #tpu.memory_space<vmem>>, vector<16xf32>,
      %parallel_loop3A_1335 = arith.constant 48 : i32
      %parallel_loop3A_1336 = arith.addi %parallel_loop3A_1302, %parallel_loop3A_1335 : i32
      %parallel_loop3A_1337 = arith.index_cast %parallel_loop3A_1336 : i32 to index
      %parallel_loop3A_1338 = tpu.vector_load %arg10[%parallel_loop3A_1337] {strides = array<i32>} : memref<7680xf32, #tpu.memory_space<vmem>>, vector<16xf32>,
      tpu.vector_store %arg10[%parallel_loop3A_1337], %parallel_loop3A_1322 {strides = array<i32>} : memref<7680xf32, #tpu.memory_space<vmem>>, vector<16xf32>,
    } {sc.loop_unroll_factor = 2 : i64, sc.parallel_access}
    %dma_start3A_929 = arith.constant 0 : i32
    %dma_start3A_930 = tpu.memref_slice %arg10[%dma_start3A_929] : memref<7680xf32, #tpu.memory_space<vmem>> -> memref<7680xf32, #tpu.memory_space<vmem>>
    %dma_start3A_931 = arith.constant 39424 : i32
    %dma_start3A_932 = tpu.memref_slice %arg6[%add3A_8, %dma_start3A_931] : memref<64x114688xf32, #tpu.memory_space<hbm>> -> memref<1x7680xf32, #tpu.memory_space<hbm>>
    %dma_start3A_933 = tpu.memref_squeeze %dma_start3A_932 : memref<1x7680xf32, #tpu.memory_space<hbm>> -> memref<7680xf32, #tpu.memory_space<hbm>>
    %dma_start3A_934 = arith.constant 39424 : i32
    %dma_start3A_935 = tpu.memref_slice %arg6[%add3A_8, %dma_start3A_934] : memref<64x114688xf32, #tpu.memory_space<hbm>> -> memref<1x7680xf32, #tpu.memory_space<hbm>>
    %dma_start3A_936 = tpu.memref_squeeze %dma_start3A_935 : memref<1x7680xf32, #tpu.memory_space<hbm>> -> memref<7680xf32, #tpu.memory_space<hbm>>
    %dma_start3A_937 = arith.constant 0 : i32
    %dma_start3A_938 = tpu.memref_slice %arg10[%dma_start3A_937] : memref<7680xf32, #tpu.memory_space<vmem>> -> memref<7680xf32, #tpu.memory_space<vmem>>
    tpu.enqueue_dma source(%dma_start3A_938 : memref<7680xf32, #tpu.memory_space<vmem>>) target(%dma_start3A_936 : memref<7680xf32, #tpu.memory_space<hbm>>) target_semaphore(%arg14 : memref<!tpu.dma_semaphore, #tpu.memory_space<semaphore_mem>>)
    %dma_start3A_939 = arith.constant 0 : i32
    %dma_start3A_940 = tpu.memref_slice %arg8[%dma_start3A_939] : memref<7680xi32, #tpu.memory_space<vmem>> -> memref<7680xi32, #tpu.memory_space<vmem>>
    %dma_start3A_941 = arith.constant 38400 : i32
    %dma_start3A_942 = tpu.memref_slice %arg3[%dma_start3A_941] : memref<98304xi32, #tpu.memory_space<hbm>> -> memref<7680xi32, #tpu.memory_space<hbm>>
    %dma_start3A_943 = arith.constant 0 : i32
    %dma_start3A_944 = tpu.memref_slice %arg8[%dma_start3A_943] : memref<7680xi32, #tpu.memory_space<vmem>> -> memref<7680xi32, #tpu.memory_space<vmem>>
    %dma_start3A_945 = arith.constant 38400 : i32
    %dma_start3A_946 = tpu.memref_slice %arg3[%dma_start3A_945] : memref<98304xi32, #tpu.memory_space<hbm>> -> memref<7680xi32, #tpu.memory_space<hbm>>
    tpu.enqueue_dma source(%dma_start3A_946 : memref<7680xi32, #tpu.memory_space<hbm>>) target(%dma_start3A_944 : memref<7680xi32, #tpu.memory_space<vmem>>) target_semaphore(%arg12 : memref<!tpu.dma_semaphore, #tpu.memory_space<semaphore_mem>>)
    %dma_wait3A_947 = arith.constant 0 : i32
    %dma_wait3A_948 = tpu.memref_slice %arg9[%dma_wait3A_947] : memref<7680xi32, #tpu.memory_space<vmem>> -> memref<7680xi32, #tpu.memory_space<vmem>>
    %dma_wait3A_949 = arith.constant 30720 : i32
    %dma_wait3A_950 = tpu.memref_slice %arg3[%dma_wait3A_949] : memref<98304xi32, #tpu.memory_space<hbm>> -> memref<7680xi32, #tpu.memory_space<hbm>>
    %dma_wait3A_951 = arith.constant 0 : i32
    %dma_wait3A_952 = tpu.memref_slice %arg9[%dma_wait3A_951] : memref<7680xi32, #tpu.memory_space<vmem>> -> memref<7680xi32, #tpu.memory_space<vmem>>
    %dma_wait3A_953 = arith.constant 30720 : i32
    %dma_wait3A_954 = tpu.memref_slice %arg3[%dma_wait3A_953] : memref<98304xi32, #tpu.memory_space<hbm>> -> memref<7680xi32, #tpu.memory_space<hbm>>
    tpu.wait_dma2 semaphore(%arg13 : memref<!tpu.dma_semaphore, #tpu.memory_space<semaphore_mem>>) src(%dma_wait3A_954 : memref<7680xi32, #tpu.memory_space<hbm>>) dst(%dma_wait3A_952 : memref<7680xi32, #tpu.memory_space<vmem>>)
    %dma_wait3A_955 = arith.constant 0 : i32
    %dma_wait3A_956 = tpu.memref_slice %arg11[%dma_wait3A_955] : memref<7680xf32, #tpu.memory_space<vmem>> -> memref<7680xf32, #tpu.memory_space<vmem>>
    %dma_wait3A_957 = arith.constant 31744 : i32
    %dma_wait3A_958 = tpu.memref_slice %arg6[%add3A_8, %dma_wait3A_957] : memref<64x114688xf32, #tpu.memory_space<hbm>> -> memref<1x7680xf32, #tpu.memory_space<hbm>>
    %dma_wait3A_959 = tpu.memref_squeeze %dma_wait3A_958 : memref<1x7680xf32, #tpu.memory_space<hbm>> -> memref<7680xf32, #tpu.memory_space<hbm>>
    %dma_wait3A_960 = arith.constant 31744 : i32
    %dma_wait3A_961 = tpu.memref_slice %arg6[%add3A_8, %dma_wait3A_960] : memref<64x114688xf32, #tpu.memory_space<hbm>> -> memref<1x7680xf32, #tpu.memory_space<hbm>>
    %dma_wait3A_962 = tpu.memref_squeeze %dma_wait3A_961 : memref<1x7680xf32, #tpu.memory_space<hbm>> -> memref<7680xf32, #tpu.memory_space<hbm>>
    %dma_wait3A_963 = arith.constant 0 : i32
    %dma_wait3A_964 = tpu.memref_slice %arg11[%dma_wait3A_963] : memref<7680xf32, #tpu.memory_space<vmem>> -> memref<7680xf32, #tpu.memory_space<vmem>>
    tpu.wait_dma2 semaphore(%arg15 : memref<!tpu.dma_semaphore, #tpu.memory_space<semaphore_mem>>) src(%dma_wait3A_964 : memref<7680xf32, #tpu.memory_space<vmem>>) dst(%dma_wait3A_962 : memref<7680xf32, #tpu.memory_space<hbm>>)
    %parallel_loop3A_965 = arith.constant 0 : i32
    %parallel_loop3A_966 = arith.constant 7680 : i32
    %parallel_loop3A_967 = arith.constant 64 : i32
    scf.for %parallel_loop3A_1302 = %parallel_loop3A_965 to %parallel_loop3A_966 step %parallel_loop3A_967  : i32 {
      %parallel_loop3A_1303 = arith.constant 0 : i32
      %parallel_loop3A_1304 = arith.addi %parallel_loop3A_1302, %parallel_loop3A_1303 : i32
      %parallel_loop3A_1305 = arith.index_cast %parallel_loop3A_1304 : i32 to index
      %parallel_loop3A_1306 = tpu.vector_load %arg9[%parallel_loop3A_1305] {strides = array<i32>} : memref<7680xi32, #tpu.memory_space<vmem>>, vector<16xi32>,
      %parallel_loop3A_1307 = arith.constant 16 : i32
      %parallel_loop3A_1308 = arith.addi %parallel_loop3A_1302, %parallel_loop3A_1307 : i32
      %parallel_loop3A_1309 = arith.index_cast %parallel_loop3A_1308 : i32 to index
      %parallel_loop3A_1310 = tpu.vector_load %arg9[%parallel_loop3A_1309] {strides = array<i32>} : memref<7680xi32, #tpu.memory_space<vmem>>, vector<16xi32>,
      %parallel_loop3A_1311 = arith.constant 32 : i32
      %parallel_loop3A_1312 = arith.addi %parallel_loop3A_1302, %parallel_loop3A_1311 : i32
      %parallel_loop3A_1313 = arith.index_cast %parallel_loop3A_1312 : i32 to index
      %parallel_loop3A_1314 = tpu.vector_load %arg9[%parallel_loop3A_1313] {strides = array<i32>} : memref<7680xi32, #tpu.memory_space<vmem>>, vector<16xi32>,
      %parallel_loop3A_1315 = arith.constant 48 : i32
      %parallel_loop3A_1316 = arith.addi %parallel_loop3A_1302, %parallel_loop3A_1315 : i32
      %parallel_loop3A_1317 = arith.index_cast %parallel_loop3A_1316 : i32 to index
      %parallel_loop3A_1318 = tpu.vector_load %arg9[%parallel_loop3A_1317] {strides = array<i32>} : memref<7680xi32, #tpu.memory_space<vmem>>, vector<16xi32>,
      %parallel_loop3A_1319 = tpu.vector_load_idx %arg7[%parallel_loop3A_1306] : memref<100000xf32, #tpu.memory_space<vmem>>[vector<16xi32>], vector<16xf32>,
      %parallel_loop3A_1320 = tpu.vector_load_idx %arg7[%parallel_loop3A_1310] : memref<100000xf32, #tpu.memory_space<vmem>>[vector<16xi32>], vector<16xf32>,
      %parallel_loop3A_1321 = tpu.vector_load_idx %arg7[%parallel_loop3A_1314] : memref<100000xf32, #tpu.memory_space<vmem>>[vector<16xi32>], vector<16xf32>,
      %parallel_loop3A_1322 = tpu.vector_load_idx %arg7[%parallel_loop3A_1318] : memref<100000xf32, #tpu.memory_space<vmem>>[vector<16xi32>], vector<16xf32>,
      %parallel_loop3A_1323 = arith.constant 0 : i32
      %parallel_loop3A_1324 = arith.addi %parallel_loop3A_1302, %parallel_loop3A_1323 : i32
      %parallel_loop3A_1325 = arith.index_cast %parallel_loop3A_1324 : i32 to index
      %parallel_loop3A_1326 = tpu.vector_load %arg11[%parallel_loop3A_1325] {strides = array<i32>} : memref<7680xf32, #tpu.memory_space<vmem>>, vector<16xf32>,
      tpu.vector_store %arg11[%parallel_loop3A_1325], %parallel_loop3A_1319 {strides = array<i32>} : memref<7680xf32, #tpu.memory_space<vmem>>, vector<16xf32>,
      %parallel_loop3A_1327 = arith.constant 16 : i32
      %parallel_loop3A_1328 = arith.addi %parallel_loop3A_1302, %parallel_loop3A_1327 : i32
      %parallel_loop3A_1329 = arith.index_cast %parallel_loop3A_1328 : i32 to index
      %parallel_loop3A_1330 = tpu.vector_load %arg11[%parallel_loop3A_1329] {strides = array<i32>} : memref<7680xf32, #tpu.memory_space<vmem>>, vector<16xf32>,
      tpu.vector_store %arg11[%parallel_loop3A_1329], %parallel_loop3A_1320 {strides = array<i32>} : memref<7680xf32, #tpu.memory_space<vmem>>, vector<16xf32>,
      %parallel_loop3A_1331 = arith.constant 32 : i32
      %parallel_loop3A_1332 = arith.addi %parallel_loop3A_1302, %parallel_loop3A_1331 : i32
      %parallel_loop3A_1333 = arith.index_cast %parallel_loop3A_1332 : i32 to index
      %parallel_loop3A_1334 = tpu.vector_load %arg11[%parallel_loop3A_1333] {strides = array<i32>} : memref<7680xf32, #tpu.memory_space<vmem>>, vector<16xf32>,
      tpu.vector_store %arg11[%parallel_loop3A_1333], %parallel_loop3A_1321 {strides = array<i32>} : memref<7680xf32, #tpu.memory_space<vmem>>, vector<16xf32>,
      %parallel_loop3A_1335 = arith.constant 48 : i32
      %parallel_loop3A_1336 = arith.addi %parallel_loop3A_1302, %parallel_loop3A_1335 : i32
      %parallel_loop3A_1337 = arith.index_cast %parallel_loop3A_1336 : i32 to index
      %parallel_loop3A_1338 = tpu.vector_load %arg11[%parallel_loop3A_1337] {strides = array<i32>} : memref<7680xf32, #tpu.memory_space<vmem>>, vector<16xf32>,
      tpu.vector_store %arg11[%parallel_loop3A_1337], %parallel_loop3A_1322 {strides = array<i32>} : memref<7680xf32, #tpu.memory_space<vmem>>, vector<16xf32>,
    } {sc.loop_unroll_factor = 2 : i64, sc.parallel_access}
    %dma_start3A_968 = arith.constant 0 : i32
    %dma_start3A_969 = tpu.memref_slice %arg11[%dma_start3A_968] : memref<7680xf32, #tpu.memory_space<vmem>> -> memref<7680xf32, #tpu.memory_space<vmem>>
    %dma_start3A_970 = arith.constant 47104 : i32
    %dma_start3A_971 = tpu.memref_slice %arg6[%add3A_8, %dma_start3A_970] : memref<64x114688xf32, #tpu.memory_space<hbm>> -> memref<1x7680xf32, #tpu.memory_space<hbm>>
    %dma_start3A_972 = tpu.memref_squeeze %dma_start3A_971 : memref<1x7680xf32, #tpu.memory_space<hbm>> -> memref<7680xf32, #tpu.memory_space<hbm>>
    %dma_start3A_973 = arith.constant 47104 : i32
    %dma_start3A_974 = tpu.memref_slice %arg6[%add3A_8, %dma_start3A_973] : memref<64x114688xf32, #tpu.memory_space<hbm>> -> memref<1x7680xf32, #tpu.memory_space<hbm>>
    %dma_start3A_975 = tpu.memref_squeeze %dma_start3A_974 : memref<1x7680xf32, #tpu.memory_space<hbm>> -> memref<7680xf32, #tpu.memory_space<hbm>>
    %dma_start3A_976 = arith.constant 0 : i32
    %dma_start3A_977 = tpu.memref_slice %arg11[%dma_start3A_976] : memref<7680xf32, #tpu.memory_space<vmem>> -> memref<7680xf32, #tpu.memory_space<vmem>>
    tpu.enqueue_dma source(%dma_start3A_977 : memref<7680xf32, #tpu.memory_space<vmem>>) target(%dma_start3A_975 : memref<7680xf32, #tpu.memory_space<hbm>>) target_semaphore(%arg15 : memref<!tpu.dma_semaphore, #tpu.memory_space<semaphore_mem>>)
    %dma_start3A_978 = arith.constant 0 : i32
    %dma_start3A_979 = tpu.memref_slice %arg9[%dma_start3A_978] : memref<7680xi32, #tpu.memory_space<vmem>> -> memref<7680xi32, #tpu.memory_space<vmem>>
    %dma_start3A_980 = arith.constant 46080 : i32
    %dma_start3A_981 = tpu.memref_slice %arg3[%dma_start3A_980] : memref<98304xi32, #tpu.memory_space<hbm>> -> memref<7680xi32, #tpu.memory_space<hbm>>
    %dma_start3A_982 = arith.constant 0 : i32
    %dma_start3A_983 = tpu.memref_slice %arg9[%dma_start3A_982] : memref<7680xi32, #tpu.memory_space<vmem>> -> memref<7680xi32, #tpu.memory_space<vmem>>
    %dma_start3A_984 = arith.constant 46080 : i32
    %dma_start3A_985 = tpu.memref_slice %arg3[%dma_start3A_984] : memref<98304xi32, #tpu.memory_space<hbm>> -> memref<7680xi32, #tpu.memory_space<hbm>>
    tpu.enqueue_dma source(%dma_start3A_985 : memref<7680xi32, #tpu.memory_space<hbm>>) target(%dma_start3A_983 : memref<7680xi32, #tpu.memory_space<vmem>>) target_semaphore(%arg13 : memref<!tpu.dma_semaphore, #tpu.memory_space<semaphore_mem>>)
    %dma_wait3A_986 = arith.constant 0 : i32
    %dma_wait3A_987 = tpu.memref_slice %arg8[%dma_wait3A_986] : memref<7680xi32, #tpu.memory_space<vmem>> -> memref<7680xi32, #tpu.memory_space<vmem>>
    %dma_wait3A_988 = arith.constant 38400 : i32
    %dma_wait3A_989 = tpu.memref_slice %arg3[%dma_wait3A_988] : memref<98304xi32, #tpu.memory_space<hbm>> -> memref<7680xi32, #tpu.memory_space<hbm>>
    %dma_wait3A_990 = arith.constant 0 : i32
    %dma_wait3A_991 = tpu.memref_slice %arg8[%dma_wait3A_990] : memref<7680xi32, #tpu.memory_space<vmem>> -> memref<7680xi32, #tpu.memory_space<vmem>>
    %dma_wait3A_992 = arith.constant 38400 : i32
    %dma_wait3A_993 = tpu.memref_slice %arg3[%dma_wait3A_992] : memref<98304xi32, #tpu.memory_space<hbm>> -> memref<7680xi32, #tpu.memory_space<hbm>>
    tpu.wait_dma2 semaphore(%arg12 : memref<!tpu.dma_semaphore, #tpu.memory_space<semaphore_mem>>) src(%dma_wait3A_993 : memref<7680xi32, #tpu.memory_space<hbm>>) dst(%dma_wait3A_991 : memref<7680xi32, #tpu.memory_space<vmem>>)
    %dma_wait3A_994 = arith.constant 0 : i32
    %dma_wait3A_995 = tpu.memref_slice %arg10[%dma_wait3A_994] : memref<7680xf32, #tpu.memory_space<vmem>> -> memref<7680xf32, #tpu.memory_space<vmem>>
    %dma_wait3A_996 = arith.constant 39424 : i32
    %dma_wait3A_997 = tpu.memref_slice %arg6[%add3A_8, %dma_wait3A_996] : memref<64x114688xf32, #tpu.memory_space<hbm>> -> memref<1x7680xf32, #tpu.memory_space<hbm>>
    %dma_wait3A_998 = tpu.memref_squeeze %dma_wait3A_997 : memref<1x7680xf32, #tpu.memory_space<hbm>> -> memref<7680xf32, #tpu.memory_space<hbm>>
    %dma_wait3A_999 = arith.constant 39424 : i32
    %dma_wait3A_1000 = tpu.memref_slice %arg6[%add3A_8, %dma_wait3A_999] : memref<64x114688xf32, #tpu.memory_space<hbm>> -> memref<1x7680xf32, #tpu.memory_space<hbm>>
    %dma_wait3A_1001 = tpu.memref_squeeze %dma_wait3A_1000 : memref<1x7680xf32, #tpu.memory_space<hbm>> -> memref<7680xf32, #tpu.memory_space<hbm>>
    %dma_wait3A_1002 = arith.constant 0 : i32
    %dma_wait3A_1003 = tpu.memref_slice %arg10[%dma_wait3A_1002] : memref<7680xf32, #tpu.memory_space<vmem>> -> memref<7680xf32, #tpu.memory_space<vmem>>
    tpu.wait_dma2 semaphore(%arg14 : memref<!tpu.dma_semaphore, #tpu.memory_space<semaphore_mem>>) src(%dma_wait3A_1003 : memref<7680xf32, #tpu.memory_space<vmem>>) dst(%dma_wait3A_1001 : memref<7680xf32, #tpu.memory_space<hbm>>)
    %parallel_loop3A_1004 = arith.constant 0 : i32
    %parallel_loop3A_1005 = arith.constant 7680 : i32
    %parallel_loop3A_1006 = arith.constant 64 : i32
    scf.for %parallel_loop3A_1302 = %parallel_loop3A_1004 to %parallel_loop3A_1005 step %parallel_loop3A_1006  : i32 {
      %parallel_loop3A_1303 = arith.constant 0 : i32
      %parallel_loop3A_1304 = arith.addi %parallel_loop3A_1302, %parallel_loop3A_1303 : i32
      %parallel_loop3A_1305 = arith.index_cast %parallel_loop3A_1304 : i32 to index
      %parallel_loop3A_1306 = tpu.vector_load %arg8[%parallel_loop3A_1305] {strides = array<i32>} : memref<7680xi32, #tpu.memory_space<vmem>>, vector<16xi32>,
      %parallel_loop3A_1307 = arith.constant 16 : i32
      %parallel_loop3A_1308 = arith.addi %parallel_loop3A_1302, %parallel_loop3A_1307 : i32
      %parallel_loop3A_1309 = arith.index_cast %parallel_loop3A_1308 : i32 to index
      %parallel_loop3A_1310 = tpu.vector_load %arg8[%parallel_loop3A_1309] {strides = array<i32>} : memref<7680xi32, #tpu.memory_space<vmem>>, vector<16xi32>,
      %parallel_loop3A_1311 = arith.constant 32 : i32
      %parallel_loop3A_1312 = arith.addi %parallel_loop3A_1302, %parallel_loop3A_1311 : i32
      %parallel_loop3A_1313 = arith.index_cast %parallel_loop3A_1312 : i32 to index
      %parallel_loop3A_1314 = tpu.vector_load %arg8[%parallel_loop3A_1313] {strides = array<i32>} : memref<7680xi32, #tpu.memory_space<vmem>>, vector<16xi32>,
      %parallel_loop3A_1315 = arith.constant 48 : i32
      %parallel_loop3A_1316 = arith.addi %parallel_loop3A_1302, %parallel_loop3A_1315 : i32
      %parallel_loop3A_1317 = arith.index_cast %parallel_loop3A_1316 : i32 to index
      %parallel_loop3A_1318 = tpu.vector_load %arg8[%parallel_loop3A_1317] {strides = array<i32>} : memref<7680xi32, #tpu.memory_space<vmem>>, vector<16xi32>,
      %parallel_loop3A_1319 = tpu.vector_load_idx %arg7[%parallel_loop3A_1306] : memref<100000xf32, #tpu.memory_space<vmem>>[vector<16xi32>], vector<16xf32>,
      %parallel_loop3A_1320 = tpu.vector_load_idx %arg7[%parallel_loop3A_1310] : memref<100000xf32, #tpu.memory_space<vmem>>[vector<16xi32>], vector<16xf32>,
      %parallel_loop3A_1321 = tpu.vector_load_idx %arg7[%parallel_loop3A_1314] : memref<100000xf32, #tpu.memory_space<vmem>>[vector<16xi32>], vector<16xf32>,
      %parallel_loop3A_1322 = tpu.vector_load_idx %arg7[%parallel_loop3A_1318] : memref<100000xf32, #tpu.memory_space<vmem>>[vector<16xi32>], vector<16xf32>,
      %parallel_loop3A_1323 = arith.constant 0 : i32
      %parallel_loop3A_1324 = arith.addi %parallel_loop3A_1302, %parallel_loop3A_1323 : i32
      %parallel_loop3A_1325 = arith.index_cast %parallel_loop3A_1324 : i32 to index
      %parallel_loop3A_1326 = tpu.vector_load %arg10[%parallel_loop3A_1325] {strides = array<i32>} : memref<7680xf32, #tpu.memory_space<vmem>>, vector<16xf32>,
      tpu.vector_store %arg10[%parallel_loop3A_1325], %parallel_loop3A_1319 {strides = array<i32>} : memref<7680xf32, #tpu.memory_space<vmem>>, vector<16xf32>,
      %parallel_loop3A_1327 = arith.constant 16 : i32
      %parallel_loop3A_1328 = arith.addi %parallel_loop3A_1302, %parallel_loop3A_1327 : i32
      %parallel_loop3A_1329 = arith.index_cast %parallel_loop3A_1328 : i32 to index
      %parallel_loop3A_1330 = tpu.vector_load %arg10[%parallel_loop3A_1329] {strides = array<i32>} : memref<7680xf32, #tpu.memory_space<vmem>>, vector<16xf32>,
      tpu.vector_store %arg10[%parallel_loop3A_1329], %parallel_loop3A_1320 {strides = array<i32>} : memref<7680xf32, #tpu.memory_space<vmem>>, vector<16xf32>,
      %parallel_loop3A_1331 = arith.constant 32 : i32
      %parallel_loop3A_1332 = arith.addi %parallel_loop3A_1302, %parallel_loop3A_1331 : i32
      %parallel_loop3A_1333 = arith.index_cast %parallel_loop3A_1332 : i32 to index
      %parallel_loop3A_1334 = tpu.vector_load %arg10[%parallel_loop3A_1333] {strides = array<i32>} : memref<7680xf32, #tpu.memory_space<vmem>>, vector<16xf32>,
      tpu.vector_store %arg10[%parallel_loop3A_1333], %parallel_loop3A_1321 {strides = array<i32>} : memref<7680xf32, #tpu.memory_space<vmem>>, vector<16xf32>,
      %parallel_loop3A_1335 = arith.constant 48 : i32
      %parallel_loop3A_1336 = arith.addi %parallel_loop3A_1302, %parallel_loop3A_1335 : i32
      %parallel_loop3A_1337 = arith.index_cast %parallel_loop3A_1336 : i32 to index
      %parallel_loop3A_1338 = tpu.vector_load %arg10[%parallel_loop3A_1337] {strides = array<i32>} : memref<7680xf32, #tpu.memory_space<vmem>>, vector<16xf32>,
      tpu.vector_store %arg10[%parallel_loop3A_1337], %parallel_loop3A_1322 {strides = array<i32>} : memref<7680xf32, #tpu.memory_space<vmem>>, vector<16xf32>,
    } {sc.loop_unroll_factor = 2 : i64, sc.parallel_access}
    %dma_start3A_1007 = arith.constant 0 : i32
    %dma_start3A_1008 = tpu.memref_slice %arg10[%dma_start3A_1007] : memref<7680xf32, #tpu.memory_space<vmem>> -> memref<7680xf32, #tpu.memory_space<vmem>>
    %dma_start3A_1009 = arith.constant 54784 : i32
    %dma_start3A_1010 = tpu.memref_slice %arg6[%add3A_8, %dma_start3A_1009] : memref<64x114688xf32, #tpu.memory_space<hbm>> -> memref<1x7680xf32, #tpu.memory_space<hbm>>
    %dma_start3A_1011 = tpu.memref_squeeze %dma_start3A_1010 : memref<1x7680xf32, #tpu.memory_space<hbm>> -> memref<7680xf32, #tpu.memory_space<hbm>>
    %dma_start3A_1012 = arith.constant 54784 : i32
    %dma_start3A_1013 = tpu.memref_slice %arg6[%add3A_8, %dma_start3A_1012] : memref<64x114688xf32, #tpu.memory_space<hbm>> -> memref<1x7680xf32, #tpu.memory_space<hbm>>
    %dma_start3A_1014 = tpu.memref_squeeze %dma_start3A_1013 : memref<1x7680xf32, #tpu.memory_space<hbm>> -> memref<7680xf32, #tpu.memory_space<hbm>>
    %dma_start3A_1015 = arith.constant 0 : i32
    %dma_start3A_1016 = tpu.memref_slice %arg10[%dma_start3A_1015] : memref<7680xf32, #tpu.memory_space<vmem>> -> memref<7680xf32, #tpu.memory_space<vmem>>
    tpu.enqueue_dma source(%dma_start3A_1016 : memref<7680xf32, #tpu.memory_space<vmem>>) target(%dma_start3A_1014 : memref<7680xf32, #tpu.memory_space<hbm>>) target_semaphore(%arg14 : memref<!tpu.dma_semaphore, #tpu.memory_space<semaphore_mem>>)
    %dma_start3A_1017 = arith.constant 0 : i32
    %dma_start3A_1018 = tpu.memref_slice %arg8[%dma_start3A_1017] : memref<7680xi32, #tpu.memory_space<vmem>> -> memref<7680xi32, #tpu.memory_space<vmem>>
    %dma_start3A_1019 = arith.constant 53760 : i32
    %dma_start3A_1020 = tpu.memref_slice %arg3[%dma_start3A_1019] : memref<98304xi32, #tpu.memory_space<hbm>> -> memref<7680xi32, #tpu.memory_space<hbm>>
    %dma_start3A_1021 = arith.constant 0 : i32
    %dma_start3A_1022 = tpu.memref_slice %arg8[%dma_start3A_1021] : memref<7680xi32, #tpu.memory_space<vmem>> -> memref<7680xi32, #tpu.memory_space<vmem>>
    %dma_start3A_1023 = arith.constant 53760 : i32
    %dma_start3A_1024 = tpu.memref_slice %arg3[%dma_start3A_1023] : memref<98304xi32, #tpu.memory_space<hbm>> -> memref<7680xi32, #tpu.memory_space<hbm>>
    tpu.enqueue_dma source(%dma_start3A_1024 : memref<7680xi32, #tpu.memory_space<hbm>>) target(%dma_start3A_1022 : memref<7680xi32, #tpu.memory_space<vmem>>) target_semaphore(%arg12 : memref<!tpu.dma_semaphore, #tpu.memory_space<semaphore_mem>>)
    %dma_wait3A_1025 = arith.constant 0 : i32
    %dma_wait3A_1026 = tpu.memref_slice %arg9[%dma_wait3A_1025] : memref<7680xi32, #tpu.memory_space<vmem>> -> memref<7680xi32, #tpu.memory_space<vmem>>
    %dma_wait3A_1027 = arith.constant 46080 : i32
    %dma_wait3A_1028 = tpu.memref_slice %arg3[%dma_wait3A_1027] : memref<98304xi32, #tpu.memory_space<hbm>> -> memref<7680xi32, #tpu.memory_space<hbm>>
    %dma_wait3A_1029 = arith.constant 0 : i32
    %dma_wait3A_1030 = tpu.memref_slice %arg9[%dma_wait3A_1029] : memref<7680xi32, #tpu.memory_space<vmem>> -> memref<7680xi32, #tpu.memory_space<vmem>>
    %dma_wait3A_1031 = arith.constant 46080 : i32
    %dma_wait3A_1032 = tpu.memref_slice %arg3[%dma_wait3A_1031] : memref<98304xi32, #tpu.memory_space<hbm>> -> memref<7680xi32, #tpu.memory_space<hbm>>
    tpu.wait_dma2 semaphore(%arg13 : memref<!tpu.dma_semaphore, #tpu.memory_space<semaphore_mem>>) src(%dma_wait3A_1032 : memref<7680xi32, #tpu.memory_space<hbm>>) dst(%dma_wait3A_1030 : memref<7680xi32, #tpu.memory_space<vmem>>)
    %dma_wait3A_1033 = arith.constant 0 : i32
    %dma_wait3A_1034 = tpu.memref_slice %arg11[%dma_wait3A_1033] : memref<7680xf32, #tpu.memory_space<vmem>> -> memref<7680xf32, #tpu.memory_space<vmem>>
    %dma_wait3A_1035 = arith.constant 47104 : i32
    %dma_wait3A_1036 = tpu.memref_slice %arg6[%add3A_8, %dma_wait3A_1035] : memref<64x114688xf32, #tpu.memory_space<hbm>> -> memref<1x7680xf32, #tpu.memory_space<hbm>>
    %dma_wait3A_1037 = tpu.memref_squeeze %dma_wait3A_1036 : memref<1x7680xf32, #tpu.memory_space<hbm>> -> memref<7680xf32, #tpu.memory_space<hbm>>
    %dma_wait3A_1038 = arith.constant 47104 : i32
    %dma_wait3A_1039 = tpu.memref_slice %arg6[%add3A_8, %dma_wait3A_1038] : memref<64x114688xf32, #tpu.memory_space<hbm>> -> memref<1x7680xf32, #tpu.memory_space<hbm>>
    %dma_wait3A_1040 = tpu.memref_squeeze %dma_wait3A_1039 : memref<1x7680xf32, #tpu.memory_space<hbm>> -> memref<7680xf32, #tpu.memory_space<hbm>>
    %dma_wait3A_1041 = arith.constant 0 : i32
    %dma_wait3A_1042 = tpu.memref_slice %arg11[%dma_wait3A_1041] : memref<7680xf32, #tpu.memory_space<vmem>> -> memref<7680xf32, #tpu.memory_space<vmem>>
    tpu.wait_dma2 semaphore(%arg15 : memref<!tpu.dma_semaphore, #tpu.memory_space<semaphore_mem>>) src(%dma_wait3A_1042 : memref<7680xf32, #tpu.memory_space<vmem>>) dst(%dma_wait3A_1040 : memref<7680xf32, #tpu.memory_space<hbm>>)
    %parallel_loop3A_1043 = arith.constant 0 : i32
    %parallel_loop3A_1044 = arith.constant 7680 : i32
    %parallel_loop3A_1045 = arith.constant 64 : i32
    scf.for %parallel_loop3A_1302 = %parallel_loop3A_1043 to %parallel_loop3A_1044 step %parallel_loop3A_1045  : i32 {
      %parallel_loop3A_1303 = arith.constant 0 : i32
      %parallel_loop3A_1304 = arith.addi %parallel_loop3A_1302, %parallel_loop3A_1303 : i32
      %parallel_loop3A_1305 = arith.index_cast %parallel_loop3A_1304 : i32 to index
      %parallel_loop3A_1306 = tpu.vector_load %arg9[%parallel_loop3A_1305] {strides = array<i32>} : memref<7680xi32, #tpu.memory_space<vmem>>, vector<16xi32>,
      %parallel_loop3A_1307 = arith.constant 16 : i32
      %parallel_loop3A_1308 = arith.addi %parallel_loop3A_1302, %parallel_loop3A_1307 : i32
      %parallel_loop3A_1309 = arith.index_cast %parallel_loop3A_1308 : i32 to index
      %parallel_loop3A_1310 = tpu.vector_load %arg9[%parallel_loop3A_1309] {strides = array<i32>} : memref<7680xi32, #tpu.memory_space<vmem>>, vector<16xi32>,
      %parallel_loop3A_1311 = arith.constant 32 : i32
      %parallel_loop3A_1312 = arith.addi %parallel_loop3A_1302, %parallel_loop3A_1311 : i32
      %parallel_loop3A_1313 = arith.index_cast %parallel_loop3A_1312 : i32 to index
      %parallel_loop3A_1314 = tpu.vector_load %arg9[%parallel_loop3A_1313] {strides = array<i32>} : memref<7680xi32, #tpu.memory_space<vmem>>, vector<16xi32>,
      %parallel_loop3A_1315 = arith.constant 48 : i32
      %parallel_loop3A_1316 = arith.addi %parallel_loop3A_1302, %parallel_loop3A_1315 : i32
      %parallel_loop3A_1317 = arith.index_cast %parallel_loop3A_1316 : i32 to index
      %parallel_loop3A_1318 = tpu.vector_load %arg9[%parallel_loop3A_1317] {strides = array<i32>} : memref<7680xi32, #tpu.memory_space<vmem>>, vector<16xi32>,
      %parallel_loop3A_1319 = tpu.vector_load_idx %arg7[%parallel_loop3A_1306] : memref<100000xf32, #tpu.memory_space<vmem>>[vector<16xi32>], vector<16xf32>,
      %parallel_loop3A_1320 = tpu.vector_load_idx %arg7[%parallel_loop3A_1310] : memref<100000xf32, #tpu.memory_space<vmem>>[vector<16xi32>], vector<16xf32>,
      %parallel_loop3A_1321 = tpu.vector_load_idx %arg7[%parallel_loop3A_1314] : memref<100000xf32, #tpu.memory_space<vmem>>[vector<16xi32>], vector<16xf32>,
      %parallel_loop3A_1322 = tpu.vector_load_idx %arg7[%parallel_loop3A_1318] : memref<100000xf32, #tpu.memory_space<vmem>>[vector<16xi32>], vector<16xf32>,
      %parallel_loop3A_1323 = arith.constant 0 : i32
      %parallel_loop3A_1324 = arith.addi %parallel_loop3A_1302, %parallel_loop3A_1323 : i32
      %parallel_loop3A_1325 = arith.index_cast %parallel_loop3A_1324 : i32 to index
      %parallel_loop3A_1326 = tpu.vector_load %arg11[%parallel_loop3A_1325] {strides = array<i32>} : memref<7680xf32, #tpu.memory_space<vmem>>, vector<16xf32>,
      tpu.vector_store %arg11[%parallel_loop3A_1325], %parallel_loop3A_1319 {strides = array<i32>} : memref<7680xf32, #tpu.memory_space<vmem>>, vector<16xf32>,
      %parallel_loop3A_1327 = arith.constant 16 : i32
      %parallel_loop3A_1328 = arith.addi %parallel_loop3A_1302, %parallel_loop3A_1327 : i32
      %parallel_loop3A_1329 = arith.index_cast %parallel_loop3A_1328 : i32 to index
      %parallel_loop3A_1330 = tpu.vector_load %arg11[%parallel_loop3A_1329] {strides = array<i32>} : memref<7680xf32, #tpu.memory_space<vmem>>, vector<16xf32>,
      tpu.vector_store %arg11[%parallel_loop3A_1329], %parallel_loop3A_1320 {strides = array<i32>} : memref<7680xf32, #tpu.memory_space<vmem>>, vector<16xf32>,
      %parallel_loop3A_1331 = arith.constant 32 : i32
      %parallel_loop3A_1332 = arith.addi %parallel_loop3A_1302, %parallel_loop3A_1331 : i32
      %parallel_loop3A_1333 = arith.index_cast %parallel_loop3A_1332 : i32 to index
      %parallel_loop3A_1334 = tpu.vector_load %arg11[%parallel_loop3A_1333] {strides = array<i32>} : memref<7680xf32, #tpu.memory_space<vmem>>, vector<16xf32>,
      tpu.vector_store %arg11[%parallel_loop3A_1333], %parallel_loop3A_1321 {strides = array<i32>} : memref<7680xf32, #tpu.memory_space<vmem>>, vector<16xf32>,
      %parallel_loop3A_1335 = arith.constant 48 : i32
      %parallel_loop3A_1336 = arith.addi %parallel_loop3A_1302, %parallel_loop3A_1335 : i32
      %parallel_loop3A_1337 = arith.index_cast %parallel_loop3A_1336 : i32 to index
      %parallel_loop3A_1338 = tpu.vector_load %arg11[%parallel_loop3A_1337] {strides = array<i32>} : memref<7680xf32, #tpu.memory_space<vmem>>, vector<16xf32>,
      tpu.vector_store %arg11[%parallel_loop3A_1337], %parallel_loop3A_1322 {strides = array<i32>} : memref<7680xf32, #tpu.memory_space<vmem>>, vector<16xf32>,
    } {sc.loop_unroll_factor = 2 : i64, sc.parallel_access}
    %dma_start3A_1046 = arith.constant 0 : i32
    %dma_start3A_1047 = tpu.memref_slice %arg11[%dma_start3A_1046] : memref<7680xf32, #tpu.memory_space<vmem>> -> memref<7680xf32, #tpu.memory_space<vmem>>
    %dma_start3A_1048 = arith.constant 62464 : i32
    %dma_start3A_1049 = tpu.memref_slice %arg6[%add3A_8, %dma_start3A_1048] : memref<64x114688xf32, #tpu.memory_space<hbm>> -> memref<1x7680xf32, #tpu.memory_space<hbm>>
    %dma_start3A_1050 = tpu.memref_squeeze %dma_start3A_1049 : memref<1x7680xf32, #tpu.memory_space<hbm>> -> memref<7680xf32, #tpu.memory_space<hbm>>
    %dma_start3A_1051 = arith.constant 62464 : i32
    %dma_start3A_1052 = tpu.memref_slice %arg6[%add3A_8, %dma_start3A_1051] : memref<64x114688xf32, #tpu.memory_space<hbm>> -> memref<1x7680xf32, #tpu.memory_space<hbm>>
    %dma_start3A_1053 = tpu.memref_squeeze %dma_start3A_1052 : memref<1x7680xf32, #tpu.memory_space<hbm>> -> memref<7680xf32, #tpu.memory_space<hbm>>
    %dma_start3A_1054 = arith.constant 0 : i32
    %dma_start3A_1055 = tpu.memref_slice %arg11[%dma_start3A_1054] : memref<7680xf32, #tpu.memory_space<vmem>> -> memref<7680xf32, #tpu.memory_space<vmem>>
    tpu.enqueue_dma source(%dma_start3A_1055 : memref<7680xf32, #tpu.memory_space<vmem>>) target(%dma_start3A_1053 : memref<7680xf32, #tpu.memory_space<hbm>>) target_semaphore(%arg15 : memref<!tpu.dma_semaphore, #tpu.memory_space<semaphore_mem>>)
    %dma_start3A_1056 = arith.constant 0 : i32
    %dma_start3A_1057 = tpu.memref_slice %arg9[%dma_start3A_1056] : memref<7680xi32, #tpu.memory_space<vmem>> -> memref<7680xi32, #tpu.memory_space<vmem>>
    %dma_start3A_1058 = arith.constant 61440 : i32
    %dma_start3A_1059 = tpu.memref_slice %arg3[%dma_start3A_1058] : memref<98304xi32, #tpu.memory_space<hbm>> -> memref<7680xi32, #tpu.memory_space<hbm>>
    %dma_start3A_1060 = arith.constant 0 : i32
    %dma_start3A_1061 = tpu.memref_slice %arg9[%dma_start3A_1060] : memref<7680xi32, #tpu.memory_space<vmem>> -> memref<7680xi32, #tpu.memory_space<vmem>>
    %dma_start3A_1062 = arith.constant 61440 : i32
    %dma_start3A_1063 = tpu.memref_slice %arg3[%dma_start3A_1062] : memref<98304xi32, #tpu.memory_space<hbm>> -> memref<7680xi32, #tpu.memory_space<hbm>>
    tpu.enqueue_dma source(%dma_start3A_1063 : memref<7680xi32, #tpu.memory_space<hbm>>) target(%dma_start3A_1061 : memref<7680xi32, #tpu.memory_space<vmem>>) target_semaphore(%arg13 : memref<!tpu.dma_semaphore, #tpu.memory_space<semaphore_mem>>)
    %dma_wait3A_1064 = arith.constant 0 : i32
    %dma_wait3A_1065 = tpu.memref_slice %arg8[%dma_wait3A_1064] : memref<7680xi32, #tpu.memory_space<vmem>> -> memref<7680xi32, #tpu.memory_space<vmem>>
    %dma_wait3A_1066 = arith.constant 53760 : i32
    %dma_wait3A_1067 = tpu.memref_slice %arg3[%dma_wait3A_1066] : memref<98304xi32, #tpu.memory_space<hbm>> -> memref<7680xi32, #tpu.memory_space<hbm>>
    %dma_wait3A_1068 = arith.constant 0 : i32
    %dma_wait3A_1069 = tpu.memref_slice %arg8[%dma_wait3A_1068] : memref<7680xi32, #tpu.memory_space<vmem>> -> memref<7680xi32, #tpu.memory_space<vmem>>
    %dma_wait3A_1070 = arith.constant 53760 : i32
    %dma_wait3A_1071 = tpu.memref_slice %arg3[%dma_wait3A_1070] : memref<98304xi32, #tpu.memory_space<hbm>> -> memref<7680xi32, #tpu.memory_space<hbm>>
    tpu.wait_dma2 semaphore(%arg12 : memref<!tpu.dma_semaphore, #tpu.memory_space<semaphore_mem>>) src(%dma_wait3A_1071 : memref<7680xi32, #tpu.memory_space<hbm>>) dst(%dma_wait3A_1069 : memref<7680xi32, #tpu.memory_space<vmem>>)
    %dma_wait3A_1072 = arith.constant 0 : i32
    %dma_wait3A_1073 = tpu.memref_slice %arg10[%dma_wait3A_1072] : memref<7680xf32, #tpu.memory_space<vmem>> -> memref<7680xf32, #tpu.memory_space<vmem>>
    %dma_wait3A_1074 = arith.constant 54784 : i32
    %dma_wait3A_1075 = tpu.memref_slice %arg6[%add3A_8, %dma_wait3A_1074] : memref<64x114688xf32, #tpu.memory_space<hbm>> -> memref<1x7680xf32, #tpu.memory_space<hbm>>
    %dma_wait3A_1076 = tpu.memref_squeeze %dma_wait3A_1075 : memref<1x7680xf32, #tpu.memory_space<hbm>> -> memref<7680xf32, #tpu.memory_space<hbm>>
    %dma_wait3A_1077 = arith.constant 54784 : i32
    %dma_wait3A_1078 = tpu.memref_slice %arg6[%add3A_8, %dma_wait3A_1077] : memref<64x114688xf32, #tpu.memory_space<hbm>> -> memref<1x7680xf32, #tpu.memory_space<hbm>>
    %dma_wait3A_1079 = tpu.memref_squeeze %dma_wait3A_1078 : memref<1x7680xf32, #tpu.memory_space<hbm>> -> memref<7680xf32, #tpu.memory_space<hbm>>
    %dma_wait3A_1080 = arith.constant 0 : i32
    %dma_wait3A_1081 = tpu.memref_slice %arg10[%dma_wait3A_1080] : memref<7680xf32, #tpu.memory_space<vmem>> -> memref<7680xf32, #tpu.memory_space<vmem>>
    tpu.wait_dma2 semaphore(%arg14 : memref<!tpu.dma_semaphore, #tpu.memory_space<semaphore_mem>>) src(%dma_wait3A_1081 : memref<7680xf32, #tpu.memory_space<vmem>>) dst(%dma_wait3A_1079 : memref<7680xf32, #tpu.memory_space<hbm>>)
    %parallel_loop3A_1082 = arith.constant 0 : i32
    %parallel_loop3A_1083 = arith.constant 7680 : i32
    %parallel_loop3A_1084 = arith.constant 64 : i32
    scf.for %parallel_loop3A_1302 = %parallel_loop3A_1082 to %parallel_loop3A_1083 step %parallel_loop3A_1084  : i32 {
      %parallel_loop3A_1303 = arith.constant 0 : i32
      %parallel_loop3A_1304 = arith.addi %parallel_loop3A_1302, %parallel_loop3A_1303 : i32
      %parallel_loop3A_1305 = arith.index_cast %parallel_loop3A_1304 : i32 to index
      %parallel_loop3A_1306 = tpu.vector_load %arg8[%parallel_loop3A_1305] {strides = array<i32>} : memref<7680xi32, #tpu.memory_space<vmem>>, vector<16xi32>,
      %parallel_loop3A_1307 = arith.constant 16 : i32
      %parallel_loop3A_1308 = arith.addi %parallel_loop3A_1302, %parallel_loop3A_1307 : i32
      %parallel_loop3A_1309 = arith.index_cast %parallel_loop3A_1308 : i32 to index
      %parallel_loop3A_1310 = tpu.vector_load %arg8[%parallel_loop3A_1309] {strides = array<i32>} : memref<7680xi32, #tpu.memory_space<vmem>>, vector<16xi32>,
      %parallel_loop3A_1311 = arith.constant 32 : i32
      %parallel_loop3A_1312 = arith.addi %parallel_loop3A_1302, %parallel_loop3A_1311 : i32
      %parallel_loop3A_1313 = arith.index_cast %parallel_loop3A_1312 : i32 to index
      %parallel_loop3A_1314 = tpu.vector_load %arg8[%parallel_loop3A_1313] {strides = array<i32>} : memref<7680xi32, #tpu.memory_space<vmem>>, vector<16xi32>,
      %parallel_loop3A_1315 = arith.constant 48 : i32
      %parallel_loop3A_1316 = arith.addi %parallel_loop3A_1302, %parallel_loop3A_1315 : i32
      %parallel_loop3A_1317 = arith.index_cast %parallel_loop3A_1316 : i32 to index
      %parallel_loop3A_1318 = tpu.vector_load %arg8[%parallel_loop3A_1317] {strides = array<i32>} : memref<7680xi32, #tpu.memory_space<vmem>>, vector<16xi32>,
      %parallel_loop3A_1319 = tpu.vector_load_idx %arg7[%parallel_loop3A_1306] : memref<100000xf32, #tpu.memory_space<vmem>>[vector<16xi32>], vector<16xf32>,
      %parallel_loop3A_1320 = tpu.vector_load_idx %arg7[%parallel_loop3A_1310] : memref<100000xf32, #tpu.memory_space<vmem>>[vector<16xi32>], vector<16xf32>,
      %parallel_loop3A_1321 = tpu.vector_load_idx %arg7[%parallel_loop3A_1314] : memref<100000xf32, #tpu.memory_space<vmem>>[vector<16xi32>], vector<16xf32>,
      %parallel_loop3A_1322 = tpu.vector_load_idx %arg7[%parallel_loop3A_1318] : memref<100000xf32, #tpu.memory_space<vmem>>[vector<16xi32>], vector<16xf32>,
      %parallel_loop3A_1323 = arith.constant 0 : i32
      %parallel_loop3A_1324 = arith.addi %parallel_loop3A_1302, %parallel_loop3A_1323 : i32
      %parallel_loop3A_1325 = arith.index_cast %parallel_loop3A_1324 : i32 to index
      %parallel_loop3A_1326 = tpu.vector_load %arg10[%parallel_loop3A_1325] {strides = array<i32>} : memref<7680xf32, #tpu.memory_space<vmem>>, vector<16xf32>,
      tpu.vector_store %arg10[%parallel_loop3A_1325], %parallel_loop3A_1319 {strides = array<i32>} : memref<7680xf32, #tpu.memory_space<vmem>>, vector<16xf32>,
      %parallel_loop3A_1327 = arith.constant 16 : i32
      %parallel_loop3A_1328 = arith.addi %parallel_loop3A_1302, %parallel_loop3A_1327 : i32
      %parallel_loop3A_1329 = arith.index_cast %parallel_loop3A_1328 : i32 to index
      %parallel_loop3A_1330 = tpu.vector_load %arg10[%parallel_loop3A_1329] {strides = array<i32>} : memref<7680xf32, #tpu.memory_space<vmem>>, vector<16xf32>,
      tpu.vector_store %arg10[%parallel_loop3A_1329], %parallel_loop3A_1320 {strides = array<i32>} : memref<7680xf32, #tpu.memory_space<vmem>>, vector<16xf32>,
      %parallel_loop3A_1331 = arith.constant 32 : i32
      %parallel_loop3A_1332 = arith.addi %parallel_loop3A_1302, %parallel_loop3A_1331 : i32
      %parallel_loop3A_1333 = arith.index_cast %parallel_loop3A_1332 : i32 to index
      %parallel_loop3A_1334 = tpu.vector_load %arg10[%parallel_loop3A_1333] {strides = array<i32>} : memref<7680xf32, #tpu.memory_space<vmem>>, vector<16xf32>,
      tpu.vector_store %arg10[%parallel_loop3A_1333], %parallel_loop3A_1321 {strides = array<i32>} : memref<7680xf32, #tpu.memory_space<vmem>>, vector<16xf32>,
      %parallel_loop3A_1335 = arith.constant 48 : i32
      %parallel_loop3A_1336 = arith.addi %parallel_loop3A_1302, %parallel_loop3A_1335 : i32
      %parallel_loop3A_1337 = arith.index_cast %parallel_loop3A_1336 : i32 to index
      %parallel_loop3A_1338 = tpu.vector_load %arg10[%parallel_loop3A_1337] {strides = array<i32>} : memref<7680xf32, #tpu.memory_space<vmem>>, vector<16xf32>,
      tpu.vector_store %arg10[%parallel_loop3A_1337], %parallel_loop3A_1322 {strides = array<i32>} : memref<7680xf32, #tpu.memory_space<vmem>>, vector<16xf32>,
    } {sc.loop_unroll_factor = 2 : i64, sc.parallel_access}
    %dma_start3A_1085 = arith.constant 0 : i32
    %dma_start3A_1086 = tpu.memref_slice %arg10[%dma_start3A_1085] : memref<7680xf32, #tpu.memory_space<vmem>> -> memref<7680xf32, #tpu.memory_space<vmem>>
    %dma_start3A_1087 = arith.constant 70144 : i32
    %dma_start3A_1088 = tpu.memref_slice %arg6[%add3A_8, %dma_start3A_1087] : memref<64x114688xf32, #tpu.memory_space<hbm>> -> memref<1x7680xf32, #tpu.memory_space<hbm>>
    %dma_start3A_1089 = tpu.memref_squeeze %dma_start3A_1088 : memref<1x7680xf32, #tpu.memory_space<hbm>> -> memref<7680xf32, #tpu.memory_space<hbm>>
    %dma_start3A_1090 = arith.constant 70144 : i32
    %dma_start3A_1091 = tpu.memref_slice %arg6[%add3A_8, %dma_start3A_1090] : memref<64x114688xf32, #tpu.memory_space<hbm>> -> memref<1x7680xf32, #tpu.memory_space<hbm>>
    %dma_start3A_1092 = tpu.memref_squeeze %dma_start3A_1091 : memref<1x7680xf32, #tpu.memory_space<hbm>> -> memref<7680xf32, #tpu.memory_space<hbm>>
    %dma_start3A_1093 = arith.constant 0 : i32
    %dma_start3A_1094 = tpu.memref_slice %arg10[%dma_start3A_1093] : memref<7680xf32, #tpu.memory_space<vmem>> -> memref<7680xf32, #tpu.memory_space<vmem>>
    tpu.enqueue_dma source(%dma_start3A_1094 : memref<7680xf32, #tpu.memory_space<vmem>>) target(%dma_start3A_1092 : memref<7680xf32, #tpu.memory_space<hbm>>) target_semaphore(%arg14 : memref<!tpu.dma_semaphore, #tpu.memory_space<semaphore_mem>>)
    %dma_start3A_1095 = arith.constant 0 : i32
    %dma_start3A_1096 = tpu.memref_slice %arg8[%dma_start3A_1095] : memref<7680xi32, #tpu.memory_space<vmem>> -> memref<7680xi32, #tpu.memory_space<vmem>>
    %dma_start3A_1097 = arith.constant 69120 : i32
    %dma_start3A_1098 = tpu.memref_slice %arg3[%dma_start3A_1097] : memref<98304xi32, #tpu.memory_space<hbm>> -> memref<7680xi32, #tpu.memory_space<hbm>>
    %dma_start3A_1099 = arith.constant 0 : i32
    %dma_start3A_1100 = tpu.memref_slice %arg8[%dma_start3A_1099] : memref<7680xi32, #tpu.memory_space<vmem>> -> memref<7680xi32, #tpu.memory_space<vmem>>
    %dma_start3A_1101 = arith.constant 69120 : i32
    %dma_start3A_1102 = tpu.memref_slice %arg3[%dma_start3A_1101] : memref<98304xi32, #tpu.memory_space<hbm>> -> memref<7680xi32, #tpu.memory_space<hbm>>
    tpu.enqueue_dma source(%dma_start3A_1102 : memref<7680xi32, #tpu.memory_space<hbm>>) target(%dma_start3A_1100 : memref<7680xi32, #tpu.memory_space<vmem>>) target_semaphore(%arg12 : memref<!tpu.dma_semaphore, #tpu.memory_space<semaphore_mem>>)
    %dma_wait3A_1103 = arith.constant 0 : i32
    %dma_wait3A_1104 = tpu.memref_slice %arg9[%dma_wait3A_1103] : memref<7680xi32, #tpu.memory_space<vmem>> -> memref<7680xi32, #tpu.memory_space<vmem>>
    %dma_wait3A_1105 = arith.constant 61440 : i32
    %dma_wait3A_1106 = tpu.memref_slice %arg3[%dma_wait3A_1105] : memref<98304xi32, #tpu.memory_space<hbm>> -> memref<7680xi32, #tpu.memory_space<hbm>>
    %dma_wait3A_1107 = arith.constant 0 : i32
    %dma_wait3A_1108 = tpu.memref_slice %arg9[%dma_wait3A_1107] : memref<7680xi32, #tpu.memory_space<vmem>> -> memref<7680xi32, #tpu.memory_space<vmem>>
    %dma_wait3A_1109 = arith.constant 61440 : i32
    %dma_wait3A_1110 = tpu.memref_slice %arg3[%dma_wait3A_1109] : memref<98304xi32, #tpu.memory_space<hbm>> -> memref<7680xi32, #tpu.memory_space<hbm>>
    tpu.wait_dma2 semaphore(%arg13 : memref<!tpu.dma_semaphore, #tpu.memory_space<semaphore_mem>>) src(%dma_wait3A_1110 : memref<7680xi32, #tpu.memory_space<hbm>>) dst(%dma_wait3A_1108 : memref<7680xi32, #tpu.memory_space<vmem>>)
    %dma_wait3A_1111 = arith.constant 0 : i32
    %dma_wait3A_1112 = tpu.memref_slice %arg11[%dma_wait3A_1111] : memref<7680xf32, #tpu.memory_space<vmem>> -> memref<7680xf32, #tpu.memory_space<vmem>>
    %dma_wait3A_1113 = arith.constant 62464 : i32
    %dma_wait3A_1114 = tpu.memref_slice %arg6[%add3A_8, %dma_wait3A_1113] : memref<64x114688xf32, #tpu.memory_space<hbm>> -> memref<1x7680xf32, #tpu.memory_space<hbm>>
    %dma_wait3A_1115 = tpu.memref_squeeze %dma_wait3A_1114 : memref<1x7680xf32, #tpu.memory_space<hbm>> -> memref<7680xf32, #tpu.memory_space<hbm>>
    %dma_wait3A_1116 = arith.constant 62464 : i32
    %dma_wait3A_1117 = tpu.memref_slice %arg6[%add3A_8, %dma_wait3A_1116] : memref<64x114688xf32, #tpu.memory_space<hbm>> -> memref<1x7680xf32, #tpu.memory_space<hbm>>
    %dma_wait3A_1118 = tpu.memref_squeeze %dma_wait3A_1117 : memref<1x7680xf32, #tpu.memory_space<hbm>> -> memref<7680xf32, #tpu.memory_space<hbm>>
    %dma_wait3A_1119 = arith.constant 0 : i32
    %dma_wait3A_1120 = tpu.memref_slice %arg11[%dma_wait3A_1119] : memref<7680xf32, #tpu.memory_space<vmem>> -> memref<7680xf32, #tpu.memory_space<vmem>>
    tpu.wait_dma2 semaphore(%arg15 : memref<!tpu.dma_semaphore, #tpu.memory_space<semaphore_mem>>) src(%dma_wait3A_1120 : memref<7680xf32, #tpu.memory_space<vmem>>) dst(%dma_wait3A_1118 : memref<7680xf32, #tpu.memory_space<hbm>>)
    %parallel_loop3A_1121 = arith.constant 0 : i32
    %parallel_loop3A_1122 = arith.constant 7680 : i32
    %parallel_loop3A_1123 = arith.constant 64 : i32
    scf.for %parallel_loop3A_1302 = %parallel_loop3A_1121 to %parallel_loop3A_1122 step %parallel_loop3A_1123  : i32 {
      %parallel_loop3A_1303 = arith.constant 0 : i32
      %parallel_loop3A_1304 = arith.addi %parallel_loop3A_1302, %parallel_loop3A_1303 : i32
      %parallel_loop3A_1305 = arith.index_cast %parallel_loop3A_1304 : i32 to index
      %parallel_loop3A_1306 = tpu.vector_load %arg9[%parallel_loop3A_1305] {strides = array<i32>} : memref<7680xi32, #tpu.memory_space<vmem>>, vector<16xi32>,
      %parallel_loop3A_1307 = arith.constant 16 : i32
      %parallel_loop3A_1308 = arith.addi %parallel_loop3A_1302, %parallel_loop3A_1307 : i32
      %parallel_loop3A_1309 = arith.index_cast %parallel_loop3A_1308 : i32 to index
      %parallel_loop3A_1310 = tpu.vector_load %arg9[%parallel_loop3A_1309] {strides = array<i32>} : memref<7680xi32, #tpu.memory_space<vmem>>, vector<16xi32>,
      %parallel_loop3A_1311 = arith.constant 32 : i32
      %parallel_loop3A_1312 = arith.addi %parallel_loop3A_1302, %parallel_loop3A_1311 : i32
      %parallel_loop3A_1313 = arith.index_cast %parallel_loop3A_1312 : i32 to index
      %parallel_loop3A_1314 = tpu.vector_load %arg9[%parallel_loop3A_1313] {strides = array<i32>} : memref<7680xi32, #tpu.memory_space<vmem>>, vector<16xi32>,
      %parallel_loop3A_1315 = arith.constant 48 : i32
      %parallel_loop3A_1316 = arith.addi %parallel_loop3A_1302, %parallel_loop3A_1315 : i32
      %parallel_loop3A_1317 = arith.index_cast %parallel_loop3A_1316 : i32 to index
      %parallel_loop3A_1318 = tpu.vector_load %arg9[%parallel_loop3A_1317] {strides = array<i32>} : memref<7680xi32, #tpu.memory_space<vmem>>, vector<16xi32>,
      %parallel_loop3A_1319 = tpu.vector_load_idx %arg7[%parallel_loop3A_1306] : memref<100000xf32, #tpu.memory_space<vmem>>[vector<16xi32>], vector<16xf32>,
      %parallel_loop3A_1320 = tpu.vector_load_idx %arg7[%parallel_loop3A_1310] : memref<100000xf32, #tpu.memory_space<vmem>>[vector<16xi32>], vector<16xf32>,
      %parallel_loop3A_1321 = tpu.vector_load_idx %arg7[%parallel_loop3A_1314] : memref<100000xf32, #tpu.memory_space<vmem>>[vector<16xi32>], vector<16xf32>,
      %parallel_loop3A_1322 = tpu.vector_load_idx %arg7[%parallel_loop3A_1318] : memref<100000xf32, #tpu.memory_space<vmem>>[vector<16xi32>], vector<16xf32>,
      %parallel_loop3A_1323 = arith.constant 0 : i32
      %parallel_loop3A_1324 = arith.addi %parallel_loop3A_1302, %parallel_loop3A_1323 : i32
      %parallel_loop3A_1325 = arith.index_cast %parallel_loop3A_1324 : i32 to index
      %parallel_loop3A_1326 = tpu.vector_load %arg11[%parallel_loop3A_1325] {strides = array<i32>} : memref<7680xf32, #tpu.memory_space<vmem>>, vector<16xf32>,
      tpu.vector_store %arg11[%parallel_loop3A_1325], %parallel_loop3A_1319 {strides = array<i32>} : memref<7680xf32, #tpu.memory_space<vmem>>, vector<16xf32>,
      %parallel_loop3A_1327 = arith.constant 16 : i32
      %parallel_loop3A_1328 = arith.addi %parallel_loop3A_1302, %parallel_loop3A_1327 : i32
      %parallel_loop3A_1329 = arith.index_cast %parallel_loop3A_1328 : i32 to index
      %parallel_loop3A_1330 = tpu.vector_load %arg11[%parallel_loop3A_1329] {strides = array<i32>} : memref<7680xf32, #tpu.memory_space<vmem>>, vector<16xf32>,
      tpu.vector_store %arg11[%parallel_loop3A_1329], %parallel_loop3A_1320 {strides = array<i32>} : memref<7680xf32, #tpu.memory_space<vmem>>, vector<16xf32>,
      %parallel_loop3A_1331 = arith.constant 32 : i32
      %parallel_loop3A_1332 = arith.addi %parallel_loop3A_1302, %parallel_loop3A_1331 : i32
      %parallel_loop3A_1333 = arith.index_cast %parallel_loop3A_1332 : i32 to index
      %parallel_loop3A_1334 = tpu.vector_load %arg11[%parallel_loop3A_1333] {strides = array<i32>} : memref<7680xf32, #tpu.memory_space<vmem>>, vector<16xf32>,
      tpu.vector_store %arg11[%parallel_loop3A_1333], %parallel_loop3A_1321 {strides = array<i32>} : memref<7680xf32, #tpu.memory_space<vmem>>, vector<16xf32>,
      %parallel_loop3A_1335 = arith.constant 48 : i32
      %parallel_loop3A_1336 = arith.addi %parallel_loop3A_1302, %parallel_loop3A_1335 : i32
      %parallel_loop3A_1337 = arith.index_cast %parallel_loop3A_1336 : i32 to index
      %parallel_loop3A_1338 = tpu.vector_load %arg11[%parallel_loop3A_1337] {strides = array<i32>} : memref<7680xf32, #tpu.memory_space<vmem>>, vector<16xf32>,
      tpu.vector_store %arg11[%parallel_loop3A_1337], %parallel_loop3A_1322 {strides = array<i32>} : memref<7680xf32, #tpu.memory_space<vmem>>, vector<16xf32>,
    } {sc.loop_unroll_factor = 2 : i64, sc.parallel_access}
    %dma_start3A_1124 = arith.constant 0 : i32
    %dma_start3A_1125 = tpu.memref_slice %arg11[%dma_start3A_1124] : memref<7680xf32, #tpu.memory_space<vmem>> -> memref<7680xf32, #tpu.memory_space<vmem>>
    %dma_start3A_1126 = arith.constant 77824 : i32
    %dma_start3A_1127 = tpu.memref_slice %arg6[%add3A_8, %dma_start3A_1126] : memref<64x114688xf32, #tpu.memory_space<hbm>> -> memref<1x7680xf32, #tpu.memory_space<hbm>>
    %dma_start3A_1128 = tpu.memref_squeeze %dma_start3A_1127 : memref<1x7680xf32, #tpu.memory_space<hbm>> -> memref<7680xf32, #tpu.memory_space<hbm>>
    %dma_start3A_1129 = arith.constant 77824 : i32
    %dma_start3A_1130 = tpu.memref_slice %arg6[%add3A_8, %dma_start3A_1129] : memref<64x114688xf32, #tpu.memory_space<hbm>> -> memref<1x7680xf32, #tpu.memory_space<hbm>>
    %dma_start3A_1131 = tpu.memref_squeeze %dma_start3A_1130 : memref<1x7680xf32, #tpu.memory_space<hbm>> -> memref<7680xf32, #tpu.memory_space<hbm>>
    %dma_start3A_1132 = arith.constant 0 : i32
    %dma_start3A_1133 = tpu.memref_slice %arg11[%dma_start3A_1132] : memref<7680xf32, #tpu.memory_space<vmem>> -> memref<7680xf32, #tpu.memory_space<vmem>>
    tpu.enqueue_dma source(%dma_start3A_1133 : memref<7680xf32, #tpu.memory_space<vmem>>) target(%dma_start3A_1131 : memref<7680xf32, #tpu.memory_space<hbm>>) target_semaphore(%arg15 : memref<!tpu.dma_semaphore, #tpu.memory_space<semaphore_mem>>)
    %dma_start3A_1134 = arith.constant 0 : i32
    %dma_start3A_1135 = tpu.memref_slice %arg9[%dma_start3A_1134] : memref<7680xi32, #tpu.memory_space<vmem>> -> memref<7680xi32, #tpu.memory_space<vmem>>
    %dma_start3A_1136 = arith.constant 76800 : i32
    %dma_start3A_1137 = tpu.memref_slice %arg3[%dma_start3A_1136] : memref<98304xi32, #tpu.memory_space<hbm>> -> memref<7680xi32, #tpu.memory_space<hbm>>
    %dma_start3A_1138 = arith.constant 0 : i32
    %dma_start3A_1139 = tpu.memref_slice %arg9[%dma_start3A_1138] : memref<7680xi32, #tpu.memory_space<vmem>> -> memref<7680xi32, #tpu.memory_space<vmem>>
    %dma_start3A_1140 = arith.constant 76800 : i32
    %dma_start3A_1141 = tpu.memref_slice %arg3[%dma_start3A_1140] : memref<98304xi32, #tpu.memory_space<hbm>> -> memref<7680xi32, #tpu.memory_space<hbm>>
    tpu.enqueue_dma source(%dma_start3A_1141 : memref<7680xi32, #tpu.memory_space<hbm>>) target(%dma_start3A_1139 : memref<7680xi32, #tpu.memory_space<vmem>>) target_semaphore(%arg13 : memref<!tpu.dma_semaphore, #tpu.memory_space<semaphore_mem>>)
    %dma_wait3A_1142 = arith.constant 0 : i32
    %dma_wait3A_1143 = tpu.memref_slice %arg8[%dma_wait3A_1142] : memref<7680xi32, #tpu.memory_space<vmem>> -> memref<7680xi32, #tpu.memory_space<vmem>>
    %dma_wait3A_1144 = arith.constant 69120 : i32
    %dma_wait3A_1145 = tpu.memref_slice %arg3[%dma_wait3A_1144] : memref<98304xi32, #tpu.memory_space<hbm>> -> memref<7680xi32, #tpu.memory_space<hbm>>
    %dma_wait3A_1146 = arith.constant 0 : i32
    %dma_wait3A_1147 = tpu.memref_slice %arg8[%dma_wait3A_1146] : memref<7680xi32, #tpu.memory_space<vmem>> -> memref<7680xi32, #tpu.memory_space<vmem>>
    %dma_wait3A_1148 = arith.constant 69120 : i32
    %dma_wait3A_1149 = tpu.memref_slice %arg3[%dma_wait3A_1148] : memref<98304xi32, #tpu.memory_space<hbm>> -> memref<7680xi32, #tpu.memory_space<hbm>>
    tpu.wait_dma2 semaphore(%arg12 : memref<!tpu.dma_semaphore, #tpu.memory_space<semaphore_mem>>) src(%dma_wait3A_1149 : memref<7680xi32, #tpu.memory_space<hbm>>) dst(%dma_wait3A_1147 : memref<7680xi32, #tpu.memory_space<vmem>>)
    %dma_wait3A_1150 = arith.constant 0 : i32
    %dma_wait3A_1151 = tpu.memref_slice %arg10[%dma_wait3A_1150] : memref<7680xf32, #tpu.memory_space<vmem>> -> memref<7680xf32, #tpu.memory_space<vmem>>
    %dma_wait3A_1152 = arith.constant 70144 : i32
    %dma_wait3A_1153 = tpu.memref_slice %arg6[%add3A_8, %dma_wait3A_1152] : memref<64x114688xf32, #tpu.memory_space<hbm>> -> memref<1x7680xf32, #tpu.memory_space<hbm>>
    %dma_wait3A_1154 = tpu.memref_squeeze %dma_wait3A_1153 : memref<1x7680xf32, #tpu.memory_space<hbm>> -> memref<7680xf32, #tpu.memory_space<hbm>>
    %dma_wait3A_1155 = arith.constant 70144 : i32
    %dma_wait3A_1156 = tpu.memref_slice %arg6[%add3A_8, %dma_wait3A_1155] : memref<64x114688xf32, #tpu.memory_space<hbm>> -> memref<1x7680xf32, #tpu.memory_space<hbm>>
    %dma_wait3A_1157 = tpu.memref_squeeze %dma_wait3A_1156 : memref<1x7680xf32, #tpu.memory_space<hbm>> -> memref<7680xf32, #tpu.memory_space<hbm>>
    %dma_wait3A_1158 = arith.constant 0 : i32
    %dma_wait3A_1159 = tpu.memref_slice %arg10[%dma_wait3A_1158] : memref<7680xf32, #tpu.memory_space<vmem>> -> memref<7680xf32, #tpu.memory_space<vmem>>
    tpu.wait_dma2 semaphore(%arg14 : memref<!tpu.dma_semaphore, #tpu.memory_space<semaphore_mem>>) src(%dma_wait3A_1159 : memref<7680xf32, #tpu.memory_space<vmem>>) dst(%dma_wait3A_1157 : memref<7680xf32, #tpu.memory_space<hbm>>)
    %parallel_loop3A_1160 = arith.constant 0 : i32
    %parallel_loop3A_1161 = arith.constant 7680 : i32
    %parallel_loop3A_1162 = arith.constant 64 : i32
    scf.for %parallel_loop3A_1302 = %parallel_loop3A_1160 to %parallel_loop3A_1161 step %parallel_loop3A_1162  : i32 {
      %parallel_loop3A_1303 = arith.constant 0 : i32
      %parallel_loop3A_1304 = arith.addi %parallel_loop3A_1302, %parallel_loop3A_1303 : i32
      %parallel_loop3A_1305 = arith.index_cast %parallel_loop3A_1304 : i32 to index
      %parallel_loop3A_1306 = tpu.vector_load %arg8[%parallel_loop3A_1305] {strides = array<i32>} : memref<7680xi32, #tpu.memory_space<vmem>>, vector<16xi32>,
      %parallel_loop3A_1307 = arith.constant 16 : i32
      %parallel_loop3A_1308 = arith.addi %parallel_loop3A_1302, %parallel_loop3A_1307 : i32
      %parallel_loop3A_1309 = arith.index_cast %parallel_loop3A_1308 : i32 to index
      %parallel_loop3A_1310 = tpu.vector_load %arg8[%parallel_loop3A_1309] {strides = array<i32>} : memref<7680xi32, #tpu.memory_space<vmem>>, vector<16xi32>,
      %parallel_loop3A_1311 = arith.constant 32 : i32
      %parallel_loop3A_1312 = arith.addi %parallel_loop3A_1302, %parallel_loop3A_1311 : i32
      %parallel_loop3A_1313 = arith.index_cast %parallel_loop3A_1312 : i32 to index
      %parallel_loop3A_1314 = tpu.vector_load %arg8[%parallel_loop3A_1313] {strides = array<i32>} : memref<7680xi32, #tpu.memory_space<vmem>>, vector<16xi32>,
      %parallel_loop3A_1315 = arith.constant 48 : i32
      %parallel_loop3A_1316 = arith.addi %parallel_loop3A_1302, %parallel_loop3A_1315 : i32
      %parallel_loop3A_1317 = arith.index_cast %parallel_loop3A_1316 : i32 to index
      %parallel_loop3A_1318 = tpu.vector_load %arg8[%parallel_loop3A_1317] {strides = array<i32>} : memref<7680xi32, #tpu.memory_space<vmem>>, vector<16xi32>,
      %parallel_loop3A_1319 = tpu.vector_load_idx %arg7[%parallel_loop3A_1306] : memref<100000xf32, #tpu.memory_space<vmem>>[vector<16xi32>], vector<16xf32>,
      %parallel_loop3A_1320 = tpu.vector_load_idx %arg7[%parallel_loop3A_1310] : memref<100000xf32, #tpu.memory_space<vmem>>[vector<16xi32>], vector<16xf32>,
      %parallel_loop3A_1321 = tpu.vector_load_idx %arg7[%parallel_loop3A_1314] : memref<100000xf32, #tpu.memory_space<vmem>>[vector<16xi32>], vector<16xf32>,
      %parallel_loop3A_1322 = tpu.vector_load_idx %arg7[%parallel_loop3A_1318] : memref<100000xf32, #tpu.memory_space<vmem>>[vector<16xi32>], vector<16xf32>,
      %parallel_loop3A_1323 = arith.constant 0 : i32
      %parallel_loop3A_1324 = arith.addi %parallel_loop3A_1302, %parallel_loop3A_1323 : i32
      %parallel_loop3A_1325 = arith.index_cast %parallel_loop3A_1324 : i32 to index
      %parallel_loop3A_1326 = tpu.vector_load %arg10[%parallel_loop3A_1325] {strides = array<i32>} : memref<7680xf32, #tpu.memory_space<vmem>>, vector<16xf32>,
      tpu.vector_store %arg10[%parallel_loop3A_1325], %parallel_loop3A_1319 {strides = array<i32>} : memref<7680xf32, #tpu.memory_space<vmem>>, vector<16xf32>,
      %parallel_loop3A_1327 = arith.constant 16 : i32
      %parallel_loop3A_1328 = arith.addi %parallel_loop3A_1302, %parallel_loop3A_1327 : i32
      %parallel_loop3A_1329 = arith.index_cast %parallel_loop3A_1328 : i32 to index
      %parallel_loop3A_1330 = tpu.vector_load %arg10[%parallel_loop3A_1329] {strides = array<i32>} : memref<7680xf32, #tpu.memory_space<vmem>>, vector<16xf32>,
      tpu.vector_store %arg10[%parallel_loop3A_1329], %parallel_loop3A_1320 {strides = array<i32>} : memref<7680xf32, #tpu.memory_space<vmem>>, vector<16xf32>,
      %parallel_loop3A_1331 = arith.constant 32 : i32
      %parallel_loop3A_1332 = arith.addi %parallel_loop3A_1302, %parallel_loop3A_1331 : i32
      %parallel_loop3A_1333 = arith.index_cast %parallel_loop3A_1332 : i32 to index
      %parallel_loop3A_1334 = tpu.vector_load %arg10[%parallel_loop3A_1333] {strides = array<i32>} : memref<7680xf32, #tpu.memory_space<vmem>>, vector<16xf32>,
      tpu.vector_store %arg10[%parallel_loop3A_1333], %parallel_loop3A_1321 {strides = array<i32>} : memref<7680xf32, #tpu.memory_space<vmem>>, vector<16xf32>,
      %parallel_loop3A_1335 = arith.constant 48 : i32
      %parallel_loop3A_1336 = arith.addi %parallel_loop3A_1302, %parallel_loop3A_1335 : i32
      %parallel_loop3A_1337 = arith.index_cast %parallel_loop3A_1336 : i32 to index
      %parallel_loop3A_1338 = tpu.vector_load %arg10[%parallel_loop3A_1337] {strides = array<i32>} : memref<7680xf32, #tpu.memory_space<vmem>>, vector<16xf32>,
      tpu.vector_store %arg10[%parallel_loop3A_1337], %parallel_loop3A_1322 {strides = array<i32>} : memref<7680xf32, #tpu.memory_space<vmem>>, vector<16xf32>,
    } {sc.loop_unroll_factor = 2 : i64, sc.parallel_access}
    %dma_start3A_1163 = arith.constant 0 : i32
    %dma_start3A_1164 = tpu.memref_slice %arg10[%dma_start3A_1163] : memref<7680xf32, #tpu.memory_space<vmem>> -> memref<7680xf32, #tpu.memory_space<vmem>>
    %dma_start3A_1165 = arith.constant 85504 : i32
    %dma_start3A_1166 = tpu.memref_slice %arg6[%add3A_8, %dma_start3A_1165] : memref<64x114688xf32, #tpu.memory_space<hbm>> -> memref<1x7680xf32, #tpu.memory_space<hbm>>
    %dma_start3A_1167 = tpu.memref_squeeze %dma_start3A_1166 : memref<1x7680xf32, #tpu.memory_space<hbm>> -> memref<7680xf32, #tpu.memory_space<hbm>>
    %dma_start3A_1168 = arith.constant 85504 : i32
    %dma_start3A_1169 = tpu.memref_slice %arg6[%add3A_8, %dma_start3A_1168] : memref<64x114688xf32, #tpu.memory_space<hbm>> -> memref<1x7680xf32, #tpu.memory_space<hbm>>
    %dma_start3A_1170 = tpu.memref_squeeze %dma_start3A_1169 : memref<1x7680xf32, #tpu.memory_space<hbm>> -> memref<7680xf32, #tpu.memory_space<hbm>>
    %dma_start3A_1171 = arith.constant 0 : i32
    %dma_start3A_1172 = tpu.memref_slice %arg10[%dma_start3A_1171] : memref<7680xf32, #tpu.memory_space<vmem>> -> memref<7680xf32, #tpu.memory_space<vmem>>
    tpu.enqueue_dma source(%dma_start3A_1172 : memref<7680xf32, #tpu.memory_space<vmem>>) target(%dma_start3A_1170 : memref<7680xf32, #tpu.memory_space<hbm>>) target_semaphore(%arg14 : memref<!tpu.dma_semaphore, #tpu.memory_space<semaphore_mem>>)
    %dma_start3A_1173 = arith.constant 0 : i32
    %dma_start3A_1174 = tpu.memref_slice %arg8[%dma_start3A_1173] : memref<7680xi32, #tpu.memory_space<vmem>> -> memref<7680xi32, #tpu.memory_space<vmem>>
    %dma_start3A_1175 = arith.constant 84480 : i32
    %dma_start3A_1176 = tpu.memref_slice %arg3[%dma_start3A_1175] : memref<98304xi32, #tpu.memory_space<hbm>> -> memref<7680xi32, #tpu.memory_space<hbm>>
    %dma_start3A_1177 = arith.constant 0 : i32
    %dma_start3A_1178 = tpu.memref_slice %arg8[%dma_start3A_1177] : memref<7680xi32, #tpu.memory_space<vmem>> -> memref<7680xi32, #tpu.memory_space<vmem>>
    %dma_start3A_1179 = arith.constant 84480 : i32
    %dma_start3A_1180 = tpu.memref_slice %arg3[%dma_start3A_1179] : memref<98304xi32, #tpu.memory_space<hbm>> -> memref<7680xi32, #tpu.memory_space<hbm>>
    tpu.enqueue_dma source(%dma_start3A_1180 : memref<7680xi32, #tpu.memory_space<hbm>>) target(%dma_start3A_1178 : memref<7680xi32, #tpu.memory_space<vmem>>) target_semaphore(%arg12 : memref<!tpu.dma_semaphore, #tpu.memory_space<semaphore_mem>>)
    %dma_wait3A_1181 = arith.constant 0 : i32
    %dma_wait3A_1182 = tpu.memref_slice %arg9[%dma_wait3A_1181] : memref<7680xi32, #tpu.memory_space<vmem>> -> memref<7680xi32, #tpu.memory_space<vmem>>
    %dma_wait3A_1183 = arith.constant 76800 : i32
    %dma_wait3A_1184 = tpu.memref_slice %arg3[%dma_wait3A_1183] : memref<98304xi32, #tpu.memory_space<hbm>> -> memref<7680xi32, #tpu.memory_space<hbm>>
    %dma_wait3A_1185 = arith.constant 0 : i32
    %dma_wait3A_1186 = tpu.memref_slice %arg9[%dma_wait3A_1185] : memref<7680xi32, #tpu.memory_space<vmem>> -> memref<7680xi32, #tpu.memory_space<vmem>>
    %dma_wait3A_1187 = arith.constant 76800 : i32
    %dma_wait3A_1188 = tpu.memref_slice %arg3[%dma_wait3A_1187] : memref<98304xi32, #tpu.memory_space<hbm>> -> memref<7680xi32, #tpu.memory_space<hbm>>
    tpu.wait_dma2 semaphore(%arg13 : memref<!tpu.dma_semaphore, #tpu.memory_space<semaphore_mem>>) src(%dma_wait3A_1188 : memref<7680xi32, #tpu.memory_space<hbm>>) dst(%dma_wait3A_1186 : memref<7680xi32, #tpu.memory_space<vmem>>)
    %dma_wait3A_1189 = arith.constant 0 : i32
    %dma_wait3A_1190 = tpu.memref_slice %arg11[%dma_wait3A_1189] : memref<7680xf32, #tpu.memory_space<vmem>> -> memref<7680xf32, #tpu.memory_space<vmem>>
    %dma_wait3A_1191 = arith.constant 77824 : i32
    %dma_wait3A_1192 = tpu.memref_slice %arg6[%add3A_8, %dma_wait3A_1191] : memref<64x114688xf32, #tpu.memory_space<hbm>> -> memref<1x7680xf32, #tpu.memory_space<hbm>>
    %dma_wait3A_1193 = tpu.memref_squeeze %dma_wait3A_1192 : memref<1x7680xf32, #tpu.memory_space<hbm>> -> memref<7680xf32, #tpu.memory_space<hbm>>
    %dma_wait3A_1194 = arith.constant 77824 : i32
    %dma_wait3A_1195 = tpu.memref_slice %arg6[%add3A_8, %dma_wait3A_1194] : memref<64x114688xf32, #tpu.memory_space<hbm>> -> memref<1x7680xf32, #tpu.memory_space<hbm>>
    %dma_wait3A_1196 = tpu.memref_squeeze %dma_wait3A_1195 : memref<1x7680xf32, #tpu.memory_space<hbm>> -> memref<7680xf32, #tpu.memory_space<hbm>>
    %dma_wait3A_1197 = arith.constant 0 : i32
    %dma_wait3A_1198 = tpu.memref_slice %arg11[%dma_wait3A_1197] : memref<7680xf32, #tpu.memory_space<vmem>> -> memref<7680xf32, #tpu.memory_space<vmem>>
    tpu.wait_dma2 semaphore(%arg15 : memref<!tpu.dma_semaphore, #tpu.memory_space<semaphore_mem>>) src(%dma_wait3A_1198 : memref<7680xf32, #tpu.memory_space<vmem>>) dst(%dma_wait3A_1196 : memref<7680xf32, #tpu.memory_space<hbm>>)
    %parallel_loop3A_1199 = arith.constant 0 : i32
    %parallel_loop3A_1200 = arith.constant 7680 : i32
    %parallel_loop3A_1201 = arith.constant 64 : i32
    scf.for %parallel_loop3A_1302 = %parallel_loop3A_1199 to %parallel_loop3A_1200 step %parallel_loop3A_1201  : i32 {
      %parallel_loop3A_1303 = arith.constant 0 : i32
      %parallel_loop3A_1304 = arith.addi %parallel_loop3A_1302, %parallel_loop3A_1303 : i32
      %parallel_loop3A_1305 = arith.index_cast %parallel_loop3A_1304 : i32 to index
      %parallel_loop3A_1306 = tpu.vector_load %arg9[%parallel_loop3A_1305] {strides = array<i32>} : memref<7680xi32, #tpu.memory_space<vmem>>, vector<16xi32>,
      %parallel_loop3A_1307 = arith.constant 16 : i32
      %parallel_loop3A_1308 = arith.addi %parallel_loop3A_1302, %parallel_loop3A_1307 : i32
      %parallel_loop3A_1309 = arith.index_cast %parallel_loop3A_1308 : i32 to index
      %parallel_loop3A_1310 = tpu.vector_load %arg9[%parallel_loop3A_1309] {strides = array<i32>} : memref<7680xi32, #tpu.memory_space<vmem>>, vector<16xi32>,
      %parallel_loop3A_1311 = arith.constant 32 : i32
      %parallel_loop3A_1312 = arith.addi %parallel_loop3A_1302, %parallel_loop3A_1311 : i32
      %parallel_loop3A_1313 = arith.index_cast %parallel_loop3A_1312 : i32 to index
      %parallel_loop3A_1314 = tpu.vector_load %arg9[%parallel_loop3A_1313] {strides = array<i32>} : memref<7680xi32, #tpu.memory_space<vmem>>, vector<16xi32>,
      %parallel_loop3A_1315 = arith.constant 48 : i32
      %parallel_loop3A_1316 = arith.addi %parallel_loop3A_1302, %parallel_loop3A_1315 : i32
      %parallel_loop3A_1317 = arith.index_cast %parallel_loop3A_1316 : i32 to index
      %parallel_loop3A_1318 = tpu.vector_load %arg9[%parallel_loop3A_1317] {strides = array<i32>} : memref<7680xi32, #tpu.memory_space<vmem>>, vector<16xi32>,
      %parallel_loop3A_1319 = tpu.vector_load_idx %arg7[%parallel_loop3A_1306] : memref<100000xf32, #tpu.memory_space<vmem>>[vector<16xi32>], vector<16xf32>,
      %parallel_loop3A_1320 = tpu.vector_load_idx %arg7[%parallel_loop3A_1310] : memref<100000xf32, #tpu.memory_space<vmem>>[vector<16xi32>], vector<16xf32>,
      %parallel_loop3A_1321 = tpu.vector_load_idx %arg7[%parallel_loop3A_1314] : memref<100000xf32, #tpu.memory_space<vmem>>[vector<16xi32>], vector<16xf32>,
      %parallel_loop3A_1322 = tpu.vector_load_idx %arg7[%parallel_loop3A_1318] : memref<100000xf32, #tpu.memory_space<vmem>>[vector<16xi32>], vector<16xf32>,
      %parallel_loop3A_1323 = arith.constant 0 : i32
      %parallel_loop3A_1324 = arith.addi %parallel_loop3A_1302, %parallel_loop3A_1323 : i32
      %parallel_loop3A_1325 = arith.index_cast %parallel_loop3A_1324 : i32 to index
      %parallel_loop3A_1326 = tpu.vector_load %arg11[%parallel_loop3A_1325] {strides = array<i32>} : memref<7680xf32, #tpu.memory_space<vmem>>, vector<16xf32>,
      tpu.vector_store %arg11[%parallel_loop3A_1325], %parallel_loop3A_1319 {strides = array<i32>} : memref<7680xf32, #tpu.memory_space<vmem>>, vector<16xf32>,
      %parallel_loop3A_1327 = arith.constant 16 : i32
      %parallel_loop3A_1328 = arith.addi %parallel_loop3A_1302, %parallel_loop3A_1327 : i32
      %parallel_loop3A_1329 = arith.index_cast %parallel_loop3A_1328 : i32 to index
      %parallel_loop3A_1330 = tpu.vector_load %arg11[%parallel_loop3A_1329] {strides = array<i32>} : memref<7680xf32, #tpu.memory_space<vmem>>, vector<16xf32>,
      tpu.vector_store %arg11[%parallel_loop3A_1329], %parallel_loop3A_1320 {strides = array<i32>} : memref<7680xf32, #tpu.memory_space<vmem>>, vector<16xf32>,
      %parallel_loop3A_1331 = arith.constant 32 : i32
      %parallel_loop3A_1332 = arith.addi %parallel_loop3A_1302, %parallel_loop3A_1331 : i32
      %parallel_loop3A_1333 = arith.index_cast %parallel_loop3A_1332 : i32 to index
      %parallel_loop3A_1334 = tpu.vector_load %arg11[%parallel_loop3A_1333] {strides = array<i32>} : memref<7680xf32, #tpu.memory_space<vmem>>, vector<16xf32>,
      tpu.vector_store %arg11[%parallel_loop3A_1333], %parallel_loop3A_1321 {strides = array<i32>} : memref<7680xf32, #tpu.memory_space<vmem>>, vector<16xf32>,
      %parallel_loop3A_1335 = arith.constant 48 : i32
      %parallel_loop3A_1336 = arith.addi %parallel_loop3A_1302, %parallel_loop3A_1335 : i32
      %parallel_loop3A_1337 = arith.index_cast %parallel_loop3A_1336 : i32 to index
      %parallel_loop3A_1338 = tpu.vector_load %arg11[%parallel_loop3A_1337] {strides = array<i32>} : memref<7680xf32, #tpu.memory_space<vmem>>, vector<16xf32>,
      tpu.vector_store %arg11[%parallel_loop3A_1337], %parallel_loop3A_1322 {strides = array<i32>} : memref<7680xf32, #tpu.memory_space<vmem>>, vector<16xf32>,
    } {sc.loop_unroll_factor = 2 : i64, sc.parallel_access}
    %dma_start3A_1202 = arith.constant 0 : i32
    %dma_start3A_1203 = tpu.memref_slice %arg11[%dma_start3A_1202] : memref<7680xf32, #tpu.memory_space<vmem>> -> memref<7680xf32, #tpu.memory_space<vmem>>
    %dma_start3A_1204 = arith.constant 93184 : i32
    %dma_start3A_1205 = tpu.memref_slice %arg6[%add3A_8, %dma_start3A_1204] : memref<64x114688xf32, #tpu.memory_space<hbm>> -> memref<1x7680xf32, #tpu.memory_space<hbm>>
    %dma_start3A_1206 = tpu.memref_squeeze %dma_start3A_1205 : memref<1x7680xf32, #tpu.memory_space<hbm>> -> memref<7680xf32, #tpu.memory_space<hbm>>
    %dma_start3A_1207 = arith.constant 93184 : i32
    %dma_start3A_1208 = tpu.memref_slice %arg6[%add3A_8, %dma_start3A_1207] : memref<64x114688xf32, #tpu.memory_space<hbm>> -> memref<1x7680xf32, #tpu.memory_space<hbm>>
    %dma_start3A_1209 = tpu.memref_squeeze %dma_start3A_1208 : memref<1x7680xf32, #tpu.memory_space<hbm>> -> memref<7680xf32, #tpu.memory_space<hbm>>
    %dma_start3A_1210 = arith.constant 0 : i32
    %dma_start3A_1211 = tpu.memref_slice %arg11[%dma_start3A_1210] : memref<7680xf32, #tpu.memory_space<vmem>> -> memref<7680xf32, #tpu.memory_space<vmem>>
    tpu.enqueue_dma source(%dma_start3A_1211 : memref<7680xf32, #tpu.memory_space<vmem>>) target(%dma_start3A_1209 : memref<7680xf32, #tpu.memory_space<hbm>>) target_semaphore(%arg15 : memref<!tpu.dma_semaphore, #tpu.memory_space<semaphore_mem>>)
    %dma_start3A_1212 = arith.constant 0 : i32
    %dma_start3A_1213 = tpu.memref_slice %arg9[%dma_start3A_1212] : memref<7680xi32, #tpu.memory_space<vmem>> -> memref<6144xi32, #tpu.memory_space<vmem>>
    %dma_start3A_1214 = arith.constant 92160 : i32
    %dma_start3A_1215 = tpu.memref_slice %arg3[%dma_start3A_1214] : memref<98304xi32, #tpu.memory_space<hbm>> -> memref<6144xi32, #tpu.memory_space<hbm>>
    %dma_start3A_1216 = arith.constant 0 : i32
    %dma_start3A_1217 = tpu.memref_slice %arg9[%dma_start3A_1216] : memref<7680xi32, #tpu.memory_space<vmem>> -> memref<6144xi32, #tpu.memory_space<vmem>>
    %dma_start3A_1218 = arith.constant 92160 : i32
    %dma_start3A_1219 = tpu.memref_slice %arg3[%dma_start3A_1218] : memref<98304xi32, #tpu.memory_space<hbm>> -> memref<6144xi32, #tpu.memory_space<hbm>>
    tpu.enqueue_dma source(%dma_start3A_1219 : memref<6144xi32, #tpu.memory_space<hbm>>) target(%dma_start3A_1217 : memref<6144xi32, #tpu.memory_space<vmem>>) target_semaphore(%arg13 : memref<!tpu.dma_semaphore, #tpu.memory_space<semaphore_mem>>)
    %dma_wait3A_1220 = arith.constant 0 : i32
    %dma_wait3A_1221 = tpu.memref_slice %arg8[%dma_wait3A_1220] : memref<7680xi32, #tpu.memory_space<vmem>> -> memref<7680xi32, #tpu.memory_space<vmem>>
    %dma_wait3A_1222 = arith.constant 84480 : i32
    %dma_wait3A_1223 = tpu.memref_slice %arg3[%dma_wait3A_1222] : memref<98304xi32, #tpu.memory_space<hbm>> -> memref<7680xi32, #tpu.memory_space<hbm>>
    %dma_wait3A_1224 = arith.constant 0 : i32
    %dma_wait3A_1225 = tpu.memref_slice %arg8[%dma_wait3A_1224] : memref<7680xi32, #tpu.memory_space<vmem>> -> memref<7680xi32, #tpu.memory_space<vmem>>
    %dma_wait3A_1226 = arith.constant 84480 : i32
    %dma_wait3A_1227 = tpu.memref_slice %arg3[%dma_wait3A_1226] : memref<98304xi32, #tpu.memory_space<hbm>> -> memref<7680xi32, #tpu.memory_space<hbm>>
    tpu.wait_dma2 semaphore(%arg12 : memref<!tpu.dma_semaphore, #tpu.memory_space<semaphore_mem>>) src(%dma_wait3A_1227 : memref<7680xi32, #tpu.memory_space<hbm>>) dst(%dma_wait3A_1225 : memref<7680xi32, #tpu.memory_space<vmem>>)
    %dma_wait3A_1228 = arith.constant 0 : i32
    %dma_wait3A_1229 = tpu.memref_slice %arg10[%dma_wait3A_1228] : memref<7680xf32, #tpu.memory_space<vmem>> -> memref<7680xf32, #tpu.memory_space<vmem>>
    %dma_wait3A_1230 = arith.constant 85504 : i32
    %dma_wait3A_1231 = tpu.memref_slice %arg6[%add3A_8, %dma_wait3A_1230] : memref<64x114688xf32, #tpu.memory_space<hbm>> -> memref<1x7680xf32, #tpu.memory_space<hbm>>
    %dma_wait3A_1232 = tpu.memref_squeeze %dma_wait3A_1231 : memref<1x7680xf32, #tpu.memory_space<hbm>> -> memref<7680xf32, #tpu.memory_space<hbm>>
    %dma_wait3A_1233 = arith.constant 85504 : i32
    %dma_wait3A_1234 = tpu.memref_slice %arg6[%add3A_8, %dma_wait3A_1233] : memref<64x114688xf32, #tpu.memory_space<hbm>> -> memref<1x7680xf32, #tpu.memory_space<hbm>>
    %dma_wait3A_1235 = tpu.memref_squeeze %dma_wait3A_1234 : memref<1x7680xf32, #tpu.memory_space<hbm>> -> memref<7680xf32, #tpu.memory_space<hbm>>
    %dma_wait3A_1236 = arith.constant 0 : i32
    %dma_wait3A_1237 = tpu.memref_slice %arg10[%dma_wait3A_1236] : memref<7680xf32, #tpu.memory_space<vmem>> -> memref<7680xf32, #tpu.memory_space<vmem>>
    tpu.wait_dma2 semaphore(%arg14 : memref<!tpu.dma_semaphore, #tpu.memory_space<semaphore_mem>>) src(%dma_wait3A_1237 : memref<7680xf32, #tpu.memory_space<vmem>>) dst(%dma_wait3A_1235 : memref<7680xf32, #tpu.memory_space<hbm>>)
    %parallel_loop3A_1238 = arith.constant 0 : i32
    %parallel_loop3A_1239 = arith.constant 7680 : i32
    %parallel_loop3A_1240 = arith.constant 64 : i32
    scf.for %parallel_loop3A_1302 = %parallel_loop3A_1238 to %parallel_loop3A_1239 step %parallel_loop3A_1240  : i32 {
      %parallel_loop3A_1303 = arith.constant 0 : i32
      %parallel_loop3A_1304 = arith.addi %parallel_loop3A_1302, %parallel_loop3A_1303 : i32
      %parallel_loop3A_1305 = arith.index_cast %parallel_loop3A_1304 : i32 to index
      %parallel_loop3A_1306 = tpu.vector_load %arg8[%parallel_loop3A_1305] {strides = array<i32>} : memref<7680xi32, #tpu.memory_space<vmem>>, vector<16xi32>,
      %parallel_loop3A_1307 = arith.constant 16 : i32
      %parallel_loop3A_1308 = arith.addi %parallel_loop3A_1302, %parallel_loop3A_1307 : i32
      %parallel_loop3A_1309 = arith.index_cast %parallel_loop3A_1308 : i32 to index
      %parallel_loop3A_1310 = tpu.vector_load %arg8[%parallel_loop3A_1309] {strides = array<i32>} : memref<7680xi32, #tpu.memory_space<vmem>>, vector<16xi32>,
      %parallel_loop3A_1311 = arith.constant 32 : i32
      %parallel_loop3A_1312 = arith.addi %parallel_loop3A_1302, %parallel_loop3A_1311 : i32
      %parallel_loop3A_1313 = arith.index_cast %parallel_loop3A_1312 : i32 to index
      %parallel_loop3A_1314 = tpu.vector_load %arg8[%parallel_loop3A_1313] {strides = array<i32>} : memref<7680xi32, #tpu.memory_space<vmem>>, vector<16xi32>,
      %parallel_loop3A_1315 = arith.constant 48 : i32
      %parallel_loop3A_1316 = arith.addi %parallel_loop3A_1302, %parallel_loop3A_1315 : i32
      %parallel_loop3A_1317 = arith.index_cast %parallel_loop3A_1316 : i32 to index
      %parallel_loop3A_1318 = tpu.vector_load %arg8[%parallel_loop3A_1317] {strides = array<i32>} : memref<7680xi32, #tpu.memory_space<vmem>>, vector<16xi32>,
      %parallel_loop3A_1319 = tpu.vector_load_idx %arg7[%parallel_loop3A_1306] : memref<100000xf32, #tpu.memory_space<vmem>>[vector<16xi32>], vector<16xf32>,
      %parallel_loop3A_1320 = tpu.vector_load_idx %arg7[%parallel_loop3A_1310] : memref<100000xf32, #tpu.memory_space<vmem>>[vector<16xi32>], vector<16xf32>,
      %parallel_loop3A_1321 = tpu.vector_load_idx %arg7[%parallel_loop3A_1314] : memref<100000xf32, #tpu.memory_space<vmem>>[vector<16xi32>], vector<16xf32>,
      %parallel_loop3A_1322 = tpu.vector_load_idx %arg7[%parallel_loop3A_1318] : memref<100000xf32, #tpu.memory_space<vmem>>[vector<16xi32>], vector<16xf32>,
      %parallel_loop3A_1323 = arith.constant 0 : i32
      %parallel_loop3A_1324 = arith.addi %parallel_loop3A_1302, %parallel_loop3A_1323 : i32
      %parallel_loop3A_1325 = arith.index_cast %parallel_loop3A_1324 : i32 to index
      %parallel_loop3A_1326 = tpu.vector_load %arg10[%parallel_loop3A_1325] {strides = array<i32>} : memref<7680xf32, #tpu.memory_space<vmem>>, vector<16xf32>,
      tpu.vector_store %arg10[%parallel_loop3A_1325], %parallel_loop3A_1319 {strides = array<i32>} : memref<7680xf32, #tpu.memory_space<vmem>>, vector<16xf32>,
      %parallel_loop3A_1327 = arith.constant 16 : i32
      %parallel_loop3A_1328 = arith.addi %parallel_loop3A_1302, %parallel_loop3A_1327 : i32
      %parallel_loop3A_1329 = arith.index_cast %parallel_loop3A_1328 : i32 to index
      %parallel_loop3A_1330 = tpu.vector_load %arg10[%parallel_loop3A_1329] {strides = array<i32>} : memref<7680xf32, #tpu.memory_space<vmem>>, vector<16xf32>,
      tpu.vector_store %arg10[%parallel_loop3A_1329], %parallel_loop3A_1320 {strides = array<i32>} : memref<7680xf32, #tpu.memory_space<vmem>>, vector<16xf32>,
      %parallel_loop3A_1331 = arith.constant 32 : i32
      %parallel_loop3A_1332 = arith.addi %parallel_loop3A_1302, %parallel_loop3A_1331 : i32
      %parallel_loop3A_1333 = arith.index_cast %parallel_loop3A_1332 : i32 to index
      %parallel_loop3A_1334 = tpu.vector_load %arg10[%parallel_loop3A_1333] {strides = array<i32>} : memref<7680xf32, #tpu.memory_space<vmem>>, vector<16xf32>,
      tpu.vector_store %arg10[%parallel_loop3A_1333], %parallel_loop3A_1321 {strides = array<i32>} : memref<7680xf32, #tpu.memory_space<vmem>>, vector<16xf32>,
      %parallel_loop3A_1335 = arith.constant 48 : i32
      %parallel_loop3A_1336 = arith.addi %parallel_loop3A_1302, %parallel_loop3A_1335 : i32
      %parallel_loop3A_1337 = arith.index_cast %parallel_loop3A_1336 : i32 to index
      %parallel_loop3A_1338 = tpu.vector_load %arg10[%parallel_loop3A_1337] {strides = array<i32>} : memref<7680xf32, #tpu.memory_space<vmem>>, vector<16xf32>,
      tpu.vector_store %arg10[%parallel_loop3A_1337], %parallel_loop3A_1322 {strides = array<i32>} : memref<7680xf32, #tpu.memory_space<vmem>>, vector<16xf32>,
    } {sc.loop_unroll_factor = 2 : i64, sc.parallel_access}
    %dma_start3A_1241 = arith.constant 0 : i32
    %dma_start3A_1242 = tpu.memref_slice %arg10[%dma_start3A_1241] : memref<7680xf32, #tpu.memory_space<vmem>> -> memref<7680xf32, #tpu.memory_space<vmem>>
    %dma_start3A_1243 = arith.constant 100864 : i32
    %dma_start3A_1244 = tpu.memref_slice %arg6[%add3A_8, %dma_start3A_1243] : memref<64x114688xf32, #tpu.memory_space<hbm>> -> memref<1x7680xf32, #tpu.memory_space<hbm>>
    %dma_start3A_1245 = tpu.memref_squeeze %dma_start3A_1244 : memref<1x7680xf32, #tpu.memory_space<hbm>> -> memref<7680xf32, #tpu.memory_space<hbm>>
    %dma_start3A_1246 = arith.constant 100864 : i32
    %dma_start3A_1247 = tpu.memref_slice %arg6[%add3A_8, %dma_start3A_1246] : memref<64x114688xf32, #tpu.memory_space<hbm>> -> memref<1x7680xf32, #tpu.memory_space<hbm>>
    %dma_start3A_1248 = tpu.memref_squeeze %dma_start3A_1247 : memref<1x7680xf32, #tpu.memory_space<hbm>> -> memref<7680xf32, #tpu.memory_space<hbm>>
    %dma_start3A_1249 = arith.constant 0 : i32
    %dma_start3A_1250 = tpu.memref_slice %arg10[%dma_start3A_1249] : memref<7680xf32, #tpu.memory_space<vmem>> -> memref<7680xf32, #tpu.memory_space<vmem>>
    tpu.enqueue_dma source(%dma_start3A_1250 : memref<7680xf32, #tpu.memory_space<vmem>>) target(%dma_start3A_1248 : memref<7680xf32, #tpu.memory_space<hbm>>) target_semaphore(%arg14 : memref<!tpu.dma_semaphore, #tpu.memory_space<semaphore_mem>>)
    %dma_wait3A_1251 = arith.constant 0 : i32
    %dma_wait3A_1252 = tpu.memref_slice %arg9[%dma_wait3A_1251] : memref<7680xi32, #tpu.memory_space<vmem>> -> memref<6144xi32, #tpu.memory_space<vmem>>
    %dma_wait3A_1253 = arith.constant 92160 : i32
    %dma_wait3A_1254 = tpu.memref_slice %arg3[%dma_wait3A_1253] : memref<98304xi32, #tpu.memory_space<hbm>> -> memref<6144xi32, #tpu.memory_space<hbm>>
    %dma_wait3A_1255 = arith.constant 0 : i32
    %dma_wait3A_1256 = tpu.memref_slice %arg9[%dma_wait3A_1255] : memref<7680xi32, #tpu.memory_space<vmem>> -> memref<6144xi32, #tpu.memory_space<vmem>>
    %dma_wait3A_1257 = arith.constant 92160 : i32
    %dma_wait3A_1258 = tpu.memref_slice %arg3[%dma_wait3A_1257] : memref<98304xi32, #tpu.memory_space<hbm>> -> memref<6144xi32, #tpu.memory_space<hbm>>
    tpu.wait_dma2 semaphore(%arg13 : memref<!tpu.dma_semaphore, #tpu.memory_space<semaphore_mem>>) src(%dma_wait3A_1258 : memref<6144xi32, #tpu.memory_space<hbm>>) dst(%dma_wait3A_1256 : memref<6144xi32, #tpu.memory_space<vmem>>)
    %dma_wait3A_1259 = arith.constant 0 : i32
    %dma_wait3A_1260 = tpu.memref_slice %arg11[%dma_wait3A_1259] : memref<7680xf32, #tpu.memory_space<vmem>> -> memref<7680xf32, #tpu.memory_space<vmem>>
    %dma_wait3A_1261 = arith.constant 93184 : i32
    %dma_wait3A_1262 = tpu.memref_slice %arg6[%add3A_8, %dma_wait3A_1261] : memref<64x114688xf32, #tpu.memory_space<hbm>> -> memref<1x7680xf32, #tpu.memory_space<hbm>>
    %dma_wait3A_1263 = tpu.memref_squeeze %dma_wait3A_1262 : memref<1x7680xf32, #tpu.memory_space<hbm>> -> memref<7680xf32, #tpu.memory_space<hbm>>
    %dma_wait3A_1264 = arith.constant 93184 : i32
    %dma_wait3A_1265 = tpu.memref_slice %arg6[%add3A_8, %dma_wait3A_1264] : memref<64x114688xf32, #tpu.memory_space<hbm>> -> memref<1x7680xf32, #tpu.memory_space<hbm>>
    %dma_wait3A_1266 = tpu.memref_squeeze %dma_wait3A_1265 : memref<1x7680xf32, #tpu.memory_space<hbm>> -> memref<7680xf32, #tpu.memory_space<hbm>>
    %dma_wait3A_1267 = arith.constant 0 : i32
    %dma_wait3A_1268 = tpu.memref_slice %arg11[%dma_wait3A_1267] : memref<7680xf32, #tpu.memory_space<vmem>> -> memref<7680xf32, #tpu.memory_space<vmem>>
    tpu.wait_dma2 semaphore(%arg15 : memref<!tpu.dma_semaphore, #tpu.memory_space<semaphore_mem>>) src(%dma_wait3A_1268 : memref<7680xf32, #tpu.memory_space<vmem>>) dst(%dma_wait3A_1266 : memref<7680xf32, #tpu.memory_space<hbm>>)
    %parallel_loop3A_1269 = arith.constant 0 : i32
    %parallel_loop3A_1270 = arith.constant 6144 : i32
    %parallel_loop3A_1271 = arith.constant 64 : i32
    scf.for %parallel_loop3A_1302 = %parallel_loop3A_1269 to %parallel_loop3A_1270 step %parallel_loop3A_1271  : i32 {
      %parallel_loop3A_1303 = arith.constant 0 : i32
      %parallel_loop3A_1304 = arith.addi %parallel_loop3A_1302, %parallel_loop3A_1303 : i32
      %parallel_loop3A_1305 = arith.index_cast %parallel_loop3A_1304 : i32 to index
      %parallel_loop3A_1306 = tpu.vector_load %arg9[%parallel_loop3A_1305] {strides = array<i32>} : memref<7680xi32, #tpu.memory_space<vmem>>, vector<16xi32>,
      %parallel_loop3A_1307 = arith.constant 16 : i32
      %parallel_loop3A_1308 = arith.addi %parallel_loop3A_1302, %parallel_loop3A_1307 : i32
      %parallel_loop3A_1309 = arith.index_cast %parallel_loop3A_1308 : i32 to index
      %parallel_loop3A_1310 = tpu.vector_load %arg9[%parallel_loop3A_1309] {strides = array<i32>} : memref<7680xi32, #tpu.memory_space<vmem>>, vector<16xi32>,
      %parallel_loop3A_1311 = arith.constant 32 : i32
      %parallel_loop3A_1312 = arith.addi %parallel_loop3A_1302, %parallel_loop3A_1311 : i32
      %parallel_loop3A_1313 = arith.index_cast %parallel_loop3A_1312 : i32 to index
      %parallel_loop3A_1314 = tpu.vector_load %arg9[%parallel_loop3A_1313] {strides = array<i32>} : memref<7680xi32, #tpu.memory_space<vmem>>, vector<16xi32>,
      %parallel_loop3A_1315 = arith.constant 48 : i32
      %parallel_loop3A_1316 = arith.addi %parallel_loop3A_1302, %parallel_loop3A_1315 : i32
      %parallel_loop3A_1317 = arith.index_cast %parallel_loop3A_1316 : i32 to index
      %parallel_loop3A_1318 = tpu.vector_load %arg9[%parallel_loop3A_1317] {strides = array<i32>} : memref<7680xi32, #tpu.memory_space<vmem>>, vector<16xi32>,
      %parallel_loop3A_1319 = tpu.vector_load_idx %arg7[%parallel_loop3A_1306] : memref<100000xf32, #tpu.memory_space<vmem>>[vector<16xi32>], vector<16xf32>,
      %parallel_loop3A_1320 = tpu.vector_load_idx %arg7[%parallel_loop3A_1310] : memref<100000xf32, #tpu.memory_space<vmem>>[vector<16xi32>], vector<16xf32>,
      %parallel_loop3A_1321 = tpu.vector_load_idx %arg7[%parallel_loop3A_1314] : memref<100000xf32, #tpu.memory_space<vmem>>[vector<16xi32>], vector<16xf32>,
      %parallel_loop3A_1322 = tpu.vector_load_idx %arg7[%parallel_loop3A_1318] : memref<100000xf32, #tpu.memory_space<vmem>>[vector<16xi32>], vector<16xf32>,
      %parallel_loop3A_1323 = arith.constant 0 : i32
      %parallel_loop3A_1324 = arith.addi %parallel_loop3A_1302, %parallel_loop3A_1323 : i32
      %parallel_loop3A_1325 = arith.index_cast %parallel_loop3A_1324 : i32 to index
      %parallel_loop3A_1326 = tpu.vector_load %arg11[%parallel_loop3A_1325] {strides = array<i32>} : memref<7680xf32, #tpu.memory_space<vmem>>, vector<16xf32>,
      tpu.vector_store %arg11[%parallel_loop3A_1325], %parallel_loop3A_1319 {strides = array<i32>} : memref<7680xf32, #tpu.memory_space<vmem>>, vector<16xf32>,
      %parallel_loop3A_1327 = arith.constant 16 : i32
      %parallel_loop3A_1328 = arith.addi %parallel_loop3A_1302, %parallel_loop3A_1327 : i32
      %parallel_loop3A_1329 = arith.index_cast %parallel_loop3A_1328 : i32 to index
      %parallel_loop3A_1330 = tpu.vector_load %arg11[%parallel_loop3A_1329] {strides = array<i32>} : memref<7680xf32, #tpu.memory_space<vmem>>, vector<16xf32>,
      tpu.vector_store %arg11[%parallel_loop3A_1329], %parallel_loop3A_1320 {strides = array<i32>} : memref<7680xf32, #tpu.memory_space<vmem>>, vector<16xf32>,
      %parallel_loop3A_1331 = arith.constant 32 : i32
      %parallel_loop3A_1332 = arith.addi %parallel_loop3A_1302, %parallel_loop3A_1331 : i32
      %parallel_loop3A_1333 = arith.index_cast %parallel_loop3A_1332 : i32 to index
      %parallel_loop3A_1334 = tpu.vector_load %arg11[%parallel_loop3A_1333] {strides = array<i32>} : memref<7680xf32, #tpu.memory_space<vmem>>, vector<16xf32>,
      tpu.vector_store %arg11[%parallel_loop3A_1333], %parallel_loop3A_1321 {strides = array<i32>} : memref<7680xf32, #tpu.memory_space<vmem>>, vector<16xf32>,
      %parallel_loop3A_1335 = arith.constant 48 : i32
      %parallel_loop3A_1336 = arith.addi %parallel_loop3A_1302, %parallel_loop3A_1335 : i32
      %parallel_loop3A_1337 = arith.index_cast %parallel_loop3A_1336 : i32 to index
      %parallel_loop3A_1338 = tpu.vector_load %arg11[%parallel_loop3A_1337] {strides = array<i32>} : memref<7680xf32, #tpu.memory_space<vmem>>, vector<16xf32>,
      tpu.vector_store %arg11[%parallel_loop3A_1337], %parallel_loop3A_1322 {strides = array<i32>} : memref<7680xf32, #tpu.memory_space<vmem>>, vector<16xf32>,
    } {sc.loop_unroll_factor = 2 : i64, sc.parallel_access}
    %dma_start3A_1272 = arith.constant 0 : i32
    %dma_start3A_1273 = tpu.memref_slice %arg11[%dma_start3A_1272] : memref<7680xf32, #tpu.memory_space<vmem>> -> memref<6144xf32, #tpu.memory_space<vmem>>
    %dma_start3A_1274 = arith.constant 108544 : i32
    %dma_start3A_1275 = tpu.memref_slice %arg6[%add3A_8, %dma_start3A_1274] : memref<64x114688xf32, #tpu.memory_space<hbm>> -> memref<1x6144xf32, #tpu.memory_space<hbm>>
    %dma_start3A_1276 = tpu.memref_squeeze %dma_start3A_1275 : memref<1x6144xf32, #tpu.memory_space<hbm>> -> memref<6144xf32, #tpu.memory_space<hbm>>
    %dma_start3A_1277 = arith.constant 108544 : i32
    %dma_start3A_1278 = tpu.memref_slice %arg6[%add3A_8, %dma_start3A_1277] : memref<64x114688xf32, #tpu.memory_space<hbm>> -> memref<1x6144xf32, #tpu.memory_space<hbm>>
    %dma_start3A_1279 = tpu.memref_squeeze %dma_start3A_1278 : memref<1x6144xf32, #tpu.memory_space<hbm>> -> memref<6144xf32, #tpu.memory_space<hbm>>
    %dma_start3A_1280 = arith.constant 0 : i32
    %dma_start3A_1281 = tpu.memref_slice %arg11[%dma_start3A_1280] : memref<7680xf32, #tpu.memory_space<vmem>> -> memref<6144xf32, #tpu.memory_space<vmem>>
    tpu.enqueue_dma source(%dma_start3A_1281 : memref<6144xf32, #tpu.memory_space<vmem>>) target(%dma_start3A_1279 : memref<6144xf32, #tpu.memory_space<hbm>>) target_semaphore(%arg15 : memref<!tpu.dma_semaphore, #tpu.memory_space<semaphore_mem>>)
    %dma_wait3A_1282 = arith.constant 0 : i32
    %dma_wait3A_1283 = tpu.memref_slice %arg10[%dma_wait3A_1282] : memref<7680xf32, #tpu.memory_space<vmem>> -> memref<7680xf32, #tpu.memory_space<vmem>>
    %dma_wait3A_1284 = arith.constant 100864 : i32
    %dma_wait3A_1285 = tpu.memref_slice %arg6[%add3A_8, %dma_wait3A_1284] : memref<64x114688xf32, #tpu.memory_space<hbm>> -> memref<1x7680xf32, #tpu.memory_space<hbm>>
    %dma_wait3A_1286 = tpu.memref_squeeze %dma_wait3A_1285 : memref<1x7680xf32, #tpu.memory_space<hbm>> -> memref<7680xf32, #tpu.memory_space<hbm>>
    %dma_wait3A_1287 = arith.constant 100864 : i32
    %dma_wait3A_1288 = tpu.memref_slice %arg6[%add3A_8, %dma_wait3A_1287] : memref<64x114688xf32, #tpu.memory_space<hbm>> -> memref<1x7680xf32, #tpu.memory_space<hbm>>
    %dma_wait3A_1289 = tpu.memref_squeeze %dma_wait3A_1288 : memref<1x7680xf32, #tpu.memory_space<hbm>> -> memref<7680xf32, #tpu.memory_space<hbm>>
    %dma_wait3A_1290 = arith.constant 0 : i32
    %dma_wait3A_1291 = tpu.memref_slice %arg10[%dma_wait3A_1290] : memref<7680xf32, #tpu.memory_space<vmem>> -> memref<7680xf32, #tpu.memory_space<vmem>>
    tpu.wait_dma2 semaphore(%arg14 : memref<!tpu.dma_semaphore, #tpu.memory_space<semaphore_mem>>) src(%dma_wait3A_1291 : memref<7680xf32, #tpu.memory_space<vmem>>) dst(%dma_wait3A_1289 : memref<7680xf32, #tpu.memory_space<hbm>>)
    %dma_wait3A_1292 = arith.constant 0 : i32
    %dma_wait3A_1293 = tpu.memref_slice %arg11[%dma_wait3A_1292] : memref<7680xf32, #tpu.memory_space<vmem>> -> memref<6144xf32, #tpu.memory_space<vmem>>
    %dma_wait3A_1294 = arith.constant 108544 : i32
    %dma_wait3A_1295 = tpu.memref_slice %arg6[%add3A_8, %dma_wait3A_1294] : memref<64x114688xf32, #tpu.memory_space<hbm>> -> memref<1x6144xf32, #tpu.memory_space<hbm>>
    %dma_wait3A_1296 = tpu.memref_squeeze %dma_wait3A_1295 : memref<1x6144xf32, #tpu.memory_space<hbm>> -> memref<6144xf32, #tpu.memory_space<hbm>>
    %dma_wait3A_1297 = arith.constant 108544 : i32
    %dma_wait3A_1298 = tpu.memref_slice %arg6[%add3A_8, %dma_wait3A_1297] : memref<64x114688xf32, #tpu.memory_space<hbm>> -> memref<1x6144xf32, #tpu.memory_space<hbm>>
    %dma_wait3A_1299 = tpu.memref_squeeze %dma_wait3A_1298 : memref<1x6144xf32, #tpu.memory_space<hbm>> -> memref<6144xf32, #tpu.memory_space<hbm>>
    %dma_wait3A_1300 = arith.constant 0 : i32
    %dma_wait3A_1301 = tpu.memref_slice %arg11[%dma_wait3A_1300] : memref<7680xf32, #tpu.memory_space<vmem>> -> memref<6144xf32, #tpu.memory_space<vmem>>
    tpu.wait_dma2 semaphore(%arg15 : memref<!tpu.dma_semaphore, #tpu.memory_space<semaphore_mem>>) src(%dma_wait3A_1301 : memref<6144xf32, #tpu.memory_space<vmem>>) dst(%dma_wait3A_1299 : memref<6144xf32, #tpu.memory_space<hbm>>)
    return
  }
}

</mosaic_0001>

<sc_bundles>
// kernel: kernel.3.cloned.1.call-start
scs
__scs_entry_jumppad:
0x0: {  	(pc) =	sbr.rel $0x88, $3  }
0x1: {  	(tag) =	ssettag $0x0;
	lr =	simm.s32 $0x1  }
0x2: {  	[smem:$0x3F9C] =	sst lr;
	_ =	strace $0xD0000000  }
0x3: {  	_ = 	snop  }
0x4: {  	_ = 	snop  }
0x5: {  	_ = 	snop  }
0x6: {  	_ = 	snop  }
0x7: {  	_ = 	snop  }
__scs_overlays_trampoline_lowered:
0x8: {  	[smem:$0x3FAB] =	sst s0  }
0x9: {  	[smem:$0x3FAC] =	sst s1  }
0xa: {  	[smem:$0x3FAD] =	sst s2  }
0xb: {  	[smem:$0x3FAE] =	sst s3  }
0xc: {  	[smem:$0x3FAF] =	sst s4  }
0xd: {  	[smem:$0x3FB0] =	sst s5  }
0xe: {  	[smem:$0x3FB1] =	sst s6  }
0xf: {  	[smem:$0x3FB2] =	sst s7  }
0x10: {  	[smem:$0x3FB3] =	sst s8  }
0x11: {  	[smem:$0x3FB4] =	sst s9;
	s0 =	simm.s32 @!p0 $0x0  }
0x12: {  	s1 =	sld [smem:$0x3F9A];
	s0 =	simm.s32 @p0 $0x1  }
0x13: {  	[smem:$0x3FB5] =	sst s0;
	s0 =	simm.s32 @!p1 $0x0  }
0x14: {  	s2 =	sld [smem:$0x3F99];
	s0 =	simm.s32 @p1 $0x1  }
0x15: {  	[smem:$0x3FB6] =	sst s0;
	s0 =	simm.s32 @!p2 $0x0  }
0x16: {  	s3 =	sld [smem:$0x3FDB];
	s0 =	simm.s32 @p2 $0x1  }
0x17: {  	s4 =	simm.s32 $0x1BF5;
	[smem:$0x3FB8] =	sst s0  }
0x18: {  	s0 =	sld [smem:$0x3F9B];
	_ =	swait.ge [sflag:s4], $0x0  }
0x19: {  	s7 =	sld [smem:$0x3F9C]  }
0x1a: {  	s8 =	sadd.s32 $0xFFFFE003, lr  }
0x1b: {  	s9 =	sadd.s32 $0xFFFFFEF7, lr;
	s5 =	simm.s32 $0xFFFFFFFF;
	p2 =	slt.u32 s8, $0xFFFFF086  }
0x1c: {  	p1 =	slt.u32 s9, $0xF7A;
	s5 =	simm.s32 @!p2 $0x0  }
0x1d: {  	s5 =	simm.s32 @p1 $0x1;
	p0 =	seq.s32 s7, s2  }
0x1e: {  	s7 =	smul.u32 @!p0 $0xF7A, s2;
	p2 =	seq.s32 @!p0 s5, $0x0  }
0x1f: {  	s9 =	smul.u32 $0xF7A, s1;
	s8 =	simm.s32 @!p0 $0x1BF5;
	p2 =	por !p2, p0  }
0x20: {  	[sflag:s8] =	ssyncset.s32 @!p0 $0xFFFFF086;
	s6 =	sadd.s32 @!p0 s3, s7;
	s7 =	simm.s32 @!p0 $0x108  }
0x21: {  	s3 =	sadd.s32 s3, s9;
	s6 =	sadd.s32 @!p0 $0x88, s6;
	s7 =	simm.s32 @p2 $0x1082  }
0x22: {  	[simem:s7], [sflag:s8] =	dma.local @!p0 [hbm:s6], $0xF7A  }
0x23: {  	s9 =	sor.u32 $0xD0000000, s2;
	s6 =	simm.s32 $0x108;
	_ =	swait.ge @!p0 [sflag:s8], $0x0  }
0x24: {  	s3 =	sadd.s32 $0x88, s3;
	s6 =	simm.s32 @!p1 $0x1082;
	[sflag:s4] =	ssyncset.s32 $0xFFFFF086  }
0x25: {  	[simem:s6], [sflag:s4] =	dma.local [hbm:s3], $0xF7A  }
0x26: {  	[smem:$0x3F9C] =	sst s1;
	(tag) =	ssettag s2;
	_ =	strace s9  }
0x27: {  	s1 =	sld [smem:$0x3FAC]  }
0x28: {  	s2 =	sld [smem:$0x3FAD]  }
0x29: {  	s4 =	sld [smem:$0x3FAF]  }
0x2a: {  	p0 =	seq.s32 s5, $0x0;
	s5 =	sld [smem:$0x3FB0]  }
0x2b: {  	s6 =	sld [smem:$0x3FB1]  }
0x2c: {  	s7 =	sld [smem:$0x3FB2]  }
0x2d: {  	s3 =	simm.s32 $0x108;
	s8 =	sld [smem:$0x3FB3]  }
0x2e: {  	s3 =	simm.s32 @!p0 $0x1082;
	s9 =	sld [smem:$0x3FB4]  }
0x2f: {  	lr =	sadd.s32 s0, s3;
	s0 =	sld [smem:$0x3FAB]  }
0x30: {  	s3 =	sld [smem:$0x3FAE]  }
0x31: {  	[smem:$0x3FB7] =	sst s10  }
0x32: {  	s10 =	sld [smem:$0x3FB5];
	_ =	sdelay $0x3  }
0x33: {  	p0 =	seq.s32 s10, $0x1;
	s10 =	sld [smem:$0x3FB7];
	_ =	sdelay $0x3  }
0x34: {  	[smem:$0x3FB7] =	sst s10  }
0x35: {  	s10 =	sld [smem:$0x3FB6];
	_ =	sdelay $0x3  }
0x36: {  	p1 =	seq.s32 s10, $0x1;
	s10 =	sld [smem:$0x3FB7];
	_ =	sdelay $0x3  }
0x37: {  	[smem:$0x3FB7] =	sst s10  }
0x38: {  	s10 =	sld [smem:$0x3FB8]  }
0x39: {  	_ = 	snop;
	(pc) =	sbr.ind lr, $3  }
0x3a: {  	_ = 	snop  }
0x3b: {  	_ = 	snop  }
0x3c: {  	p2 =	seq.s32 s10, $0x1;
	s10 =	sld [smem:$0x3FB7]  }
0x3d: {  	_ =	shalt  }
0x3e: {  	_ =	shalt  }
0x3f: {  	_ =	shalt  }
0x40: {  	_ =	shalt  }
0x41: {  	_ =	shalt  }
0x42: {  	_ =	shalt  }
0x43: {  	_ =	shalt  }
0x44: {  	_ =	shalt  }
0x45: {  	_ =	shalt  }
0x46: {  	_ =	shalt  }
0x47: {  	_ =	shalt  }
0x48: {  	_ =	shalt  }
0x49: {  	_ =	shalt  }
0x4a: {  	_ =	shalt  }
0x4b: {  	_ =	shalt  }
0x4c: {  	_ =	shalt  }
0x4d: {  	_ =	shalt  }
0x4e: {  	_ =	shalt  }
0x4f: {  	_ =	shalt  }
0x50: {  	_ =	shalt  }
0x51: {  	_ =	shalt  }
0x52: {  	_ =	shalt  }
0x53: {  	_ =	shalt  }
0x54: {  	_ =	shalt  }
0x55: {  	_ =	shalt  }
0x56: {  	_ =	shalt  }
0x57: {  	_ =	shalt  }
0x58: {  	_ =	shalt  }
0x59: {  	_ =	shalt  }
0x5a: {  	_ =	shalt  }
0x5b: {  	_ =	shalt  }
0x5c: {  	_ =	shalt  }
0x5d: {  	_ =	shalt  }
0x5e: {  	_ =	shalt  }
0x5f: {  	_ =	shalt  }
0x60: {  	_ =	shalt  }
0x61: {  	_ =	shalt  }
0x62: {  	_ =	shalt  }
0x63: {  	_ =	shalt  }
0x64: {  	_ =	shalt  }
0x65: {  	_ =	shalt  }
0x66: {  	_ =	shalt  }
0x67: {  	_ =	shalt  }
0x68: {  	_ =	shalt  }
0x69: {  	_ =	shalt  }
0x6a: {  	_ =	shalt  }
0x6b: {  	_ =	shalt  }
0x6c: {  	_ =	shalt  }
0x6d: {  	_ =	shalt  }
0x6e: {  	_ =	shalt  }
0x6f: {  	_ =	shalt  }
0x70: {  	_ =	shalt  }
0x71: {  	_ =	shalt  }
0x72: {  	_ =	shalt  }
0x73: {  	_ =	shalt  }
0x74: {  	_ =	shalt  }
0x75: {  	_ =	shalt  }
0x76: {  	_ =	shalt  }
0x77: {  	_ =	shalt  }
0x78: {  	_ =	shalt  }
0x79: {  	_ =	shalt  }
0x7a: {  	_ =	shalt  }
0x7b: {  	_ =	shalt  }
0x7c: {  	_ =	shalt  }
0x7d: {  	_ =	shalt  }
0x7e: {  	_ =	shalt  }
0x7f: {  	_ =	shalt  }
0x80: {  	_ =	shalt  }
0x81: {  	_ =	shalt  }
0x82: {  	_ =	shalt  }
0x83: {  	_ =	shalt  }
0x84: {  	_ =	shalt  }
0x85: {  	_ =	shalt  }
0x86: {  	_ =	shalt  }
0x87: {  	_ =	shalt  }
.Lfunc_end0:
.L_simem_size_0:
called_computation_lowered:
.L_overlay_start_0:
0x88: {  	s2 =	sld [smem:$0x3FD9]  }
0x89: {  	s3 =	sld [smem:$0x3FFE];
	_ =	sdelay $0x1  }
0x8a: {  	s1 =	srdreg.scid  }
0x8b: {  	s0 =	sand.u32 $0x1, s1  }
0x8c: {  	s17 =	sshll.u32 s0, $0xA;
	s2 =	sadd.s32 s3, s2  }
0x8d: {  	s2 =	sadd.s32 s2, s17  }
0x8e: {  	[smem:$0x3FC3] =	sst s2  }
0x8f: {  	_ = 	snop  }
0x90: {  	s2 =	sld [smem:$0x3FC9]  }
0x91: {  	s18 =	sld [smem:$0x3FC6]  }
0x92: {  	s4 =	sld [smem:$0x3FC5]  }
0x93: {  	s5 =	sld [smem:$0x3FD0];
	(tm) =	ssettm $0x1  }
0x94: {  	s6 =	sld [smem:$0x3FFB];
	_ =	sdelay $0x3  }
0x95: {  	_ =	strace s6  }
0x96: {  	s6 =	sld [smem:$0x3FFC];
	_ =	sdelay $0x3  }
0x97: {  	_ =	strace s6  }
0x98: {  	s6 =	sld [smem:$0x3FFD];
	_ =	sdelay $0x3  }
0x99: {  	_ =	strace s6  }
0x9a: {  	_ =	strace $0x8FFFFFFF  }
0x9b: {  	s19 =	sld [smem:$0x3FDB];
	_ =	sdelay $0x1  }
0x9c: {  	s7 =	simm.s32 $_scs_section_size  }
0x9d: {  	s8 =	simm.s32 $_size__tile_overlayer_lowered;
	s9 =	simm.s32 $_tile_overlayer_lowered  }
0x9e: {  	s22 =	simm.s32 $0x1BFF;
	s21 =	sshll.u32 s9, $0x1;
	s6 =	sadd.s32 s7, s19  }
0x9f: {  	s10 =	simm.s32 $0x0;
	s20 =	sshll.u32 s8, $0x1;
	s8 =	sadd.s32 s21, s6  }
0xa0: {  	[timem:s10], [sflag:s22] =	dma.local [hbm:s8], s20  }
0xa1: {  	_ =	swait.ge [sflag:s22], s20  }
0xa2: {  	s7 =	ssub.s32 $0x0, s20;
	[sflag:s22] =	ssyncset.done $0x0  }
0xa3: {  	[sflag:s22] =	ssyncadd.s32 s7;
	_ =	sdelay $0x1  }
0xa4: {  	s23 =	simm.s32 $0x1B8B  }
0xa5: {  	_ =	swait.ge [sflag:s23], $0x1  }
0xa6: {  	[sflag:s23] =	ssyncset.done $0x0  }
0xa7: {  	s25 =	simm.s32 $0x1B8E;
	s24 =	sld [smem:$0x3FFE];
	[sflag:s23] =	ssyncadd.s32 $0xFFFFFFFF  }
0xa8: {  	s26 =	simm.s32 $execute0_lowered;
	[smem:$0x3FD2] =	sst s25  }
0xa9: {  	s8 =	sshll.u32 s26, $0x1;
	_ =	strace $0x80000046;
	[dreg:$0x1] =	wrdreg $0xFFFFFFFF  }
0xaa: {  	s28 =	simm.s32 $_size_execute0_lowered;
	s6 =	sadd.s32 s6, s8;
	[dreg:$0x0] =	wrdreg $0x0  }
0xab: {  	s8 =	sshll.u32 s28, $0x1;
	[dreg:$0x2] =	wrdreg s6  }
0xac: {  	[dreg:$0x3] =	wrdreg s8  }
0xad: {  	[dreg:$0x4] =	wrdreg $0xC0  }
0xae: {  	_ =	task [dreg:s10], $0x5FFFF  }
0xaf: {  	[dreg:$0x1] =	wrdreg $0xFFFFFFFF  }
0xb0: {  	[dreg:$0x0] =	wrdreg $0x60  }
0xb1: {  	[dreg:$0x2] =	wrdreg s2  }
0xb2: {  	[dreg:$0x3] =	wrdreg s24  }
0xb3: {  	[dreg:$0x4] =	wrdreg s18  }
0xb4: {  	[dreg:$0x5] =	wrdreg s4  }
0xb5: {  	[dreg:$0x6] =	wrdreg s5  }
0xb6: {  	[dreg:$0x7] =	wrdreg $0x9  }
0xb7: {  	_ =	task.clear_ibuf [dreg:s10], $0x8FFFF;
	_ =	strace $0x90000046  }
0xb8: {  	s29 =	simm.s32 $0x9;
	_ =	strace $0x80000048  }
0xb9: {  	_ =	swait.ge [sflag:s29], $0x1  }
0xba: {  	[sflag:s29] =	ssyncadd.s32 $0xFFFFFFFF  }
0xbb: {  	_ =	strace $0x90000048  }
0xbc: {  	_ =	sfence  }
0xbd: {  	s30 =	sld [smem:$0x0];
	_ =	sdelay $0x2  }
0xbe: {  	s31 =	sshll.u32 s1, $0xD;
	s1 =	sshrl.u32 s1, $0x2  }
0xbf: {  	s3 =	sand.u32 $0x4000, s31;
	s1 =	sadd.s32 s1, s30  }
0xc0: {  	s0 =	sor.u32 s3, s0;
	s1 =	sshll.u32 s1, $0x11  }
0xc1: {  	s0 =	sor.u32 s1, s0  }
0xc2: {  	s0 =	sadd.s32 $0x8F2B, s0  }
0xc3: {  	[sflag:s0] =	ssyncadd.remote.s32 $0x1  }
0xc4: {  	_ =	sfence.sel $0xFFFF  }
0xc5: {  	[dreg:$0x0] =	wrdreg $0xFFFFFFFF;
	(pc) =	sbr.abs _section_cstart, $3  }
0xc6: {  	[dreg:$0x1] =	wrdreg $0xFFFFFFFF  }
0xc7: {  	_ =	task.clear_ibuf [dreg:s10], $0x2FFFF;
	_ =	strace $0x9FFFFFFF  }
0xc8: {  	(tm) =	ssettm $0x7FFFFFFF  }
0xc9: {  	_ =	shalt  }
tec
execute0_lowered:
.L_overlay_start_1:
0x0: {  	(tag) =	ssettag $0x1  }
0x1: {  	s2 =	rddreg [dreg:$0x2];
	s0 =	srdreg.scid  }
0x2: {  	s3 =	stileid.u32;
	s7 =	rddreg [dreg:$0x3]  }
0x3: {  	s0 =	sand.u32 $0x1, s0;
	s1 =	sshll.u32 s3, $0x9;
	s3 =	sshrl.u32 s3, $0x1  }
0x4: {  	s4 =	sshll.u32 s0, $0x8;
	s5 =	sand.u32 $0x200, s1;
	s6 =	smul.u32 $0xC3800, s3  }
0x5: {  	s1 =	simm.s32 $0x0;
	s0 =	ssub.s32 $0x2, s0;
	s3 =	smul.u32 $0xE0000, s3  }
0x6: {  	s4 =	sor.u32 s4, s5;
	[smem:$0x7FF] =	sst s1;
	s8 =	sshrl.u32 s0, $0x1  }
0x7: {  	s5 =	sor.u32 s6, s4;
	s0 =	ssub.s32 s0, s8;
	s8 =	sor.u32 s3, s4  }
0x8: {  	s9 =	sadd.s32 $0x2F000, s3;
	s12 =	sadd.s32 $0x3E000, s3;
	s14 =	sadd.s32 $0x4D000, s3  }
0x9: {  	s15 =	sadd.s32 $0x5C000, s3;
	s18 =	sor.u32 $0x80, s4;
	s19 =	sadd.s32 $0x6B000, s3  }
0xa: {  	s20 =	sadd.s32 $0x7A000, s3;
	s29 =	sadd.s32 $0xC5000, s3;
	s30 =	sadd.s32 $0xD4000, s3  }
0xb: {  	s5 =	sshrl.u32 s5, $0x3;
	[smem:$0x7FC] =	sst s0;
	s11 =	sor.u32 s4, s9  }
0xc: {  	s13 =	sor.u32 s4, s12;
	s16 =	sor.u32 s4, s14;
	s17 =	sor.u32 s4, s15  }
0xd: {  	s6 =	sor.u32 s6, s18;
	s21 =	sor.u32 s4, s19;
	s22 =	sor.u32 s4, s20  }
0xe: {  	s0 =	sadd.s32 $0x89000, s3;
	s31 =	sor.u32 s4, s29;
	s9 =	sor.u32 s9, s18  }
0xf: {  	s12 =	sor.u32 s12, s18;
	s14 =	sor.u32 s14, s18;
	s15 =	sor.u32 s15, s18  }
0x10: {  	s19 =	sor.u32 s19, s18;
	s20 =	sor.u32 s20, s18;
	s29 =	sor.u32 s29, s18  }
0x11: {  	s8 =	sshrl.u32 s8, $0x3;
	s23 =	sadd.s32 s2, s5;
	s24 =	sadd.s32 s7, s5  }
0x12: {  	s5 =	sadd.s32 $0x20000, s3;
	s6 =	sshrl.u32 s6, $0x3;
	[dreg:$0x6] =	wrdreg s23  }
0x13: {  	s11 =	sshrl.u32 s11, $0x3;
	s21 =	sshrl.u32 s21, $0x3;
	[dreg:$0x7] =	wrdreg s24  }
0x14: {  	s10 =	sor.u32 s4, s5;
	s25 =	sadd.s32 s2, s6;
	s26 =	sadd.s32 s7, s6  }
0x15: {  	s6 =	sor.u32 s4, s0;
	s7 =	sadd.s32 $0x98000, s3;
	s23 =	sadd.s32 $0xA7000, s3  }
0x16: {  	s5 =	sor.u32 s5, s18;
	s2 =	sor.u32 s0, s18;
	[dreg:$0x8] =	wrdreg s25  }
0x17: {  	[dreg:$0x9] =	wrdreg s26;
	s24 =	sor.u32 s4, s7;
	s25 =	sor.u32 s4, s23  }
0x18: {  	s26 =	sadd.s32 $0xB6000, s3;
	s3 =	sor.u32 s3, s18;
	[smem:$0x7F5] =	sst s2  }
0x19: {  	s7 =	sor.u32 s7, s18;
	s23 =	sor.u32 s23, s18;
	s2 =	rddreg [dreg:$0x4]  }
0x1a: {  	s10 =	sshrl.u32 s10, $0x3;
	s6 =	sshrl.u32 s6, $0x3;
	s28 =	sor.u32 s4, s26  }
0x1b: {  	s4 =	sor.u32 s4, s30;
	s26 =	sor.u32 s26, s18;
	s0 =	sadd.s32 s2, s8  }
0x1c: {  	s18 =	sor.u32 s30, s18;
	s10 =	sadd.s32 s2, s10;
	[dreg:$0xa] =	wrdreg s0  }
0x1d: {  	s30 =	sadd.s32 $0x1E00, s2;
	s11 =	sadd.s32 s2, s11;
	[dreg:$0xd] =	wrdreg s10  }
0x1e: {  	s6 =	sadd.s32 s2, s6;
	s0 =	sadd.s32 s8, s30;
	[dreg:$0xe] =	wrdreg s11  }
0x1f: {  	s10 =	sshrl.u32 s13, $0x3;
	s11 =	sshrl.u32 s16, $0x3;
	[dreg:$0x14] =	wrdreg s6  }
0x20: {  	s13 =	sshrl.u32 s17, $0x3;
	[dreg:$0xb] =	wrdreg s0;
	s16 =	sadd.s32 s2, s11  }
0x21: {  	s22 =	sshrl.u32 s22, $0x3;
	s17 =	sadd.s32 s2, s13;
	[dreg:$0x10] =	wrdreg s16  }
0x22: {  	s4 =	sshrl.u32 s4, $0x3;
	s11 =	sadd.s32 s2, s22;
	[dreg:$0x11] =	wrdreg s17  }
0x23: {  	s0 =	sadd.s32 $0x3C00, s2;
	s4 =	sadd.s32 s2, s4;
	[dreg:$0x13] =	wrdreg s11  }
0x24: {  	s13 =	sshrl.u32 s24, $0x3;
	s8 =	sadd.s32 s8, s0;
	[dreg:$0x19] =	wrdreg s4  }
0x25: {  	s3 =	sshrl.u32 s3, $0x3;
	s6 =	sadd.s32 s2, s13;
	[dreg:$0xc] =	wrdreg s8  }
0x26: {  	s16 =	sshrl.u32 s25, $0x3;
	s25 =	sadd.s32 s3, s30;
	[dreg:$0x15] =	wrdreg s6  }
0x27: {  	s24 =	sshrl.u32 s31, $0x3;
	s0 =	sadd.s32 s3, s0;
	[dreg:$0x1a] =	wrdreg s25  }
0x28: {  	s31 =	simm.s32 $0x1;
	s4 =	sadd.s32 s2, s3;
	[dreg:$0x1b] =	wrdreg s0  }
0x29: {  	s17 =	sshrl.u32 s28, $0x3;
	s11 =	sshrl.u32 s14, $0x3;
	[dreg:$0x1c] =	wrdreg s4  }
0x2a: {  	s8 =	sadd.s32 s2, s10;
	s6 =	sadd.s32 s2, s24;
	s24 =	rddreg [dreg:$0x1]  }
0x2b: {  	s13 =	sshrl.u32 s19, $0x3;
	s22 =	sadd.s32 s2, s17;
	[dreg:$0xf] =	wrdreg s8  }
0x2c: {  	s28 =	simm.s32 $0x400;
	s30 =	simm.s32 $0x1A500;
	[dreg:$0x17] =	wrdreg s22  }
0x2d: {  	s3 =	simm.s32 $0x1E100;
	s14 =	sadd.s32 s2, s13;
	[dreg:$0x18] =	wrdreg s6  }
0x2e: {  	s17 =	sshrl.u32 s7, $0x3;
	s25 =	sshrl.u32 s18, $0x3;
	[smem:$0x7F3] =	sst s14  }
0x2f: {  	s8 =	sadd.s32 s2, s21;
	s21 =	sadd.s32 s2, s16;
	s16 =	sld [smem:$0x7F5]  }
0x30: {  	s4 =	simm.s32 $0x3;
	s7 =	simm.s32 $0x0;
	s22 =	rddreg [dreg:$0x0]  }
0x31: {  	s6 =	sshrl.u32 s5, $0x3;
	s19 =	sadd.s32 s2, s17;
	[dreg:$0x12] =	wrdreg s8  }
0x32: {  	s13 =	sadd.s32 $0x1300, s24;
	s14 =	sadd.s32 $0x16C0, s24;
	[dreg:$0x16] =	wrdreg s21  }
0x33: {  	s0 =	sadd.s32 s2, s6;
	s8 =	sshrl.u32 s9, $0x3;
	[smem:$0x7F7] =	sst s19  }
0x34: {  	s9 =	sshrl.u32 s12, $0x3;
	[dreg:$0x1d] =	wrdreg s0;
	s0 =	sadd.s32 s2, s8  }
0x35: {  	s12 =	sshrl.u32 s15, $0x3;
	[dreg:$0x1e] =	wrdreg s0;
	s0 =	sadd.s32 s2, s11  }
0x36: {  	s15 =	sshrl.u32 s20, $0x3;
	[smem:$0x7F1] =	sst s0;
	s0 =	sadd.s32 s2, s12  }
0x37: {  	s17 =	sadd.s32 $0x2200, s24;
	[smem:$0x7F2] =	sst s0;
	s0 =	sadd.s32 s2, s15  }
0x38: {  	s10 =	sadd.s32 s2, s9;
	[smem:$0x7F4] =	sst s0;
	s0 =	sshrl.u32 s16, $0x3  }
0x39: {  	s20 =	sshrl.u32 s23, $0x3;
	[dreg:$0x1f] =	wrdreg s10;
	s0 =	sadd.s32 s2, s0  }
0x3a: {  	s21 =	sshrl.u32 s26, $0x3;
	[smem:$0x7F6] =	sst s0;
	s0 =	sadd.s32 s2, s20  }
0x3b: {  	s23 =	sshrl.u32 s29, $0x3;
	[smem:$0x7F8] =	sst s0;
	s0 =	sadd.s32 s2, s21  }
0x3c: {  	s18 =	sadd.s32 $0x25C0, s24;
	[smem:$0x7F9] =	sst s0;
	s0 =	sadd.s32 s2, s23  }
0x3d: {  	s19 =	sadd.s32 $0x2980, s24;
	[smem:$0x7FA] =	sst s0;
	s0 =	sadd.s32 s2, s25  }
0x3e: {  	s29 =	simm.s32 $0x5;
	s6 =	simm.s32 $0x4;
	[smem:$0x7FB] =	sst s0  }
0x3f: {  	s9 =	sadd.s32 $0x400, s24;
	s10 =	sadd.s32 $0x7C0, s24;
	_ =	strace $0x80000047  }
0x40: {  	s11 =	sadd.s32 $0xB80, s24;
	s12 =	sadd.s32 $0xF40, s24;
	s26 =	sld [smem:$0x7FC]  }
0x41: {  	s15 =	sadd.s32 $0x1A80, s24;
	s16 =	sadd.s32 $0x1E40, s24;
	s20 =	sadd.s32 $0x2D40, s24  }
0x42: {  	s21 =	sadd.s32 $0x3100, s24;
	s24 =	sadd.s32 $0x780, s22;
	s23 =	sadd.s32 $0x3C0, s22  }
0x43: {  	s25 =	simm.s32 $0x18700;
	s2 =	simm.s32 $0x2;
	s0 =	smax.u32 s26, $0x1  }
0x44: {  	s26 =	simm.s32 $0x80;
	[smem:$0x7FD] =	sst s0;
	s0 =	simm.s32 $0x1C300  }
.LBB2_1:
0x45: {  	s5 =	rddreg [dreg:$0x0]  }
0x46: {  	[tilespmem:s25], [sflag:$0x1] =	stream.linear.gather [hbm4b:s5+s1], $0x1E00, $0x38;
	[tilespmem:$0x1FF00] =	vst v63  }
0x47: {  	s8 =	rddreg [dreg:$0x6]  }
0x48: {  	[tilespmem:s1], [sflag:$0x5] =	stream.strided.gather [hbm4b:s8+s26], $0x18700, s28, s26, $0x38;
	[tilespmem:$0x1FF00] =	vst v63  }
0x49: {  	_ =	swait.ge [sflag:s29], $0x18700  }
0x4a: {  	[sflag:s29] =	ssyncset.done $0x0  }
0x4b: {  	[sflag:s29] =	ssyncadd.s32 $0xFFFE7900  }
0x4c: {  	[tilespmem:s30], [sflag:$0x2] =	stream.linear.gather [hbm4b:s23+s1], $0x1E00, $0x38;
	[tilespmem:$0x1FF00] =	vst v63  }
0x4d: {  	_ =	swait.ge [sflag:s31], $0x1E00  }
0x4e: {  	[sflag:s31] =	ssyncset.done $0x0  }
0x4f: {  	s22 =	simm.s32 $0x18740;
	[sflag:s31] =	ssyncadd.s32 $0xFFFFE200  }
0x50: {  	v0 =	vld [tilespmem:s22+$0x30]  }
0x51: {  	v1 =	vld [tilespmem:s22+$0xFFFFFFD0]  }
0x52: {  	v2 =	vld [tilespmem:s22+$0xFFFFFFE0]  }
0x53: {  	v3 =	vld [tilespmem:s22+$0xFFFFFFF0]  }
0x54: {  	v4 =	vld [tilespmem:s22+$0x0]  }
0x55: {  	v6 =	vld [tilespmem:s22+$0x10]  }
0x56: {  	v7 =	vld [tilespmem:s22+$0x20]  }
0x57: {  	v8 =	vld [tilespmem:s22+$0xFFFFFFC0]  }
0x58: {  	v9 =	vld.idx.msk [tilespmem:v0+s1+$0x0], $0xffff  }
0x59: {  	v10 =	vld.idx.msk [tilespmem:v1+s1+$0x0], $0xffff  }
0x5a: {  	v5 =	vld.idx.msk [tilespmem:v2+s1+$0x0], $0xffff  }
0x5b: {  	v3 =	vld.idx.msk [tilespmem:v3+s1+$0x0], $0xffff  }
0x5c: {  	v1 =	vld.idx.msk [tilespmem:v4+s1+$0x0], $0xffff  }
0x5d: {  	s8 =	simm.s32 $0x1C340;
	v0 =	vld.idx.msk [tilespmem:v6+s1+$0x0], $0xffff  }
0x5e: {  	v2 =	vld.idx.msk [tilespmem:v7+s1+$0x0], $0xffff;
	[tilespmem:s8+$0x30] =	vst v9  }
0x5f: {  	s5 =	simm.s32 $0x187C0;
	s22 =	simm.s32 $0x0;
	v4 =	vld.idx.msk [tilespmem:v8+s1+$0x0], $0xffff;
	[tilespmem:s8+$0xFFFFFFD0] =	vst v10  }
.LBB2_2:
0x60: {  	v6 =	vld [tilespmem:s5+$0x30];
	s22 =	sadd.s32 $0x80, s22;
	[tilespmem:s8+$0xFFFFFFE0] =	vst v5  }
0x61: {  	v5 =	vld [tilespmem:s5+$0xFFFFFFD0];
	p0 =	slt.u32 s22, $0x1D80;
	[tilespmem:s8+$0xFFFFFFF0] =	vst v3  }
0x62: {  	v3 =	vld [tilespmem:s5+$0xFFFFFFE0];
	[tilespmem:s8+$0x0] =	vst v1  }
0x63: {  	v1 =	vld [tilespmem:s5+$0xFFFFFFF0];
	[tilespmem:s8+$0x10] =	vst v0  }
0x64: {  	v0 =	vld [tilespmem:s5+$0x0];
	[tilespmem:s8+$0x20] =	vst v2  }
0x65: {  	v2 =	vld [tilespmem:s5+$0x10];
	[tilespmem:s8+$0xFFFFFFC0] =	vst v4  }
0x66: {  	v4 =	vld [tilespmem:s5+$0x20]  }
0x67: {  	v7 =	vld [tilespmem:s5+$0xFFFFFFC0]  }
0x68: {  	v6 =	vld.idx.msk [tilespmem:v6+s1+$0x0], $0xffff  }
0x69: {  	v8 =	vld.idx.msk [tilespmem:v5+s1+$0x0], $0xffff  }
0x6a: {  	v5 =	vld.idx.msk [tilespmem:v3+s1+$0x0], $0xffff  }
.Ltmp0:
0x6b: {  	v3 =	vld.idx.msk [tilespmem:v1+s1+$0x0], $0xffff;
	(pc) =	sbr.rel @p0 .LBB2_2-.Ltmp0, $4  }
0x6c: {  	v1 =	vld.idx.msk [tilespmem:v0+s1+$0x0], $0xffff  }
0x6d: {  	s8 =	sadd.s32 $0x80, s8;
	v0 =	vld.idx.msk [tilespmem:v2+s1+$0x0], $0xffff  }
0x6e: {  	v2 =	vld.idx.msk [tilespmem:v4+s1+$0x0], $0xffff;
	[tilespmem:s8+$0x30] =	vst v6  }
0x6f: {  	s5 =	sadd.s32 $0x80, s5;
	v4 =	vld.idx.msk [tilespmem:v7+s1+$0x0], $0xffff;
	[tilespmem:s8+$0xFFFFFFD0] =	vst v8  }
0x70: {  	[tilespmem:s8+$0xFFFFFFE0] =	vst v5  }
0x71: {  	[tilespmem:s8+$0xFFFFFFF0] =	vst v3  }
0x72: {  	[tilespmem:s8+$0x0] =	vst v1  }
0x73: {  	[tilespmem:s8+$0x10] =	vst v0  }
0x74: {  	[tilespmem:s8+$0x20] =	vst v2  }
0x75: {  	[tilespmem:s8+$0xFFFFFFC0] =	vst v4  }
0x76: {  	s5 =	rddreg [dreg:$0xa]  }
0x77: {  	[hbm4b:s5+s26] =	stream.strided.scatter [tilespmem:s0], [sflag:$0x3], $0x1E00, s28, s26, $0x38;
	[tilespmem:$0x1FF00] =	vst v63  }
0x78: {  	_ = 	snop  }
0x79: {  	[tilespmem:s25], [sflag:$0x1] =	stream.linear.gather [hbm4b:s24+s1], $0x400, $0x38;
	[tilespmem:$0x1FF00] =	vst v63  }
0x7a: {  	_ =	swait.ge [sflag:s2], $0x1E00  }
0x7b: {  	[sflag:s2] =	ssyncset.done $0x0  }
0x7c: {  	s22 =	simm.s32 $0x1A540;
	[sflag:s2] =	ssyncadd.s32 $0xFFFFE200  }
0x7d: {  	v0 =	vld [tilespmem:s22+$0x30]  }
0x7e: {  	v1 =	vld [tilespmem:s22+$0xFFFFFFD0]  }
0x7f: {  	v2 =	vld [tilespmem:s22+$0xFFFFFFE0]  }
0x80: {  	v3 =	vld [tilespmem:s22+$0xFFFFFFF0]  }
0x81: {  	v4 =	vld [tilespmem:s22+$0x0]  }
0x82: {  	v6 =	vld [tilespmem:s22+$0x10]  }
0x83: {  	v7 =	vld [tilespmem:s22+$0x20]  }
0x84: {  	v8 =	vld [tilespmem:s22+$0xFFFFFFC0]  }
0x85: {  	v9 =	vld.idx.msk [tilespmem:v0+s1+$0x0], $0xffff  }
0x86: {  	v10 =	vld.idx.msk [tilespmem:v1+s1+$0x0], $0xffff  }
0x87: {  	v5 =	vld.idx.msk [tilespmem:v2+s1+$0x0], $0xffff  }
0x88: {  	v3 =	vld.idx.msk [tilespmem:v3+s1+$0x0], $0xffff  }
0x89: {  	v1 =	vld.idx.msk [tilespmem:v4+s1+$0x0], $0xffff  }
0x8a: {  	s8 =	simm.s32 $0x1E140;
	v0 =	vld.idx.msk [tilespmem:v6+s1+$0x0], $0xffff  }
0x8b: {  	v2 =	vld.idx.msk [tilespmem:v7+s1+$0x0], $0xffff;
	[tilespmem:s8+$0x30] =	vst v9  }
0x8c: {  	s5 =	simm.s32 $0x1A5C0;
	s22 =	simm.s32 $0x0;
	v4 =	vld.idx.msk [tilespmem:v8+s1+$0x0], $0xffff;
	[tilespmem:s8+$0xFFFFFFD0] =	vst v10  }
.LBB2_4:
0x8d: {  	v6 =	vld [tilespmem:s5+$0x30];
	s22 =	sadd.s32 $0x80, s22;
	[tilespmem:s8+$0xFFFFFFE0] =	vst v5  }
0x8e: {  	v5 =	vld [tilespmem:s5+$0xFFFFFFD0];
	p0 =	slt.u32 s22, $0x1D80;
	[tilespmem:s8+$0xFFFFFFF0] =	vst v3  }
0x8f: {  	v3 =	vld [tilespmem:s5+$0xFFFFFFE0];
	[tilespmem:s8+$0x0] =	vst v1  }
0x90: {  	v1 =	vld [tilespmem:s5+$0xFFFFFFF0];
	[tilespmem:s8+$0x10] =	vst v0  }
0x91: {  	v0 =	vld [tilespmem:s5+$0x0];
	[tilespmem:s8+$0x20] =	vst v2  }
0x92: {  	v2 =	vld [tilespmem:s5+$0x10];
	[tilespmem:s8+$0xFFFFFFC0] =	vst v4  }
0x93: {  	v4 =	vld [tilespmem:s5+$0x20]  }
0x94: {  	v7 =	vld [tilespmem:s5+$0xFFFFFFC0]  }
0x95: {  	v6 =	vld.idx.msk [tilespmem:v6+s1+$0x0], $0xffff  }
0x96: {  	v8 =	vld.idx.msk [tilespmem:v5+s1+$0x0], $0xffff  }
0x97: {  	v5 =	vld.idx.msk [tilespmem:v3+s1+$0x0], $0xffff  }
.Ltmp1:
0x98: {  	v3 =	vld.idx.msk [tilespmem:v1+s1+$0x0], $0xffff;
	(pc) =	sbr.rel @p0 .LBB2_4-.Ltmp1, $4  }
0x99: {  	v1 =	vld.idx.msk [tilespmem:v0+s1+$0x0], $0xffff  }
0x9a: {  	s8 =	sadd.s32 $0x80, s8;
	v0 =	vld.idx.msk [tilespmem:v2+s1+$0x0], $0xffff  }
0x9b: {  	v2 =	vld.idx.msk [tilespmem:v4+s1+$0x0], $0xffff;
	[tilespmem:s8+$0x30] =	vst v6  }
0x9c: {  	s5 =	sadd.s32 $0x80, s5;
	v4 =	vld.idx.msk [tilespmem:v7+s1+$0x0], $0xffff;
	[tilespmem:s8+$0xFFFFFFD0] =	vst v8  }
0x9d: {  	[tilespmem:s8+$0xFFFFFFE0] =	vst v5  }
0x9e: {  	[tilespmem:s8+$0xFFFFFFF0] =	vst v3  }
0x9f: {  	[tilespmem:s8+$0x0] =	vst v1  }
0xa0: {  	[tilespmem:s8+$0x10] =	vst v0  }
0xa1: {  	[tilespmem:s8+$0x20] =	vst v2  }
0xa2: {  	[tilespmem:s8+$0xFFFFFFC0] =	vst v4  }
0xa3: {  	s5 =	rddreg [dreg:$0xb]  }
0xa4: {  	[hbm4b:s5+s26] =	stream.strided.scatter [tilespmem:s3], [sflag:$0x4], $0x1E00, s28, s26, $0x38;
	[tilespmem:$0x1FF00] =	vst v63  }
0xa5: {  	_ =	swait.ge [sflag:s31], $0x400  }
0xa6: {  	[sflag:s31] =	ssyncset.done $0x0  }
0xa7: {  	[sflag:s31] =	ssyncadd.s32 $0xFFFFFC00  }
0xa8: {  	_ =	swait.ge [sflag:s4], $0x1E00  }
0xa9: {  	[sflag:s4] =	ssyncset.done $0x0  }
0xaa: {  	s22 =	simm.s32 $0x18740;
	[sflag:s4] =	ssyncadd.s32 $0xFFFFE200  }
0xab: {  	v0 =	vld [tilespmem:s22+$0x30]  }
0xac: {  	v1 =	vld [tilespmem:s22+$0xFFFFFFD0]  }
0xad: {  	v2 =	vld [tilespmem:s22+$0xFFFFFFE0]  }
0xae: {  	v3 =	vld [tilespmem:s22+$0xFFFFFFF0]  }
0xaf: {  	v4 =	vld [tilespmem:s22+$0x0]  }
0xb0: {  	v6 =	vld [tilespmem:s22+$0x10]  }
0xb1: {  	v7 =	vld [tilespmem:s22+$0x20]  }
0xb2: {  	v8 =	vld [tilespmem:s22+$0xFFFFFFC0]  }
0xb3: {  	v9 =	vld.idx.msk [tilespmem:v0+s1+$0x0], $0xffff  }
0xb4: {  	v10 =	vld.idx.msk [tilespmem:v1+s1+$0x0], $0xffff  }
0xb5: {  	v5 =	vld.idx.msk [tilespmem:v2+s1+$0x0], $0xffff  }
0xb6: {  	v3 =	vld.idx.msk [tilespmem:v3+s1+$0x0], $0xffff  }
0xb7: {  	v1 =	vld.idx.msk [tilespmem:v4+s1+$0x0], $0xffff  }
0xb8: {  	s8 =	simm.s32 $0x1C340;
	v0 =	vld.idx.msk [tilespmem:v6+s1+$0x0], $0xffff  }
0xb9: {  	v2 =	vld.idx.msk [tilespmem:v7+s1+$0x0], $0xffff;
	[tilespmem:s8+$0x30] =	vst v9  }
0xba: {  	s5 =	simm.s32 $0x187C0;
	s22 =	simm.s32 $0x0;
	v4 =	vld.idx.msk [tilespmem:v8+s1+$0x0], $0xffff;
	[tilespmem:s8+$0xFFFFFFD0] =	vst v10  }
.LBB2_6:
0xbb: {  	v6 =	vld [tilespmem:s5+$0x30];
	s22 =	sadd.s32 $0x80, s22;
	[tilespmem:s8+$0xFFFFFFE0] =	vst v5  }
0xbc: {  	v5 =	vld [tilespmem:s5+$0xFFFFFFD0];
	p0 =	slt.u32 s22, $0x380;
	[tilespmem:s8+$0xFFFFFFF0] =	vst v3  }
0xbd: {  	v3 =	vld [tilespmem:s5+$0xFFFFFFE0];
	[tilespmem:s8+$0x0] =	vst v1  }
0xbe: {  	v1 =	vld [tilespmem:s5+$0xFFFFFFF0];
	[tilespmem:s8+$0x10] =	vst v0  }
0xbf: {  	v0 =	vld [tilespmem:s5+$0x0];
	[tilespmem:s8+$0x20] =	vst v2  }
0xc0: {  	v2 =	vld [tilespmem:s5+$0x10];
	[tilespmem:s8+$0xFFFFFFC0] =	vst v4  }
0xc1: {  	v4 =	vld [tilespmem:s5+$0x20]  }
0xc2: {  	v7 =	vld [tilespmem:s5+$0xFFFFFFC0]  }
0xc3: {  	v6 =	vld.idx.msk [tilespmem:v6+s1+$0x0], $0xffff  }
0xc4: {  	v8 =	vld.idx.msk [tilespmem:v5+s1+$0x0], $0xffff  }
0xc5: {  	v5 =	vld.idx.msk [tilespmem:v3+s1+$0x0], $0xffff  }
.Ltmp2:
0xc6: {  	v3 =	vld.idx.msk [tilespmem:v1+s1+$0x0], $0xffff;
	(pc) =	sbr.rel @p0 .LBB2_6-.Ltmp2, $4  }
0xc7: {  	v1 =	vld.idx.msk [tilespmem:v0+s1+$0x0], $0xffff  }
0xc8: {  	s8 =	sadd.s32 $0x80, s8;
	v0 =	vld.idx.msk [tilespmem:v2+s1+$0x0], $0xffff  }
0xc9: {  	v2 =	vld.idx.msk [tilespmem:v4+s1+$0x0], $0xffff;
	[tilespmem:s8+$0x30] =	vst v6  }
0xca: {  	s5 =	sadd.s32 $0x80, s5;
	v4 =	vld.idx.msk [tilespmem:v7+s1+$0x0], $0xffff;
	[tilespmem:s8+$0xFFFFFFD0] =	vst v8  }
0xcb: {  	[tilespmem:s8+$0xFFFFFFE0] =	vst v5  }
0xcc: {  	[tilespmem:s8+$0xFFFFFFF0] =	vst v3  }
0xcd: {  	[tilespmem:s8+$0x0] =	vst v1  }
0xce: {  	[tilespmem:s8+$0x10] =	vst v0  }
0xcf: {  	[tilespmem:s8+$0x20] =	vst v2  }
0xd0: {  	[tilespmem:s8+$0xFFFFFFC0] =	vst v4  }
0xd1: {  	[tilespmem:s30], [sflag:$0x2] =	stream.linear.gather [hbm4b:s9+s1], $0x1E00, $0x38;
	[tilespmem:$0x1FF00] =	vst v63  }
0xd2: {  	s5 =	rddreg [dreg:$0x7]  }
0xd3: {  	[tilespmem:s1], [sflag:$0x5] =	stream.strided.gather [hbm4b:s5+s26], $0x18700, s28, s26, $0x38;
	[tilespmem:$0x1FF00] =	vst v63  }
0xd4: {  	s8 =	rddreg [dreg:$0xc]  }
0xd5: {  	[hbm4b:s8+s26] =	stream.strided.scatter [tilespmem:s0], [sflag:$0x3], $0x400, s28, s26, $0x38;
	[tilespmem:$0x1FF00] =	vst v63  }
0xd6: {  	_ =	swait.ge [sflag:s29], $0x18700  }
0xd7: {  	[sflag:s29] =	ssyncset.done $0x0  }
0xd8: {  	[sflag:s29] =	ssyncadd.s32 $0xFFFE7900  }
0xd9: {  	[tilespmem:s25], [sflag:$0x1] =	stream.linear.gather [hbm4b:s10+s1], $0x1E00, $0x38;
	[tilespmem:$0x1FF00] =	vst v63  }
0xda: {  	_ =	swait.ge [sflag:s2], $0x1E00  }
0xdb: {  	[sflag:s2] =	ssyncset.done $0x0  }
0xdc: {  	[sflag:s2] =	ssyncadd.s32 $0xFFFFE200  }
0xdd: {  	_ =	swait.ge [sflag:s6], $0x1E00  }
0xde: {  	[sflag:s6] =	ssyncset.done $0x0  }
0xdf: {  	s22 =	simm.s32 $0x1A540;
	[sflag:s6] =	ssyncadd.s32 $0xFFFFE200  }
0xe0: {  	v0 =	vld [tilespmem:s22+$0x30]  }
0xe1: {  	v1 =	vld [tilespmem:s22+$0xFFFFFFD0]  }
0xe2: {  	v2 =	vld [tilespmem:s22+$0xFFFFFFE0]  }
0xe3: {  	v3 =	vld [tilespmem:s22+$0xFFFFFFF0]  }
0xe4: {  	v4 =	vld [tilespmem:s22+$0x0]  }
0xe5: {  	v6 =	vld [tilespmem:s22+$0x10]  }
0xe6: {  	v7 =	vld [tilespmem:s22+$0x20]  }
0xe7: {  	v8 =	vld [tilespmem:s22+$0xFFFFFFC0]  }
0xe8: {  	v9 =	vld.idx.msk [tilespmem:v0+s1+$0x0], $0xffff  }
0xe9: {  	v10 =	vld.idx.msk [tilespmem:v1+s1+$0x0], $0xffff  }
0xea: {  	v5 =	vld.idx.msk [tilespmem:v2+s1+$0x0], $0xffff  }
0xeb: {  	v3 =	vld.idx.msk [tilespmem:v3+s1+$0x0], $0xffff  }
0xec: {  	v1 =	vld.idx.msk [tilespmem:v4+s1+$0x0], $0xffff  }
0xed: {  	s8 =	simm.s32 $0x1E140;
	v0 =	vld.idx.msk [tilespmem:v6+s1+$0x0], $0xffff  }
0xee: {  	v2 =	vld.idx.msk [tilespmem:v7+s1+$0x0], $0xffff;
	[tilespmem:s8+$0x30] =	vst v9  }
0xef: {  	s5 =	simm.s32 $0x1A5C0;
	s22 =	simm.s32 $0x0;
	v4 =	vld.idx.msk [tilespmem:v8+s1+$0x0], $0xffff;
	[tilespmem:s8+$0xFFFFFFD0] =	vst v10  }
.LBB2_8:
0xf0: {  	v6 =	vld [tilespmem:s5+$0x30];
	s22 =	sadd.s32 $0x80, s22;
	[tilespmem:s8+$0xFFFFFFE0] =	vst v5  }
0xf1: {  	v5 =	vld [tilespmem:s5+$0xFFFFFFD0];
	p0 =	slt.u32 s22, $0x1D80;
	[tilespmem:s8+$0xFFFFFFF0] =	vst v3  }
0xf2: {  	v3 =	vld [tilespmem:s5+$0xFFFFFFE0];
	[tilespmem:s8+$0x0] =	vst v1  }
0xf3: {  	v1 =	vld [tilespmem:s5+$0xFFFFFFF0];
	[tilespmem:s8+$0x10] =	vst v0  }
0xf4: {  	v0 =	vld [tilespmem:s5+$0x0];
	[tilespmem:s8+$0x20] =	vst v2  }
0xf5: {  	v2 =	vld [tilespmem:s5+$0x10];
	[tilespmem:s8+$0xFFFFFFC0] =	vst v4  }
0xf6: {  	v4 =	vld [tilespmem:s5+$0x20]  }
0xf7: {  	v7 =	vld [tilespmem:s5+$0xFFFFFFC0]  }
0xf8: {  	v6 =	vld.idx.msk [tilespmem:v6+s1+$0x0], $0xffff  }
0xf9: {  	v8 =	vld.idx.msk [tilespmem:v5+s1+$0x0], $0xffff  }
0xfa: {  	v5 =	vld.idx.msk [tilespmem:v3+s1+$0x0], $0xffff  }
.Ltmp3:
0xfb: {  	v3 =	vld.idx.msk [tilespmem:v1+s1+$0x0], $0xffff;
	(pc) =	sbr.rel @p0 .LBB2_8-.Ltmp3, $4  }
0xfc: {  	v1 =	vld.idx.msk [tilespmem:v0+s1+$0x0], $0xffff  }
0xfd: {  	s8 =	sadd.s32 $0x80, s8;
	v0 =	vld.idx.msk [tilespmem:v2+s1+$0x0], $0xffff  }
0xfe: {  	v2 =	vld.idx.msk [tilespmem:v4+s1+$0x0], $0xffff;
	[tilespmem:s8+$0x30] =	vst v6  }
0xff: {  	s5 =	sadd.s32 $0x80, s5;
	v4 =	vld.idx.msk [tilespmem:v7+s1+$0x0], $0xffff;
	[tilespmem:s8+$0xFFFFFFD0] =	vst v8  }
0x100: {  	[tilespmem:s8+$0xFFFFFFE0] =	vst v5  }
0x101: {  	[tilespmem:s8+$0xFFFFFFF0] =	vst v3  }
0x102: {  	[tilespmem:s8+$0x0] =	vst v1  }
0x103: {  	[tilespmem:s8+$0x10] =	vst v0  }
0x104: {  	[tilespmem:s8+$0x20] =	vst v2  }
0x105: {  	[tilespmem:s8+$0xFFFFFFC0] =	vst v4  }
0x106: {  	s5 =	rddreg [dreg:$0xd]  }
0x107: {  	[hbm4b:s5+s26] =	stream.strided.scatter [tilespmem:s3], [sflag:$0x4], $0x1E00, s28, s26, $0x38;
	[tilespmem:$0x1FF00] =	vst v63  }
0x108: {  	_ = 	snop  }
0x109: {  	[tilespmem:s30], [sflag:$0x2] =	stream.linear.gather [hbm4b:s11+s1], $0x1E00, $0x38;
	[tilespmem:$0x1FF00] =	vst v63  }
0x10a: {  	_ =	swait.ge [sflag:s31], $0x1E00  }
0x10b: {  	[sflag:s31] =	ssyncset.done $0x0  }
0x10c: {  	[sflag:s31] =	ssyncadd.s32 $0xFFFFE200  }
0x10d: {  	_ =	swait.ge [sflag:s4], $0x400  }
0x10e: {  	[sflag:s4] =	ssyncset.done $0x0  }
0x10f: {  	s22 =	simm.s32 $0x18740;
	[sflag:s4] =	ssyncadd.s32 $0xFFFFFC00  }
0x110: {  	v0 =	vld [tilespmem:s22+$0x30]  }
0x111: {  	v1 =	vld [tilespmem:s22+$0xFFFFFFD0]  }
0x112: {  	v2 =	vld [tilespmem:s22+$0xFFFFFFE0]  }
0x113: {  	v3 =	vld [tilespmem:s22+$0xFFFFFFF0]  }
0x114: {  	v4 =	vld [tilespmem:s22+$0x0]  }
0x115: {  	v6 =	vld [tilespmem:s22+$0x10]  }
0x116: {  	v7 =	vld [tilespmem:s22+$0x20]  }
0x117: {  	v8 =	vld [tilespmem:s22+$0xFFFFFFC0]  }
0x118: {  	v9 =	vld.idx.msk [tilespmem:v0+s1+$0x0], $0xffff  }
0x119: {  	v10 =	vld.idx.msk [tilespmem:v1+s1+$0x0], $0xffff  }
0x11a: {  	v5 =	vld.idx.msk [tilespmem:v2+s1+$0x0], $0xffff  }
0x11b: {  	v3 =	vld.idx.msk [tilespmem:v3+s1+$0x0], $0xffff  }
0x11c: {  	v1 =	vld.idx.msk [tilespmem:v4+s1+$0x0], $0xffff  }
0x11d: {  	s8 =	simm.s32 $0x1C340;
	v0 =	vld.idx.msk [tilespmem:v6+s1+$0x0], $0xffff  }
0x11e: {  	v2 =	vld.idx.msk [tilespmem:v7+s1+$0x0], $0xffff;
	[tilespmem:s8+$0x30] =	vst v9  }
0x11f: {  	s5 =	simm.s32 $0x187C0;
	s22 =	simm.s32 $0x0;
	v4 =	vld.idx.msk [tilespmem:v8+s1+$0x0], $0xffff;
	[tilespmem:s8+$0xFFFFFFD0] =	vst v10  }
.LBB2_10:
0x120: {  	v6 =	vld [tilespmem:s5+$0x30];
	s22 =	sadd.s32 $0x80, s22;
	[tilespmem:s8+$0xFFFFFFE0] =	vst v5  }
0x121: {  	v5 =	vld [tilespmem:s5+$0xFFFFFFD0];
	p0 =	slt.u32 s22, $0x1D80;
	[tilespmem:s8+$0xFFFFFFF0] =	vst v3  }
0x122: {  	v3 =	vld [tilespmem:s5+$0xFFFFFFE0];
	[tilespmem:s8+$0x0] =	vst v1  }
0x123: {  	v1 =	vld [tilespmem:s5+$0xFFFFFFF0];
	[tilespmem:s8+$0x10] =	vst v0  }
0x124: {  	v0 =	vld [tilespmem:s5+$0x0];
	[tilespmem:s8+$0x20] =	vst v2  }
0x125: {  	v2 =	vld [tilespmem:s5+$0x10];
	[tilespmem:s8+$0xFFFFFFC0] =	vst v4  }
0x126: {  	v4 =	vld [tilespmem:s5+$0x20]  }
0x127: {  	v7 =	vld [tilespmem:s5+$0xFFFFFFC0]  }
0x128: {  	v6 =	vld.idx.msk [tilespmem:v6+s1+$0x0], $0xffff  }
0x129: {  	v8 =	vld.idx.msk [tilespmem:v5+s1+$0x0], $0xffff  }
0x12a: {  	v5 =	vld.idx.msk [tilespmem:v3+s1+$0x0], $0xffff  }
.Ltmp4:
0x12b: {  	v3 =	vld.idx.msk [tilespmem:v1+s1+$0x0], $0xffff;
	(pc) =	sbr.rel @p0 .LBB2_10-.Ltmp4, $4  }
0x12c: {  	v1 =	vld.idx.msk [tilespmem:v0+s1+$0x0], $0xffff  }
0x12d: {  	s8 =	sadd.s32 $0x80, s8;
	v0 =	vld.idx.msk [tilespmem:v2+s1+$0x0], $0xffff  }
0x12e: {  	v2 =	vld.idx.msk [tilespmem:v4+s1+$0x0], $0xffff;
	[tilespmem:s8+$0x30] =	vst v6  }
0x12f: {  	s5 =	sadd.s32 $0x80, s5;
	v4 =	vld.idx.msk [tilespmem:v7+s1+$0x0], $0xffff;
	[tilespmem:s8+$0xFFFFFFD0] =	vst v8  }
0x130: {  	[tilespmem:s8+$0xFFFFFFE0] =	vst v5  }
0x131: {  	[tilespmem:s8+$0xFFFFFFF0] =	vst v3  }
0x132: {  	[tilespmem:s8+$0x0] =	vst v1  }
0x133: {  	[tilespmem:s8+$0x10] =	vst v0  }
0x134: {  	[tilespmem:s8+$0x20] =	vst v2  }
0x135: {  	[tilespmem:s8+$0xFFFFFFC0] =	vst v4  }
0x136: {  	s5 =	rddreg [dreg:$0xe]  }
0x137: {  	[hbm4b:s5+s26] =	stream.strided.scatter [tilespmem:s0], [sflag:$0x3], $0x1E00, s28, s26, $0x38;
	[tilespmem:$0x1FF00] =	vst v63  }
0x138: {  	_ = 	snop  }
0x139: {  	[tilespmem:s25], [sflag:$0x1] =	stream.linear.gather [hbm4b:s12+s1], $0x1E00, $0x38;
	[tilespmem:$0x1FF00] =	vst v63  }
0x13a: {  	_ =	swait.ge [sflag:s2], $0x1E00  }
0x13b: {  	[sflag:s2] =	ssyncset.done $0x0  }
0x13c: {  	[sflag:s2] =	ssyncadd.s32 $0xFFFFE200  }
0x13d: {  	_ =	swait.ge [sflag:s6], $0x1E00  }
0x13e: {  	[sflag:s6] =	ssyncset.done $0x0  }
0x13f: {  	s22 =	simm.s32 $0x1A540;
	[sflag:s6] =	ssyncadd.s32 $0xFFFFE200  }
0x140: {  	v0 =	vld [tilespmem:s22+$0x30]  }
0x141: {  	v1 =	vld [tilespmem:s22+$0xFFFFFFD0]  }
0x142: {  	v2 =	vld [tilespmem:s22+$0xFFFFFFE0]  }
0x143: {  	v3 =	vld [tilespmem:s22+$0xFFFFFFF0]  }
0x144: {  	v4 =	vld [tilespmem:s22+$0x0]  }
0x145: {  	v6 =	vld [tilespmem:s22+$0x10]  }
0x146: {  	v7 =	vld [tilespmem:s22+$0x20]  }
0x147: {  	v8 =	vld [tilespmem:s22+$0xFFFFFFC0]  }
0x148: {  	v9 =	vld.idx.msk [tilespmem:v0+s1+$0x0], $0xffff  }
0x149: {  	v10 =	vld.idx.msk [tilespmem:v1+s1+$0x0], $0xffff  }
0x14a: {  	v5 =	vld.idx.msk [tilespmem:v2+s1+$0x0], $0xffff  }
0x14b: {  	v3 =	vld.idx.msk [tilespmem:v3+s1+$0x0], $0xffff  }
0x14c: {  	v1 =	vld.idx.msk [tilespmem:v4+s1+$0x0], $0xffff  }
0x14d: {  	s8 =	simm.s32 $0x1E140;
	v0 =	vld.idx.msk [tilespmem:v6+s1+$0x0], $0xffff  }
0x14e: {  	v2 =	vld.idx.msk [tilespmem:v7+s1+$0x0], $0xffff;
	[tilespmem:s8+$0x30] =	vst v9  }
0x14f: {  	s5 =	simm.s32 $0x1A5C0;
	s22 =	simm.s32 $0x0;
	v4 =	vld.idx.msk [tilespmem:v8+s1+$0x0], $0xffff;
	[tilespmem:s8+$0xFFFFFFD0] =	vst v10  }
.LBB2_12:
0x150: {  	v6 =	vld [tilespmem:s5+$0x30];
	s22 =	sadd.s32 $0x80, s22;
	[tilespmem:s8+$0xFFFFFFE0] =	vst v5  }
0x151: {  	v5 =	vld [tilespmem:s5+$0xFFFFFFD0];
	p0 =	slt.u32 s22, $0x1D80;
	[tilespmem:s8+$0xFFFFFFF0] =	vst v3  }
0x152: {  	v3 =	vld [tilespmem:s5+$0xFFFFFFE0];
	[tilespmem:s8+$0x0] =	vst v1  }
0x153: {  	v1 =	vld [tilespmem:s5+$0xFFFFFFF0];
	[tilespmem:s8+$0x10] =	vst v0  }
0x154: {  	v0 =	vld [tilespmem:s5+$0x0];
	[tilespmem:s8+$0x20] =	vst v2  }
0x155: {  	v2 =	vld [tilespmem:s5+$0x10];
	[tilespmem:s8+$0xFFFFFFC0] =	vst v4  }
0x156: {  	v4 =	vld [tilespmem:s5+$0x20]  }
0x157: {  	v7 =	vld [tilespmem:s5+$0xFFFFFFC0]  }
0x158: {  	v6 =	vld.idx.msk [tilespmem:v6+s1+$0x0], $0xffff  }
0x159: {  	v8 =	vld.idx.msk [tilespmem:v5+s1+$0x0], $0xffff  }
0x15a: {  	v5 =	vld.idx.msk [tilespmem:v3+s1+$0x0], $0xffff  }
.Ltmp5:
0x15b: {  	v3 =	vld.idx.msk [tilespmem:v1+s1+$0x0], $0xffff;
	(pc) =	sbr.rel @p0 .LBB2_12-.Ltmp5, $4  }
0x15c: {  	v1 =	vld.idx.msk [tilespmem:v0+s1+$0x0], $0xffff  }
0x15d: {  	s8 =	sadd.s32 $0x80, s8;
	v0 =	vld.idx.msk [tilespmem:v2+s1+$0x0], $0xffff  }
0x15e: {  	v2 =	vld.idx.msk [tilespmem:v4+s1+$0x0], $0xffff;
	[tilespmem:s8+$0x30] =	vst v6  }
0x15f: {  	s5 =	sadd.s32 $0x80, s5;
	v4 =	vld.idx.msk [tilespmem:v7+s1+$0x0], $0xffff;
	[tilespmem:s8+$0xFFFFFFD0] =	vst v8  }
0x160: {  	[tilespmem:s8+$0xFFFFFFE0] =	vst v5  }
0x161: {  	[tilespmem:s8+$0xFFFFFFF0] =	vst v3  }
0x162: {  	[tilespmem:s8+$0x0] =	vst v1  }
0x163: {  	[tilespmem:s8+$0x10] =	vst v0  }
0x164: {  	[tilespmem:s8+$0x20] =	vst v2  }
0x165: {  	[tilespmem:s8+$0xFFFFFFC0] =	vst v4  }
0x166: {  	s5 =	rddreg [dreg:$0xf]  }
0x167: {  	[hbm4b:s5+s26] =	stream.strided.scatter [tilespmem:s3], [sflag:$0x4], $0x1E00, s28, s26, $0x38;
	[tilespmem:$0x1FF00] =	vst v63  }
0x168: {  	_ = 	snop  }
0x169: {  	[tilespmem:s30], [sflag:$0x2] =	stream.linear.gather [hbm4b:s13+s1], $0x1E00, $0x38;
	[tilespmem:$0x1FF00] =	vst v63  }
0x16a: {  	_ =	swait.ge [sflag:s31], $0x1E00  }
0x16b: {  	[sflag:s31] =	ssyncset.done $0x0  }
0x16c: {  	[sflag:s31] =	ssyncadd.s32 $0xFFFFE200  }
0x16d: {  	_ =	swait.ge [sflag:s4], $0x1E00  }
0x16e: {  	[sflag:s4] =	ssyncset.done $0x0  }
0x16f: {  	s22 =	simm.s32 $0x18740;
	[sflag:s4] =	ssyncadd.s32 $0xFFFFE200  }
0x170: {  	v0 =	vld [tilespmem:s22+$0x30]  }
0x171: {  	v1 =	vld [tilespmem:s22+$0xFFFFFFD0]  }
0x172: {  	v2 =	vld [tilespmem:s22+$0xFFFFFFE0]  }
0x173: {  	v3 =	vld [tilespmem:s22+$0xFFFFFFF0]  }
0x174: {  	v4 =	vld [tilespmem:s22+$0x0]  }
0x175: {  	v6 =	vld [tilespmem:s22+$0x10]  }
0x176: {  	v7 =	vld [tilespmem:s22+$0x20]  }
0x177: {  	v8 =	vld [tilespmem:s22+$0xFFFFFFC0]  }
0x178: {  	v9 =	vld.idx.msk [tilespmem:v0+s1+$0x0], $0xffff  }
0x179: {  	v10 =	vld.idx.msk [tilespmem:v1+s1+$0x0], $0xffff  }
0x17a: {  	v5 =	vld.idx.msk [tilespmem:v2+s1+$0x0], $0xffff  }
0x17b: {  	v3 =	vld.idx.msk [tilespmem:v3+s1+$0x0], $0xffff  }
0x17c: {  	v1 =	vld.idx.msk [tilespmem:v4+s1+$0x0], $0xffff  }
0x17d: {  	s8 =	simm.s32 $0x1C340;
	v0 =	vld.idx.msk [tilespmem:v6+s1+$0x0], $0xffff  }
0x17e: {  	v2 =	vld.idx.msk [tilespmem:v7+s1+$0x0], $0xffff;
	[tilespmem:s8+$0x30] =	vst v9  }
0x17f: {  	s5 =	simm.s32 $0x187C0;
	s22 =	simm.s32 $0x0;
	v4 =	vld.idx.msk [tilespmem:v8+s1+$0x0], $0xffff;
	[tilespmem:s8+$0xFFFFFFD0] =	vst v10  }
.LBB2_14:
0x180: {  	v6 =	vld [tilespmem:s5+$0x30];
	s22 =	sadd.s32 $0x80, s22;
	[tilespmem:s8+$0xFFFFFFE0] =	vst v5  }
0x181: {  	v5 =	vld [tilespmem:s5+$0xFFFFFFD0];
	p0 =	slt.u32 s22, $0x1D80;
	[tilespmem:s8+$0xFFFFFFF0] =	vst v3  }
0x182: {  	v3 =	vld [tilespmem:s5+$0xFFFFFFE0];
	[tilespmem:s8+$0x0] =	vst v1  }
0x183: {  	v1 =	vld [tilespmem:s5+$0xFFFFFFF0];
	[tilespmem:s8+$0x10] =	vst v0  }
0x184: {  	v0 =	vld [tilespmem:s5+$0x0];
	[tilespmem:s8+$0x20] =	vst v2  }
0x185: {  	v2 =	vld [tilespmem:s5+$0x10];
	[tilespmem:s8+$0xFFFFFFC0] =	vst v4  }
0x186: {  	v4 =	vld [tilespmem:s5+$0x20]  }
0x187: {  	v7 =	vld [tilespmem:s5+$0xFFFFFFC0]  }
0x188: {  	v6 =	vld.idx.msk [tilespmem:v6+s1+$0x0], $0xffff  }
0x189: {  	v8 =	vld.idx.msk [tilespmem:v5+s1+$0x0], $0xffff  }
0x18a: {  	v5 =	vld.idx.msk [tilespmem:v3+s1+$0x0], $0xffff  }
.Ltmp6:
0x18b: {  	v3 =	vld.idx.msk [tilespmem:v1+s1+$0x0], $0xffff;
	(pc) =	sbr.rel @p0 .LBB2_14-.Ltmp6, $4  }
0x18c: {  	v1 =	vld.idx.msk [tilespmem:v0+s1+$0x0], $0xffff  }
0x18d: {  	s8 =	sadd.s32 $0x80, s8;
	v0 =	vld.idx.msk [tilespmem:v2+s1+$0x0], $0xffff  }
0x18e: {  	v2 =	vld.idx.msk [tilespmem:v4+s1+$0x0], $0xffff;
	[tilespmem:s8+$0x30] =	vst v6  }
0x18f: {  	s5 =	sadd.s32 $0x80, s5;
	v4 =	vld.idx.msk [tilespmem:v7+s1+$0x0], $0xffff;
	[tilespmem:s8+$0xFFFFFFD0] =	vst v8  }
0x190: {  	[tilespmem:s8+$0xFFFFFFE0] =	vst v5  }
0x191: {  	[tilespmem:s8+$0xFFFFFFF0] =	vst v3  }
0x192: {  	[tilespmem:s8+$0x0] =	vst v1  }
0x193: {  	[tilespmem:s8+$0x10] =	vst v0  }
0x194: {  	[tilespmem:s8+$0x20] =	vst v2  }
0x195: {  	[tilespmem:s8+$0xFFFFFFC0] =	vst v4  }
0x196: {  	s5 =	rddreg [dreg:$0x10]  }
0x197: {  	[hbm4b:s5+s26] =	stream.strided.scatter [tilespmem:s0], [sflag:$0x3], $0x1E00, s28, s26, $0x38;
	[tilespmem:$0x1FF00] =	vst v63  }
0x198: {  	_ = 	snop  }
0x199: {  	[tilespmem:s25], [sflag:$0x1] =	stream.linear.gather [hbm4b:s14+s1], $0x1E00, $0x38;
	[tilespmem:$0x1FF00] =	vst v63  }
0x19a: {  	_ =	swait.ge [sflag:s2], $0x1E00  }
0x19b: {  	[sflag:s2] =	ssyncset.done $0x0  }
0x19c: {  	[sflag:s2] =	ssyncadd.s32 $0xFFFFE200  }
0x19d: {  	_ =	swait.ge [sflag:s6], $0x1E00  }
0x19e: {  	[sflag:s6] =	ssyncset.done $0x0  }
0x19f: {  	s22 =	simm.s32 $0x1A540;
	[sflag:s6] =	ssyncadd.s32 $0xFFFFE200  }
0x1a0: {  	v0 =	vld [tilespmem:s22+$0x30]  }
0x1a1: {  	v1 =	vld [tilespmem:s22+$0xFFFFFFD0]  }
0x1a2: {  	v2 =	vld [tilespmem:s22+$0xFFFFFFE0]  }
0x1a3: {  	v3 =	vld [tilespmem:s22+$0xFFFFFFF0]  }
0x1a4: {  	v4 =	vld [tilespmem:s22+$0x0]  }
0x1a5: {  	v6 =	vld [tilespmem:s22+$0x10]  }
0x1a6: {  	v7 =	vld [tilespmem:s22+$0x20]  }
0x1a7: {  	v8 =	vld [tilespmem:s22+$0xFFFFFFC0]  }
0x1a8: {  	v9 =	vld.idx.msk [tilespmem:v0+s1+$0x0], $0xffff  }
0x1a9: {  	v10 =	vld.idx.msk [tilespmem:v1+s1+$0x0], $0xffff  }
0x1aa: {  	v5 =	vld.idx.msk [tilespmem:v2+s1+$0x0], $0xffff  }
0x1ab: {  	v3 =	vld.idx.msk [tilespmem:v3+s1+$0x0], $0xffff  }
0x1ac: {  	v1 =	vld.idx.msk [tilespmem:v4+s1+$0x0], $0xffff  }
0x1ad: {  	s8 =	simm.s32 $0x1E140;
	v0 =	vld.idx.msk [tilespmem:v6+s1+$0x0], $0xffff  }
0x1ae: {  	v2 =	vld.idx.msk [tilespmem:v7+s1+$0x0], $0xffff;
	[tilespmem:s8+$0x30] =	vst v9  }
0x1af: {  	s5 =	simm.s32 $0x1A5C0;
	s22 =	simm.s32 $0x0;
	v4 =	vld.idx.msk [tilespmem:v8+s1+$0x0], $0xffff;
	[tilespmem:s8+$0xFFFFFFD0] =	vst v10  }
.LBB2_16:
0x1b0: {  	v6 =	vld [tilespmem:s5+$0x30];
	s22 =	sadd.s32 $0x80, s22;
	[tilespmem:s8+$0xFFFFFFE0] =	vst v5  }
0x1b1: {  	v5 =	vld [tilespmem:s5+$0xFFFFFFD0];
	p0 =	slt.u32 s22, $0x1D80;
	[tilespmem:s8+$0xFFFFFFF0] =	vst v3  }
0x1b2: {  	v3 =	vld [tilespmem:s5+$0xFFFFFFE0];
	[tilespmem:s8+$0x0] =	vst v1  }
0x1b3: {  	v1 =	vld [tilespmem:s5+$0xFFFFFFF0];
	[tilespmem:s8+$0x10] =	vst v0  }
0x1b4: {  	v0 =	vld [tilespmem:s5+$0x0];
	[tilespmem:s8+$0x20] =	vst v2  }
0x1b5: {  	v2 =	vld [tilespmem:s5+$0x10];
	[tilespmem:s8+$0xFFFFFFC0] =	vst v4  }
0x1b6: {  	v4 =	vld [tilespmem:s5+$0x20]  }
0x1b7: {  	v7 =	vld [tilespmem:s5+$0xFFFFFFC0]  }
0x1b8: {  	v6 =	vld.idx.msk [tilespmem:v6+s1+$0x0], $0xffff  }
0x1b9: {  	v8 =	vld.idx.msk [tilespmem:v5+s1+$0x0], $0xffff  }
0x1ba: {  	v5 =	vld.idx.msk [tilespmem:v3+s1+$0x0], $0xffff  }
.Ltmp7:
0x1bb: {  	v3 =	vld.idx.msk [tilespmem:v1+s1+$0x0], $0xffff;
	(pc) =	sbr.rel @p0 .LBB2_16-.Ltmp7, $4  }
0x1bc: {  	v1 =	vld.idx.msk [tilespmem:v0+s1+$0x0], $0xffff  }
0x1bd: {  	s8 =	sadd.s32 $0x80, s8;
	v0 =	vld.idx.msk [tilespmem:v2+s1+$0x0], $0xffff  }
0x1be: {  	v2 =	vld.idx.msk [tilespmem:v4+s1+$0x0], $0xffff;
	[tilespmem:s8+$0x30] =	vst v6  }
0x1bf: {  	s5 =	sadd.s32 $0x80, s5;
	v4 =	vld.idx.msk [tilespmem:v7+s1+$0x0], $0xffff;
	[tilespmem:s8+$0xFFFFFFD0] =	vst v8  }
0x1c0: {  	[tilespmem:s8+$0xFFFFFFE0] =	vst v5  }
0x1c1: {  	[tilespmem:s8+$0xFFFFFFF0] =	vst v3  }
0x1c2: {  	[tilespmem:s8+$0x0] =	vst v1  }
0x1c3: {  	[tilespmem:s8+$0x10] =	vst v0  }
0x1c4: {  	[tilespmem:s8+$0x20] =	vst v2  }
0x1c5: {  	[tilespmem:s8+$0xFFFFFFC0] =	vst v4  }
0x1c6: {  	s5 =	rddreg [dreg:$0x11]  }
0x1c7: {  	[hbm4b:s5+s26] =	stream.strided.scatter [tilespmem:s3], [sflag:$0x4], $0x1E00, s28, s26, $0x38;
	[tilespmem:$0x1FF00] =	vst v63  }
0x1c8: {  	_ = 	snop  }
0x1c9: {  	[tilespmem:s30], [sflag:$0x2] =	stream.linear.gather [hbm4b:s15+s1], $0x1E00, $0x38;
	[tilespmem:$0x1FF00] =	vst v63  }
0x1ca: {  	_ =	swait.ge [sflag:s31], $0x1E00  }
0x1cb: {  	[sflag:s31] =	ssyncset.done $0x0  }
0x1cc: {  	[sflag:s31] =	ssyncadd.s32 $0xFFFFE200  }
0x1cd: {  	_ =	swait.ge [sflag:s4], $0x1E00  }
0x1ce: {  	[sflag:s4] =	ssyncset.done $0x0  }
0x1cf: {  	s22 =	simm.s32 $0x18740;
	[sflag:s4] =	ssyncadd.s32 $0xFFFFE200  }
0x1d0: {  	v0 =	vld [tilespmem:s22+$0x30]  }
0x1d1: {  	v1 =	vld [tilespmem:s22+$0xFFFFFFD0]  }
0x1d2: {  	v2 =	vld [tilespmem:s22+$0xFFFFFFE0]  }
0x1d3: {  	v3 =	vld [tilespmem:s22+$0xFFFFFFF0]  }
0x1d4: {  	v4 =	vld [tilespmem:s22+$0x0]  }
0x1d5: {  	v6 =	vld [tilespmem:s22+$0x10]  }
0x1d6: {  	v7 =	vld [tilespmem:s22+$0x20]  }
0x1d7: {  	v8 =	vld [tilespmem:s22+$0xFFFFFFC0]  }
0x1d8: {  	v9 =	vld.idx.msk [tilespmem:v0+s1+$0x0], $0xffff  }
0x1d9: {  	v10 =	vld.idx.msk [tilespmem:v1+s1+$0x0], $0xffff  }
0x1da: {  	v5 =	vld.idx.msk [tilespmem:v2+s1+$0x0], $0xffff  }
0x1db: {  	v3 =	vld.idx.msk [tilespmem:v3+s1+$0x0], $0xffff  }
0x1dc: {  	v1 =	vld.idx.msk [tilespmem:v4+s1+$0x0], $0xffff  }
0x1dd: {  	s8 =	simm.s32 $0x1C340;
	v0 =	vld.idx.msk [tilespmem:v6+s1+$0x0], $0xffff  }
0x1de: {  	v2 =	vld.idx.msk [tilespmem:v7+s1+$0x0], $0xffff;
	[tilespmem:s8+$0x30] =	vst v9  }
0x1df: {  	s5 =	simm.s32 $0x187C0;
	s22 =	simm.s32 $0x0;
	v4 =	vld.idx.msk [tilespmem:v8+s1+$0x0], $0xffff;
	[tilespmem:s8+$0xFFFFFFD0] =	vst v10  }
.LBB2_18:
0x1e0: {  	v6 =	vld [tilespmem:s5+$0x30];
	s22 =	sadd.s32 $0x80, s22;
	[tilespmem:s8+$0xFFFFFFE0] =	vst v5  }
0x1e1: {  	v5 =	vld [tilespmem:s5+$0xFFFFFFD0];
	p0 =	slt.u32 s22, $0x1D80;
	[tilespmem:s8+$0xFFFFFFF0] =	vst v3  }
0x1e2: {  	v3 =	vld [tilespmem:s5+$0xFFFFFFE0];
	[tilespmem:s8+$0x0] =	vst v1  }
0x1e3: {  	v1 =	vld [tilespmem:s5+$0xFFFFFFF0];
	[tilespmem:s8+$0x10] =	vst v0  }
0x1e4: {  	v0 =	vld [tilespmem:s5+$0x0];
	[tilespmem:s8+$0x20] =	vst v2  }
0x1e5: {  	v2 =	vld [tilespmem:s5+$0x10];
	[tilespmem:s8+$0xFFFFFFC0] =	vst v4  }
0x1e6: {  	v4 =	vld [tilespmem:s5+$0x20]  }
0x1e7: {  	v7 =	vld [tilespmem:s5+$0xFFFFFFC0]  }
0x1e8: {  	v6 =	vld.idx.msk [tilespmem:v6+s1+$0x0], $0xffff  }
0x1e9: {  	v8 =	vld.idx.msk [tilespmem:v5+s1+$0x0], $0xffff  }
0x1ea: {  	v5 =	vld.idx.msk [tilespmem:v3+s1+$0x0], $0xffff  }
.Ltmp8:
0x1eb: {  	v3 =	vld.idx.msk [tilespmem:v1+s1+$0x0], $0xffff;
	(pc) =	sbr.rel @p0 .LBB2_18-.Ltmp8, $4  }
0x1ec: {  	v1 =	vld.idx.msk [tilespmem:v0+s1+$0x0], $0xffff  }
0x1ed: {  	s8 =	sadd.s32 $0x80, s8;
	v0 =	vld.idx.msk [tilespmem:v2+s1+$0x0], $0xffff  }
0x1ee: {  	v2 =	vld.idx.msk [tilespmem:v4+s1+$0x0], $0xffff;
	[tilespmem:s8+$0x30] =	vst v6  }
0x1ef: {  	s5 =	sadd.s32 $0x80, s5;
	v4 =	vld.idx.msk [tilespmem:v7+s1+$0x0], $0xffff;
	[tilespmem:s8+$0xFFFFFFD0] =	vst v8  }
0x1f0: {  	[tilespmem:s8+$0xFFFFFFE0] =	vst v5  }
0x1f1: {  	[tilespmem:s8+$0xFFFFFFF0] =	vst v3  }
0x1f2: {  	[tilespmem:s8+$0x0] =	vst v1  }
0x1f3: {  	[tilespmem:s8+$0x10] =	vst v0  }
0x1f4: {  	[tilespmem:s8+$0x20] =	vst v2  }
0x1f5: {  	[tilespmem:s8+$0xFFFFFFC0] =	vst v4  }
0x1f6: {  	s5 =	rddreg [dreg:$0x12]  }
0x1f7: {  	[hbm4b:s5+s26] =	stream.strided.scatter [tilespmem:s0], [sflag:$0x3], $0x1E00, s28, s26, $0x38;
	[tilespmem:$0x1FF00] =	vst v63  }
0x1f8: {  	_ = 	snop  }
0x1f9: {  	[tilespmem:s25], [sflag:$0x1] =	stream.linear.gather [hbm4b:s16+s1], $0x1E00, $0x38;
	[tilespmem:$0x1FF00] =	vst v63  }
0x1fa: {  	_ =	swait.ge [sflag:s2], $0x1E00  }
0x1fb: {  	[sflag:s2] =	ssyncset.done $0x0  }
0x1fc: {  	[sflag:s2] =	ssyncadd.s32 $0xFFFFE200  }
0x1fd: {  	_ =	swait.ge [sflag:s6], $0x1E00  }
0x1fe: {  	[sflag:s6] =	ssyncset.done $0x0  }
0x1ff: {  	s22 =	simm.s32 $0x1A540;
	[sflag:s6] =	ssyncadd.s32 $0xFFFFE200  }
0x200: {  	v0 =	vld [tilespmem:s22+$0x30]  }
0x201: {  	v1 =	vld [tilespmem:s22+$0xFFFFFFD0]  }
0x202: {  	v2 =	vld [tilespmem:s22+$0xFFFFFFE0]  }
0x203: {  	v3 =	vld [tilespmem:s22+$0xFFFFFFF0]  }
0x204: {  	v4 =	vld [tilespmem:s22+$0x0]  }
0x205: {  	v6 =	vld [tilespmem:s22+$0x10]  }
0x206: {  	v7 =	vld [tilespmem:s22+$0x20]  }
0x207: {  	v8 =	vld [tilespmem:s22+$0xFFFFFFC0]  }
0x208: {  	v9 =	vld.idx.msk [tilespmem:v0+s1+$0x0], $0xffff  }
0x209: {  	v10 =	vld.idx.msk [tilespmem:v1+s1+$0x0], $0xffff  }
0x20a: {  	v5 =	vld.idx.msk [tilespmem:v2+s1+$0x0], $0xffff  }
0x20b: {  	v3 =	vld.idx.msk [tilespmem:v3+s1+$0x0], $0xffff  }
0x20c: {  	v1 =	vld.idx.msk [tilespmem:v4+s1+$0x0], $0xffff  }
0x20d: {  	s8 =	simm.s32 $0x1E140;
	v0 =	vld.idx.msk [tilespmem:v6+s1+$0x0], $0xffff  }
0x20e: {  	v2 =	vld.idx.msk [tilespmem:v7+s1+$0x0], $0xffff;
	[tilespmem:s8+$0x30] =	vst v9  }
0x20f: {  	s5 =	simm.s32 $0x1A5C0;
	s22 =	simm.s32 $0x0;
	v4 =	vld.idx.msk [tilespmem:v8+s1+$0x0], $0xffff;
	[tilespmem:s8+$0xFFFFFFD0] =	vst v10  }
.LBB2_20:
0x210: {  	v6 =	vld [tilespmem:s5+$0x30];
	s22 =	sadd.s32 $0x80, s22;
	[tilespmem:s8+$0xFFFFFFE0] =	vst v5  }
0x211: {  	v5 =	vld [tilespmem:s5+$0xFFFFFFD0];
	p0 =	slt.u32 s22, $0x1D80;
	[tilespmem:s8+$0xFFFFFFF0] =	vst v3  }
0x212: {  	v3 =	vld [tilespmem:s5+$0xFFFFFFE0];
	[tilespmem:s8+$0x0] =	vst v1  }
0x213: {  	v1 =	vld [tilespmem:s5+$0xFFFFFFF0];
	[tilespmem:s8+$0x10] =	vst v0  }
0x214: {  	v0 =	vld [tilespmem:s5+$0x0];
	[tilespmem:s8+$0x20] =	vst v2  }
0x215: {  	v2 =	vld [tilespmem:s5+$0x10];
	[tilespmem:s8+$0xFFFFFFC0] =	vst v4  }
0x216: {  	v4 =	vld [tilespmem:s5+$0x20]  }
0x217: {  	v7 =	vld [tilespmem:s5+$0xFFFFFFC0]  }
0x218: {  	v6 =	vld.idx.msk [tilespmem:v6+s1+$0x0], $0xffff  }
0x219: {  	v8 =	vld.idx.msk [tilespmem:v5+s1+$0x0], $0xffff  }
0x21a: {  	v5 =	vld.idx.msk [tilespmem:v3+s1+$0x0], $0xffff  }
.Ltmp9:
0x21b: {  	v3 =	vld.idx.msk [tilespmem:v1+s1+$0x0], $0xffff;
	(pc) =	sbr.rel @p0 .LBB2_20-.Ltmp9, $4  }
0x21c: {  	v1 =	vld.idx.msk [tilespmem:v0+s1+$0x0], $0xffff  }
0x21d: {  	s8 =	sadd.s32 $0x80, s8;
	v0 =	vld.idx.msk [tilespmem:v2+s1+$0x0], $0xffff  }
0x21e: {  	v2 =	vld.idx.msk [tilespmem:v4+s1+$0x0], $0xffff;
	[tilespmem:s8+$0x30] =	vst v6  }
0x21f: {  	s5 =	sadd.s32 $0x80, s5;
	v4 =	vld.idx.msk [tilespmem:v7+s1+$0x0], $0xffff;
	[tilespmem:s8+$0xFFFFFFD0] =	vst v8  }
0x220: {  	[tilespmem:s8+$0xFFFFFFE0] =	vst v5  }
0x221: {  	[tilespmem:s8+$0xFFFFFFF0] =	vst v3  }
0x222: {  	[tilespmem:s8+$0x0] =	vst v1  }
0x223: {  	[tilespmem:s8+$0x10] =	vst v0  }
0x224: {  	[tilespmem:s8+$0x20] =	vst v2  }
0x225: {  	[tilespmem:s8+$0xFFFFFFC0] =	vst v4  }
0x226: {  	s5 =	rddreg [dreg:$0x13]  }
0x227: {  	[hbm4b:s5+s26] =	stream.strided.scatter [tilespmem:s3], [sflag:$0x4], $0x1E00, s28, s26, $0x38;
	[tilespmem:$0x1FF00] =	vst v63  }
0x228: {  	_ = 	snop  }
0x229: {  	[tilespmem:s30], [sflag:$0x2] =	stream.linear.gather [hbm4b:s17+s1], $0x1E00, $0x38;
	[tilespmem:$0x1FF00] =	vst v63  }
0x22a: {  	_ =	swait.ge [sflag:s31], $0x1E00  }
0x22b: {  	[sflag:s31] =	ssyncset.done $0x0  }
0x22c: {  	[sflag:s31] =	ssyncadd.s32 $0xFFFFE200  }
0x22d: {  	_ =	swait.ge [sflag:s4], $0x1E00  }
0x22e: {  	[sflag:s4] =	ssyncset.done $0x0  }
0x22f: {  	s22 =	simm.s32 $0x18740;
	[sflag:s4] =	ssyncadd.s32 $0xFFFFE200  }
0x230: {  	v0 =	vld [tilespmem:s22+$0x30]  }
0x231: {  	v1 =	vld [tilespmem:s22+$0xFFFFFFD0]  }
0x232: {  	v2 =	vld [tilespmem:s22+$0xFFFFFFE0]  }
0x233: {  	v3 =	vld [tilespmem:s22+$0xFFFFFFF0]  }
0x234: {  	v4 =	vld [tilespmem:s22+$0x0]  }
0x235: {  	v6 =	vld [tilespmem:s22+$0x10]  }
0x236: {  	v7 =	vld [tilespmem:s22+$0x20]  }
0x237: {  	v8 =	vld [tilespmem:s22+$0xFFFFFFC0]  }
0x238: {  	v9 =	vld.idx.msk [tilespmem:v0+s1+$0x0], $0xffff  }
0x239: {  	v10 =	vld.idx.msk [tilespmem:v1+s1+$0x0], $0xffff  }
0x23a: {  	v5 =	vld.idx.msk [tilespmem:v2+s1+$0x0], $0xffff  }
0x23b: {  	v3 =	vld.idx.msk [tilespmem:v3+s1+$0x0], $0xffff  }
0x23c: {  	v1 =	vld.idx.msk [tilespmem:v4+s1+$0x0], $0xffff  }
0x23d: {  	s8 =	simm.s32 $0x1C340;
	v0 =	vld.idx.msk [tilespmem:v6+s1+$0x0], $0xffff  }
0x23e: {  	v2 =	vld.idx.msk [tilespmem:v7+s1+$0x0], $0xffff;
	[tilespmem:s8+$0x30] =	vst v9  }
0x23f: {  	s5 =	simm.s32 $0x187C0;
	s22 =	simm.s32 $0x0;
	v4 =	vld.idx.msk [tilespmem:v8+s1+$0x0], $0xffff;
	[tilespmem:s8+$0xFFFFFFD0] =	vst v10  }
.LBB2_22:
0x240: {  	v6 =	vld [tilespmem:s5+$0x30];
	s22 =	sadd.s32 $0x80, s22;
	[tilespmem:s8+$0xFFFFFFE0] =	vst v5  }
0x241: {  	v5 =	vld [tilespmem:s5+$0xFFFFFFD0];
	p0 =	slt.u32 s22, $0x1D80;
	[tilespmem:s8+$0xFFFFFFF0] =	vst v3  }
0x242: {  	v3 =	vld [tilespmem:s5+$0xFFFFFFE0];
	[tilespmem:s8+$0x0] =	vst v1  }
0x243: {  	v1 =	vld [tilespmem:s5+$0xFFFFFFF0];
	[tilespmem:s8+$0x10] =	vst v0  }
0x244: {  	v0 =	vld [tilespmem:s5+$0x0];
	[tilespmem:s8+$0x20] =	vst v2  }
0x245: {  	v2 =	vld [tilespmem:s5+$0x10];
	[tilespmem:s8+$0xFFFFFFC0] =	vst v4  }
0x246: {  	v4 =	vld [tilespmem:s5+$0x20]  }
0x247: {  	v7 =	vld [tilespmem:s5+$0xFFFFFFC0]  }
0x248: {  	v6 =	vld.idx.msk [tilespmem:v6+s1+$0x0], $0xffff  }
0x249: {  	v8 =	vld.idx.msk [tilespmem:v5+s1+$0x0], $0xffff  }
0x24a: {  	v5 =	vld.idx.msk [tilespmem:v3+s1+$0x0], $0xffff  }
.Ltmp10:
0x24b: {  	v3 =	vld.idx.msk [tilespmem:v1+s1+$0x0], $0xffff;
	(pc) =	sbr.rel @p0 .LBB2_22-.Ltmp10, $4  }
0x24c: {  	v1 =	vld.idx.msk [tilespmem:v0+s1+$0x0], $0xffff  }
0x24d: {  	s8 =	sadd.s32 $0x80, s8;
	v0 =	vld.idx.msk [tilespmem:v2+s1+$0x0], $0xffff  }
0x24e: {  	v2 =	vld.idx.msk [tilespmem:v4+s1+$0x0], $0xffff;
	[tilespmem:s8+$0x30] =	vst v6  }
0x24f: {  	s5 =	sadd.s32 $0x80, s5;
	v4 =	vld.idx.msk [tilespmem:v7+s1+$0x0], $0xffff;
	[tilespmem:s8+$0xFFFFFFD0] =	vst v8  }
0x250: {  	[tilespmem:s8+$0xFFFFFFE0] =	vst v5  }
0x251: {  	[tilespmem:s8+$0xFFFFFFF0] =	vst v3  }
0x252: {  	[tilespmem:s8+$0x0] =	vst v1  }
0x253: {  	[tilespmem:s8+$0x10] =	vst v0  }
0x254: {  	[tilespmem:s8+$0x20] =	vst v2  }
0x255: {  	[tilespmem:s8+$0xFFFFFFC0] =	vst v4  }
0x256: {  	s5 =	rddreg [dreg:$0x14]  }
0x257: {  	[hbm4b:s5+s26] =	stream.strided.scatter [tilespmem:s0], [sflag:$0x3], $0x1E00, s28, s26, $0x38;
	[tilespmem:$0x1FF00] =	vst v63  }
0x258: {  	_ = 	snop  }
0x259: {  	[tilespmem:s25], [sflag:$0x1] =	stream.linear.gather [hbm4b:s18+s1], $0x1E00, $0x38;
	[tilespmem:$0x1FF00] =	vst v63  }
0x25a: {  	_ =	swait.ge [sflag:s2], $0x1E00  }
0x25b: {  	[sflag:s2] =	ssyncset.done $0x0  }
0x25c: {  	[sflag:s2] =	ssyncadd.s32 $0xFFFFE200  }
0x25d: {  	_ =	swait.ge [sflag:s6], $0x1E00  }
0x25e: {  	[sflag:s6] =	ssyncset.done $0x0  }
0x25f: {  	s22 =	simm.s32 $0x1A540;
	[sflag:s6] =	ssyncadd.s32 $0xFFFFE200  }
0x260: {  	v0 =	vld [tilespmem:s22+$0x30]  }
0x261: {  	v1 =	vld [tilespmem:s22+$0xFFFFFFD0]  }
0x262: {  	v2 =	vld [tilespmem:s22+$0xFFFFFFE0]  }
0x263: {  	v3 =	vld [tilespmem:s22+$0xFFFFFFF0]  }
0x264: {  	v4 =	vld [tilespmem:s22+$0x0]  }
0x265: {  	v6 =	vld [tilespmem:s22+$0x10]  }
0x266: {  	v7 =	vld [tilespmem:s22+$0x20]  }
0x267: {  	v8 =	vld [tilespmem:s22+$0xFFFFFFC0]  }
0x268: {  	v9 =	vld.idx.msk [tilespmem:v0+s1+$0x0], $0xffff  }
0x269: {  	v10 =	vld.idx.msk [tilespmem:v1+s1+$0x0], $0xffff  }
0x26a: {  	v5 =	vld.idx.msk [tilespmem:v2+s1+$0x0], $0xffff  }
0x26b: {  	v3 =	vld.idx.msk [tilespmem:v3+s1+$0x0], $0xffff  }
0x26c: {  	v1 =	vld.idx.msk [tilespmem:v4+s1+$0x0], $0xffff  }
0x26d: {  	s8 =	simm.s32 $0x1E140;
	v0 =	vld.idx.msk [tilespmem:v6+s1+$0x0], $0xffff  }
0x26e: {  	v2 =	vld.idx.msk [tilespmem:v7+s1+$0x0], $0xffff;
	[tilespmem:s8+$0x30] =	vst v9  }
0x26f: {  	s5 =	simm.s32 $0x1A5C0;
	s22 =	simm.s32 $0x0;
	v4 =	vld.idx.msk [tilespmem:v8+s1+$0x0], $0xffff;
	[tilespmem:s8+$0xFFFFFFD0] =	vst v10  }
.LBB2_24:
0x270: {  	v6 =	vld [tilespmem:s5+$0x30];
	s22 =	sadd.s32 $0x80, s22;
	[tilespmem:s8+$0xFFFFFFE0] =	vst v5  }
0x271: {  	v5 =	vld [tilespmem:s5+$0xFFFFFFD0];
	p0 =	slt.u32 s22, $0x1D80;
	[tilespmem:s8+$0xFFFFFFF0] =	vst v3  }
0x272: {  	v3 =	vld [tilespmem:s5+$0xFFFFFFE0];
	[tilespmem:s8+$0x0] =	vst v1  }
0x273: {  	v1 =	vld [tilespmem:s5+$0xFFFFFFF0];
	[tilespmem:s8+$0x10] =	vst v0  }
0x274: {  	v0 =	vld [tilespmem:s5+$0x0];
	[tilespmem:s8+$0x20] =	vst v2  }
0x275: {  	v2 =	vld [tilespmem:s5+$0x10];
	[tilespmem:s8+$0xFFFFFFC0] =	vst v4  }
0x276: {  	v4 =	vld [tilespmem:s5+$0x20]  }
0x277: {  	v7 =	vld [tilespmem:s5+$0xFFFFFFC0]  }
0x278: {  	v6 =	vld.idx.msk [tilespmem:v6+s1+$0x0], $0xffff  }
0x279: {  	v8 =	vld.idx.msk [tilespmem:v5+s1+$0x0], $0xffff  }
0x27a: {  	v5 =	vld.idx.msk [tilespmem:v3+s1+$0x0], $0xffff  }
.Ltmp11:
0x27b: {  	v3 =	vld.idx.msk [tilespmem:v1+s1+$0x0], $0xffff;
	(pc) =	sbr.rel @p0 .LBB2_24-.Ltmp11, $4  }
0x27c: {  	v1 =	vld.idx.msk [tilespmem:v0+s1+$0x0], $0xffff  }
0x27d: {  	s8 =	sadd.s32 $0x80, s8;
	v0 =	vld.idx.msk [tilespmem:v2+s1+$0x0], $0xffff  }
0x27e: {  	v2 =	vld.idx.msk [tilespmem:v4+s1+$0x0], $0xffff;
	[tilespmem:s8+$0x30] =	vst v6  }
0x27f: {  	s5 =	sadd.s32 $0x80, s5;
	v4 =	vld.idx.msk [tilespmem:v7+s1+$0x0], $0xffff;
	[tilespmem:s8+$0xFFFFFFD0] =	vst v8  }
0x280: {  	[tilespmem:s8+$0xFFFFFFE0] =	vst v5  }
0x281: {  	[tilespmem:s8+$0xFFFFFFF0] =	vst v3  }
0x282: {  	[tilespmem:s8+$0x0] =	vst v1  }
0x283: {  	[tilespmem:s8+$0x10] =	vst v0  }
0x284: {  	[tilespmem:s8+$0x20] =	vst v2  }
0x285: {  	[tilespmem:s8+$0xFFFFFFC0] =	vst v4  }
0x286: {  	s5 =	rddreg [dreg:$0x15]  }
0x287: {  	[hbm4b:s5+s26] =	stream.strided.scatter [tilespmem:s3], [sflag:$0x4], $0x1E00, s28, s26, $0x38;
	[tilespmem:$0x1FF00] =	vst v63  }
0x288: {  	_ = 	snop  }
0x289: {  	[tilespmem:s30], [sflag:$0x2] =	stream.linear.gather [hbm4b:s19+s1], $0x1E00, $0x38;
	[tilespmem:$0x1FF00] =	vst v63  }
0x28a: {  	_ =	swait.ge [sflag:s31], $0x1E00  }
0x28b: {  	[sflag:s31] =	ssyncset.done $0x0  }
0x28c: {  	[sflag:s31] =	ssyncadd.s32 $0xFFFFE200  }
0x28d: {  	_ =	swait.ge [sflag:s4], $0x1E00  }
0x28e: {  	[sflag:s4] =	ssyncset.done $0x0  }
0x28f: {  	s22 =	simm.s32 $0x18740;
	[sflag:s4] =	ssyncadd.s32 $0xFFFFE200  }
0x290: {  	v0 =	vld [tilespmem:s22+$0x30]  }
0x291: {  	v1 =	vld [tilespmem:s22+$0xFFFFFFD0]  }
0x292: {  	v2 =	vld [tilespmem:s22+$0xFFFFFFE0]  }
0x293: {  	v3 =	vld [tilespmem:s22+$0xFFFFFFF0]  }
0x294: {  	v4 =	vld [tilespmem:s22+$0x0]  }
0x295: {  	v6 =	vld [tilespmem:s22+$0x10]  }
0x296: {  	v7 =	vld [tilespmem:s22+$0x20]  }
0x297: {  	v8 =	vld [tilespmem:s22+$0xFFFFFFC0]  }
0x298: {  	v9 =	vld.idx.msk [tilespmem:v0+s1+$0x0], $0xffff  }
0x299: {  	v10 =	vld.idx.msk [tilespmem:v1+s1+$0x0], $0xffff  }
0x29a: {  	v5 =	vld.idx.msk [tilespmem:v2+s1+$0x0], $0xffff  }
0x29b: {  	v3 =	vld.idx.msk [tilespmem:v3+s1+$0x0], $0xffff  }
0x29c: {  	v1 =	vld.idx.msk [tilespmem:v4+s1+$0x0], $0xffff  }
0x29d: {  	s8 =	simm.s32 $0x1C340;
	v0 =	vld.idx.msk [tilespmem:v6+s1+$0x0], $0xffff  }
0x29e: {  	v2 =	vld.idx.msk [tilespmem:v7+s1+$0x0], $0xffff;
	[tilespmem:s8+$0x30] =	vst v9  }
0x29f: {  	s5 =	simm.s32 $0x187C0;
	s22 =	simm.s32 $0x0;
	v4 =	vld.idx.msk [tilespmem:v8+s1+$0x0], $0xffff;
	[tilespmem:s8+$0xFFFFFFD0] =	vst v10  }
.LBB2_26:
0x2a0: {  	v6 =	vld [tilespmem:s5+$0x30];
	s22 =	sadd.s32 $0x80, s22;
	[tilespmem:s8+$0xFFFFFFE0] =	vst v5  }
0x2a1: {  	v5 =	vld [tilespmem:s5+$0xFFFFFFD0];
	p0 =	slt.u32 s22, $0x1D80;
	[tilespmem:s8+$0xFFFFFFF0] =	vst v3  }
0x2a2: {  	v3 =	vld [tilespmem:s5+$0xFFFFFFE0];
	[tilespmem:s8+$0x0] =	vst v1  }
0x2a3: {  	v1 =	vld [tilespmem:s5+$0xFFFFFFF0];
	[tilespmem:s8+$0x10] =	vst v0  }
0x2a4: {  	v0 =	vld [tilespmem:s5+$0x0];
	[tilespmem:s8+$0x20] =	vst v2  }
0x2a5: {  	v2 =	vld [tilespmem:s5+$0x10];
	[tilespmem:s8+$0xFFFFFFC0] =	vst v4  }
0x2a6: {  	v4 =	vld [tilespmem:s5+$0x20]  }
0x2a7: {  	v7 =	vld [tilespmem:s5+$0xFFFFFFC0]  }
0x2a8: {  	v6 =	vld.idx.msk [tilespmem:v6+s1+$0x0], $0xffff  }
0x2a9: {  	v8 =	vld.idx.msk [tilespmem:v5+s1+$0x0], $0xffff  }
0x2aa: {  	v5 =	vld.idx.msk [tilespmem:v3+s1+$0x0], $0xffff  }
.Ltmp12:
0x2ab: {  	v3 =	vld.idx.msk [tilespmem:v1+s1+$0x0], $0xffff;
	(pc) =	sbr.rel @p0 .LBB2_26-.Ltmp12, $4  }
0x2ac: {  	v1 =	vld.idx.msk [tilespmem:v0+s1+$0x0], $0xffff  }
0x2ad: {  	s8 =	sadd.s32 $0x80, s8;
	v0 =	vld.idx.msk [tilespmem:v2+s1+$0x0], $0xffff  }
0x2ae: {  	v2 =	vld.idx.msk [tilespmem:v4+s1+$0x0], $0xffff;
	[tilespmem:s8+$0x30] =	vst v6  }
0x2af: {  	s5 =	sadd.s32 $0x80, s5;
	v4 =	vld.idx.msk [tilespmem:v7+s1+$0x0], $0xffff;
	[tilespmem:s8+$0xFFFFFFD0] =	vst v8  }
0x2b0: {  	[tilespmem:s8+$0xFFFFFFE0] =	vst v5  }
0x2b1: {  	[tilespmem:s8+$0xFFFFFFF0] =	vst v3  }
0x2b2: {  	[tilespmem:s8+$0x0] =	vst v1  }
0x2b3: {  	[tilespmem:s8+$0x10] =	vst v0  }
0x2b4: {  	[tilespmem:s8+$0x20] =	vst v2  }
0x2b5: {  	[tilespmem:s8+$0xFFFFFFC0] =	vst v4  }
0x2b6: {  	s5 =	rddreg [dreg:$0x16]  }
0x2b7: {  	[hbm4b:s5+s26] =	stream.strided.scatter [tilespmem:s0], [sflag:$0x3], $0x1E00, s28, s26, $0x38;
	[tilespmem:$0x1FF00] =	vst v63  }
0x2b8: {  	_ = 	snop  }
0x2b9: {  	[tilespmem:s25], [sflag:$0x1] =	stream.linear.gather [hbm4b:s20+s1], $0x1E00, $0x38;
	[tilespmem:$0x1FF00] =	vst v63  }
0x2ba: {  	_ =	swait.ge [sflag:s2], $0x1E00  }
0x2bb: {  	[sflag:s2] =	ssyncset.done $0x0  }
0x2bc: {  	[sflag:s2] =	ssyncadd.s32 $0xFFFFE200  }
0x2bd: {  	_ =	swait.ge [sflag:s6], $0x1E00  }
0x2be: {  	[sflag:s6] =	ssyncset.done $0x0  }
0x2bf: {  	s22 =	simm.s32 $0x1A540;
	[sflag:s6] =	ssyncadd.s32 $0xFFFFE200  }
0x2c0: {  	v0 =	vld [tilespmem:s22+$0x30]  }
0x2c1: {  	v1 =	vld [tilespmem:s22+$0xFFFFFFD0]  }
0x2c2: {  	v2 =	vld [tilespmem:s22+$0xFFFFFFE0]  }
0x2c3: {  	v3 =	vld [tilespmem:s22+$0xFFFFFFF0]  }
0x2c4: {  	v4 =	vld [tilespmem:s22+$0x0]  }
0x2c5: {  	v6 =	vld [tilespmem:s22+$0x10]  }
0x2c6: {  	v7 =	vld [tilespmem:s22+$0x20]  }
0x2c7: {  	v8 =	vld [tilespmem:s22+$0xFFFFFFC0]  }
0x2c8: {  	v9 =	vld.idx.msk [tilespmem:v0+s1+$0x0], $0xffff  }
0x2c9: {  	v10 =	vld.idx.msk [tilespmem:v1+s1+$0x0], $0xffff  }
0x2ca: {  	v5 =	vld.idx.msk [tilespmem:v2+s1+$0x0], $0xffff  }
0x2cb: {  	v3 =	vld.idx.msk [tilespmem:v3+s1+$0x0], $0xffff  }
0x2cc: {  	v1 =	vld.idx.msk [tilespmem:v4+s1+$0x0], $0xffff  }
0x2cd: {  	s8 =	simm.s32 $0x1E140;
	v0 =	vld.idx.msk [tilespmem:v6+s1+$0x0], $0xffff  }
0x2ce: {  	v2 =	vld.idx.msk [tilespmem:v7+s1+$0x0], $0xffff;
	[tilespmem:s8+$0x30] =	vst v9  }
0x2cf: {  	s5 =	simm.s32 $0x1A5C0;
	s22 =	simm.s32 $0x0;
	v4 =	vld.idx.msk [tilespmem:v8+s1+$0x0], $0xffff;
	[tilespmem:s8+$0xFFFFFFD0] =	vst v10  }
.LBB2_28:
0x2d0: {  	v6 =	vld [tilespmem:s5+$0x30];
	s22 =	sadd.s32 $0x80, s22;
	[tilespmem:s8+$0xFFFFFFE0] =	vst v5  }
0x2d1: {  	v5 =	vld [tilespmem:s5+$0xFFFFFFD0];
	p0 =	slt.u32 s22, $0x1D80;
	[tilespmem:s8+$0xFFFFFFF0] =	vst v3  }
0x2d2: {  	v3 =	vld [tilespmem:s5+$0xFFFFFFE0];
	[tilespmem:s8+$0x0] =	vst v1  }
0x2d3: {  	v1 =	vld [tilespmem:s5+$0xFFFFFFF0];
	[tilespmem:s8+$0x10] =	vst v0  }
0x2d4: {  	v0 =	vld [tilespmem:s5+$0x0];
	[tilespmem:s8+$0x20] =	vst v2  }
0x2d5: {  	v2 =	vld [tilespmem:s5+$0x10];
	[tilespmem:s8+$0xFFFFFFC0] =	vst v4  }
0x2d6: {  	v4 =	vld [tilespmem:s5+$0x20]  }
0x2d7: {  	v7 =	vld [tilespmem:s5+$0xFFFFFFC0]  }
0x2d8: {  	v6 =	vld.idx.msk [tilespmem:v6+s1+$0x0], $0xffff  }
0x2d9: {  	v8 =	vld.idx.msk [tilespmem:v5+s1+$0x0], $0xffff  }
0x2da: {  	v5 =	vld.idx.msk [tilespmem:v3+s1+$0x0], $0xffff  }
.Ltmp13:
0x2db: {  	v3 =	vld.idx.msk [tilespmem:v1+s1+$0x0], $0xffff;
	(pc) =	sbr.rel @p0 .LBB2_28-.Ltmp13, $4  }
0x2dc: {  	v1 =	vld.idx.msk [tilespmem:v0+s1+$0x0], $0xffff  }
0x2dd: {  	s8 =	sadd.s32 $0x80, s8;
	v0 =	vld.idx.msk [tilespmem:v2+s1+$0x0], $0xffff  }
0x2de: {  	v2 =	vld.idx.msk [tilespmem:v4+s1+$0x0], $0xffff;
	[tilespmem:s8+$0x30] =	vst v6  }
0x2df: {  	s5 =	sadd.s32 $0x80, s5;
	v4 =	vld.idx.msk [tilespmem:v7+s1+$0x0], $0xffff;
	[tilespmem:s8+$0xFFFFFFD0] =	vst v8  }
0x2e0: {  	[tilespmem:s8+$0xFFFFFFE0] =	vst v5  }
0x2e1: {  	[tilespmem:s8+$0xFFFFFFF0] =	vst v3  }
0x2e2: {  	[tilespmem:s8+$0x0] =	vst v1  }
0x2e3: {  	[tilespmem:s8+$0x10] =	vst v0  }
0x2e4: {  	[tilespmem:s8+$0x20] =	vst v2  }
0x2e5: {  	[tilespmem:s8+$0xFFFFFFC0] =	vst v4  }
0x2e6: {  	s5 =	rddreg [dreg:$0x17]  }
0x2e7: {  	[hbm4b:s5+s26] =	stream.strided.scatter [tilespmem:s3], [sflag:$0x4], $0x1E00, s28, s26, $0x38;
	[tilespmem:$0x1FF00] =	vst v63  }
0x2e8: {  	_ = 	snop  }
0x2e9: {  	[tilespmem:s30], [sflag:$0x2] =	stream.linear.gather [hbm4b:s21+s1], $0x1800, $0x38;
	[tilespmem:$0x1FF00] =	vst v63  }
0x2ea: {  	_ =	swait.ge [sflag:s31], $0x1E00  }
0x2eb: {  	[sflag:s31] =	ssyncset.done $0x0  }
0x2ec: {  	[sflag:s31] =	ssyncadd.s32 $0xFFFFE200  }
0x2ed: {  	_ =	swait.ge [sflag:s4], $0x1E00  }
0x2ee: {  	[sflag:s4] =	ssyncset.done $0x0  }
0x2ef: {  	s22 =	simm.s32 $0x18740;
	[sflag:s4] =	ssyncadd.s32 $0xFFFFE200  }
0x2f0: {  	v0 =	vld [tilespmem:s22+$0x30]  }
0x2f1: {  	v1 =	vld [tilespmem:s22+$0xFFFFFFD0]  }
0x2f2: {  	v2 =	vld [tilespmem:s22+$0xFFFFFFE0]  }
0x2f3: {  	v3 =	vld [tilespmem:s22+$0xFFFFFFF0]  }
0x2f4: {  	v4 =	vld [tilespmem:s22+$0x0]  }
0x2f5: {  	v6 =	vld [tilespmem:s22+$0x10]  }
0x2f6: {  	v7 =	vld [tilespmem:s22+$0x20]  }
0x2f7: {  	v8 =	vld [tilespmem:s22+$0xFFFFFFC0]  }
0x2f8: {  	v9 =	vld.idx.msk [tilespmem:v0+s1+$0x0], $0xffff  }
0x2f9: {  	v10 =	vld.idx.msk [tilespmem:v1+s1+$0x0], $0xffff  }
0x2fa: {  	v5 =	vld.idx.msk [tilespmem:v2+s1+$0x0], $0xffff  }
0x2fb: {  	v3 =	vld.idx.msk [tilespmem:v3+s1+$0x0], $0xffff  }
0x2fc: {  	v1 =	vld.idx.msk [tilespmem:v4+s1+$0x0], $0xffff  }
0x2fd: {  	s8 =	simm.s32 $0x1C340;
	v0 =	vld.idx.msk [tilespmem:v6+s1+$0x0], $0xffff  }
0x2fe: {  	v2 =	vld.idx.msk [tilespmem:v7+s1+$0x0], $0xffff;
	[tilespmem:s8+$0x30] =	vst v9  }
0x2ff: {  	s5 =	simm.s32 $0x187C0;
	s22 =	simm.s32 $0x0;
	v4 =	vld.idx.msk [tilespmem:v8+s1+$0x0], $0xffff;
	[tilespmem:s8+$0xFFFFFFD0] =	vst v10  }
.LBB2_30:
0x300: {  	v6 =	vld [tilespmem:s5+$0x30];
	s22 =	sadd.s32 $0x80, s22;
	[tilespmem:s8+$0xFFFFFFE0] =	vst v5  }
0x301: {  	v5 =	vld [tilespmem:s5+$0xFFFFFFD0];
	p0 =	slt.u32 s22, $0x1D80;
	[tilespmem:s8+$0xFFFFFFF0] =	vst v3  }
0x302: {  	v3 =	vld [tilespmem:s5+$0xFFFFFFE0];
	[tilespmem:s8+$0x0] =	vst v1  }
0x303: {  	v1 =	vld [tilespmem:s5+$0xFFFFFFF0];
	[tilespmem:s8+$0x10] =	vst v0  }
0x304: {  	v0 =	vld [tilespmem:s5+$0x0];
	[tilespmem:s8+$0x20] =	vst v2  }
0x305: {  	v2 =	vld [tilespmem:s5+$0x10];
	[tilespmem:s8+$0xFFFFFFC0] =	vst v4  }
0x306: {  	v4 =	vld [tilespmem:s5+$0x20]  }
0x307: {  	v7 =	vld [tilespmem:s5+$0xFFFFFFC0]  }
0x308: {  	v6 =	vld.idx.msk [tilespmem:v6+s1+$0x0], $0xffff  }
0x309: {  	v8 =	vld.idx.msk [tilespmem:v5+s1+$0x0], $0xffff  }
0x30a: {  	v5 =	vld.idx.msk [tilespmem:v3+s1+$0x0], $0xffff  }
.Ltmp14:
0x30b: {  	v3 =	vld.idx.msk [tilespmem:v1+s1+$0x0], $0xffff;
	(pc) =	sbr.rel @p0 .LBB2_30-.Ltmp14, $4  }
0x30c: {  	v1 =	vld.idx.msk [tilespmem:v0+s1+$0x0], $0xffff  }
0x30d: {  	s8 =	sadd.s32 $0x80, s8;
	v0 =	vld.idx.msk [tilespmem:v2+s1+$0x0], $0xffff  }
0x30e: {  	v2 =	vld.idx.msk [tilespmem:v4+s1+$0x0], $0xffff;
	[tilespmem:s8+$0x30] =	vst v6  }
0x30f: {  	s5 =	sadd.s32 $0x80, s5;
	v4 =	vld.idx.msk [tilespmem:v7+s1+$0x0], $0xffff;
	[tilespmem:s8+$0xFFFFFFD0] =	vst v8  }
0x310: {  	[tilespmem:s8+$0xFFFFFFE0] =	vst v5  }
0x311: {  	[tilespmem:s8+$0xFFFFFFF0] =	vst v3  }
0x312: {  	[tilespmem:s8+$0x0] =	vst v1  }
0x313: {  	[tilespmem:s8+$0x10] =	vst v0  }
0x314: {  	[tilespmem:s8+$0x20] =	vst v2  }
0x315: {  	[tilespmem:s8+$0xFFFFFFC0] =	vst v4  }
0x316: {  	s5 =	rddreg [dreg:$0x18]  }
0x317: {  	[hbm4b:s5+s26] =	stream.strided.scatter [tilespmem:s0], [sflag:$0x3], $0x1E00, s28, s26, $0x38;
	[tilespmem:$0x1FF00] =	vst v63  }
0x318: {  	_ =	swait.ge [sflag:s2], $0x1800  }
0x319: {  	[sflag:s2] =	ssyncset.done $0x0  }
0x31a: {  	[sflag:s2] =	ssyncadd.s32 $0xFFFFE800  }
0x31b: {  	_ =	swait.ge [sflag:s6], $0x1E00  }
0x31c: {  	[sflag:s6] =	ssyncset.done $0x0  }
0x31d: {  	s22 =	simm.s32 $0x1A540;
	[sflag:s6] =	ssyncadd.s32 $0xFFFFE200  }
0x31e: {  	v0 =	vld [tilespmem:s22+$0x30]  }
0x31f: {  	v1 =	vld [tilespmem:s22+$0xFFFFFFD0]  }
0x320: {  	v2 =	vld [tilespmem:s22+$0xFFFFFFE0]  }
0x321: {  	v3 =	vld [tilespmem:s22+$0xFFFFFFF0]  }
0x322: {  	v4 =	vld [tilespmem:s22+$0x0]  }
0x323: {  	v6 =	vld [tilespmem:s22+$0x10]  }
0x324: {  	v7 =	vld [tilespmem:s22+$0x20]  }
0x325: {  	v8 =	vld [tilespmem:s22+$0xFFFFFFC0]  }
0x326: {  	v9 =	vld.idx.msk [tilespmem:v0+s1+$0x0], $0xffff  }
0x327: {  	v10 =	vld.idx.msk [tilespmem:v1+s1+$0x0], $0xffff  }
0x328: {  	v5 =	vld.idx.msk [tilespmem:v2+s1+$0x0], $0xffff  }
0x329: {  	v3 =	vld.idx.msk [tilespmem:v3+s1+$0x0], $0xffff  }
0x32a: {  	v1 =	vld.idx.msk [tilespmem:v4+s1+$0x0], $0xffff  }
0x32b: {  	s8 =	simm.s32 $0x1E140;
	v0 =	vld.idx.msk [tilespmem:v6+s1+$0x0], $0xffff  }
0x32c: {  	v2 =	vld.idx.msk [tilespmem:v7+s1+$0x0], $0xffff;
	[tilespmem:s8+$0x30] =	vst v9  }
0x32d: {  	s5 =	simm.s32 $0x1A5C0;
	s22 =	simm.s32 $0x0;
	v4 =	vld.idx.msk [tilespmem:v8+s1+$0x0], $0xffff;
	[tilespmem:s8+$0xFFFFFFD0] =	vst v10  }
.LBB2_32:
0x32e: {  	v6 =	vld [tilespmem:s5+$0x30];
	s22 =	sadd.s32 $0x80, s22;
	[tilespmem:s8+$0xFFFFFFE0] =	vst v5  }
0x32f: {  	v5 =	vld [tilespmem:s5+$0xFFFFFFD0];
	p0 =	slt.u32 s22, $0x1780;
	[tilespmem:s8+$0xFFFFFFF0] =	vst v3  }
0x330: {  	v3 =	vld [tilespmem:s5+$0xFFFFFFE0];
	[tilespmem:s8+$0x0] =	vst v1  }
0x331: {  	v1 =	vld [tilespmem:s5+$0xFFFFFFF0];
	[tilespmem:s8+$0x10] =	vst v0  }
0x332: {  	v0 =	vld [tilespmem:s5+$0x0];
	[tilespmem:s8+$0x20] =	vst v2  }
0x333: {  	v2 =	vld [tilespmem:s5+$0x10];
	[tilespmem:s8+$0xFFFFFFC0] =	vst v4  }
0x334: {  	v4 =	vld [tilespmem:s5+$0x20]  }
0x335: {  	v7 =	vld [tilespmem:s5+$0xFFFFFFC0]  }
0x336: {  	v6 =	vld.idx.msk [tilespmem:v6+s1+$0x0], $0xffff  }
0x337: {  	v8 =	vld.idx.msk [tilespmem:v5+s1+$0x0], $0xffff  }
0x338: {  	v5 =	vld.idx.msk [tilespmem:v3+s1+$0x0], $0xffff  }
.Ltmp15:
0x339: {  	v3 =	vld.idx.msk [tilespmem:v1+s1+$0x0], $0xffff;
	(pc) =	sbr.rel @p0 .LBB2_32-.Ltmp15, $4  }
0x33a: {  	v1 =	vld.idx.msk [tilespmem:v0+s1+$0x0], $0xffff  }
0x33b: {  	s8 =	sadd.s32 $0x80, s8;
	v0 =	vld.idx.msk [tilespmem:v2+s1+$0x0], $0xffff  }
0x33c: {  	v2 =	vld.idx.msk [tilespmem:v4+s1+$0x0], $0xffff;
	[tilespmem:s8+$0x30] =	vst v6  }
0x33d: {  	s5 =	sadd.s32 $0x80, s5;
	v4 =	vld.idx.msk [tilespmem:v7+s1+$0x0], $0xffff;
	[tilespmem:s8+$0xFFFFFFD0] =	vst v8  }
0x33e: {  	[tilespmem:s8+$0xFFFFFFE0] =	vst v5  }
0x33f: {  	[tilespmem:s8+$0xFFFFFFF0] =	vst v3  }
0x340: {  	[tilespmem:s8+$0x0] =	vst v1  }
0x341: {  	[tilespmem:s8+$0x10] =	vst v0  }
0x342: {  	[tilespmem:s8+$0x20] =	vst v2  }
0x343: {  	s5 =	rddreg [dreg:$0x0];
	[tilespmem:s8+$0xFFFFFFC0] =	vst v4  }
0x344: {  	[tilespmem:s25], [sflag:$0x1] =	stream.linear.gather [hbm4b:s5+s1], $0x1E00, $0x38;
	[tilespmem:$0x1FF00] =	vst v63  }
0x345: {  	s22 =	rddreg [dreg:$0x8]  }
0x346: {  	[tilespmem:s1], [sflag:$0x5] =	stream.strided.gather [hbm4b:s22+s26], $0x18700, s28, s26, $0x38;
	[tilespmem:$0x1FF00] =	vst v63  }
0x347: {  	s8 =	rddreg [dreg:$0x19]  }
0x348: {  	[hbm4b:s8+s26] =	stream.strided.scatter [tilespmem:s3], [sflag:$0x4], $0x1800, s28, s26, $0x38;
	[tilespmem:$0x1FF00] =	vst v63  }
0x349: {  	_ =	swait.ge [sflag:s29], $0x18700  }
0x34a: {  	[sflag:s29] =	ssyncset.done $0x0  }
0x34b: {  	[sflag:s29] =	ssyncadd.s32 $0xFFFE7900  }
0x34c: {  	[tilespmem:s30], [sflag:$0x2] =	stream.linear.gather [hbm4b:s23+s1], $0x1E00, $0x38;
	[tilespmem:$0x1FF00] =	vst v63  }
0x34d: {  	_ =	swait.ge [sflag:s31], $0x1E00  }
0x34e: {  	[sflag:s31] =	ssyncset.done $0x0  }
0x34f: {  	[sflag:s31] =	ssyncadd.s32 $0xFFFFE200  }
0x350: {  	_ =	swait.ge [sflag:s4], $0x1E00  }
0x351: {  	[sflag:s4] =	ssyncset.done $0x0  }
0x352: {  	s22 =	simm.s32 $0x18740;
	[sflag:s4] =	ssyncadd.s32 $0xFFFFE200  }
0x353: {  	v0 =	vld [tilespmem:s22+$0x30]  }
0x354: {  	v1 =	vld [tilespmem:s22+$0xFFFFFFD0]  }
0x355: {  	v2 =	vld [tilespmem:s22+$0xFFFFFFE0]  }
0x356: {  	v3 =	vld [tilespmem:s22+$0xFFFFFFF0]  }
0x357: {  	v4 =	vld [tilespmem:s22+$0x0]  }
0x358: {  	v6 =	vld [tilespmem:s22+$0x10]  }
0x359: {  	v7 =	vld [tilespmem:s22+$0x20]  }
0x35a: {  	v8 =	vld [tilespmem:s22+$0xFFFFFFC0]  }
0x35b: {  	v9 =	vld.idx.msk [tilespmem:v0+s1+$0x0], $0xffff  }
0x35c: {  	v10 =	vld.idx.msk [tilespmem:v1+s1+$0x0], $0xffff  }
0x35d: {  	v5 =	vld.idx.msk [tilespmem:v2+s1+$0x0], $0xffff  }
0x35e: {  	v3 =	vld.idx.msk [tilespmem:v3+s1+$0x0], $0xffff  }
0x35f: {  	v1 =	vld.idx.msk [tilespmem:v4+s1+$0x0], $0xffff  }
0x360: {  	s8 =	simm.s32 $0x1C340;
	v0 =	vld.idx.msk [tilespmem:v6+s1+$0x0], $0xffff  }
0x361: {  	v2 =	vld.idx.msk [tilespmem:v7+s1+$0x0], $0xffff;
	[tilespmem:s8+$0x30] =	vst v9  }
0x362: {  	s5 =	simm.s32 $0x187C0;
	s22 =	simm.s32 $0x0;
	v4 =	vld.idx.msk [tilespmem:v8+s1+$0x0], $0xffff;
	[tilespmem:s8+$0xFFFFFFD0] =	vst v10  }
.LBB2_34:
0x363: {  	v6 =	vld [tilespmem:s5+$0x30];
	s22 =	sadd.s32 $0x80, s22;
	[tilespmem:s8+$0xFFFFFFE0] =	vst v5  }
0x364: {  	v5 =	vld [tilespmem:s5+$0xFFFFFFD0];
	p0 =	slt.u32 s22, $0x1D80;
	[tilespmem:s8+$0xFFFFFFF0] =	vst v3  }
0x365: {  	v3 =	vld [tilespmem:s5+$0xFFFFFFE0];
	[tilespmem:s8+$0x0] =	vst v1  }
0x366: {  	v1 =	vld [tilespmem:s5+$0xFFFFFFF0];
	[tilespmem:s8+$0x10] =	vst v0  }
0x367: {  	v0 =	vld [tilespmem:s5+$0x0];
	[tilespmem:s8+$0x20] =	vst v2  }
0x368: {  	v2 =	vld [tilespmem:s5+$0x10];
	[tilespmem:s8+$0xFFFFFFC0] =	vst v4  }
0x369: {  	v4 =	vld [tilespmem:s5+$0x20]  }
0x36a: {  	v7 =	vld [tilespmem:s5+$0xFFFFFFC0]  }
0x36b: {  	v6 =	vld.idx.msk [tilespmem:v6+s1+$0x0], $0xffff  }
0x36c: {  	v8 =	vld.idx.msk [tilespmem:v5+s1+$0x0], $0xffff  }
0x36d: {  	v5 =	vld.idx.msk [tilespmem:v3+s1+$0x0], $0xffff  }
.Ltmp16:
0x36e: {  	v3 =	vld.idx.msk [tilespmem:v1+s1+$0x0], $0xffff;
	(pc) =	sbr.rel @p0 .LBB2_34-.Ltmp16, $4  }
0x36f: {  	v1 =	vld.idx.msk [tilespmem:v0+s1+$0x0], $0xffff  }
0x370: {  	s8 =	sadd.s32 $0x80, s8;
	v0 =	vld.idx.msk [tilespmem:v2+s1+$0x0], $0xffff  }
0x371: {  	v2 =	vld.idx.msk [tilespmem:v4+s1+$0x0], $0xffff;
	[tilespmem:s8+$0x30] =	vst v6  }
0x372: {  	s5 =	sadd.s32 $0x80, s5;
	v4 =	vld.idx.msk [tilespmem:v7+s1+$0x0], $0xffff;
	[tilespmem:s8+$0xFFFFFFD0] =	vst v8  }
0x373: {  	[tilespmem:s8+$0xFFFFFFE0] =	vst v5  }
0x374: {  	[tilespmem:s8+$0xFFFFFFF0] =	vst v3  }
0x375: {  	[tilespmem:s8+$0x0] =	vst v1  }
0x376: {  	[tilespmem:s8+$0x10] =	vst v0  }
0x377: {  	[tilespmem:s8+$0x20] =	vst v2  }
0x378: {  	[tilespmem:s8+$0xFFFFFFC0] =	vst v4  }
0x379: {  	s5 =	rddreg [dreg:$0x1c]  }
0x37a: {  	[hbm4b:s5+s26] =	stream.strided.scatter [tilespmem:s0], [sflag:$0x3], $0x1E00, s28, s26, $0x38;
	[tilespmem:$0x1FF00] =	vst v63  }
0x37b: {  	_ = 	snop  }
0x37c: {  	[tilespmem:s25], [sflag:$0x1] =	stream.linear.gather [hbm4b:s24+s1], $0x400, $0x38;
	[tilespmem:$0x1FF00] =	vst v63  }
0x37d: {  	_ =	swait.ge [sflag:s2], $0x1E00  }
0x37e: {  	[sflag:s2] =	ssyncset.done $0x0  }
0x37f: {  	[sflag:s2] =	ssyncadd.s32 $0xFFFFE200  }
0x380: {  	_ =	swait.ge [sflag:s6], $0x1800  }
0x381: {  	[sflag:s6] =	ssyncset.done $0x0  }
0x382: {  	s22 =	simm.s32 $0x1A540;
	[sflag:s6] =	ssyncadd.s32 $0xFFFFE800  }
0x383: {  	v0 =	vld [tilespmem:s22+$0x30]  }
0x384: {  	v1 =	vld [tilespmem:s22+$0xFFFFFFD0]  }
0x385: {  	v2 =	vld [tilespmem:s22+$0xFFFFFFE0]  }
0x386: {  	v3 =	vld [tilespmem:s22+$0xFFFFFFF0]  }
0x387: {  	v4 =	vld [tilespmem:s22+$0x0]  }
0x388: {  	v6 =	vld [tilespmem:s22+$0x10]  }
0x389: {  	v7 =	vld [tilespmem:s22+$0x20]  }
0x38a: {  	v8 =	vld [tilespmem:s22+$0xFFFFFFC0]  }
0x38b: {  	v9 =	vld.idx.msk [tilespmem:v0+s1+$0x0], $0xffff  }
0x38c: {  	v10 =	vld.idx.msk [tilespmem:v1+s1+$0x0], $0xffff  }
0x38d: {  	v5 =	vld.idx.msk [tilespmem:v2+s1+$0x0], $0xffff  }
0x38e: {  	v3 =	vld.idx.msk [tilespmem:v3+s1+$0x0], $0xffff  }
0x38f: {  	v1 =	vld.idx.msk [tilespmem:v4+s1+$0x0], $0xffff  }
0x390: {  	s8 =	simm.s32 $0x1E140;
	v0 =	vld.idx.msk [tilespmem:v6+s1+$0x0], $0xffff  }
0x391: {  	v2 =	vld.idx.msk [tilespmem:v7+s1+$0x0], $0xffff;
	[tilespmem:s8+$0x30] =	vst v9  }
0x392: {  	s5 =	simm.s32 $0x1A5C0;
	s22 =	simm.s32 $0x0;
	v4 =	vld.idx.msk [tilespmem:v8+s1+$0x0], $0xffff;
	[tilespmem:s8+$0xFFFFFFD0] =	vst v10  }
.LBB2_36:
0x393: {  	v6 =	vld [tilespmem:s5+$0x30];
	s22 =	sadd.s32 $0x80, s22;
	[tilespmem:s8+$0xFFFFFFE0] =	vst v5  }
0x394: {  	v5 =	vld [tilespmem:s5+$0xFFFFFFD0];
	p0 =	slt.u32 s22, $0x1D80;
	[tilespmem:s8+$0xFFFFFFF0] =	vst v3  }
0x395: {  	v3 =	vld [tilespmem:s5+$0xFFFFFFE0];
	[tilespmem:s8+$0x0] =	vst v1  }
0x396: {  	v1 =	vld [tilespmem:s5+$0xFFFFFFF0];
	[tilespmem:s8+$0x10] =	vst v0  }
0x397: {  	v0 =	vld [tilespmem:s5+$0x0];
	[tilespmem:s8+$0x20] =	vst v2  }
0x398: {  	v2 =	vld [tilespmem:s5+$0x10];
	[tilespmem:s8+$0xFFFFFFC0] =	vst v4  }
0x399: {  	v4 =	vld [tilespmem:s5+$0x20]  }
0x39a: {  	v7 =	vld [tilespmem:s5+$0xFFFFFFC0]  }
0x39b: {  	v6 =	vld.idx.msk [tilespmem:v6+s1+$0x0], $0xffff  }
0x39c: {  	v8 =	vld.idx.msk [tilespmem:v5+s1+$0x0], $0xffff  }
0x39d: {  	v5 =	vld.idx.msk [tilespmem:v3+s1+$0x0], $0xffff  }
.Ltmp17:
0x39e: {  	v3 =	vld.idx.msk [tilespmem:v1+s1+$0x0], $0xffff;
	(pc) =	sbr.rel @p0 .LBB2_36-.Ltmp17, $4  }
0x39f: {  	v1 =	vld.idx.msk [tilespmem:v0+s1+$0x0], $0xffff  }
0x3a0: {  	s8 =	sadd.s32 $0x80, s8;
	v0 =	vld.idx.msk [tilespmem:v2+s1+$0x0], $0xffff  }
0x3a1: {  	v2 =	vld.idx.msk [tilespmem:v4+s1+$0x0], $0xffff;
	[tilespmem:s8+$0x30] =	vst v6  }
0x3a2: {  	s5 =	sadd.s32 $0x80, s5;
	v4 =	vld.idx.msk [tilespmem:v7+s1+$0x0], $0xffff;
	[tilespmem:s8+$0xFFFFFFD0] =	vst v8  }
0x3a3: {  	[tilespmem:s8+$0xFFFFFFE0] =	vst v5  }
0x3a4: {  	[tilespmem:s8+$0xFFFFFFF0] =	vst v3  }
0x3a5: {  	[tilespmem:s8+$0x0] =	vst v1  }
0x3a6: {  	[tilespmem:s8+$0x10] =	vst v0  }
0x3a7: {  	[tilespmem:s8+$0x20] =	vst v2  }
0x3a8: {  	[tilespmem:s8+$0xFFFFFFC0] =	vst v4  }
0x3a9: {  	s5 =	rddreg [dreg:$0x1a]  }
0x3aa: {  	[hbm4b:s5+s26] =	stream.strided.scatter [tilespmem:s3], [sflag:$0x4], $0x1E00, s28, s26, $0x38;
	[tilespmem:$0x1FF00] =	vst v63  }
0x3ab: {  	_ =	swait.ge [sflag:s31], $0x400  }
0x3ac: {  	[sflag:s31] =	ssyncset.done $0x0  }
0x3ad: {  	[sflag:s31] =	ssyncadd.s32 $0xFFFFFC00  }
0x3ae: {  	_ =	swait.ge [sflag:s4], $0x1E00  }
0x3af: {  	[sflag:s4] =	ssyncset.done $0x0  }
0x3b0: {  	s22 =	simm.s32 $0x18740;
	[sflag:s4] =	ssyncadd.s32 $0xFFFFE200  }
0x3b1: {  	v0 =	vld [tilespmem:s22+$0x30]  }
0x3b2: {  	v1 =	vld [tilespmem:s22+$0xFFFFFFD0]  }
0x3b3: {  	v2 =	vld [tilespmem:s22+$0xFFFFFFE0]  }
0x3b4: {  	v3 =	vld [tilespmem:s22+$0xFFFFFFF0]  }
0x3b5: {  	v4 =	vld [tilespmem:s22+$0x0]  }
0x3b6: {  	v6 =	vld [tilespmem:s22+$0x10]  }
0x3b7: {  	v7 =	vld [tilespmem:s22+$0x20]  }
0x3b8: {  	v8 =	vld [tilespmem:s22+$0xFFFFFFC0]  }
0x3b9: {  	v9 =	vld.idx.msk [tilespmem:v0+s1+$0x0], $0xffff  }
0x3ba: {  	v10 =	vld.idx.msk [tilespmem:v1+s1+$0x0], $0xffff  }
0x3bb: {  	v5 =	vld.idx.msk [tilespmem:v2+s1+$0x0], $0xffff  }
0x3bc: {  	v3 =	vld.idx.msk [tilespmem:v3+s1+$0x0], $0xffff  }
0x3bd: {  	v1 =	vld.idx.msk [tilespmem:v4+s1+$0x0], $0xffff  }
0x3be: {  	s8 =	simm.s32 $0x1C340;
	v0 =	vld.idx.msk [tilespmem:v6+s1+$0x0], $0xffff  }
0x3bf: {  	v2 =	vld.idx.msk [tilespmem:v7+s1+$0x0], $0xffff;
	[tilespmem:s8+$0x30] =	vst v9  }
0x3c0: {  	s5 =	simm.s32 $0x187C0;
	s22 =	simm.s32 $0x0;
	v4 =	vld.idx.msk [tilespmem:v8+s1+$0x0], $0xffff;
	[tilespmem:s8+$0xFFFFFFD0] =	vst v10  }
.LBB2_38:
0x3c1: {  	v6 =	vld [tilespmem:s5+$0x30];
	s22 =	sadd.s32 $0x80, s22;
	[tilespmem:s8+$0xFFFFFFE0] =	vst v5  }
0x3c2: {  	v5 =	vld [tilespmem:s5+$0xFFFFFFD0];
	p0 =	slt.u32 s22, $0x380;
	[tilespmem:s8+$0xFFFFFFF0] =	vst v3  }
0x3c3: {  	v3 =	vld [tilespmem:s5+$0xFFFFFFE0];
	[tilespmem:s8+$0x0] =	vst v1  }
0x3c4: {  	v1 =	vld [tilespmem:s5+$0xFFFFFFF0];
	[tilespmem:s8+$0x10] =	vst v0  }
0x3c5: {  	v0 =	vld [tilespmem:s5+$0x0];
	[tilespmem:s8+$0x20] =	vst v2  }
0x3c6: {  	v2 =	vld [tilespmem:s5+$0x10];
	[tilespmem:s8+$0xFFFFFFC0] =	vst v4  }
0x3c7: {  	v4 =	vld [tilespmem:s5+$0x20]  }
0x3c8: {  	v7 =	vld [tilespmem:s5+$0xFFFFFFC0]  }
0x3c9: {  	v6 =	vld.idx.msk [tilespmem:v6+s1+$0x0], $0xffff  }
0x3ca: {  	v8 =	vld.idx.msk [tilespmem:v5+s1+$0x0], $0xffff  }
0x3cb: {  	v5 =	vld.idx.msk [tilespmem:v3+s1+$0x0], $0xffff  }
.Ltmp18:
0x3cc: {  	v3 =	vld.idx.msk [tilespmem:v1+s1+$0x0], $0xffff;
	(pc) =	sbr.rel @p0 .LBB2_38-.Ltmp18, $4  }
0x3cd: {  	v1 =	vld.idx.msk [tilespmem:v0+s1+$0x0], $0xffff  }
0x3ce: {  	s8 =	sadd.s32 $0x80, s8;
	v0 =	vld.idx.msk [tilespmem:v2+s1+$0x0], $0xffff  }
0x3cf: {  	v2 =	vld.idx.msk [tilespmem:v4+s1+$0x0], $0xffff;
	[tilespmem:s8+$0x30] =	vst v6  }
0x3d0: {  	s5 =	sadd.s32 $0x80, s5;
	v4 =	vld.idx.msk [tilespmem:v7+s1+$0x0], $0xffff;
	[tilespmem:s8+$0xFFFFFFD0] =	vst v8  }
0x3d1: {  	[tilespmem:s8+$0xFFFFFFE0] =	vst v5  }
0x3d2: {  	[tilespmem:s8+$0xFFFFFFF0] =	vst v3  }
0x3d3: {  	[tilespmem:s8+$0x0] =	vst v1  }
0x3d4: {  	[tilespmem:s8+$0x10] =	vst v0  }
0x3d5: {  	[tilespmem:s8+$0x20] =	vst v2  }
0x3d6: {  	[tilespmem:s8+$0xFFFFFFC0] =	vst v4  }
0x3d7: {  	[tilespmem:s30], [sflag:$0x2] =	stream.linear.gather [hbm4b:s9+s1], $0x1E00, $0x38;
	[tilespmem:$0x1FF00] =	vst v63  }
0x3d8: {  	s5 =	rddreg [dreg:$0x9]  }
0x3d9: {  	[tilespmem:s1], [sflag:$0x5] =	stream.strided.gather [hbm4b:s5+s26], $0x18700, s28, s26, $0x38;
	[tilespmem:$0x1FF00] =	vst v63  }
0x3da: {  	s8 =	rddreg [dreg:$0x1b]  }
0x3db: {  	[hbm4b:s8+s26] =	stream.strided.scatter [tilespmem:s0], [sflag:$0x3], $0x400, s28, s26, $0x38;
	[tilespmem:$0x1FF00] =	vst v63  }
0x3dc: {  	_ =	swait.ge [sflag:s29], $0x18700  }
0x3dd: {  	[sflag:s29] =	ssyncset.done $0x0  }
0x3de: {  	[sflag:s29] =	ssyncadd.s32 $0xFFFE7900  }
0x3df: {  	[tilespmem:s25], [sflag:$0x1] =	stream.linear.gather [hbm4b:s10+s1], $0x1E00, $0x38;
	[tilespmem:$0x1FF00] =	vst v63  }
0x3e0: {  	_ =	swait.ge [sflag:s2], $0x1E00  }
0x3e1: {  	[sflag:s2] =	ssyncset.done $0x0  }
0x3e2: {  	[sflag:s2] =	ssyncadd.s32 $0xFFFFE200  }
0x3e3: {  	_ =	swait.ge [sflag:s6], $0x1E00  }
0x3e4: {  	[sflag:s6] =	ssyncset.done $0x0  }
0x3e5: {  	s22 =	simm.s32 $0x1A540;
	[sflag:s6] =	ssyncadd.s32 $0xFFFFE200  }
0x3e6: {  	v0 =	vld [tilespmem:s22+$0x30]  }
0x3e7: {  	v1 =	vld [tilespmem:s22+$0xFFFFFFD0]  }
0x3e8: {  	v2 =	vld [tilespmem:s22+$0xFFFFFFE0]  }
0x3e9: {  	v3 =	vld [tilespmem:s22+$0xFFFFFFF0]  }
0x3ea: {  	v4 =	vld [tilespmem:s22+$0x0]  }
0x3eb: {  	v6 =	vld [tilespmem:s22+$0x10]  }
0x3ec: {  	v7 =	vld [tilespmem:s22+$0x20]  }
0x3ed: {  	v8 =	vld [tilespmem:s22+$0xFFFFFFC0]  }
0x3ee: {  	v9 =	vld.idx.msk [tilespmem:v0+s1+$0x0], $0xffff  }
0x3ef: {  	v10 =	vld.idx.msk [tilespmem:v1+s1+$0x0], $0xffff  }
0x3f0: {  	v5 =	vld.idx.msk [tilespmem:v2+s1+$0x0], $0xffff  }
0x3f1: {  	v3 =	vld.idx.msk [tilespmem:v3+s1+$0x0], $0xffff  }
0x3f2: {  	v1 =	vld.idx.msk [tilespmem:v4+s1+$0x0], $0xffff  }
0x3f3: {  	s8 =	simm.s32 $0x1E140;
	v0 =	vld.idx.msk [tilespmem:v6+s1+$0x0], $0xffff  }
0x3f4: {  	v2 =	vld.idx.msk [tilespmem:v7+s1+$0x0], $0xffff;
	[tilespmem:s8+$0x30] =	vst v9  }
0x3f5: {  	s5 =	simm.s32 $0x1A5C0;
	s22 =	simm.s32 $0x0;
	v4 =	vld.idx.msk [tilespmem:v8+s1+$0x0], $0xffff;
	[tilespmem:s8+$0xFFFFFFD0] =	vst v10  }
.LBB2_40:
0x3f6: {  	v6 =	vld [tilespmem:s5+$0x30];
	s22 =	sadd.s32 $0x80, s22;
	[tilespmem:s8+$0xFFFFFFE0] =	vst v5  }
0x3f7: {  	v5 =	vld [tilespmem:s5+$0xFFFFFFD0];
	p0 =	slt.u32 s22, $0x1D80;
	[tilespmem:s8+$0xFFFFFFF0] =	vst v3  }
0x3f8: {  	v3 =	vld [tilespmem:s5+$0xFFFFFFE0];
	[tilespmem:s8+$0x0] =	vst v1  }
0x3f9: {  	v1 =	vld [tilespmem:s5+$0xFFFFFFF0];
	[tilespmem:s8+$0x10] =	vst v0  }
0x3fa: {  	v0 =	vld [tilespmem:s5+$0x0];
	[tilespmem:s8+$0x20] =	vst v2  }
0x3fb: {  	v2 =	vld [tilespmem:s5+$0x10];
	[tilespmem:s8+$0xFFFFFFC0] =	vst v4  }
0x3fc: {  	v4 =	vld [tilespmem:s5+$0x20]  }
0x3fd: {  	v7 =	vld [tilespmem:s5+$0xFFFFFFC0]  }
0x3fe: {  	v6 =	vld.idx.msk [tilespmem:v6+s1+$0x0], $0xffff  }
0x3ff: {  	v8 =	vld.idx.msk [tilespmem:v5+s1+$0x0], $0xffff  }
0x400: {  	v5 =	vld.idx.msk [tilespmem:v3+s1+$0x0], $0xffff  }
.Ltmp19:
0x401: {  	v3 =	vld.idx.msk [tilespmem:v1+s1+$0x0], $0xffff;
	(pc) =	sbr.rel @p0 .LBB2_40-.Ltmp19, $4  }
0x402: {  	v1 =	vld.idx.msk [tilespmem:v0+s1+$0x0], $0xffff  }
0x403: {  	s8 =	sadd.s32 $0x80, s8;
	v0 =	vld.idx.msk [tilespmem:v2+s1+$0x0], $0xffff  }
0x404: {  	v2 =	vld.idx.msk [tilespmem:v4+s1+$0x0], $0xffff;
	[tilespmem:s8+$0x30] =	vst v6  }
0x405: {  	s5 =	sadd.s32 $0x80, s5;
	v4 =	vld.idx.msk [tilespmem:v7+s1+$0x0], $0xffff;
	[tilespmem:s8+$0xFFFFFFD0] =	vst v8  }
0x406: {  	[tilespmem:s8+$0xFFFFFFE0] =	vst v5  }
0x407: {  	[tilespmem:s8+$0xFFFFFFF0] =	vst v3  }
0x408: {  	[tilespmem:s8+$0x0] =	vst v1  }
0x409: {  	[tilespmem:s8+$0x10] =	vst v0  }
0x40a: {  	[tilespmem:s8+$0x20] =	vst v2  }
0x40b: {  	[tilespmem:s8+$0xFFFFFFC0] =	vst v4  }
0x40c: {  	s5 =	rddreg [dreg:$0x1d]  }
0x40d: {  	[hbm4b:s5+s26] =	stream.strided.scatter [tilespmem:s3], [sflag:$0x4], $0x1E00, s28, s26, $0x38;
	[tilespmem:$0x1FF00] =	vst v63  }
0x40e: {  	_ = 	snop  }
0x40f: {  	[tilespmem:s30], [sflag:$0x2] =	stream.linear.gather [hbm4b:s11+s1], $0x1E00, $0x38;
	[tilespmem:$0x1FF00] =	vst v63  }
0x410: {  	_ =	swait.ge [sflag:s31], $0x1E00  }
0x411: {  	[sflag:s31] =	ssyncset.done $0x0  }
0x412: {  	[sflag:s31] =	ssyncadd.s32 $0xFFFFE200  }
0x413: {  	_ =	swait.ge [sflag:s4], $0x400  }
0x414: {  	[sflag:s4] =	ssyncset.done $0x0  }
0x415: {  	s22 =	simm.s32 $0x18740;
	[sflag:s4] =	ssyncadd.s32 $0xFFFFFC00  }
0x416: {  	v0 =	vld [tilespmem:s22+$0x30]  }
0x417: {  	v1 =	vld [tilespmem:s22+$0xFFFFFFD0]  }
0x418: {  	v2 =	vld [tilespmem:s22+$0xFFFFFFE0]  }
0x419: {  	v3 =	vld [tilespmem:s22+$0xFFFFFFF0]  }
0x41a: {  	v4 =	vld [tilespmem:s22+$0x0]  }
0x41b: {  	v6 =	vld [tilespmem:s22+$0x10]  }
0x41c: {  	v7 =	vld [tilespmem:s22+$0x20]  }
0x41d: {  	v8 =	vld [tilespmem:s22+$0xFFFFFFC0]  }
0x41e: {  	v9 =	vld.idx.msk [tilespmem:v0+s1+$0x0], $0xffff  }
0x41f: {  	v10 =	vld.idx.msk [tilespmem:v1+s1+$0x0], $0xffff  }
0x420: {  	v5 =	vld.idx.msk [tilespmem:v2+s1+$0x0], $0xffff  }
0x421: {  	v3 =	vld.idx.msk [tilespmem:v3+s1+$0x0], $0xffff  }
0x422: {  	v1 =	vld.idx.msk [tilespmem:v4+s1+$0x0], $0xffff  }
0x423: {  	s8 =	simm.s32 $0x1C340;
	v0 =	vld.idx.msk [tilespmem:v6+s1+$0x0], $0xffff  }
0x424: {  	v2 =	vld.idx.msk [tilespmem:v7+s1+$0x0], $0xffff;
	[tilespmem:s8+$0x30] =	vst v9  }
0x425: {  	s5 =	simm.s32 $0x187C0;
	s22 =	simm.s32 $0x0;
	v4 =	vld.idx.msk [tilespmem:v8+s1+$0x0], $0xffff;
	[tilespmem:s8+$0xFFFFFFD0] =	vst v10  }
.LBB2_42:
0x426: {  	v6 =	vld [tilespmem:s5+$0x30];
	s22 =	sadd.s32 $0x80, s22;
	[tilespmem:s8+$0xFFFFFFE0] =	vst v5  }
0x427: {  	v5 =	vld [tilespmem:s5+$0xFFFFFFD0];
	p0 =	slt.u32 s22, $0x1D80;
	[tilespmem:s8+$0xFFFFFFF0] =	vst v3  }
0x428: {  	v3 =	vld [tilespmem:s5+$0xFFFFFFE0];
	[tilespmem:s8+$0x0] =	vst v1  }
0x429: {  	v1 =	vld [tilespmem:s5+$0xFFFFFFF0];
	[tilespmem:s8+$0x10] =	vst v0  }
0x42a: {  	v0 =	vld [tilespmem:s5+$0x0];
	[tilespmem:s8+$0x20] =	vst v2  }
0x42b: {  	v2 =	vld [tilespmem:s5+$0x10];
	[tilespmem:s8+$0xFFFFFFC0] =	vst v4  }
0x42c: {  	v4 =	vld [tilespmem:s5+$0x20]  }
0x42d: {  	v7 =	vld [tilespmem:s5+$0xFFFFFFC0]  }
0x42e: {  	v6 =	vld.idx.msk [tilespmem:v6+s1+$0x0], $0xffff  }
0x42f: {  	v8 =	vld.idx.msk [tilespmem:v5+s1+$0x0], $0xffff  }
0x430: {  	v5 =	vld.idx.msk [tilespmem:v3+s1+$0x0], $0xffff  }
.Ltmp20:
0x431: {  	v3 =	vld.idx.msk [tilespmem:v1+s1+$0x0], $0xffff;
	(pc) =	sbr.rel @p0 .LBB2_42-.Ltmp20, $4  }
0x432: {  	v1 =	vld.idx.msk [tilespmem:v0+s1+$0x0], $0xffff  }
0x433: {  	s8 =	sadd.s32 $0x80, s8;
	v0 =	vld.idx.msk [tilespmem:v2+s1+$0x0], $0xffff  }
0x434: {  	v2 =	vld.idx.msk [tilespmem:v4+s1+$0x0], $0xffff;
	[tilespmem:s8+$0x30] =	vst v6  }
0x435: {  	s5 =	sadd.s32 $0x80, s5;
	v4 =	vld.idx.msk [tilespmem:v7+s1+$0x0], $0xffff;
	[tilespmem:s8+$0xFFFFFFD0] =	vst v8  }
0x436: {  	[tilespmem:s8+$0xFFFFFFE0] =	vst v5  }
0x437: {  	[tilespmem:s8+$0xFFFFFFF0] =	vst v3  }
0x438: {  	[tilespmem:s8+$0x0] =	vst v1  }
0x439: {  	[tilespmem:s8+$0x10] =	vst v0  }
0x43a: {  	[tilespmem:s8+$0x20] =	vst v2  }
0x43b: {  	[tilespmem:s8+$0xFFFFFFC0] =	vst v4  }
0x43c: {  	s5 =	rddreg [dreg:$0x1e]  }
0x43d: {  	[hbm4b:s5+s26] =	stream.strided.scatter [tilespmem:s0], [sflag:$0x3], $0x1E00, s28, s26, $0x38;
	[tilespmem:$0x1FF00] =	vst v63  }
0x43e: {  	_ = 	snop  }
0x43f: {  	[tilespmem:s25], [sflag:$0x1] =	stream.linear.gather [hbm4b:s12+s1], $0x1E00, $0x38;
	[tilespmem:$0x1FF00] =	vst v63  }
0x440: {  	_ =	swait.ge [sflag:s2], $0x1E00  }
0x441: {  	[sflag:s2] =	ssyncset.done $0x0  }
0x442: {  	[sflag:s2] =	ssyncadd.s32 $0xFFFFE200  }
0x443: {  	_ =	swait.ge [sflag:s6], $0x1E00  }
0x444: {  	[sflag:s6] =	ssyncset.done $0x0  }
0x445: {  	s22 =	simm.s32 $0x1A540;
	[sflag:s6] =	ssyncadd.s32 $0xFFFFE200  }
0x446: {  	v0 =	vld [tilespmem:s22+$0x30]  }
0x447: {  	v1 =	vld [tilespmem:s22+$0xFFFFFFD0]  }
0x448: {  	v2 =	vld [tilespmem:s22+$0xFFFFFFE0]  }
0x449: {  	v3 =	vld [tilespmem:s22+$0xFFFFFFF0]  }
0x44a: {  	v4 =	vld [tilespmem:s22+$0x0]  }
0x44b: {  	v6 =	vld [tilespmem:s22+$0x10]  }
0x44c: {  	v7 =	vld [tilespmem:s22+$0x20]  }
0x44d: {  	v8 =	vld [tilespmem:s22+$0xFFFFFFC0]  }
0x44e: {  	v9 =	vld.idx.msk [tilespmem:v0+s1+$0x0], $0xffff  }
0x44f: {  	v10 =	vld.idx.msk [tilespmem:v1+s1+$0x0], $0xffff  }
0x450: {  	v5 =	vld.idx.msk [tilespmem:v2+s1+$0x0], $0xffff  }
0x451: {  	v3 =	vld.idx.msk [tilespmem:v3+s1+$0x0], $0xffff  }
0x452: {  	v1 =	vld.idx.msk [tilespmem:v4+s1+$0x0], $0xffff  }
0x453: {  	s8 =	simm.s32 $0x1E140;
	v0 =	vld.idx.msk [tilespmem:v6+s1+$0x0], $0xffff  }
0x454: {  	v2 =	vld.idx.msk [tilespmem:v7+s1+$0x0], $0xffff;
	[tilespmem:s8+$0x30] =	vst v9  }
0x455: {  	s5 =	simm.s32 $0x1A5C0;
	s22 =	simm.s32 $0x0;
	v4 =	vld.idx.msk [tilespmem:v8+s1+$0x0], $0xffff;
	[tilespmem:s8+$0xFFFFFFD0] =	vst v10  }
.LBB2_44:
0x456: {  	v6 =	vld [tilespmem:s5+$0x30];
	s22 =	sadd.s32 $0x80, s22;
	[tilespmem:s8+$0xFFFFFFE0] =	vst v5  }
0x457: {  	v5 =	vld [tilespmem:s5+$0xFFFFFFD0];
	p0 =	slt.u32 s22, $0x1D80;
	[tilespmem:s8+$0xFFFFFFF0] =	vst v3  }
0x458: {  	v3 =	vld [tilespmem:s5+$0xFFFFFFE0];
	[tilespmem:s8+$0x0] =	vst v1  }
0x459: {  	v1 =	vld [tilespmem:s5+$0xFFFFFFF0];
	[tilespmem:s8+$0x10] =	vst v0  }
0x45a: {  	v0 =	vld [tilespmem:s5+$0x0];
	[tilespmem:s8+$0x20] =	vst v2  }
0x45b: {  	v2 =	vld [tilespmem:s5+$0x10];
	[tilespmem:s8+$0xFFFFFFC0] =	vst v4  }
0x45c: {  	v4 =	vld [tilespmem:s5+$0x20]  }
0x45d: {  	v7 =	vld [tilespmem:s5+$0xFFFFFFC0]  }
0x45e: {  	v6 =	vld.idx.msk [tilespmem:v6+s1+$0x0], $0xffff  }
0x45f: {  	v8 =	vld.idx.msk [tilespmem:v5+s1+$0x0], $0xffff  }
0x460: {  	v5 =	vld.idx.msk [tilespmem:v3+s1+$0x0], $0xffff  }
.Ltmp21:
0x461: {  	v3 =	vld.idx.msk [tilespmem:v1+s1+$0x0], $0xffff;
	(pc) =	sbr.rel @p0 .LBB2_44-.Ltmp21, $4  }
0x462: {  	v1 =	vld.idx.msk [tilespmem:v0+s1+$0x0], $0xffff  }
0x463: {  	s8 =	sadd.s32 $0x80, s8;
	v0 =	vld.idx.msk [tilespmem:v2+s1+$0x0], $0xffff  }
0x464: {  	v2 =	vld.idx.msk [tilespmem:v4+s1+$0x0], $0xffff;
	[tilespmem:s8+$0x30] =	vst v6  }
0x465: {  	s5 =	sadd.s32 $0x80, s5;
	v4 =	vld.idx.msk [tilespmem:v7+s1+$0x0], $0xffff;
	[tilespmem:s8+$0xFFFFFFD0] =	vst v8  }
0x466: {  	[tilespmem:s8+$0xFFFFFFE0] =	vst v5  }
0x467: {  	[tilespmem:s8+$0xFFFFFFF0] =	vst v3  }
0x468: {  	[tilespmem:s8+$0x0] =	vst v1  }
0x469: {  	[tilespmem:s8+$0x10] =	vst v0  }
0x46a: {  	[tilespmem:s8+$0x20] =	vst v2  }
0x46b: {  	[tilespmem:s8+$0xFFFFFFC0] =	vst v4  }
0x46c: {  	s5 =	rddreg [dreg:$0x1f]  }
0x46d: {  	[hbm4b:s5+s26] =	stream.strided.scatter [tilespmem:s3], [sflag:$0x4], $0x1E00, s28, s26, $0x38;
	[tilespmem:$0x1FF00] =	vst v63  }
0x46e: {  	_ = 	snop  }
0x46f: {  	[tilespmem:s30], [sflag:$0x2] =	stream.linear.gather [hbm4b:s13+s1], $0x1E00, $0x38;
	[tilespmem:$0x1FF00] =	vst v63  }
0x470: {  	_ =	swait.ge [sflag:s31], $0x1E00  }
0x471: {  	[sflag:s31] =	ssyncset.done $0x0  }
0x472: {  	[sflag:s31] =	ssyncadd.s32 $0xFFFFE200  }
0x473: {  	_ =	swait.ge [sflag:s4], $0x1E00  }
0x474: {  	[sflag:s4] =	ssyncset.done $0x0  }
0x475: {  	s22 =	simm.s32 $0x18740;
	[sflag:s4] =	ssyncadd.s32 $0xFFFFE200  }
0x476: {  	v0 =	vld [tilespmem:s22+$0x30]  }
0x477: {  	v1 =	vld [tilespmem:s22+$0xFFFFFFD0]  }
0x478: {  	v2 =	vld [tilespmem:s22+$0xFFFFFFE0]  }
0x479: {  	v3 =	vld [tilespmem:s22+$0xFFFFFFF0]  }
0x47a: {  	v4 =	vld [tilespmem:s22+$0x0]  }
0x47b: {  	v6 =	vld [tilespmem:s22+$0x10]  }
0x47c: {  	v7 =	vld [tilespmem:s22+$0x20]  }
0x47d: {  	v8 =	vld [tilespmem:s22+$0xFFFFFFC0]  }
0x47e: {  	v9 =	vld.idx.msk [tilespmem:v0+s1+$0x0], $0xffff  }
0x47f: {  	v10 =	vld.idx.msk [tilespmem:v1+s1+$0x0], $0xffff  }
0x480: {  	v5 =	vld.idx.msk [tilespmem:v2+s1+$0x0], $0xffff  }
0x481: {  	v3 =	vld.idx.msk [tilespmem:v3+s1+$0x0], $0xffff  }
0x482: {  	v1 =	vld.idx.msk [tilespmem:v4+s1+$0x0], $0xffff  }
0x483: {  	s8 =	simm.s32 $0x1C340;
	v0 =	vld.idx.msk [tilespmem:v6+s1+$0x0], $0xffff  }
0x484: {  	v2 =	vld.idx.msk [tilespmem:v7+s1+$0x0], $0xffff;
	[tilespmem:s8+$0x30] =	vst v9  }
0x485: {  	s5 =	simm.s32 $0x187C0;
	s22 =	simm.s32 $0x0;
	v4 =	vld.idx.msk [tilespmem:v8+s1+$0x0], $0xffff;
	[tilespmem:s8+$0xFFFFFFD0] =	vst v10  }
.LBB2_46:
0x486: {  	v6 =	vld [tilespmem:s5+$0x30];
	s22 =	sadd.s32 $0x80, s22;
	[tilespmem:s8+$0xFFFFFFE0] =	vst v5  }
0x487: {  	v5 =	vld [tilespmem:s5+$0xFFFFFFD0];
	p0 =	slt.u32 s22, $0x1D80;
	[tilespmem:s8+$0xFFFFFFF0] =	vst v3  }
0x488: {  	v3 =	vld [tilespmem:s5+$0xFFFFFFE0];
	[tilespmem:s8+$0x0] =	vst v1  }
0x489: {  	v1 =	vld [tilespmem:s5+$0xFFFFFFF0];
	[tilespmem:s8+$0x10] =	vst v0  }
0x48a: {  	v0 =	vld [tilespmem:s5+$0x0];
	[tilespmem:s8+$0x20] =	vst v2  }
0x48b: {  	v2 =	vld [tilespmem:s5+$0x10];
	[tilespmem:s8+$0xFFFFFFC0] =	vst v4  }
0x48c: {  	v4 =	vld [tilespmem:s5+$0x20]  }
0x48d: {  	v7 =	vld [tilespmem:s5+$0xFFFFFFC0]  }
0x48e: {  	v6 =	vld.idx.msk [tilespmem:v6+s1+$0x0], $0xffff  }
0x48f: {  	v8 =	vld.idx.msk [tilespmem:v5+s1+$0x0], $0xffff  }
0x490: {  	v5 =	vld.idx.msk [tilespmem:v3+s1+$0x0], $0xffff  }
.Ltmp22:
0x491: {  	v3 =	vld.idx.msk [tilespmem:v1+s1+$0x0], $0xffff;
	(pc) =	sbr.rel @p0 .LBB2_46-.Ltmp22, $4  }
0x492: {  	v1 =	vld.idx.msk [tilespmem:v0+s1+$0x0], $0xffff  }
0x493: {  	s8 =	sadd.s32 $0x80, s8;
	v0 =	vld.idx.msk [tilespmem:v2+s1+$0x0], $0xffff  }
0x494: {  	v2 =	vld.idx.msk [tilespmem:v4+s1+$0x0], $0xffff;
	[tilespmem:s8+$0x30] =	vst v6  }
0x495: {  	s5 =	sadd.s32 $0x80, s5;
	v4 =	vld.idx.msk [tilespmem:v7+s1+$0x0], $0xffff;
	[tilespmem:s8+$0xFFFFFFD0] =	vst v8  }
0x496: {  	[tilespmem:s8+$0xFFFFFFE0] =	vst v5  }
0x497: {  	[tilespmem:s8+$0xFFFFFFF0] =	vst v3  }
0x498: {  	[tilespmem:s8+$0x0] =	vst v1  }
0x499: {  	[tilespmem:s8+$0x10] =	vst v0  }
0x49a: {  	[tilespmem:s8+$0x20] =	vst v2  }
0x49b: {  	[tilespmem:s8+$0xFFFFFFC0] =	vst v4  }
0x49c: {  	s5 =	sld [smem:$0x7F1];
	_ =	sdelay $0x2  }
0x49d: {  	[hbm4b:s5+s26] =	stream.strided.scatter [tilespmem:s0], [sflag:$0x3], $0x1E00, s28, s26, $0x38;
	[tilespmem:$0x1FF00] =	vst v63  }
0x49e: {  	_ = 	snop  }
0x49f: {  	[tilespmem:s25], [sflag:$0x1] =	stream.linear.gather [hbm4b:s14+s1], $0x1E00, $0x38;
	[tilespmem:$0x1FF00] =	vst v63  }
0x4a0: {  	_ =	swait.ge [sflag:s2], $0x1E00  }
0x4a1: {  	[sflag:s2] =	ssyncset.done $0x0  }
0x4a2: {  	[sflag:s2] =	ssyncadd.s32 $0xFFFFE200  }
0x4a3: {  	_ =	swait.ge [sflag:s6], $0x1E00  }
0x4a4: {  	[sflag:s6] =	ssyncset.done $0x0  }
0x4a5: {  	s22 =	simm.s32 $0x1A540;
	[sflag:s6] =	ssyncadd.s32 $0xFFFFE200  }
0x4a6: {  	v0 =	vld [tilespmem:s22+$0x30]  }
0x4a7: {  	v1 =	vld [tilespmem:s22+$0xFFFFFFD0]  }
0x4a8: {  	v2 =	vld [tilespmem:s22+$0xFFFFFFE0]  }
0x4a9: {  	v3 =	vld [tilespmem:s22+$0xFFFFFFF0]  }
0x4aa: {  	v4 =	vld [tilespmem:s22+$0x0]  }
0x4ab: {  	v6 =	vld [tilespmem:s22+$0x10]  }
0x4ac: {  	v7 =	vld [tilespmem:s22+$0x20]  }
0x4ad: {  	v8 =	vld [tilespmem:s22+$0xFFFFFFC0]  }
0x4ae: {  	v9 =	vld.idx.msk [tilespmem:v0+s1+$0x0], $0xffff  }
0x4af: {  	v10 =	vld.idx.msk [tilespmem:v1+s1+$0x0], $0xffff  }
0x4b0: {  	v5 =	vld.idx.msk [tilespmem:v2+s1+$0x0], $0xffff  }
0x4b1: {  	v3 =	vld.idx.msk [tilespmem:v3+s1+$0x0], $0xffff  }
0x4b2: {  	v1 =	vld.idx.msk [tilespmem:v4+s1+$0x0], $0xffff  }
0x4b3: {  	s8 =	simm.s32 $0x1E140;
	v0 =	vld.idx.msk [tilespmem:v6+s1+$0x0], $0xffff  }
0x4b4: {  	v2 =	vld.idx.msk [tilespmem:v7+s1+$0x0], $0xffff;
	[tilespmem:s8+$0x30] =	vst v9  }
0x4b5: {  	s5 =	simm.s32 $0x1A5C0;
	s22 =	simm.s32 $0x0;
	v4 =	vld.idx.msk [tilespmem:v8+s1+$0x0], $0xffff;
	[tilespmem:s8+$0xFFFFFFD0] =	vst v10  }
.LBB2_48:
0x4b6: {  	v6 =	vld [tilespmem:s5+$0x30];
	s22 =	sadd.s32 $0x80, s22;
	[tilespmem:s8+$0xFFFFFFE0] =	vst v5  }
0x4b7: {  	v5 =	vld [tilespmem:s5+$0xFFFFFFD0];
	p0 =	slt.u32 s22, $0x1D80;
	[tilespmem:s8+$0xFFFFFFF0] =	vst v3  }
0x4b8: {  	v3 =	vld [tilespmem:s5+$0xFFFFFFE0];
	[tilespmem:s8+$0x0] =	vst v1  }
0x4b9: {  	v1 =	vld [tilespmem:s5+$0xFFFFFFF0];
	[tilespmem:s8+$0x10] =	vst v0  }
0x4ba: {  	v0 =	vld [tilespmem:s5+$0x0];
	[tilespmem:s8+$0x20] =	vst v2  }
0x4bb: {  	v2 =	vld [tilespmem:s5+$0x10];
	[tilespmem:s8+$0xFFFFFFC0] =	vst v4  }
0x4bc: {  	v4 =	vld [tilespmem:s5+$0x20]  }
0x4bd: {  	v7 =	vld [tilespmem:s5+$0xFFFFFFC0]  }
0x4be: {  	v6 =	vld.idx.msk [tilespmem:v6+s1+$0x0], $0xffff  }
0x4bf: {  	v8 =	vld.idx.msk [tilespmem:v5+s1+$0x0], $0xffff  }
0x4c0: {  	v5 =	vld.idx.msk [tilespmem:v3+s1+$0x0], $0xffff  }
.Ltmp23:
0x4c1: {  	v3 =	vld.idx.msk [tilespmem:v1+s1+$0x0], $0xffff;
	(pc) =	sbr.rel @p0 .LBB2_48-.Ltmp23, $4  }
0x4c2: {  	v1 =	vld.idx.msk [tilespmem:v0+s1+$0x0], $0xffff  }
0x4c3: {  	s8 =	sadd.s32 $0x80, s8;
	v0 =	vld.idx.msk [tilespmem:v2+s1+$0x0], $0xffff  }
0x4c4: {  	v2 =	vld.idx.msk [tilespmem:v4+s1+$0x0], $0xffff;
	[tilespmem:s8+$0x30] =	vst v6  }
0x4c5: {  	s5 =	sadd.s32 $0x80, s5;
	v4 =	vld.idx.msk [tilespmem:v7+s1+$0x0], $0xffff;
	[tilespmem:s8+$0xFFFFFFD0] =	vst v8  }
0x4c6: {  	[tilespmem:s8+$0xFFFFFFE0] =	vst v5  }
0x4c7: {  	[tilespmem:s8+$0xFFFFFFF0] =	vst v3  }
0x4c8: {  	[tilespmem:s8+$0x0] =	vst v1  }
0x4c9: {  	[tilespmem:s8+$0x10] =	vst v0  }
0x4ca: {  	[tilespmem:s8+$0x20] =	vst v2  }
0x4cb: {  	[tilespmem:s8+$0xFFFFFFC0] =	vst v4  }
0x4cc: {  	s5 =	sld [smem:$0x7F2];
	_ =	sdelay $0x2  }
0x4cd: {  	[hbm4b:s5+s26] =	stream.strided.scatter [tilespmem:s3], [sflag:$0x4], $0x1E00, s28, s26, $0x38;
	[tilespmem:$0x1FF00] =	vst v63  }
0x4ce: {  	_ = 	snop  }
0x4cf: {  	[tilespmem:s30], [sflag:$0x2] =	stream.linear.gather [hbm4b:s15+s1], $0x1E00, $0x38;
	[tilespmem:$0x1FF00] =	vst v63  }
0x4d0: {  	_ =	swait.ge [sflag:s31], $0x1E00  }
0x4d1: {  	[sflag:s31] =	ssyncset.done $0x0  }
0x4d2: {  	[sflag:s31] =	ssyncadd.s32 $0xFFFFE200  }
0x4d3: {  	_ =	swait.ge [sflag:s4], $0x1E00  }
0x4d4: {  	[sflag:s4] =	ssyncset.done $0x0  }
0x4d5: {  	s22 =	simm.s32 $0x18740;
	[sflag:s4] =	ssyncadd.s32 $0xFFFFE200  }
0x4d6: {  	v0 =	vld [tilespmem:s22+$0x30]  }
0x4d7: {  	v1 =	vld [tilespmem:s22+$0xFFFFFFD0]  }
0x4d8: {  	v2 =	vld [tilespmem:s22+$0xFFFFFFE0]  }
0x4d9: {  	v3 =	vld [tilespmem:s22+$0xFFFFFFF0]  }
0x4da: {  	v4 =	vld [tilespmem:s22+$0x0]  }
0x4db: {  	v6 =	vld [tilespmem:s22+$0x10]  }
0x4dc: {  	v7 =	vld [tilespmem:s22+$0x20]  }
0x4dd: {  	v8 =	vld [tilespmem:s22+$0xFFFFFFC0]  }
0x4de: {  	v9 =	vld.idx.msk [tilespmem:v0+s1+$0x0], $0xffff  }
0x4df: {  	v10 =	vld.idx.msk [tilespmem:v1+s1+$0x0], $0xffff  }
0x4e0: {  	v5 =	vld.idx.msk [tilespmem:v2+s1+$0x0], $0xffff  }
0x4e1: {  	v3 =	vld.idx.msk [tilespmem:v3+s1+$0x0], $0xffff  }
0x4e2: {  	v1 =	vld.idx.msk [tilespmem:v4+s1+$0x0], $0xffff  }
0x4e3: {  	s8 =	simm.s32 $0x1C340;
	v0 =	vld.idx.msk [tilespmem:v6+s1+$0x0], $0xffff  }
0x4e4: {  	v2 =	vld.idx.msk [tilespmem:v7+s1+$0x0], $0xffff;
	[tilespmem:s8+$0x30] =	vst v9  }
0x4e5: {  	s5 =	simm.s32 $0x187C0;
	s22 =	simm.s32 $0x0;
	v4 =	vld.idx.msk [tilespmem:v8+s1+$0x0], $0xffff;
	[tilespmem:s8+$0xFFFFFFD0] =	vst v10  }
.LBB2_50:
0x4e6: {  	v6 =	vld [tilespmem:s5+$0x30];
	s22 =	sadd.s32 $0x80, s22;
	[tilespmem:s8+$0xFFFFFFE0] =	vst v5  }
0x4e7: {  	v5 =	vld [tilespmem:s5+$0xFFFFFFD0];
	p0 =	slt.u32 s22, $0x1D80;
	[tilespmem:s8+$0xFFFFFFF0] =	vst v3  }
0x4e8: {  	v3 =	vld [tilespmem:s5+$0xFFFFFFE0];
	[tilespmem:s8+$0x0] =	vst v1  }
0x4e9: {  	v1 =	vld [tilespmem:s5+$0xFFFFFFF0];
	[tilespmem:s8+$0x10] =	vst v0  }
0x4ea: {  	v0 =	vld [tilespmem:s5+$0x0];
	[tilespmem:s8+$0x20] =	vst v2  }
0x4eb: {  	v2 =	vld [tilespmem:s5+$0x10];
	[tilespmem:s8+$0xFFFFFFC0] =	vst v4  }
0x4ec: {  	v4 =	vld [tilespmem:s5+$0x20]  }
0x4ed: {  	v7 =	vld [tilespmem:s5+$0xFFFFFFC0]  }
0x4ee: {  	v6 =	vld.idx.msk [tilespmem:v6+s1+$0x0], $0xffff  }
0x4ef: {  	v8 =	vld.idx.msk [tilespmem:v5+s1+$0x0], $0xffff  }
0x4f0: {  	v5 =	vld.idx.msk [tilespmem:v3+s1+$0x0], $0xffff  }
.Ltmp24:
0x4f1: {  	v3 =	vld.idx.msk [tilespmem:v1+s1+$0x0], $0xffff;
	(pc) =	sbr.rel @p0 .LBB2_50-.Ltmp24, $4  }
0x4f2: {  	v1 =	vld.idx.msk [tilespmem:v0+s1+$0x0], $0xffff  }
0x4f3: {  	s8 =	sadd.s32 $0x80, s8;
	v0 =	vld.idx.msk [tilespmem:v2+s1+$0x0], $0xffff  }
0x4f4: {  	v2 =	vld.idx.msk [tilespmem:v4+s1+$0x0], $0xffff;
	[tilespmem:s8+$0x30] =	vst v6  }
0x4f5: {  	s5 =	sadd.s32 $0x80, s5;
	v4 =	vld.idx.msk [tilespmem:v7+s1+$0x0], $0xffff;
	[tilespmem:s8+$0xFFFFFFD0] =	vst v8  }
0x4f6: {  	[tilespmem:s8+$0xFFFFFFE0] =	vst v5  }
0x4f7: {  	[tilespmem:s8+$0xFFFFFFF0] =	vst v3  }
0x4f8: {  	[tilespmem:s8+$0x0] =	vst v1  }
0x4f9: {  	[tilespmem:s8+$0x10] =	vst v0  }
0x4fa: {  	[tilespmem:s8+$0x20] =	vst v2  }
0x4fb: {  	[tilespmem:s8+$0xFFFFFFC0] =	vst v4  }
0x4fc: {  	s5 =	sld [smem:$0x7F3];
	_ =	sdelay $0x2  }
0x4fd: {  	[hbm4b:s5+s26] =	stream.strided.scatter [tilespmem:s0], [sflag:$0x3], $0x1E00, s28, s26, $0x38;
	[tilespmem:$0x1FF00] =	vst v63  }
0x4fe: {  	_ = 	snop  }
0x4ff: {  	[tilespmem:s25], [sflag:$0x1] =	stream.linear.gather [hbm4b:s16+s1], $0x1E00, $0x38;
	[tilespmem:$0x1FF00] =	vst v63  }
0x500: {  	_ =	swait.ge [sflag:s2], $0x1E00  }
0x501: {  	[sflag:s2] =	ssyncset.done $0x0  }
0x502: {  	[sflag:s2] =	ssyncadd.s32 $0xFFFFE200  }
0x503: {  	_ =	swait.ge [sflag:s6], $0x1E00  }
0x504: {  	[sflag:s6] =	ssyncset.done $0x0  }
0x505: {  	s22 =	simm.s32 $0x1A540;
	[sflag:s6] =	ssyncadd.s32 $0xFFFFE200  }
0x506: {  	v0 =	vld [tilespmem:s22+$0x30]  }
0x507: {  	v1 =	vld [tilespmem:s22+$0xFFFFFFD0]  }
0x508: {  	v2 =	vld [tilespmem:s22+$0xFFFFFFE0]  }
0x509: {  	v3 =	vld [tilespmem:s22+$0xFFFFFFF0]  }
0x50a: {  	v4 =	vld [tilespmem:s22+$0x0]  }
0x50b: {  	v6 =	vld [tilespmem:s22+$0x10]  }
0x50c: {  	v7 =	vld [tilespmem:s22+$0x20]  }
0x50d: {  	v8 =	vld [tilespmem:s22+$0xFFFFFFC0]  }
0x50e: {  	v9 =	vld.idx.msk [tilespmem:v0+s1+$0x0], $0xffff  }
0x50f: {  	v10 =	vld.idx.msk [tilespmem:v1+s1+$0x0], $0xffff  }
0x510: {  	v5 =	vld.idx.msk [tilespmem:v2+s1+$0x0], $0xffff  }
0x511: {  	v3 =	vld.idx.msk [tilespmem:v3+s1+$0x0], $0xffff  }
0x512: {  	v1 =	vld.idx.msk [tilespmem:v4+s1+$0x0], $0xffff  }
0x513: {  	s8 =	simm.s32 $0x1E140;
	v0 =	vld.idx.msk [tilespmem:v6+s1+$0x0], $0xffff  }
0x514: {  	v2 =	vld.idx.msk [tilespmem:v7+s1+$0x0], $0xffff;
	[tilespmem:s8+$0x30] =	vst v9  }
0x515: {  	s5 =	simm.s32 $0x1A5C0;
	s22 =	simm.s32 $0x0;
	v4 =	vld.idx.msk [tilespmem:v8+s1+$0x0], $0xffff;
	[tilespmem:s8+$0xFFFFFFD0] =	vst v10  }
.LBB2_52:
0x516: {  	v6 =	vld [tilespmem:s5+$0x30];
	s22 =	sadd.s32 $0x80, s22;
	[tilespmem:s8+$0xFFFFFFE0] =	vst v5  }
0x517: {  	v5 =	vld [tilespmem:s5+$0xFFFFFFD0];
	p0 =	slt.u32 s22, $0x1D80;
	[tilespmem:s8+$0xFFFFFFF0] =	vst v3  }
0x518: {  	v3 =	vld [tilespmem:s5+$0xFFFFFFE0];
	[tilespmem:s8+$0x0] =	vst v1  }
0x519: {  	v1 =	vld [tilespmem:s5+$0xFFFFFFF0];
	[tilespmem:s8+$0x10] =	vst v0  }
0x51a: {  	v0 =	vld [tilespmem:s5+$0x0];
	[tilespmem:s8+$0x20] =	vst v2  }
0x51b: {  	v2 =	vld [tilespmem:s5+$0x10];
	[tilespmem:s8+$0xFFFFFFC0] =	vst v4  }
0x51c: {  	v4 =	vld [tilespmem:s5+$0x20]  }
0x51d: {  	v7 =	vld [tilespmem:s5+$0xFFFFFFC0]  }
0x51e: {  	v6 =	vld.idx.msk [tilespmem:v6+s1+$0x0], $0xffff  }
0x51f: {  	v8 =	vld.idx.msk [tilespmem:v5+s1+$0x0], $0xffff  }
0x520: {  	v5 =	vld.idx.msk [tilespmem:v3+s1+$0x0], $0xffff  }
.Ltmp25:
0x521: {  	v3 =	vld.idx.msk [tilespmem:v1+s1+$0x0], $0xffff;
	(pc) =	sbr.rel @p0 .LBB2_52-.Ltmp25, $4  }
0x522: {  	v1 =	vld.idx.msk [tilespmem:v0+s1+$0x0], $0xffff  }
0x523: {  	s8 =	sadd.s32 $0x80, s8;
	v0 =	vld.idx.msk [tilespmem:v2+s1+$0x0], $0xffff  }
0x524: {  	v2 =	vld.idx.msk [tilespmem:v4+s1+$0x0], $0xffff;
	[tilespmem:s8+$0x30] =	vst v6  }
0x525: {  	s5 =	sadd.s32 $0x80, s5;
	v4 =	vld.idx.msk [tilespmem:v7+s1+$0x0], $0xffff;
	[tilespmem:s8+$0xFFFFFFD0] =	vst v8  }
0x526: {  	[tilespmem:s8+$0xFFFFFFE0] =	vst v5  }
0x527: {  	[tilespmem:s8+$0xFFFFFFF0] =	vst v3  }
0x528: {  	[tilespmem:s8+$0x0] =	vst v1  }
0x529: {  	[tilespmem:s8+$0x10] =	vst v0  }
0x52a: {  	[tilespmem:s8+$0x20] =	vst v2  }
0x52b: {  	[tilespmem:s8+$0xFFFFFFC0] =	vst v4  }
0x52c: {  	s5 =	sld [smem:$0x7F4];
	_ =	sdelay $0x2  }
0x52d: {  	[hbm4b:s5+s26] =	stream.strided.scatter [tilespmem:s3], [sflag:$0x4], $0x1E00, s28, s26, $0x38;
	[tilespmem:$0x1FF00] =	vst v63  }
0x52e: {  	_ = 	snop  }
0x52f: {  	[tilespmem:s30], [sflag:$0x2] =	stream.linear.gather [hbm4b:s17+s1], $0x1E00, $0x38;
	[tilespmem:$0x1FF00] =	vst v63  }
0x530: {  	_ =	swait.ge [sflag:s31], $0x1E00  }
0x531: {  	[sflag:s31] =	ssyncset.done $0x0  }
0x532: {  	[sflag:s31] =	ssyncadd.s32 $0xFFFFE200  }
0x533: {  	_ =	swait.ge [sflag:s4], $0x1E00  }
0x534: {  	[sflag:s4] =	ssyncset.done $0x0  }
0x535: {  	s22 =	simm.s32 $0x18740;
	[sflag:s4] =	ssyncadd.s32 $0xFFFFE200  }
0x536: {  	v0 =	vld [tilespmem:s22+$0x30]  }
0x537: {  	v1 =	vld [tilespmem:s22+$0xFFFFFFD0]  }
0x538: {  	v2 =	vld [tilespmem:s22+$0xFFFFFFE0]  }
0x539: {  	v3 =	vld [tilespmem:s22+$0xFFFFFFF0]  }
0x53a: {  	v4 =	vld [tilespmem:s22+$0x0]  }
0x53b: {  	v6 =	vld [tilespmem:s22+$0x10]  }
0x53c: {  	v7 =	vld [tilespmem:s22+$0x20]  }
0x53d: {  	v8 =	vld [tilespmem:s22+$0xFFFFFFC0]  }
0x53e: {  	v9 =	vld.idx.msk [tilespmem:v0+s1+$0x0], $0xffff  }
0x53f: {  	v10 =	vld.idx.msk [tilespmem:v1+s1+$0x0], $0xffff  }
0x540: {  	v5 =	vld.idx.msk [tilespmem:v2+s1+$0x0], $0xffff  }
0x541: {  	v3 =	vld.idx.msk [tilespmem:v3+s1+$0x0], $0xffff  }
0x542: {  	v1 =	vld.idx.msk [tilespmem:v4+s1+$0x0], $0xffff  }
0x543: {  	s8 =	simm.s32 $0x1C340;
	v0 =	vld.idx.msk [tilespmem:v6+s1+$0x0], $0xffff  }
0x544: {  	v2 =	vld.idx.msk [tilespmem:v7+s1+$0x0], $0xffff;
	[tilespmem:s8+$0x30] =	vst v9  }
0x545: {  	s5 =	simm.s32 $0x187C0;
	s22 =	simm.s32 $0x0;
	v4 =	vld.idx.msk [tilespmem:v8+s1+$0x0], $0xffff;
	[tilespmem:s8+$0xFFFFFFD0] =	vst v10  }
.LBB2_54:
0x546: {  	v6 =	vld [tilespmem:s5+$0x30];
	s22 =	sadd.s32 $0x80, s22;
	[tilespmem:s8+$0xFFFFFFE0] =	vst v5  }
0x547: {  	v5 =	vld [tilespmem:s5+$0xFFFFFFD0];
	p0 =	slt.u32 s22, $0x1D80;
	[tilespmem:s8+$0xFFFFFFF0] =	vst v3  }
0x548: {  	v3 =	vld [tilespmem:s5+$0xFFFFFFE0];
	[tilespmem:s8+$0x0] =	vst v1  }
0x549: {  	v1 =	vld [tilespmem:s5+$0xFFFFFFF0];
	[tilespmem:s8+$0x10] =	vst v0  }
0x54a: {  	v0 =	vld [tilespmem:s5+$0x0];
	[tilespmem:s8+$0x20] =	vst v2  }
0x54b: {  	v2 =	vld [tilespmem:s5+$0x10];
	[tilespmem:s8+$0xFFFFFFC0] =	vst v4  }
0x54c: {  	v4 =	vld [tilespmem:s5+$0x20]  }
0x54d: {  	v7 =	vld [tilespmem:s5+$0xFFFFFFC0]  }
0x54e: {  	v6 =	vld.idx.msk [tilespmem:v6+s1+$0x0], $0xffff  }
0x54f: {  	v8 =	vld.idx.msk [tilespmem:v5+s1+$0x0], $0xffff  }
0x550: {  	v5 =	vld.idx.msk [tilespmem:v3+s1+$0x0], $0xffff  }
.Ltmp26:
0x551: {  	v3 =	vld.idx.msk [tilespmem:v1+s1+$0x0], $0xffff;
	(pc) =	sbr.rel @p0 .LBB2_54-.Ltmp26, $4  }
0x552: {  	v1 =	vld.idx.msk [tilespmem:v0+s1+$0x0], $0xffff  }
0x553: {  	s8 =	sadd.s32 $0x80, s8;
	v0 =	vld.idx.msk [tilespmem:v2+s1+$0x0], $0xffff  }
0x554: {  	v2 =	vld.idx.msk [tilespmem:v4+s1+$0x0], $0xffff;
	[tilespmem:s8+$0x30] =	vst v6  }
0x555: {  	s5 =	sadd.s32 $0x80, s5;
	v4 =	vld.idx.msk [tilespmem:v7+s1+$0x0], $0xffff;
	[tilespmem:s8+$0xFFFFFFD0] =	vst v8  }
0x556: {  	[tilespmem:s8+$0xFFFFFFE0] =	vst v5  }
0x557: {  	[tilespmem:s8+$0xFFFFFFF0] =	vst v3  }
0x558: {  	[tilespmem:s8+$0x0] =	vst v1  }
0x559: {  	[tilespmem:s8+$0x10] =	vst v0  }
0x55a: {  	[tilespmem:s8+$0x20] =	vst v2  }
0x55b: {  	[tilespmem:s8+$0xFFFFFFC0] =	vst v4  }
0x55c: {  	s5 =	sld [smem:$0x7F6];
	_ =	sdelay $0x2  }
0x55d: {  	[hbm4b:s5+s26] =	stream.strided.scatter [tilespmem:s0], [sflag:$0x3], $0x1E00, s28, s26, $0x38;
	[tilespmem:$0x1FF00] =	vst v63  }
0x55e: {  	_ = 	snop  }
0x55f: {  	[tilespmem:s25], [sflag:$0x1] =	stream.linear.gather [hbm4b:s18+s1], $0x1E00, $0x38;
	[tilespmem:$0x1FF00] =	vst v63  }
0x560: {  	_ =	swait.ge [sflag:s2], $0x1E00  }
0x561: {  	[sflag:s2] =	ssyncset.done $0x0  }
0x562: {  	[sflag:s2] =	ssyncadd.s32 $0xFFFFE200  }
0x563: {  	_ =	swait.ge [sflag:s6], $0x1E00  }
0x564: {  	[sflag:s6] =	ssyncset.done $0x0  }
0x565: {  	s22 =	simm.s32 $0x1A540;
	[sflag:s6] =	ssyncadd.s32 $0xFFFFE200  }
0x566: {  	v0 =	vld [tilespmem:s22+$0x30]  }
0x567: {  	v1 =	vld [tilespmem:s22+$0xFFFFFFD0]  }
0x568: {  	v2 =	vld [tilespmem:s22+$0xFFFFFFE0]  }
0x569: {  	v3 =	vld [tilespmem:s22+$0xFFFFFFF0]  }
0x56a: {  	v4 =	vld [tilespmem:s22+$0x0]  }
0x56b: {  	v6 =	vld [tilespmem:s22+$0x10]  }
0x56c: {  	v7 =	vld [tilespmem:s22+$0x20]  }
0x56d: {  	v8 =	vld [tilespmem:s22+$0xFFFFFFC0]  }
0x56e: {  	v9 =	vld.idx.msk [tilespmem:v0+s1+$0x0], $0xffff  }
0x56f: {  	v10 =	vld.idx.msk [tilespmem:v1+s1+$0x0], $0xffff  }
0x570: {  	v5 =	vld.idx.msk [tilespmem:v2+s1+$0x0], $0xffff  }
0x571: {  	v3 =	vld.idx.msk [tilespmem:v3+s1+$0x0], $0xffff  }
0x572: {  	v1 =	vld.idx.msk [tilespmem:v4+s1+$0x0], $0xffff  }
0x573: {  	s8 =	simm.s32 $0x1E140;
	v0 =	vld.idx.msk [tilespmem:v6+s1+$0x0], $0xffff  }
0x574: {  	v2 =	vld.idx.msk [tilespmem:v7+s1+$0x0], $0xffff;
	[tilespmem:s8+$0x30] =	vst v9  }
0x575: {  	s5 =	simm.s32 $0x1A5C0;
	s22 =	simm.s32 $0x0;
	v4 =	vld.idx.msk [tilespmem:v8+s1+$0x0], $0xffff;
	[tilespmem:s8+$0xFFFFFFD0] =	vst v10  }
.LBB2_56:
0x576: {  	v6 =	vld [tilespmem:s5+$0x30];
	s22 =	sadd.s32 $0x80, s22;
	[tilespmem:s8+$0xFFFFFFE0] =	vst v5  }
0x577: {  	v5 =	vld [tilespmem:s5+$0xFFFFFFD0];
	p0 =	slt.u32 s22, $0x1D80;
	[tilespmem:s8+$0xFFFFFFF0] =	vst v3  }
0x578: {  	v3 =	vld [tilespmem:s5+$0xFFFFFFE0];
	[tilespmem:s8+$0x0] =	vst v1  }
0x579: {  	v1 =	vld [tilespmem:s5+$0xFFFFFFF0];
	[tilespmem:s8+$0x10] =	vst v0  }
0x57a: {  	v0 =	vld [tilespmem:s5+$0x0];
	[tilespmem:s8+$0x20] =	vst v2  }
0x57b: {  	v2 =	vld [tilespmem:s5+$0x10];
	[tilespmem:s8+$0xFFFFFFC0] =	vst v4  }
0x57c: {  	v4 =	vld [tilespmem:s5+$0x20]  }
0x57d: {  	v7 =	vld [tilespmem:s5+$0xFFFFFFC0]  }
0x57e: {  	v6 =	vld.idx.msk [tilespmem:v6+s1+$0x0], $0xffff  }
0x57f: {  	v8 =	vld.idx.msk [tilespmem:v5+s1+$0x0], $0xffff  }
0x580: {  	v5 =	vld.idx.msk [tilespmem:v3+s1+$0x0], $0xffff  }
.Ltmp27:
0x581: {  	v3 =	vld.idx.msk [tilespmem:v1+s1+$0x0], $0xffff;
	(pc) =	sbr.rel @p0 .LBB2_56-.Ltmp27, $4  }
0x582: {  	v1 =	vld.idx.msk [tilespmem:v0+s1+$0x0], $0xffff  }
0x583: {  	s8 =	sadd.s32 $0x80, s8;
	v0 =	vld.idx.msk [tilespmem:v2+s1+$0x0], $0xffff  }
0x584: {  	v2 =	vld.idx.msk [tilespmem:v4+s1+$0x0], $0xffff;
	[tilespmem:s8+$0x30] =	vst v6  }
0x585: {  	s5 =	sadd.s32 $0x80, s5;
	v4 =	vld.idx.msk [tilespmem:v7+s1+$0x0], $0xffff;
	[tilespmem:s8+$0xFFFFFFD0] =	vst v8  }
0x586: {  	[tilespmem:s8+$0xFFFFFFE0] =	vst v5  }
0x587: {  	[tilespmem:s8+$0xFFFFFFF0] =	vst v3  }
0x588: {  	[tilespmem:s8+$0x0] =	vst v1  }
0x589: {  	[tilespmem:s8+$0x10] =	vst v0  }
0x58a: {  	[tilespmem:s8+$0x20] =	vst v2  }
0x58b: {  	[tilespmem:s8+$0xFFFFFFC0] =	vst v4  }
0x58c: {  	s5 =	sld [smem:$0x7F7];
	_ =	sdelay $0x2  }
0x58d: {  	[hbm4b:s5+s26] =	stream.strided.scatter [tilespmem:s3], [sflag:$0x4], $0x1E00, s28, s26, $0x38;
	[tilespmem:$0x1FF00] =	vst v63  }
0x58e: {  	_ = 	snop  }
0x58f: {  	[tilespmem:s30], [sflag:$0x2] =	stream.linear.gather [hbm4b:s19+s1], $0x1E00, $0x38;
	[tilespmem:$0x1FF00] =	vst v63  }
0x590: {  	_ =	swait.ge [sflag:s31], $0x1E00  }
0x591: {  	[sflag:s31] =	ssyncset.done $0x0  }
0x592: {  	[sflag:s31] =	ssyncadd.s32 $0xFFFFE200  }
0x593: {  	_ =	swait.ge [sflag:s4], $0x1E00  }
0x594: {  	[sflag:s4] =	ssyncset.done $0x0  }
0x595: {  	s22 =	simm.s32 $0x18740;
	[sflag:s4] =	ssyncadd.s32 $0xFFFFE200  }
0x596: {  	v0 =	vld [tilespmem:s22+$0x30]  }
0x597: {  	v1 =	vld [tilespmem:s22+$0xFFFFFFD0]  }
0x598: {  	v2 =	vld [tilespmem:s22+$0xFFFFFFE0]  }
0x599: {  	v3 =	vld [tilespmem:s22+$0xFFFFFFF0]  }
0x59a: {  	v4 =	vld [tilespmem:s22+$0x0]  }
0x59b: {  	v6 =	vld [tilespmem:s22+$0x10]  }
0x59c: {  	v7 =	vld [tilespmem:s22+$0x20]  }
0x59d: {  	v8 =	vld [tilespmem:s22+$0xFFFFFFC0]  }
0x59e: {  	v9 =	vld.idx.msk [tilespmem:v0+s1+$0x0], $0xffff  }
0x59f: {  	v10 =	vld.idx.msk [tilespmem:v1+s1+$0x0], $0xffff  }
0x5a0: {  	v5 =	vld.idx.msk [tilespmem:v2+s1+$0x0], $0xffff  }
0x5a1: {  	v3 =	vld.idx.msk [tilespmem:v3+s1+$0x0], $0xffff  }
0x5a2: {  	v1 =	vld.idx.msk [tilespmem:v4+s1+$0x0], $0xffff  }
0x5a3: {  	s8 =	simm.s32 $0x1C340;
	v0 =	vld.idx.msk [tilespmem:v6+s1+$0x0], $0xffff  }
0x5a4: {  	v2 =	vld.idx.msk [tilespmem:v7+s1+$0x0], $0xffff;
	[tilespmem:s8+$0x30] =	vst v9  }
0x5a5: {  	s5 =	simm.s32 $0x187C0;
	s22 =	simm.s32 $0x0;
	v4 =	vld.idx.msk [tilespmem:v8+s1+$0x0], $0xffff;
	[tilespmem:s8+$0xFFFFFFD0] =	vst v10  }
.LBB2_58:
0x5a6: {  	v6 =	vld [tilespmem:s5+$0x30];
	s22 =	sadd.s32 $0x80, s22;
	[tilespmem:s8+$0xFFFFFFE0] =	vst v5  }
0x5a7: {  	v5 =	vld [tilespmem:s5+$0xFFFFFFD0];
	p0 =	slt.u32 s22, $0x1D80;
	[tilespmem:s8+$0xFFFFFFF0] =	vst v3  }
0x5a8: {  	v3 =	vld [tilespmem:s5+$0xFFFFFFE0];
	[tilespmem:s8+$0x0] =	vst v1  }
0x5a9: {  	v1 =	vld [tilespmem:s5+$0xFFFFFFF0];
	[tilespmem:s8+$0x10] =	vst v0  }
0x5aa: {  	v0 =	vld [tilespmem:s5+$0x0];
	[tilespmem:s8+$0x20] =	vst v2  }
0x5ab: {  	v2 =	vld [tilespmem:s5+$0x10];
	[tilespmem:s8+$0xFFFFFFC0] =	vst v4  }
0x5ac: {  	v4 =	vld [tilespmem:s5+$0x20]  }
0x5ad: {  	v7 =	vld [tilespmem:s5+$0xFFFFFFC0]  }
0x5ae: {  	v6 =	vld.idx.msk [tilespmem:v6+s1+$0x0], $0xffff  }
0x5af: {  	v8 =	vld.idx.msk [tilespmem:v5+s1+$0x0], $0xffff  }
0x5b0: {  	v5 =	vld.idx.msk [tilespmem:v3+s1+$0x0], $0xffff  }
.Ltmp28:
0x5b1: {  	v3 =	vld.idx.msk [tilespmem:v1+s1+$0x0], $0xffff;
	(pc) =	sbr.rel @p0 .LBB2_58-.Ltmp28, $4  }
0x5b2: {  	v1 =	vld.idx.msk [tilespmem:v0+s1+$0x0], $0xffff  }
0x5b3: {  	s8 =	sadd.s32 $0x80, s8;
	v0 =	vld.idx.msk [tilespmem:v2+s1+$0x0], $0xffff  }
0x5b4: {  	v2 =	vld.idx.msk [tilespmem:v4+s1+$0x0], $0xffff;
	[tilespmem:s8+$0x30] =	vst v6  }
0x5b5: {  	s5 =	sadd.s32 $0x80, s5;
	v4 =	vld.idx.msk [tilespmem:v7+s1+$0x0], $0xffff;
	[tilespmem:s8+$0xFFFFFFD0] =	vst v8  }
0x5b6: {  	[tilespmem:s8+$0xFFFFFFE0] =	vst v5  }
0x5b7: {  	[tilespmem:s8+$0xFFFFFFF0] =	vst v3  }
0x5b8: {  	[tilespmem:s8+$0x0] =	vst v1  }
0x5b9: {  	[tilespmem:s8+$0x10] =	vst v0  }
0x5ba: {  	[tilespmem:s8+$0x20] =	vst v2  }
0x5bb: {  	[tilespmem:s8+$0xFFFFFFC0] =	vst v4  }
0x5bc: {  	s5 =	sld [smem:$0x7F8];
	_ =	sdelay $0x2  }
0x5bd: {  	[hbm4b:s5+s26] =	stream.strided.scatter [tilespmem:s0], [sflag:$0x3], $0x1E00, s28, s26, $0x38;
	[tilespmem:$0x1FF00] =	vst v63  }
0x5be: {  	_ = 	snop  }
0x5bf: {  	[tilespmem:s25], [sflag:$0x1] =	stream.linear.gather [hbm4b:s20+s1], $0x1E00, $0x38;
	[tilespmem:$0x1FF00] =	vst v63  }
0x5c0: {  	_ =	swait.ge [sflag:s2], $0x1E00  }
0x5c1: {  	[sflag:s2] =	ssyncset.done $0x0  }
0x5c2: {  	[sflag:s2] =	ssyncadd.s32 $0xFFFFE200  }
0x5c3: {  	_ =	swait.ge [sflag:s6], $0x1E00  }
0x5c4: {  	[sflag:s6] =	ssyncset.done $0x0  }
0x5c5: {  	s22 =	simm.s32 $0x1A540;
	[sflag:s6] =	ssyncadd.s32 $0xFFFFE200  }
0x5c6: {  	v0 =	vld [tilespmem:s22+$0x30]  }
0x5c7: {  	v1 =	vld [tilespmem:s22+$0xFFFFFFD0]  }
0x5c8: {  	v2 =	vld [tilespmem:s22+$0xFFFFFFE0]  }
0x5c9: {  	v3 =	vld [tilespmem:s22+$0xFFFFFFF0]  }
0x5ca: {  	v4 =	vld [tilespmem:s22+$0x0]  }
0x5cb: {  	v6 =	vld [tilespmem:s22+$0x10]  }
0x5cc: {  	v7 =	vld [tilespmem:s22+$0x20]  }
0x5cd: {  	v8 =	vld [tilespmem:s22+$0xFFFFFFC0]  }
0x5ce: {  	v9 =	vld.idx.msk [tilespmem:v0+s1+$0x0], $0xffff  }
0x5cf: {  	v10 =	vld.idx.msk [tilespmem:v1+s1+$0x0], $0xffff  }
0x5d0: {  	v5 =	vld.idx.msk [tilespmem:v2+s1+$0x0], $0xffff  }
0x5d1: {  	v3 =	vld.idx.msk [tilespmem:v3+s1+$0x0], $0xffff  }
0x5d2: {  	v1 =	vld.idx.msk [tilespmem:v4+s1+$0x0], $0xffff  }
0x5d3: {  	s8 =	simm.s32 $0x1E140;
	v0 =	vld.idx.msk [tilespmem:v6+s1+$0x0], $0xffff  }
0x5d4: {  	v2 =	vld.idx.msk [tilespmem:v7+s1+$0x0], $0xffff;
	[tilespmem:s8+$0x30] =	vst v9  }
0x5d5: {  	s5 =	simm.s32 $0x1A5C0;
	s22 =	simm.s32 $0x0;
	v4 =	vld.idx.msk [tilespmem:v8+s1+$0x0], $0xffff;
	[tilespmem:s8+$0xFFFFFFD0] =	vst v10  }
.LBB2_60:
0x5d6: {  	v6 =	vld [tilespmem:s5+$0x30];
	s22 =	sadd.s32 $0x80, s22;
	[tilespmem:s8+$0xFFFFFFE0] =	vst v5  }
0x5d7: {  	v5 =	vld [tilespmem:s5+$0xFFFFFFD0];
	p0 =	slt.u32 s22, $0x1D80;
	[tilespmem:s8+$0xFFFFFFF0] =	vst v3  }
0x5d8: {  	v3 =	vld [tilespmem:s5+$0xFFFFFFE0];
	[tilespmem:s8+$0x0] =	vst v1  }
0x5d9: {  	v1 =	vld [tilespmem:s5+$0xFFFFFFF0];
	[tilespmem:s8+$0x10] =	vst v0  }
0x5da: {  	v0 =	vld [tilespmem:s5+$0x0];
	[tilespmem:s8+$0x20] =	vst v2  }
0x5db: {  	v2 =	vld [tilespmem:s5+$0x10];
	[tilespmem:s8+$0xFFFFFFC0] =	vst v4  }
0x5dc: {  	v4 =	vld [tilespmem:s5+$0x20]  }
0x5dd: {  	v7 =	vld [tilespmem:s5+$0xFFFFFFC0]  }
0x5de: {  	v6 =	vld.idx.msk [tilespmem:v6+s1+$0x0], $0xffff  }
0x5df: {  	v8 =	vld.idx.msk [tilespmem:v5+s1+$0x0], $0xffff  }
0x5e0: {  	v5 =	vld.idx.msk [tilespmem:v3+s1+$0x0], $0xffff  }
.Ltmp29:
0x5e1: {  	v3 =	vld.idx.msk [tilespmem:v1+s1+$0x0], $0xffff;
	(pc) =	sbr.rel @p0 .LBB2_60-.Ltmp29, $4  }
0x5e2: {  	v1 =	vld.idx.msk [tilespmem:v0+s1+$0x0], $0xffff  }
0x5e3: {  	s8 =	sadd.s32 $0x80, s8;
	v0 =	vld.idx.msk [tilespmem:v2+s1+$0x0], $0xffff  }
0x5e4: {  	v2 =	vld.idx.msk [tilespmem:v4+s1+$0x0], $0xffff;
	[tilespmem:s8+$0x30] =	vst v6  }
0x5e5: {  	s5 =	sadd.s32 $0x80, s5;
	v4 =	vld.idx.msk [tilespmem:v7+s1+$0x0], $0xffff;
	[tilespmem:s8+$0xFFFFFFD0] =	vst v8  }
0x5e6: {  	[tilespmem:s8+$0xFFFFFFE0] =	vst v5  }
0x5e7: {  	[tilespmem:s8+$0xFFFFFFF0] =	vst v3  }
0x5e8: {  	[tilespmem:s8+$0x0] =	vst v1  }
0x5e9: {  	[tilespmem:s8+$0x10] =	vst v0  }
0x5ea: {  	[tilespmem:s8+$0x20] =	vst v2  }
0x5eb: {  	[tilespmem:s8+$0xFFFFFFC0] =	vst v4  }
0x5ec: {  	s5 =	sld [smem:$0x7F9];
	_ =	sdelay $0x2  }
0x5ed: {  	[hbm4b:s5+s26] =	stream.strided.scatter [tilespmem:s3], [sflag:$0x4], $0x1E00, s28, s26, $0x38;
	[tilespmem:$0x1FF00] =	vst v63  }
0x5ee: {  	_ = 	snop  }
0x5ef: {  	[tilespmem:s30], [sflag:$0x2] =	stream.linear.gather [hbm4b:s21+s1], $0x1800, $0x38;
	[tilespmem:$0x1FF00] =	vst v63  }
0x5f0: {  	_ =	swait.ge [sflag:s31], $0x1E00  }
0x5f1: {  	[sflag:s31] =	ssyncset.done $0x0  }
0x5f2: {  	[sflag:s31] =	ssyncadd.s32 $0xFFFFE200  }
0x5f3: {  	_ =	swait.ge [sflag:s4], $0x1E00  }
0x5f4: {  	[sflag:s4] =	ssyncset.done $0x0  }
0x5f5: {  	s22 =	simm.s32 $0x18740;
	[sflag:s4] =	ssyncadd.s32 $0xFFFFE200  }
0x5f6: {  	v0 =	vld [tilespmem:s22+$0x30]  }
0x5f7: {  	v1 =	vld [tilespmem:s22+$0xFFFFFFD0]  }
0x5f8: {  	v2 =	vld [tilespmem:s22+$0xFFFFFFE0]  }
0x5f9: {  	v3 =	vld [tilespmem:s22+$0xFFFFFFF0]  }
0x5fa: {  	v4 =	vld [tilespmem:s22+$0x0]  }
0x5fb: {  	v6 =	vld [tilespmem:s22+$0x10]  }
0x5fc: {  	v7 =	vld [tilespmem:s22+$0x20]  }
0x5fd: {  	v8 =	vld [tilespmem:s22+$0xFFFFFFC0]  }
0x5fe: {  	v9 =	vld.idx.msk [tilespmem:v0+s1+$0x0], $0xffff  }
0x5ff: {  	v10 =	vld.idx.msk [tilespmem:v1+s1+$0x0], $0xffff  }
0x600: {  	v5 =	vld.idx.msk [tilespmem:v2+s1+$0x0], $0xffff  }
0x601: {  	v3 =	vld.idx.msk [tilespmem:v3+s1+$0x0], $0xffff  }
0x602: {  	v1 =	vld.idx.msk [tilespmem:v4+s1+$0x0], $0xffff  }
0x603: {  	s8 =	simm.s32 $0x1C340;
	v0 =	vld.idx.msk [tilespmem:v6+s1+$0x0], $0xffff  }
0x604: {  	v2 =	vld.idx.msk [tilespmem:v7+s1+$0x0], $0xffff;
	[tilespmem:s8+$0x30] =	vst v9  }
0x605: {  	s5 =	simm.s32 $0x187C0;
	s22 =	simm.s32 $0x0;
	v4 =	vld.idx.msk [tilespmem:v8+s1+$0x0], $0xffff;
	[tilespmem:s8+$0xFFFFFFD0] =	vst v10  }
.LBB2_62:
0x606: {  	v6 =	vld [tilespmem:s5+$0x30];
	s22 =	sadd.s32 $0x80, s22;
	[tilespmem:s8+$0xFFFFFFE0] =	vst v5  }
0x607: {  	v5 =	vld [tilespmem:s5+$0xFFFFFFD0];
	p0 =	slt.u32 s22, $0x1D80;
	[tilespmem:s8+$0xFFFFFFF0] =	vst v3  }
0x608: {  	v3 =	vld [tilespmem:s5+$0xFFFFFFE0];
	[tilespmem:s8+$0x0] =	vst v1  }
0x609: {  	v1 =	vld [tilespmem:s5+$0xFFFFFFF0];
	[tilespmem:s8+$0x10] =	vst v0  }
0x60a: {  	v0 =	vld [tilespmem:s5+$0x0];
	[tilespmem:s8+$0x20] =	vst v2  }
0x60b: {  	v2 =	vld [tilespmem:s5+$0x10];
	[tilespmem:s8+$0xFFFFFFC0] =	vst v4  }
0x60c: {  	v4 =	vld [tilespmem:s5+$0x20]  }
0x60d: {  	v7 =	vld [tilespmem:s5+$0xFFFFFFC0]  }
0x60e: {  	v6 =	vld.idx.msk [tilespmem:v6+s1+$0x0], $0xffff  }
0x60f: {  	v8 =	vld.idx.msk [tilespmem:v5+s1+$0x0], $0xffff  }
0x610: {  	v5 =	vld.idx.msk [tilespmem:v3+s1+$0x0], $0xffff  }
.Ltmp30:
0x611: {  	v3 =	vld.idx.msk [tilespmem:v1+s1+$0x0], $0xffff;
	(pc) =	sbr.rel @p0 .LBB2_62-.Ltmp30, $4  }
0x612: {  	v1 =	vld.idx.msk [tilespmem:v0+s1+$0x0], $0xffff  }
0x613: {  	s8 =	sadd.s32 $0x80, s8;
	v0 =	vld.idx.msk [tilespmem:v2+s1+$0x0], $0xffff  }
0x614: {  	v2 =	vld.idx.msk [tilespmem:v4+s1+$0x0], $0xffff;
	[tilespmem:s8+$0x30] =	vst v6  }
0x615: {  	s5 =	sadd.s32 $0x80, s5;
	v4 =	vld.idx.msk [tilespmem:v7+s1+$0x0], $0xffff;
	[tilespmem:s8+$0xFFFFFFD0] =	vst v8  }
0x616: {  	[tilespmem:s8+$0xFFFFFFE0] =	vst v5  }
0x617: {  	[tilespmem:s8+$0xFFFFFFF0] =	vst v3  }
0x618: {  	[tilespmem:s8+$0x0] =	vst v1  }
0x619: {  	[tilespmem:s8+$0x10] =	vst v0  }
0x61a: {  	[tilespmem:s8+$0x20] =	vst v2  }
0x61b: {  	[tilespmem:s8+$0xFFFFFFC0] =	vst v4  }
0x61c: {  	s5 =	sld [smem:$0x7FA];
	_ =	sdelay $0x2  }
0x61d: {  	[hbm4b:s5+s26] =	stream.strided.scatter [tilespmem:s0], [sflag:$0x3], $0x1E00, s28, s26, $0x38;
	[tilespmem:$0x1FF00] =	vst v63  }
0x61e: {  	_ =	swait.ge [sflag:s2], $0x1800  }
0x61f: {  	[sflag:s2] =	ssyncset.done $0x0  }
0x620: {  	[sflag:s2] =	ssyncadd.s32 $0xFFFFE800  }
0x621: {  	_ =	swait.ge [sflag:s6], $0x1E00  }
0x622: {  	[sflag:s6] =	ssyncset.done $0x0  }
0x623: {  	s22 =	simm.s32 $0x1A540;
	[sflag:s6] =	ssyncadd.s32 $0xFFFFE200  }
0x624: {  	v0 =	vld [tilespmem:s22+$0x30]  }
0x625: {  	v1 =	vld [tilespmem:s22+$0xFFFFFFD0]  }
0x626: {  	v2 =	vld [tilespmem:s22+$0xFFFFFFE0]  }
0x627: {  	v3 =	vld [tilespmem:s22+$0xFFFFFFF0]  }
0x628: {  	v4 =	vld [tilespmem:s22+$0x0]  }
0x629: {  	v6 =	vld [tilespmem:s22+$0x10]  }
0x62a: {  	v7 =	vld [tilespmem:s22+$0x20]  }
0x62b: {  	v8 =	vld [tilespmem:s22+$0xFFFFFFC0]  }
0x62c: {  	v9 =	vld.idx.msk [tilespmem:v0+s1+$0x0], $0xffff  }
0x62d: {  	v10 =	vld.idx.msk [tilespmem:v1+s1+$0x0], $0xffff  }
0x62e: {  	v5 =	vld.idx.msk [tilespmem:v2+s1+$0x0], $0xffff  }
0x62f: {  	v3 =	vld.idx.msk [tilespmem:v3+s1+$0x0], $0xffff  }
0x630: {  	v1 =	vld.idx.msk [tilespmem:v4+s1+$0x0], $0xffff  }
0x631: {  	s8 =	simm.s32 $0x1E140;
	v0 =	vld.idx.msk [tilespmem:v6+s1+$0x0], $0xffff  }
0x632: {  	v2 =	vld.idx.msk [tilespmem:v7+s1+$0x0], $0xffff;
	[tilespmem:s8+$0x30] =	vst v9  }
0x633: {  	s5 =	simm.s32 $0x1A5C0;
	s22 =	simm.s32 $0x0;
	v4 =	vld.idx.msk [tilespmem:v8+s1+$0x0], $0xffff;
	[tilespmem:s8+$0xFFFFFFD0] =	vst v10  }
.LBB2_64:
0x634: {  	v6 =	vld [tilespmem:s5+$0x30];
	s22 =	sadd.s32 $0x80, s22;
	[tilespmem:s8+$0xFFFFFFE0] =	vst v5  }
0x635: {  	v5 =	vld [tilespmem:s5+$0xFFFFFFD0];
	p0 =	slt.u32 s22, $0x1780;
	[tilespmem:s8+$0xFFFFFFF0] =	vst v3  }
0x636: {  	v3 =	vld [tilespmem:s5+$0xFFFFFFE0];
	[tilespmem:s8+$0x0] =	vst v1  }
0x637: {  	v1 =	vld [tilespmem:s5+$0xFFFFFFF0];
	[tilespmem:s8+$0x10] =	vst v0  }
0x638: {  	v0 =	vld [tilespmem:s5+$0x0];
	[tilespmem:s8+$0x20] =	vst v2  }
0x639: {  	v2 =	vld [tilespmem:s5+$0x10];
	[tilespmem:s8+$0xFFFFFFC0] =	vst v4  }
0x63a: {  	v4 =	vld [tilespmem:s5+$0x20]  }
0x63b: {  	v7 =	vld [tilespmem:s5+$0xFFFFFFC0]  }
0x63c: {  	v6 =	vld.idx.msk [tilespmem:v6+s1+$0x0], $0xffff  }
0x63d: {  	v8 =	vld.idx.msk [tilespmem:v5+s1+$0x0], $0xffff  }
0x63e: {  	v5 =	vld.idx.msk [tilespmem:v3+s1+$0x0], $0xffff  }
.Ltmp31:
0x63f: {  	v3 =	vld.idx.msk [tilespmem:v1+s1+$0x0], $0xffff;
	(pc) =	sbr.rel @p0 .LBB2_64-.Ltmp31, $4  }
0x640: {  	v1 =	vld.idx.msk [tilespmem:v0+s1+$0x0], $0xffff  }
0x641: {  	s8 =	sadd.s32 $0x80, s8;
	v0 =	vld.idx.msk [tilespmem:v2+s1+$0x0], $0xffff  }
0x642: {  	v2 =	vld.idx.msk [tilespmem:v4+s1+$0x0], $0xffff;
	[tilespmem:s8+$0x30] =	vst v6  }
0x643: {  	s5 =	sadd.s32 $0x80, s5;
	v4 =	vld.idx.msk [tilespmem:v7+s1+$0x0], $0xffff;
	[tilespmem:s8+$0xFFFFFFD0] =	vst v8  }
0x644: {  	[tilespmem:s8+$0xFFFFFFE0] =	vst v5  }
0x645: {  	[tilespmem:s8+$0xFFFFFFF0] =	vst v3  }
0x646: {  	[tilespmem:s8+$0x0] =	vst v1  }
0x647: {  	[tilespmem:s8+$0x10] =	vst v0  }
0x648: {  	[tilespmem:s8+$0x20] =	vst v2  }
0x649: {  	[tilespmem:s8+$0xFFFFFFC0] =	vst v4  }
0x64a: {  	s5 =	sld [smem:$0x7FB];
	_ =	sdelay $0x2  }
0x64b: {  	[hbm4b:s5+s26] =	stream.strided.scatter [tilespmem:s3], [sflag:$0x4], $0x1800, s28, s26, $0x38;
	[tilespmem:$0x1FF00] =	vst v63  }
0x64c: {  	_ =	swait.ge [sflag:s4], $0x1E00  }
0x64d: {  	[sflag:s4] =	ssyncset.done $0x0  }
0x64e: {  	[sflag:s4] =	ssyncadd.s32 $0xFFFFE200  }
0x64f: {  	_ =	swait.ge [sflag:s6], $0x1800  }
0x650: {  	s22 =	sld [smem:$0x7FD];
	_ =	sdelay $0x1  }
0x651: {  	s7 =	sadd.s32 $0x1, s7  }
0x652: {  	p0 =	sne.s32 s7, s22  }
.Ltmp32:
0x653: {  	_ = 	snop;
	(pc) =	sbr.rel @p0 .LBB2_1-.Ltmp32, $3  }
0x654: {  	_ =	sdelay $0x1  }
0x655: {  	[sflag:s6] =	ssyncset.done $0x0  }
0x656: {  	[sflag:s6] =	ssyncadd.s32 $0xFFFFE800  }
0x657: {  	_ =	sfence.sel $0x180000  }
0x658: {  	[bflag:$0x0] =	sbarrier.arrive $0xFFFF  }
0x659: {  	_ =	strace $0x90000047  }
0x65a: {  	s0 =	stileid.u32;
	[bflag:$0x2] =	sbarrier.arrive $0xFFFF  }
0x65b: {  	p0 =	sne.s32 s0, $0x0;
	s0 =	rddreg [dreg:$0x5]  }
0x65c: {  	s0 =	sadd.s32 @!p0 $0x100000, s0  }
0x65d: {  	[sflag:s0] =	ssyncadd.tile.s32 @!p0 $0x1;
	_ =	shalt  }
.Lfunc_end2:
_tile_overlayer_lowered:
.L_overlay_start_2:
0x65e: {  	(tag) =	ssettag $0x2  }
0x65f: {  	s0 =	rddreg [dreg:$0x0];
	s2 =	stileid.u32  }
0x660: {  	s1 =	rddreg [dreg:$0x1];
	p0 =	sne.s32 s2, $0x0  }
0x661: {  	s3 =	rddreg [dreg:$0x2];
	[bflag:$0x3] =	sbarrier.arrive $0xFFFF;
	s2 =	simm.s32 @!p0 $0x1C06  }
0x662: {  	[timem:s3], [sflag:s2] =	dma.local @!p0 [hbm:s0], s1  }
0x663: {  	s0 =	simm.s32 @!p0 $0x6  }
0x664: {  	_ =	swait.ge @!p0 [sflag:s0], s1  }
0x665: {  	s1 =	ssub.s32 @!p0 $0x0, s1;
	[sflag:s0] =	ssyncset.done @!p0 $0x0  }
0x666: {  	[sflag:s0] =	ssyncadd.s32 @!p0 s1  }
0x667: {  	[bflag:$0x3] =	sbarrier.arrive $0xFFFF  }
0x668: {  	_ =	shalt  }

</sc_bundles>
